<compile_context>
chip_gen: v7x
topology: tpu7x:2x2x1
jax: 0.10.2.dev20260603
libtpu: 0.0.44.dev20260713+nightly
codegen_flags: <defaults>
</compile_context>

<pallas_src>
import functools

import jax
import jax.numpy as jnp
import numpy as np
from jax import lax
from jax.experimental import pallas as pl
from jax.experimental.pallas import tpu as pltpu

B, T, D, M = 16, 128, 64, 8192
N = B * T
N2 = 2 * N
DECAY = 0.99
EPSILON = 1e-05
COMMITMENT_COST = 0.25
MT = 128
NT = M // MT
NCH = 128
NCHUNKS = N // NCH
C2 = 2 * NCHUNKS
BPC = NCH // T
LOG_M = float(np.log(M))
C_EMA = 0.5 * (1.0 - DECAY)


def _dist_tile(x, xsq, e_tile):
    esq = jnp.sum(e_tile * e_tile, axis=1)[None, :]
    g = lax.dot_general(x, e_tile, (((1,), (1,)), ((), ())),
                        preferred_element_type=jnp.float32)
    return (esq + xsq) - 2.0 * g


def _k1a_body(x_ref, e_ref, s_ref, mn_ref, idx_ref):
    t = pl.program_id(1)
    x = x_ref[...]
    xsq = jnp.sum(x * x, axis=1, keepdims=True)
    d = _dist_tile(x, xsq, e_ref[...])
    l = -jnp.sqrt(jnp.maximum(d, 0.0))
    se = jnp.sum(jnp.exp(l), axis=1, keepdims=True)
    tmin = jnp.min(d, axis=1, keepdims=True)
    cols = lax.broadcasted_iota(jnp.int32, (NCH, MT), 1)
    tidx = jnp.min(jnp.where(d == tmin, cols, M), axis=1,
                   keepdims=True) + t * MT

    @pl.when(t == 0)
    def _():
        s_ref[...] = se
        mn_ref[...] = tmin
        idx_ref[...] = tidx

    @pl.when(t != 0)
    def _():
        s_ref[...] = s_ref[...] + se
        mn = mn_ref[...]
        upd = tmin < mn
        mn_ref[...] = jnp.where(upd, tmin, mn)
        idx_ref[...] = jnp.where(upd, tidx, idx_ref[...])


def _run_k1a(x_all, embedding):
    f32 = jnp.float32
    return pl.pallas_call(
        _k1a_body,
        grid=(C2, NT),
        in_specs=[
            pl.BlockSpec((NCH, D), lambda c, t: (c, 0)),
            pl.BlockSpec((MT, D), lambda c, t: (t, 0)),
        ],
        out_specs=[
            pl.BlockSpec((NCH, 1), lambda c, t: (c, 0)),
            pl.BlockSpec((NCH, 1), lambda c, t: (c, 0)),
            pl.BlockSpec((NCH, 1), lambda c, t: (c, 0)),
        ],
        out_shape=(
            jax.ShapeDtypeStruct((N2, 1), f32),
            jax.ShapeDtypeStruct((N2, 1), f32),
            jax.ShapeDtypeStruct((N2, 1), jnp.int32),
        ),
    )(x_all, embedding)


def _k1c_body(x_ref, e_ref, s_ref, xa_ref, xv_ref,
              adj_ref, ph_ref, cons_ref, sc_ref):
    c = pl.program_id(0)
    t = pl.program_id(1)
    x = x_ref[...]
    xsq = jnp.sum(x * x, axis=1, keepdims=True)
    d = _dist_tile(x, xsq, e_ref[...])
    l = -jnp.sqrt(jnp.maximum(d, 0.0))
    p = jnp.exp(l) / s_ref[...]

    ent_cur = jnp.sum(p * jnp.log(p + 1e-5), axis=1, keepdims=True)

    rows = lax.broadcasted_iota(jnp.int32, (BPC, NCH), 0)
    cols = lax.broadcasted_iota(jnp.int32, (BPC, NCH), 1)
    ind = jnp.where(rows == cols // T, 1.0 / T, 0.0).astype(jnp.float32)
    ph = lax.dot_general(ind, p, (((1,), (0,)), ((), ())),
                         preferred_element_type=jnp.float32)
    ph_tok = lax.dot_general(jnp.where(rows == cols // T, 1.0, 0.0), ph,
                             (((0,), (0,)), ((), ())),
                             preferred_element_type=jnp.float32)
    cons_cur = jnp.sum(jnp.abs(p - ph_tok), axis=1, keepdims=True)

    ph_ref[...] = jnp.concatenate(
        [ph, jnp.zeros((8 - BPC, MT), jnp.float32)], axis=0)

    zero = jnp.zeros((NCH, 1), jnp.float32)
    prev_c = jnp.where(t == 0, zero, cons_ref[...])
    cons_ref[...] = prev_c + cons_cur

    prev_e = jnp.where(t == 0, zero, adj_ref[...])
    acc = prev_e + ent_cur

    @pl.when(t != NT - 1)
    def _():
        adj_ref[...] = acc

    @pl.when(t == NT - 1)
    def _():
        adj = 1.0 + acc / LOG_M
        adj_ref[...] = adj
        scale = jnp.where(c < NCHUNKS, C_EMA, DECAY * C_EMA)
        sc_ref[...] = (scale * adj) * (xa_ref[...] + xv_ref[...])


def _run_k1c(x_all, embedding, s_all, a_flat, v_flat):
    f32 = jnp.float32
    return pl.pallas_call(
        _k1c_body,
        grid=(C2, NT),
        in_specs=[
            pl.BlockSpec((NCH, D), lambda c, t: (c, 0)),
            pl.BlockSpec((MT, D), lambda c, t: (t, 0)),
            pl.BlockSpec((NCH, 1), lambda c, t: (c, 0)),
            pl.BlockSpec((NCH, D), lambda c, t: (lax.rem(c, NCHUNKS), 0)),
            pl.BlockSpec((NCH, D), lambda c, t: (lax.rem(c, NCHUNKS), 0)),
        ],
        out_specs=[
            pl.BlockSpec((NCH, 1), lambda c, t: (c, 0)),
            pl.BlockSpec((8, MT), lambda c, t: (c, t)),
            pl.BlockSpec((NCH, 1), lambda c, t: (c, 0)),
            pl.BlockSpec((NCH, D), lambda c, t: (c, 0)),
        ],
        out_shape=(
            jax.ShapeDtypeStruct((N2, 1), f32),
            jax.ShapeDtypeStruct((C2 * 8, M), f32),
            jax.ShapeDtypeStruct((N2, 1), f32),
            jax.ShapeDtypeStruct((N2, D), f32),
        ),
    )(x_all, embedding, s_all, a_flat, v_flat)


def _k1e_body(mn_ref, cons_ref, ph_a_ref, ph_v_ref,
              loss_a_ref, loss_v_ref, cons_a_ref, cons_v_ref, cmcm_ref):
    lscale = COMMITMENT_COST * 2.0 / (N * D)
    loss_a_ref[...] = lscale * jnp.sum(mn_ref[pl.ds(0, N), :],
                                       keepdims=True).reshape(1, 1)
    loss_v_ref[...] = lscale * jnp.sum(mn_ref[pl.ds(N, N), :],
                                       keepdims=True).reshape(1, 1)
    cons_a_ref[...] = (1.0 / B) * jnp.sum(cons_ref[pl.ds(0, N), :],
                                          keepdims=True).reshape(1, 1)
    cons_v_ref[...] = (1.0 / B) * jnp.sum(cons_ref[pl.ds(N, N), :],
                                          keepdims=True).reshape(1, 1)

    ph_a = ph_a_ref[...]
    ph_v = ph_v_ref[...]
    t1 = lax.dot_general(ph_a, jnp.log(ph_v + 1e-10), (((1,), (1,)), ((), ())),
                         preferred_element_type=jnp.float32)
    t2 = lax.dot_general(ph_v, jnp.log(ph_a + 1e-10), (((1,), (1,)), ((), ())),
                         preferred_element_type=jnp.float32)
    scode = t1 + t2
    maxs = jnp.max(-scode)
    es = jnp.exp(scode + maxs)
    rowsum = jnp.sum(es, axis=1, keepdims=True)
    r = lax.broadcasted_iota(jnp.int32, (B, B), 0)
    cc = lax.broadcasted_iota(jnp.int32, (B, B), 1)
    diag = jnp.sum(jnp.where(r == cc, es, 0.0), axis=1, keepdims=True)
    lcmcm = -jnp.sum(jnp.log(diag / (rowsum + EPSILON))) / B
    cmcm_ref[...] = jnp.full((1, 1), 0.5, jnp.float32) * lcmcm


def _run_k1e(mn_all, cons_raw, ph_a, ph_v):
    f32 = jnp.float32
    scalar = jax.ShapeDtypeStruct((1, 1), f32)
    return pl.pallas_call(
        _k1e_body,
        out_shape=(scalar, scalar, scalar, scalar, scalar),
    )(mn_all, cons_raw, ph_a, ph_v)


def kernel(audio_semantic, video_semantic, epoch, embedding, ema_count,
           ema_weight, coefficients):
    a_flat = audio_semantic.reshape(N, D)
    v_flat = video_semantic.reshape(N, D)
    x_all = jnp.concatenate([a_flat, v_flat], axis=0)

    s_all, mn_all, idx_all = _run_k1a(x_all, embedding)
    adj_all, ph_pad, cons_raw, sc_all = _run_k1c(
        x_all, embedding, s_all, a_flat, v_flat)

    ph_all = ph_pad.reshape(C2, 8, M)[:, :BPC, :].reshape(2 * B, M)
    a_loss, v_loss, a_cons, v_cons, cmcm_raw = _run_k1e(
        mn_all, cons_raw, ph_all[:B], ph_all[B:])

    idx_a = idx_all[:N].reshape(N)
    idx_v = idx_all[N:].reshape(N)
    adj_a1 = adj_all[:N].reshape(N)
    adj_v1 = adj_all[N:].reshape(N)
    scaled_a = sc_all[:N]
    scaled_v = sc_all[N:]

    a_quant = jnp.take(embedding, idx_a, axis=0)
    v_quant = jnp.take(embedding, idx_v, axis=0)

    sv = jnp.zeros((M,), jnp.float32).at[idx_v].add(adj_v1)
    sa = jnp.zeros((M,), jnp.float32).at[idx_a].add(adj_a1)
    acc = jnp.zeros((M, D), jnp.float32).at[idx_v].add(scaled_v)
    acc = acc.at[idx_a].add(scaled_a)

    ema_count1 = DECAY * ema_count + (1.0 - DECAY) * sv
    n1 = jnp.sum(ema_count1)
    ema_count1 = (ema_count1 + EPSILON) / (n1 + M * EPSILON) * n1
    ema_count2 = DECAY * ema_count1 + (1.0 - DECAY) * sa
    n2 = jnp.sum(ema_count2)
    ema_count2 = (ema_count2 + EPSILON) / (n2 + M * EPSILON) * n2
    ema_weight2 = (DECAY * DECAY) * ema_weight + acc
    embedding2 = ema_weight2 / ema_count2[:, None]

    mode_fn = jax.vmap(lambda rr: jnp.argmax(jnp.bincount(rr, length=M)))
    equal_num = jnp.sum(mode_fn(idx_a.reshape(B, T)) ==
                        mode_fn(idx_v.reshape(B, T)))

    cmcm_loss = jnp.where(epoch < 10, 0.0, cmcm_raw.reshape(()))

    a_q = audio_semantic + (a_quant.reshape(audio_semantic.shape)
                            - audio_semantic)
    v_q = video_semantic + (v_quant.reshape(video_semantic.shape)
                            - video_semantic)
    return (a_q, v_q,
            a_loss.reshape(()), v_loss.reshape(()), cmcm_loss,
            a_cons.reshape(()), v_cons.reshape(()),
            equal_num, embedding2)

# --- scband reference (transcript-rebuilt; emitter-appended) ---
"""Pipeline reference for scband-cross-vqembedding-ema-87668872446335 (READ-ONLY COPY).

The authoritative reference and input builder live on the scoring server;
editing this copy changes nothing except your own understanding.
"""

import jax, jax.numpy as jnp
import numpy as np

B, T, D, M = 16, 128, 64, 8192
DECAY = 0.99
EPSILON = 1e-05
COMMITMENT_COST = 0.25


def setup_inputs(seed: int = 0) -> dict:
    key = jax.random.key(seed)
    k1, k2, k3, k4 = jax.random.split(key, 4)
    audio_semantic = jax.random.normal(k1, (B, T, D), dtype=jnp.float32)
    video_semantic = jax.random.normal(k2, (B, T, D), dtype=jnp.float32)
    embedding = jax.random.uniform(k3, (M, D), dtype=jnp.float32, minval=-1.0 / 400, maxval=1.0 / 400)
    coefficients = jax.random.normal(k4, (1,), dtype=jnp.float32)
    ema_count = jnp.zeros((M,), dtype=jnp.float32)
    ema_weight = embedding
    return {
        "audio_semantic": audio_semantic,
        "video_semantic": video_semantic,
        "epoch": 20,
        "embedding": embedding,
        "ema_count": ema_count,
        "ema_weight": ema_weight,
        "coefficients": coefficients,
    }


def _distances(flat, embedding):
    # addmm(sum(emb^2) + sum(x^2), x, emb.T, alpha=-2, beta=1)
    return (jnp.sum(embedding ** 2, axis=1)[None, :]
            + jnp.sum(flat ** 2, axis=1, keepdims=True)
            - 2.0 * (flat @ embedding.T))


def _entropy(p):
    return -jnp.sum(p * jnp.log(p + 1e-05), axis=-1)


def reference(audio_semantic, video_semantic, epoch, embedding, ema_count, ema_weight, coefficients):
    Bb, Tt, Dd = audio_semantic.shape
    Mm = embedding.shape[0]
    a_flat = jax.lax.stop_gradient(audio_semantic).reshape(-1, Dd)
    v_flat = jax.lax.stop_gradient(video_semantic).reshape(-1, Dd)
    a_distances = _distances(a_flat, embedding)
    v_distances = _distances(v_flat, embedding)
    a_dg = _distances(audio_semantic.reshape(-1, Dd), embedding)
    v_dg = _distances(video_semantic.reshape(-1, Dd), embedding)
    a_ph = jax.nn.softmax(-jnp.sqrt(jnp.maximum(a_dg, 0.0)), axis=1)
    v_ph = jax.nn.softmax(-jnp.sqrt(jnp.maximum(v_dg, 0.0)), axis=1)
    a_entropy = _entropy(a_ph)
    v_entropy = _entropy(v_ph)
    a_ph3 = a_ph.reshape(Bb, Tt, Mm)
    a_consistency_loss = jnp.sum(jnp.abs(a_ph3 - jnp.mean(a_ph3, axis=1, keepdims=True)))
    a_pH = jnp.mean(a_ph3, axis=1)
    v_ph3 = v_ph.reshape(Bb, Tt, Mm)
    v_consistency_loss = jnp.sum(jnp.abs(v_ph3 - jnp.mean(v_ph3, axis=1, keepdims=True)))
    v_pH = jnp.mean(v_ph3, axis=1)
    Scode = a_pH @ jnp.log(v_pH.T + 1e-10) + v_pH @ jnp.log(a_pH.T + 1e-10)
    MaxScode = jnp.max(-Scode)
    EScode = jnp.exp(Scode + MaxScode)
    EScode_sumdim1 = jnp.sum(EScode, axis=1)
    Lcmcm = -jnp.sum(jnp.log(jnp.diag(EScode) / (EScode_sumdim1 + EPSILON))) / Bb
    Lcmcm = jnp.where(epoch < 10, Lcmcm * 0.0, Lcmcm)
    a_consistency_loss = a_consistency_loss / Bb
    v_consistency_loss = v_consistency_loss / Bb
    max_entropy = np.log(Mm)
    a_adjustment = (1.0 - a_entropy / max_entropy)[:, None]
    v_adjustment = (1.0 - v_entropy / max_entropy)[:, None]
    a_indices = jnp.argmin(a_distances, axis=-1)
    a_encodings = jax.nn.one_hot(a_indices, Mm, dtype=jnp.float32)
    a_quantized = jnp.take(embedding, a_indices, axis=0).reshape(audio_semantic.shape)
    v_indices = jnp.argmin(v_distances, axis=-1)
    v_encodings = jax.nn.one_hot(v_indices, Mm, dtype=jnp.float32)
    v_quantized = jnp.take(embedding, v_indices, axis=0).reshape(video_semantic.shape)
    a_ind_r = a_indices.reshape(Bb, Tt)
    v_ind_r = v_indices.reshape(Bb, Tt)
    mode_fn = jax.vmap(lambda r: jnp.argmax(jnp.bincount(r, length=Mm)))
    equal_num = jnp.sum(mode_fn(a_ind_r) == mode_fn(v_ind_r))
    a_encodings = jax.lax.stop_gradient(a_adjustment * a_encodings)
    v_encodings = jax.lax.stop_gradient(v_adjustment * v_encodings)
    weights = jax.nn.sigmoid(coefficients)  # computed as in torch source (unused before truncation)
    # video-side EMA update (as in source)
    ema_count1 = DECAY * ema_count + (1 - DECAY) * jnp.sum(v_encodings, axis=0)
    n1 = jnp.sum(ema_count1)
    ema_count1 = (ema_count1 + EPSILON) / (n1 + Mm * EPSILON) * n1
    v_dw = v_encodings.T @ v_flat
    va_dw = v_encodings.T @ a_flat
    ema_weight1 = DECAY * ema_weight + 0.5 * (1 - DECAY) * v_dw + 0.5 * (1 - DECAY) * va_dw
    embedding1 = ema_weight1 / ema_count1[:, None]
    # symmetric audio-side EMA update (truncated in source; standard completion)
    ema_count2 = DECAY * ema_count1 + (1 - DECAY) * jnp.sum(a_encodings, axis=0)
    n2 = jnp.sum(ema_count2)
    ema_count2 = (ema_count2 + EPSILON) / (n2 + Mm * EPSILON) * n2
    a_dw = a_encodings.T @ a_flat
    av_dw = a_encodings.T @ v_flat
    ema_weight2 = DECAY * ema_weight1 + 0.5 * (1 - DECAY) * a_dw + 0.5 * (1 - DECAY) * av_dw
    embedding2 = ema_weight2 / ema_count2[:, None]
    cmcm_loss = 0.5 * Lcmcm
    a_e_latent_loss = jnp.mean((audio_semantic - jax.lax.stop_gradient(a_quantized)) ** 2)
    v_e_latent_loss = jnp.mean((video_semantic - jax.lax.stop_gradient(v_quantized)) ** 2)
    a_loss = COMMITMENT_COST * 2.0 * a_e_latent_loss
    v_loss = COMMITMENT_COST * 2.0 * v_e_latent_loss
    a_quantized_st = audio_semantic + jax.lax.stop_gradient(a_quantized - audio_semantic)
    v_quantized_st = video_semantic + jax.lax.stop_gradient(v_quantized - video_semantic)
    return (a_quantized_st, v_quantized_st, a_loss, v_loss, cmcm_loss,
            a_consistency_loss, v_consistency_loss, equal_num, embedding2)


if False:  # reference __main__ guard neutralized (emitter)
    out = reference(**setup_inputs())
    for o in out:
        print(jnp.asarray(o).shape)

if __name__ == "__main__":
    import jax
    _d = setup_inputs()
    print(jax.jit(kernel)(*tuple(_d.values())))

</pallas_src>

<mosaic_0001>
module attributes {stable_mosaic.version = 14 : i64} {
  func.func @_k1a_body(%arg0: i32, %arg1: i32, %arg2: memref<128x64xf32, #tpu.memory_space<vmem>>, %arg3: memref<128x64xf32, #tpu.memory_space<vmem>>, %arg4: memref<128x1xf32, #tpu.memory_space<vmem>>, %arg5: memref<128x1xf32, #tpu.memory_space<vmem>>, %arg6: memref<128x1xi32, #tpu.memory_space<vmem>>) attributes {dimension_semantics = [#tpu.dimension_semantics<arbitrary>, #tpu.dimension_semantics<arbitrary>], iteration_bounds = array<i64: 32, 64>, scalar_prefetch = 0 : i64, scratch_operands = 0 : i64, tpu.core_type = #tpu.core_type<tc>, window_params = [{transform_indices = @transform_0, window_bounds = array<i64: 128, 64>}, {transform_indices = @transform_1, window_bounds = array<i64: 128, 64>}, {transform_indices = @transform_2, window_bounds = array<i64: 128, 1>}, {transform_indices = @transform_3, window_bounds = array<i64: 128, 1>}, {transform_indices = @transform_4, window_bounds = array<i64: 128, 1>}]} {
    %get3A = arith.constant 0 : index
    %get3A_0 = arith.constant 0 : index
    %get3A_1 = vector.load %arg2[%get3A, %get3A_0] : memref<128x64xf32, #tpu.memory_space<vmem>>, vector<128x64xf32>
    %mul3A = arith.mulf %get3A_1, %get3A_1 : vector<128x64xf32>
    %reduce_sum3A = arith.constant dense<0.000000e+00> : vector<128xf32>
    %reduce_sum3A_2 = vector.multi_reduction <add>, %mul3A, %reduce_sum3A [1] : vector<128x64xf32> to vector<128xf32>
    %broadcast_in_dim3A = vector.shape_cast %reduce_sum3A_2 : vector<128xf32> to vector<128x1xf32>
    %get3A_3 = arith.constant 0 : index
    %get3A_4 = arith.constant 0 : index
    %get3A_5 = vector.load %arg3[%get3A_3, %get3A_4] : memref<128x64xf32, #tpu.memory_space<vmem>>, vector<128x64xf32>
    %mul3A_6 = arith.mulf %get3A_5, %get3A_5 : vector<128x64xf32>
    %reduce_sum3A_7 = arith.constant dense<0.000000e+00> : vector<128xf32>
    %reduce_sum3A_8 = vector.multi_reduction <add>, %mul3A_6, %reduce_sum3A_7 [1] : vector<128x64xf32> to vector<128xf32>
    %broadcast_in_dim3A_9 = vector.shape_cast %reduce_sum3A_8 : vector<128xf32> to vector<1x128xf32>
    %dot_general3A = arith.constant dense<0.000000e+00> : vector<128x128xf32>
    %dot_general3A_10 = tpu.matmul %get3A_1, %get3A_5, %dot_general3A {dimension_numbers = #tpu.dot_dimension_numbers<[1], [1], [0], [0], [0, 0, 1, 0], [], []>, transpose_lhs_hint = false} : vector<128x64xf32>, vector<128x64xf32>, vector<128x128xf32> -> vector<128x128xf32>
    %add3A = vector.broadcast %broadcast_in_dim3A_9 : vector<1x128xf32> to vector<128x128xf32>
    %add3A_11 = vector.broadcast %broadcast_in_dim3A : vector<128x1xf32> to vector<128x128xf32>
    %add3A_12 = arith.addf %add3A, %add3A_11 : vector<128x128xf32>
    %mul3A_13 = arith.constant 2.000000e+00 : f32
    %mul3A_14 = vector.broadcast %mul3A_13 : f32 to vector<128x128xf32>
    %mul3A_15 = arith.mulf %mul3A_14, %dot_general3A_10 : vector<128x128xf32>
    %sub3A = arith.subf %add3A_12, %mul3A_15 : vector<128x128xf32>
    %max3A = arith.constant 0.000000e+00 : f32
    %max3A_16 = vector.broadcast %max3A : f32 to vector<128x128xf32>
    %max3A_17 = arith.maximumf %sub3A, %max3A_16 : vector<128x128xf32>
    %sqrt3A = math.sqrt %max3A_17 : vector<128x128xf32>
    %neg3A = arith.constant 0.000000e+00 : f32
    %neg3A_18 = vector.broadcast %neg3A : f32 to vector<128x128xf32>
    %neg3A_19 = arith.subf %neg3A_18, %sqrt3A : vector<128x128xf32>
    %exp3A = math.exp %neg3A_19 : vector<128x128xf32>
    %reduce_sum3A_20 = arith.constant dense<0.000000e+00> : vector<128xf32>
    %reduce_sum3A_21 = vector.multi_reduction <add>, %exp3A, %reduce_sum3A_20 [1] : vector<128x128xf32> to vector<128xf32>
    %broadcast_in_dim3A_22 = vector.shape_cast %reduce_sum3A_21 : vector<128xf32> to vector<128x1xf32>
    %reduce_min3A = arith.constant dense<0x7F800000> : vector<128xf32>
    %reduce_min3A_23 = vector.multi_reduction <minimumf>, %sub3A, %reduce_min3A [1] : vector<128x128xf32> to vector<128xf32>
    %broadcast_in_dim3A_24 = vector.shape_cast %reduce_min3A_23 : vector<128xf32> to vector<128x1xf32>
    %iota3A = tpu.iota {dimensions = array<i32: 1>} : vector<128x128xi32>
    %eq3A = vector.broadcast %broadcast_in_dim3A_24 : vector<128x1xf32> to vector<128x128xf32>
    %eq3A_25 = arith.cmpf oeq, %sub3A, %eq3A : vector<128x128xf32>
    %jit3A = arith.constant 8192 : i32
    %broadcast_in_dim3A_26 = vector.broadcast %jit3A : i32 to vector<128x128xi32>
    %select_n3A = arith.select %eq3A_25, %iota3A, %broadcast_in_dim3A_26 : vector<128x128xi1>, vector<128x128xi32>
    %reduce_min3A_27 = arith.constant dense<2147483647> : vector<128xi32>
    %reduce_min3A_28 = vector.multi_reduction <minsi>, %select_n3A, %reduce_min3A_27 [1] : vector<128x128xi32> to vector<128xi32>
    %broadcast_in_dim3A_29 = vector.shape_cast %reduce_min3A_28 : vector<128xi32> to vector<128x1xi32>
    %mul3A_30 = arith.constant 128 : i32
    %mul3A_31 = arith.muli %arg1, %mul3A_30 : i32
    %add3A_32 = vector.broadcast %mul3A_31 : i32 to vector<128x1xi32>
    %add3A_33 = arith.addi %broadcast_in_dim3A_29, %add3A_32 : vector<128x1xi32>
    %eq3A_34 = arith.constant 0 : i32
    %eq3A_35 = arith.cmpi eq, %arg1, %eq3A_34 : i32
    %convert_element_type3A = arith.extui %eq3A_35 : i1 to i32
    %cond3A = arith.constant 0 : i32
    %cond3A_36 = arith.cmpi ne, %convert_element_type3A, %cond3A : i32
    scf.if %cond3A_36 {
      %swap3A = arith.constant 0 : index
      %swap3A_41 = arith.constant 0 : index
      %swap3A_42 = vector.load %arg4[%swap3A, %swap3A_41] : memref<128x1xf32, #tpu.memory_space<vmem>>, vector<128x1xf32>
      tpu.vector_store %arg4[%swap3A, %swap3A_41], %broadcast_in_dim3A_22 {strides = array<i32>} : memref<128x1xf32, #tpu.memory_space<vmem>>, vector<128x1xf32>,
      %swap3A_43 = arith.constant 0 : index
      %swap3A_44 = arith.constant 0 : index
      %swap3A_45 = vector.load %arg5[%swap3A_43, %swap3A_44] : memref<128x1xf32, #tpu.memory_space<vmem>>, vector<128x1xf32>
      tpu.vector_store %arg5[%swap3A_43, %swap3A_44], %broadcast_in_dim3A_24 {strides = array<i32>} : memref<128x1xf32, #tpu.memory_space<vmem>>, vector<128x1xf32>,
      %swap3A_46 = arith.constant 0 : index
      %swap3A_47 = arith.constant 0 : index
      %swap3A_48 = vector.load %arg6[%swap3A_46, %swap3A_47] : memref<128x1xi32, #tpu.memory_space<vmem>>, vector<128x1xi32>
      tpu.vector_store %arg6[%swap3A_46, %swap3A_47], %add3A_33 {strides = array<i32>} : memref<128x1xi32, #tpu.memory_space<vmem>>, vector<128x1xi32>,
    } else {
    }
    %ne3A = arith.constant 0 : i32
    %ne3A_37 = arith.cmpi ne, %arg1, %ne3A : i32
    %convert_element_type3A_38 = arith.extui %ne3A_37 : i1 to i32
    %cond3A_39 = arith.constant 0 : i32
    %cond3A_40 = arith.cmpi ne, %convert_element_type3A_38, %cond3A_39 : i32
    scf.if %cond3A_40 {
      %get3A_41 = arith.constant 0 : index
      %get3A_42 = arith.constant 0 : index
      %get3A_43 = vector.load %arg4[%get3A_41, %get3A_42] : memref<128x1xf32, #tpu.memory_space<vmem>>, vector<128x1xf32>
      %add3A_44 = arith.addf %get3A_43, %broadcast_in_dim3A_22 : vector<128x1xf32>
      %swap3A = arith.constant 0 : index
      %swap3A_45 = arith.constant 0 : index
      %swap3A_46 = vector.load %arg4[%swap3A, %swap3A_45] : memref<128x1xf32, #tpu.memory_space<vmem>>, vector<128x1xf32>
      tpu.vector_store %arg4[%swap3A, %swap3A_45], %add3A_44 {strides = array<i32>} : memref<128x1xf32, #tpu.memory_space<vmem>>, vector<128x1xf32>,
      %get3A_47 = arith.constant 0 : index
      %get3A_48 = arith.constant 0 : index
      %get3A_49 = vector.load %arg5[%get3A_47, %get3A_48] : memref<128x1xf32, #tpu.memory_space<vmem>>, vector<128x1xf32>
      %lt3A = arith.cmpf olt, %broadcast_in_dim3A_24, %get3A_49 : vector<128x1xf32>
      %select_n3A_50 = arith.select %lt3A, %broadcast_in_dim3A_24, %get3A_49 : vector<128x1xi1>, vector<128x1xf32>
      %swap3A_51 = arith.constant 0 : index
      %swap3A_52 = arith.constant 0 : index
      %swap3A_53 = vector.load %arg5[%swap3A_51, %swap3A_52] : memref<128x1xf32, #tpu.memory_space<vmem>>, vector<128x1xf32>
      tpu.vector_store %arg5[%swap3A_51, %swap3A_52], %select_n3A_50 {strides = array<i32>} : memref<128x1xf32, #tpu.memory_space<vmem>>, vector<128x1xf32>,
      %get3A_54 = arith.constant 0 : index
      %get3A_55 = arith.constant 0 : index
      %get3A_56 = vector.load %arg6[%get3A_54, %get3A_55] : memref<128x1xi32, #tpu.memory_space<vmem>>, vector<128x1xi32>
      %select_n3A_57 = arith.select %lt3A, %add3A_33, %get3A_56 : vector<128x1xi1>, vector<128x1xi32>
      %swap3A_58 = arith.constant 0 : index
      %swap3A_59 = arith.constant 0 : index
      %swap3A_60 = vector.load %arg6[%swap3A_58, %swap3A_59] : memref<128x1xi32, #tpu.memory_space<vmem>>, vector<128x1xi32>
      tpu.vector_store %arg6[%swap3A_58, %swap3A_59], %select_n3A_57 {strides = array<i32>} : memref<128x1xi32, #tpu.memory_space<vmem>>, vector<128x1xi32>,
    } else {
    }
    return
  }
  func.func @transform_0(%arg0: i32, %arg1: i32) -> (i32, i32) {
    %c0_i32 = arith.constant 0 : i32
    %c0_i32_0 = arith.constant 0 : i32
    return %arg0, %c0_i32 : i32, i32
  }
  func.func @transform_1(%arg0: i32, %arg1: i32) -> (i32, i32) {
    %c0_i32 = arith.constant 0 : i32
    %c0_i32_0 = arith.constant 0 : i32
    return %arg1, %c0_i32 : i32, i32
  }
  func.func @transform_2(%arg0: i32, %arg1: i32) -> (i32, i32) {
    %c0_i32 = arith.constant 0 : i32
    %c0_i32_0 = arith.constant 0 : i32
    return %arg0, %c0_i32 : i32, i32
  }
  func.func @transform_3(%arg0: i32, %arg1: i32) -> (i32, i32) {
    %c0_i32 = arith.constant 0 : i32
    %c0_i32_0 = arith.constant 0 : i32
    return %arg0, %c0_i32 : i32, i32
  }
  func.func @transform_4(%arg0: i32, %arg1: i32) -> (i32, i32) {
    %c0_i32 = arith.constant 0 : i32
    %c0_i32_0 = arith.constant 0 : i32
    return %arg0, %c0_i32 : i32, i32
  }
}

module attributes {stable_mosaic.version = 14 : i64} {
  func.func @_k1c_body(%arg0: i32, %arg1: i32, %arg2: memref<128x64xf32, #tpu.memory_space<vmem>>, %arg3: memref<128x64xf32, #tpu.memory_space<vmem>>, %arg4: memref<128x1xf32, #tpu.memory_space<vmem>>, %arg5: memref<128x64xf32, #tpu.memory_space<vmem>>, %arg6: memref<128x64xf32, #tpu.memory_space<vmem>>, %arg7: memref<128x1xf32, #tpu.memory_space<vmem>>, %arg8: memref<8x128xf32, #tpu.memory_space<vmem>>, %arg9: memref<128x1xf32, #tpu.memory_space<vmem>>, %arg10: memref<128x64xf32, #tpu.memory_space<vmem>>) attributes {dimension_semantics = [#tpu.dimension_semantics<arbitrary>, #tpu.dimension_semantics<arbitrary>], iteration_bounds = array<i64: 32, 64>, scalar_prefetch = 0 : i64, scratch_operands = 0 : i64, tpu.core_type = #tpu.core_type<tc>, window_params = [{transform_indices = @transform_0, window_bounds = array<i64: 128, 64>}, {transform_indices = @transform_1, window_bounds = array<i64: 128, 64>}, {transform_indices = @transform_2, window_bounds = array<i64: 128, 1>}, {transform_indices = @transform_3, window_bounds = array<i64: 128, 64>}, {transform_indices = @transform_4, window_bounds = array<i64: 128, 64>}, {transform_indices = @transform_5, window_bounds = array<i64: 128, 1>}, {transform_indices = @transform_6, window_bounds = array<i64: 8, 128>}, {transform_indices = @transform_7, window_bounds = array<i64: 128, 1>}, {transform_indices = @transform_8, window_bounds = array<i64: 128, 64>}]} {
    %get3A = arith.constant 0 : index
    %get3A_0 = arith.constant 0 : index
    %get3A_1 = vector.load %arg2[%get3A, %get3A_0] : memref<128x64xf32, #tpu.memory_space<vmem>>, vector<128x64xf32>
    %mul3A = arith.mulf %get3A_1, %get3A_1 : vector<128x64xf32>
    %reduce_sum3A = arith.constant dense<0.000000e+00> : vector<128xf32>
    %reduce_sum3A_2 = vector.multi_reduction <add>, %mul3A, %reduce_sum3A [1] : vector<128x64xf32> to vector<128xf32>
    %broadcast_in_dim3A = vector.shape_cast %reduce_sum3A_2 : vector<128xf32> to vector<128x1xf32>
    %get3A_3 = arith.constant 0 : index
    %get3A_4 = arith.constant 0 : index
    %get3A_5 = vector.load %arg3[%get3A_3, %get3A_4] : memref<128x64xf32, #tpu.memory_space<vmem>>, vector<128x64xf32>
    %mul3A_6 = arith.mulf %get3A_5, %get3A_5 : vector<128x64xf32>
    %reduce_sum3A_7 = arith.constant dense<0.000000e+00> : vector<128xf32>
    %reduce_sum3A_8 = vector.multi_reduction <add>, %mul3A_6, %reduce_sum3A_7 [1] : vector<128x64xf32> to vector<128xf32>
    %broadcast_in_dim3A_9 = vector.shape_cast %reduce_sum3A_8 : vector<128xf32> to vector<1x128xf32>
    %dot_general3A = arith.constant dense<0.000000e+00> : vector<128x128xf32>
    %dot_general3A_10 = tpu.matmul %get3A_1, %get3A_5, %dot_general3A {dimension_numbers = #tpu.dot_dimension_numbers<[1], [1], [0], [0], [0, 0, 1, 0], [], []>, transpose_lhs_hint = false} : vector<128x64xf32>, vector<128x64xf32>, vector<128x128xf32> -> vector<128x128xf32>
    %add3A = vector.broadcast %broadcast_in_dim3A_9 : vector<1x128xf32> to vector<128x128xf32>
    %add3A_11 = vector.broadcast %broadcast_in_dim3A : vector<128x1xf32> to vector<128x128xf32>
    %add3A_12 = arith.addf %add3A, %add3A_11 : vector<128x128xf32>
    %mul3A_13 = arith.constant 2.000000e+00 : f32
    %mul3A_14 = vector.broadcast %mul3A_13 : f32 to vector<128x128xf32>
    %mul3A_15 = arith.mulf %mul3A_14, %dot_general3A_10 : vector<128x128xf32>
    %sub3A = arith.subf %add3A_12, %mul3A_15 : vector<128x128xf32>
    %max3A = arith.constant 0.000000e+00 : f32
    %max3A_16 = vector.broadcast %max3A : f32 to vector<128x128xf32>
    %max3A_17 = arith.maximumf %sub3A, %max3A_16 : vector<128x128xf32>
    %sqrt3A = math.sqrt %max3A_17 : vector<128x128xf32>
    %neg3A = arith.constant 0.000000e+00 : f32
    %neg3A_18 = vector.broadcast %neg3A : f32 to vector<128x128xf32>
    %neg3A_19 = arith.subf %neg3A_18, %sqrt3A : vector<128x128xf32>
    %exp3A = math.exp %neg3A_19 : vector<128x128xf32>
    %get3A_20 = arith.constant 0 : index
    %get3A_21 = arith.constant 0 : index
    %get3A_22 = vector.load %arg4[%get3A_20, %get3A_21] : memref<128x1xf32, #tpu.memory_space<vmem>>, vector<128x1xf32>
    %div3A = vector.broadcast %get3A_22 : vector<128x1xf32> to vector<128x128xf32>
    %div3A_23 = arith.divf %exp3A, %div3A : vector<128x128xf32>
    %add3A_24 = arith.constant 9.99999974E-6 : f32
    %add3A_25 = vector.broadcast %add3A_24 : f32 to vector<128x128xf32>
    %add3A_26 = arith.addf %div3A_23, %add3A_25 : vector<128x128xf32>
    %log3A = math.log %add3A_26 : vector<128x128xf32>
    %mul3A_27 = arith.mulf %div3A_23, %log3A : vector<128x128xf32>
    %reduce_sum3A_28 = arith.constant dense<0.000000e+00> : vector<128xf32>
    %reduce_sum3A_29 = vector.multi_reduction <add>, %mul3A_27, %reduce_sum3A_28 [1] : vector<128x128xf32> to vector<128xf32>
    %broadcast_in_dim3A_30 = vector.shape_cast %reduce_sum3A_29 : vector<128xf32> to vector<128x1xf32>
    %iota3A = tpu.iota {dimensions = array<i32: 0>} : vector<1x128xi32>
    %iota3A_31 = tpu.iota {dimensions = array<i32: 1>} : vector<1x128xi32>
    %jit3A = arith.constant 128 : i32
    %div3A_32 = vector.broadcast %jit3A : i32 to vector<1x128xi32>
    %div3A_33 = arith.divsi %iota3A_31, %div3A_32 : vector<1x128xi32>
    %sign3A = arith.constant 0 : i32
    %sign3A_34 = vector.broadcast %sign3A : i32 to vector<1x128xi32>
    %sign3A_35 = arith.cmpi sgt, %iota3A_31, %sign3A_34 : vector<1x128xi32>
    %sign3A_36 = arith.extui %sign3A_35 : vector<1x128xi1> to vector<1x128xi32>
    %sign3A_37 = arith.constant 0 : i32
    %sign3A_38 = vector.broadcast %sign3A_37 : i32 to vector<1x128xi32>
    %sign3A_39 = arith.cmpi slt, %iota3A_31, %sign3A_38 : vector<1x128xi32>
    %sign3A_40 = arith.extui %sign3A_39 : vector<1x128xi1> to vector<1x128xi32>
    %sign3A_41 = arith.subi %sign3A_36, %sign3A_40 : vector<1x128xi32>
    %sign3A_42 = arith.constant 0 : i32
    %sign3A_43 = arith.cmpi sgt, %jit3A, %sign3A_42 : i32
    %sign3A_44 = arith.extui %sign3A_43 : i1 to i32
    %sign3A_45 = arith.constant 0 : i32
    %sign3A_46 = arith.cmpi slt, %jit3A, %sign3A_45 : i32
    %sign3A_47 = arith.extui %sign3A_46 : i1 to i32
    %sign3A_48 = arith.subi %sign3A_44, %sign3A_47 : i32
    %ne3A = vector.broadcast %sign3A_48 : i32 to vector<1x128xi32>
    %ne3A_49 = arith.cmpi ne, %sign3A_41, %ne3A : vector<1x128xi32>
    %rem3A = vector.broadcast %jit3A : i32 to vector<1x128xi32>
    %rem3A_50 = arith.remsi %iota3A_31, %rem3A : vector<1x128xi32>
    %ne3A_51 = arith.constant 0 : i32
    %ne3A_52 = vector.broadcast %ne3A_51 : i32 to vector<1x128xi32>
    %ne3A_53 = arith.cmpi ne, %rem3A_50, %ne3A_52 : vector<1x128xi32>
    %and3A = arith.andi %ne3A_49, %ne3A_53 : vector<1x128xi1>
    %sub3A_54 = arith.constant 1 : i32
    %sub3A_55 = vector.broadcast %sub3A_54 : i32 to vector<1x128xi32>
    %sub3A_56 = arith.subi %div3A_33, %sub3A_55 : vector<1x128xi32>
    %select_n3A = arith.select %and3A, %sub3A_56, %div3A_33 : vector<1x128xi1>, vector<1x128xi32>
    %eq3A = arith.cmpi eq, %iota3A, %select_n3A : vector<1x128xi32>
    %jit3A_57 = arith.constant 7.812500e-03 : f32
    %jit3A_58 = arith.constant 0.000000e+00 : f32
    %broadcast_in_dim3A_59 = vector.broadcast %jit3A_57 : f32 to vector<1x128xf32>
    %broadcast_in_dim3A_60 = vector.broadcast %jit3A_58 : f32 to vector<1x128xf32>
    %select_n3A_61 = arith.select %eq3A, %broadcast_in_dim3A_59, %broadcast_in_dim3A_60 : vector<1x128xi1>, vector<1x128xf32>
    %dot_general3A_62 = arith.constant dense<0.000000e+00> : vector<1x128xf32>
    %dot_general3A_63 = tpu.matmul %select_n3A_61, %div3A_23, %dot_general3A_62 {dimension_numbers = #tpu.dot_dimension_numbers<[1], [0], [0], [1], [0, 0, 1, 1], [], []>, transpose_lhs_hint = false} : vector<1x128xf32>, vector<128x128xf32>, vector<1x128xf32> -> vector<1x128xf32>
    %jit3A_64 = arith.constant 128 : i32
    %div3A_65 = vector.broadcast %jit3A_64 : i32 to vector<1x128xi32>
    %div3A_66 = arith.divsi %iota3A_31, %div3A_65 : vector<1x128xi32>
    %sign3A_67 = arith.constant 0 : i32
    %sign3A_68 = vector.broadcast %sign3A_67 : i32 to vector<1x128xi32>
    %sign3A_69 = arith.cmpi sgt, %iota3A_31, %sign3A_68 : vector<1x128xi32>
    %sign3A_70 = arith.extui %sign3A_69 : vector<1x128xi1> to vector<1x128xi32>
    %sign3A_71 = arith.constant 0 : i32
    %sign3A_72 = vector.broadcast %sign3A_71 : i32 to vector<1x128xi32>
    %sign3A_73 = arith.cmpi slt, %iota3A_31, %sign3A_72 : vector<1x128xi32>
    %sign3A_74 = arith.extui %sign3A_73 : vector<1x128xi1> to vector<1x128xi32>
    %sign3A_75 = arith.subi %sign3A_70, %sign3A_74 : vector<1x128xi32>
    %sign3A_76 = arith.constant 0 : i32
    %sign3A_77 = arith.cmpi sgt, %jit3A_64, %sign3A_76 : i32
    %sign3A_78 = arith.extui %sign3A_77 : i1 to i32
    %sign3A_79 = arith.constant 0 : i32
    %sign3A_80 = arith.cmpi slt, %jit3A_64, %sign3A_79 : i32
    %sign3A_81 = arith.extui %sign3A_80 : i1 to i32
    %sign3A_82 = arith.subi %sign3A_78, %sign3A_81 : i32
    %ne3A_83 = vector.broadcast %sign3A_82 : i32 to vector<1x128xi32>
    %ne3A_84 = arith.cmpi ne, %sign3A_75, %ne3A_83 : vector<1x128xi32>
    %rem3A_85 = vector.broadcast %jit3A_64 : i32 to vector<1x128xi32>
    %rem3A_86 = arith.remsi %iota3A_31, %rem3A_85 : vector<1x128xi32>
    %ne3A_87 = arith.constant 0 : i32
    %ne3A_88 = vector.broadcast %ne3A_87 : i32 to vector<1x128xi32>
    %ne3A_89 = arith.cmpi ne, %rem3A_86, %ne3A_88 : vector<1x128xi32>
    %and3A_90 = arith.andi %ne3A_84, %ne3A_89 : vector<1x128xi1>
    %sub3A_91 = arith.constant 1 : i32
    %sub3A_92 = vector.broadcast %sub3A_91 : i32 to vector<1x128xi32>
    %sub3A_93 = arith.subi %div3A_66, %sub3A_92 : vector<1x128xi32>
    %select_n3A_94 = arith.select %and3A_90, %sub3A_93, %div3A_66 : vector<1x128xi1>, vector<1x128xi32>
    %eq3A_95 = arith.cmpi eq, %iota3A, %select_n3A_94 : vector<1x128xi32>
    %jit3A_96 = arith.constant 1.000000e+00 : f32
    %jit3A_97 = arith.constant 0.000000e+00 : f32
    %broadcast_in_dim3A_98 = vector.broadcast %jit3A_96 : f32 to vector<1x128xf32>
    %broadcast_in_dim3A_99 = vector.broadcast %jit3A_97 : f32 to vector<1x128xf32>
    %select_n3A_100 = arith.select %eq3A_95, %broadcast_in_dim3A_98, %broadcast_in_dim3A_99 : vector<1x128xi1>, vector<1x128xf32>
    %dot_general3A_101 = arith.constant dense<0.000000e+00> : vector<128x128xf32>
    %dot_general3A_102 = tpu.matmul %select_n3A_100, %dot_general3A_63, %dot_general3A_101 {dimension_numbers = #tpu.dot_dimension_numbers<[0], [0], [1], [1], [0, 1, 1, 1], [], []>, transpose_lhs_hint = false} : vector<1x128xf32>, vector<1x128xf32>, vector<128x128xf32> -> vector<128x128xf32>
    %sub3A_103 = arith.subf %div3A_23, %dot_general3A_102 : vector<128x128xf32>
    %abs3A = math.absf %sub3A_103 : vector<128x128xf32>
    %reduce_sum3A_104 = arith.constant dense<0.000000e+00> : vector<128xf32>
    %reduce_sum3A_105 = vector.multi_reduction <add>, %abs3A, %reduce_sum3A_104 [1] : vector<128x128xf32> to vector<128xf32>
    %broadcast_in_dim3A_106 = vector.shape_cast %reduce_sum3A_105 : vector<128xf32> to vector<128x1xf32>
    %broadcast_in_dim3A_107 = arith.constant 0.000000e+00 : f32
    %broadcast_in_dim3A_108 = vector.broadcast %broadcast_in_dim3A_107 : f32 to vector<7x128xf32>
    %concatenate3A = tpu.concatenate %dot_general3A_63, %broadcast_in_dim3A_108 in 0 : vector<1x128xf32>, vector<7x128xf32> -> vector<8x128xf32>
    %swap3A = arith.constant 0 : index
    %swap3A_109 = arith.constant 0 : index
    %swap3A_110 = vector.load %arg8[%swap3A, %swap3A_109] : memref<8x128xf32, #tpu.memory_space<vmem>>, vector<8x128xf32>
    tpu.vector_store %arg8[%swap3A, %swap3A_109], %concatenate3A {strides = array<i32>} : memref<8x128xf32, #tpu.memory_space<vmem>>, vector<8x128xf32>,
    %broadcast_in_dim3A_111 = arith.constant 0.000000e+00 : f32
    %broadcast_in_dim3A_112 = vector.broadcast %broadcast_in_dim3A_111 : f32 to vector<128x1xf32>
    %eq3A_113 = arith.constant 0 : i32
    %eq3A_114 = arith.cmpi eq, %arg1, %eq3A_113 : i32
    %get3A_115 = arith.constant 0 : index
    %get3A_116 = arith.constant 0 : index
    %get3A_117 = vector.load %arg9[%get3A_115, %get3A_116] : memref<128x1xf32, #tpu.memory_space<vmem>>, vector<128x1xf32>
    %select_n3A_118 = arith.select %eq3A_114, %broadcast_in_dim3A_112, %get3A_117 : vector<128x1xf32>
    %add3A_119 = arith.addf %select_n3A_118, %broadcast_in_dim3A_106 : vector<128x1xf32>
    %swap3A_120 = arith.constant 0 : index
    %swap3A_121 = arith.constant 0 : index
    %swap3A_122 = vector.load %arg9[%swap3A_120, %swap3A_121] : memref<128x1xf32, #tpu.memory_space<vmem>>, vector<128x1xf32>
    tpu.vector_store %arg9[%swap3A_120, %swap3A_121], %add3A_119 {strides = array<i32>} : memref<128x1xf32, #tpu.memory_space<vmem>>, vector<128x1xf32>,
    %eq3A_123 = arith.constant 0 : i32
    %eq3A_124 = arith.cmpi eq, %arg1, %eq3A_123 : i32
    %get3A_125 = arith.constant 0 : index
    %get3A_126 = arith.constant 0 : index
    %get3A_127 = vector.load %arg7[%get3A_125, %get3A_126] : memref<128x1xf32, #tpu.memory_space<vmem>>, vector<128x1xf32>
    %select_n3A_128 = arith.select %eq3A_124, %broadcast_in_dim3A_112, %get3A_127 : vector<128x1xf32>
    %add3A_129 = arith.addf %select_n3A_128, %broadcast_in_dim3A_30 : vector<128x1xf32>
    %ne3A_130 = arith.constant 63 : i32
    %ne3A_131 = arith.cmpi ne, %arg1, %ne3A_130 : i32
    %convert_element_type3A = arith.extui %ne3A_131 : i1 to i32
    %cond3A = arith.constant 0 : i32
    %cond3A_132 = arith.cmpi ne, %convert_element_type3A, %cond3A : i32
    scf.if %cond3A_132 {
      %swap3A_138 = arith.constant 0 : index
      %swap3A_139 = arith.constant 0 : index
      %swap3A_140 = vector.load %arg7[%swap3A_138, %swap3A_139] : memref<128x1xf32, #tpu.memory_space<vmem>>, vector<128x1xf32>
      tpu.vector_store %arg7[%swap3A_138, %swap3A_139], %add3A_129 {strides = array<i32>} : memref<128x1xf32, #tpu.memory_space<vmem>>, vector<128x1xf32>,
    } else {
    }
    %eq3A_133 = arith.constant 63 : i32
    %eq3A_134 = arith.cmpi eq, %arg1, %eq3A_133 : i32
    %convert_element_type3A_135 = arith.extui %eq3A_134 : i1 to i32
    %cond3A_136 = arith.constant 0 : i32
    %cond3A_137 = arith.cmpi ne, %convert_element_type3A_135, %cond3A_136 : i32
    scf.if %cond3A_137 {
      %div3A_138 = arith.constant 9.01091289 : f32
      %div3A_139 = vector.broadcast %div3A_138 : f32 to vector<128x1xf32>
      %div3A_140 = arith.divf %add3A_129, %div3A_139 : vector<128x1xf32>
      %add3A_141 = arith.constant 1.000000e+00 : f32
      %add3A_142 = vector.broadcast %add3A_141 : f32 to vector<128x1xf32>
      %add3A_143 = arith.addf %add3A_142, %div3A_140 : vector<128x1xf32>
      %swap3A_144 = arith.constant 0 : index
      %swap3A_145 = arith.constant 0 : index
      %swap3A_146 = vector.load %arg7[%swap3A_144, %swap3A_145] : memref<128x1xf32, #tpu.memory_space<vmem>>, vector<128x1xf32>
      tpu.vector_store %arg7[%swap3A_144, %swap3A_145], %add3A_143 {strides = array<i32>} : memref<128x1xf32, #tpu.memory_space<vmem>>, vector<128x1xf32>,
      %lt3A = arith.constant 16 : i32
      %lt3A_147 = arith.cmpi slt, %arg0, %lt3A : i32
      %jit3A_148 = arith.constant 5.000000e-03 : f32
      %jit3A_149 = arith.constant 4.950000e-03 : f32
      %select_n3A_150 = arith.select %lt3A_147, %jit3A_148, %jit3A_149 : f32
      %mul3A_151 = vector.broadcast %select_n3A_150 : f32 to vector<128x1xf32>
      %mul3A_152 = arith.mulf %mul3A_151, %add3A_143 : vector<128x1xf32>
      %get3A_153 = arith.constant 0 : index
      %get3A_154 = arith.constant 0 : index
      %get3A_155 = vector.load %arg5[%get3A_153, %get3A_154] : memref<128x64xf32, #tpu.memory_space<vmem>>, vector<128x64xf32>
      %get3A_156 = arith.constant 0 : index
      %get3A_157 = arith.constant 0 : index
      %get3A_158 = vector.load %arg6[%get3A_156, %get3A_157] : memref<128x64xf32, #tpu.memory_space<vmem>>, vector<128x64xf32>
      %add3A_159 = arith.addf %get3A_155, %get3A_158 : vector<128x64xf32>
      %mul3A_160 = vector.broadcast %mul3A_152 : vector<128x1xf32> to vector<128x64xf32>
      %mul3A_161 = arith.mulf %mul3A_160, %add3A_159 : vector<128x64xf32>
      %swap3A_162 = arith.constant 0 : index
      %swap3A_163 = arith.constant 0 : index
      %swap3A_164 = vector.load %arg10[%swap3A_162, %swap3A_163] : memref<128x64xf32, #tpu.memory_space<vmem>>, vector<128x64xf32>
      tpu.vector_store %arg10[%swap3A_162, %swap3A_163], %mul3A_161 {strides = array<i32>} : memref<128x64xf32, #tpu.memory_space<vmem>>, vector<128x64xf32>,
    } else {
    }
    return
  }
  func.func @transform_0(%arg0: i32, %arg1: i32) -> (i32, i32) {
    %c0_i32 = arith.constant 0 : i32
    %c0_i32_0 = arith.constant 0 : i32
    return %arg0, %c0_i32 : i32, i32
  }
  func.func @transform_1(%arg0: i32, %arg1: i32) -> (i32, i32) {
    %c0_i32 = arith.constant 0 : i32
    %c0_i32_0 = arith.constant 0 : i32
    return %arg1, %c0_i32 : i32, i32
  }
  func.func @transform_2(%arg0: i32, %arg1: i32) -> (i32, i32) {
    %c0_i32 = arith.constant 0 : i32
    %c0_i32_0 = arith.constant 0 : i32
    return %arg0, %c0_i32 : i32, i32
  }
  func.func @transform_3(%arg0: i32, %arg1: i32) -> (i32, i32) {
    %rem3A = arith.constant 16 : i32
    %rem3A_0 = arith.remsi %arg0, %rem3A : i32
    %c0_i32 = arith.constant 0 : i32
    %c0_i32_1 = arith.constant 0 : i32
    return %rem3A_0, %c0_i32 : i32, i32
  }
  func.func @transform_4(%arg0: i32, %arg1: i32) -> (i32, i32) {
    %rem3A = arith.constant 16 : i32
    %rem3A_0 = arith.remsi %arg0, %rem3A : i32
    %c0_i32 = arith.constant 0 : i32
    %c0_i32_1 = arith.constant 0 : i32
    return %rem3A_0, %c0_i32 : i32, i32
  }
  func.func @transform_5(%arg0: i32, %arg1: i32) -> (i32, i32) {
    %c0_i32 = arith.constant 0 : i32
    %c0_i32_0 = arith.constant 0 : i32
    return %arg0, %c0_i32 : i32, i32
  }
  func.func @transform_6(%arg0: i32, %arg1: i32) -> (i32, i32) {
    %c0_i32 = arith.constant 0 : i32
    return %arg0, %arg1 : i32, i32
  }
  func.func @transform_7(%arg0: i32, %arg1: i32) -> (i32, i32) {
    %c0_i32 = arith.constant 0 : i32
    %c0_i32_0 = arith.constant 0 : i32
    return %arg0, %c0_i32 : i32, i32
  }
  func.func @transform_8(%arg0: i32, %arg1: i32) -> (i32, i32) {
    %c0_i32 = arith.constant 0 : i32
    %c0_i32_0 = arith.constant 0 : i32
    return %arg0, %c0_i32 : i32, i32
  }
}

module attributes {stable_mosaic.version = 14 : i64} {
  func.func @_k1e_body(%arg0: memref<4096x1xf32, #tpu.memory_space<vmem>>, %arg1: memref<4096x1xf32, #tpu.memory_space<vmem>>, %arg2: memref<16x8192xf32, #tpu.memory_space<vmem>>, %arg3: memref<16x8192xf32, #tpu.memory_space<vmem>>, %arg4: memref<1x1xf32, #tpu.memory_space<vmem>>, %arg5: memref<1x1xf32, #tpu.memory_space<vmem>>, %arg6: memref<1x1xf32, #tpu.memory_space<vmem>>, %arg7: memref<1x1xf32, #tpu.memory_space<vmem>>, %arg8: memref<1x1xf32, #tpu.memory_space<vmem>>) attributes {dimension_semantics = [], scalar_prefetch = 0 : i64, scratch_operands = 0 : i64, tpu.core_type = #tpu.core_type<tc>} {
    %get3A = arith.constant 0 : index
    %get3A_0 = arith.constant 0 : index
    %get3A_1 = vector.load %arg0[%get3A, %get3A_0] : memref<4096x1xf32, #tpu.memory_space<vmem>>, vector<2048x1xf32>
    %reduce_sum3A = vector.shape_cast %get3A_1 : vector<2048x1xf32> to vector<1x2048x1xf32>
    %reduce_sum3A_2 = arith.constant dense<0.000000e+00> : vector<1xf32>
    %reduce_sum3A_3 = vector.multi_reduction <add>, %reduce_sum3A, %reduce_sum3A_2 [1, 2] : vector<1x2048x1xf32> to vector<1xf32>
    %reduce_sum3A_4 = vector.shape_cast %reduce_sum3A_3 : vector<1xf32> to vector<1x1x1xf32>
    %reduce_sum3A_5 = vector.extract %reduce_sum3A_4[0, 0, 0] : f32 from vector<1x1x1xf32>
    %broadcast_in_dim3A = vector.broadcast %reduce_sum3A_5 : f32 to vector<1x1xf32>
    %mul3A = arith.constant 3.81469727E-6 : f32
    %mul3A_6 = vector.broadcast %mul3A : f32 to vector<1x1xf32>
    %mul3A_7 = arith.mulf %mul3A_6, %broadcast_in_dim3A : vector<1x1xf32>
    %swap3A = arith.constant 0 : index
    %swap3A_8 = arith.constant 0 : index
    %swap3A_9 = vector.load %arg4[%swap3A, %swap3A_8] : memref<1x1xf32, #tpu.memory_space<vmem>>, vector<1x1xf32>
    tpu.vector_store %arg4[%swap3A, %swap3A_8], %mul3A_7 {strides = array<i32>} : memref<1x1xf32, #tpu.memory_space<vmem>>, vector<1x1xf32>,
    %get3A_10 = arith.constant 2048 : index
    %get3A_11 = arith.constant 0 : index
    %get3A_12 = vector.load %arg0[%get3A_10, %get3A_11] : memref<4096x1xf32, #tpu.memory_space<vmem>>, vector<2048x1xf32>
    %reduce_sum3A_13 = vector.shape_cast %get3A_12 : vector<2048x1xf32> to vector<1x2048x1xf32>
    %reduce_sum3A_14 = arith.constant dense<0.000000e+00> : vector<1xf32>
    %reduce_sum3A_15 = vector.multi_reduction <add>, %reduce_sum3A_13, %reduce_sum3A_14 [1, 2] : vector<1x2048x1xf32> to vector<1xf32>
    %reduce_sum3A_16 = vector.shape_cast %reduce_sum3A_15 : vector<1xf32> to vector<1x1x1xf32>
    %reduce_sum3A_17 = vector.extract %reduce_sum3A_16[0, 0, 0] : f32 from vector<1x1x1xf32>
    %broadcast_in_dim3A_18 = vector.broadcast %reduce_sum3A_17 : f32 to vector<1x1xf32>
    %mul3A_19 = arith.constant 3.81469727E-6 : f32
    %mul3A_20 = vector.broadcast %mul3A_19 : f32 to vector<1x1xf32>
    %mul3A_21 = arith.mulf %mul3A_20, %broadcast_in_dim3A_18 : vector<1x1xf32>
    %swap3A_22 = arith.constant 0 : index
    %swap3A_23 = arith.constant 0 : index
    %swap3A_24 = vector.load %arg5[%swap3A_22, %swap3A_23] : memref<1x1xf32, #tpu.memory_space<vmem>>, vector<1x1xf32>
    tpu.vector_store %arg5[%swap3A_22, %swap3A_23], %mul3A_21 {strides = array<i32>} : memref<1x1xf32, #tpu.memory_space<vmem>>, vector<1x1xf32>,
    %get3A_25 = arith.constant 0 : index
    %get3A_26 = arith.constant 0 : index
    %get3A_27 = vector.load %arg1[%get3A_25, %get3A_26] : memref<4096x1xf32, #tpu.memory_space<vmem>>, vector<2048x1xf32>
    %reduce_sum3A_28 = vector.shape_cast %get3A_27 : vector<2048x1xf32> to vector<1x2048x1xf32>
    %reduce_sum3A_29 = arith.constant dense<0.000000e+00> : vector<1xf32>
    %reduce_sum3A_30 = vector.multi_reduction <add>, %reduce_sum3A_28, %reduce_sum3A_29 [1, 2] : vector<1x2048x1xf32> to vector<1xf32>
    %reduce_sum3A_31 = vector.shape_cast %reduce_sum3A_30 : vector<1xf32> to vector<1x1x1xf32>
    %reduce_sum3A_32 = vector.extract %reduce_sum3A_31[0, 0, 0] : f32 from vector<1x1x1xf32>
    %broadcast_in_dim3A_33 = vector.broadcast %reduce_sum3A_32 : f32 to vector<1x1xf32>
    %mul3A_34 = arith.constant 6.250000e-02 : f32
    %mul3A_35 = vector.broadcast %mul3A_34 : f32 to vector<1x1xf32>
    %mul3A_36 = arith.mulf %mul3A_35, %broadcast_in_dim3A_33 : vector<1x1xf32>
    %swap3A_37 = arith.constant 0 : index
    %swap3A_38 = arith.constant 0 : index
    %swap3A_39 = vector.load %arg6[%swap3A_37, %swap3A_38] : memref<1x1xf32, #tpu.memory_space<vmem>>, vector<1x1xf32>
    tpu.vector_store %arg6[%swap3A_37, %swap3A_38], %mul3A_36 {strides = array<i32>} : memref<1x1xf32, #tpu.memory_space<vmem>>, vector<1x1xf32>,
    %get3A_40 = arith.constant 2048 : index
    %get3A_41 = arith.constant 0 : index
    %get3A_42 = vector.load %arg1[%get3A_40, %get3A_41] : memref<4096x1xf32, #tpu.memory_space<vmem>>, vector<2048x1xf32>
    %reduce_sum3A_43 = vector.shape_cast %get3A_42 : vector<2048x1xf32> to vector<1x2048x1xf32>
    %reduce_sum3A_44 = arith.constant dense<0.000000e+00> : vector<1xf32>
    %reduce_sum3A_45 = vector.multi_reduction <add>, %reduce_sum3A_43, %reduce_sum3A_44 [1, 2] : vector<1x2048x1xf32> to vector<1xf32>
    %reduce_sum3A_46 = vector.shape_cast %reduce_sum3A_45 : vector<1xf32> to vector<1x1x1xf32>
    %reduce_sum3A_47 = vector.extract %reduce_sum3A_46[0, 0, 0] : f32 from vector<1x1x1xf32>
    %broadcast_in_dim3A_48 = vector.broadcast %reduce_sum3A_47 : f32 to vector<1x1xf32>
    %mul3A_49 = arith.constant 6.250000e-02 : f32
    %mul3A_50 = vector.broadcast %mul3A_49 : f32 to vector<1x1xf32>
    %mul3A_51 = arith.mulf %mul3A_50, %broadcast_in_dim3A_48 : vector<1x1xf32>
    %swap3A_52 = arith.constant 0 : index
    %swap3A_53 = arith.constant 0 : index
    %swap3A_54 = vector.load %arg7[%swap3A_52, %swap3A_53] : memref<1x1xf32, #tpu.memory_space<vmem>>, vector<1x1xf32>
    tpu.vector_store %arg7[%swap3A_52, %swap3A_53], %mul3A_51 {strides = array<i32>} : memref<1x1xf32, #tpu.memory_space<vmem>>, vector<1x1xf32>,
    %get3A_55 = arith.constant 0 : index
    %get3A_56 = arith.constant 0 : index
    %get3A_57 = vector.load %arg2[%get3A_55, %get3A_56] : memref<16x8192xf32, #tpu.memory_space<vmem>>, vector<16x8192xf32>
    %get3A_58 = arith.constant 0 : index
    %get3A_59 = arith.constant 0 : index
    %get3A_60 = vector.load %arg3[%get3A_58, %get3A_59] : memref<16x8192xf32, #tpu.memory_space<vmem>>, vector<16x8192xf32>
    %add3A = arith.constant 1.000000e-10 : f32
    %add3A_61 = vector.broadcast %add3A : f32 to vector<16x8192xf32>
    %add3A_62 = arith.addf %get3A_60, %add3A_61 : vector<16x8192xf32>
    %log3A = math.log %add3A_62 : vector<16x8192xf32>
    %dot_general3A = arith.constant dense<0.000000e+00> : vector<16x16xf32>
    %dot_general3A_63 = tpu.matmul %get3A_57, %log3A, %dot_general3A {dimension_numbers = #tpu.dot_dimension_numbers<[1], [1], [0], [0], [0, 0, 1, 0], [], []>, transpose_lhs_hint = false} : vector<16x8192xf32>, vector<16x8192xf32>, vector<16x16xf32> -> vector<16x16xf32>
    %add3A_64 = arith.constant 1.000000e-10 : f32
    %add3A_65 = vector.broadcast %add3A_64 : f32 to vector<16x8192xf32>
    %add3A_66 = arith.addf %get3A_57, %add3A_65 : vector<16x8192xf32>
    %log3A_67 = math.log %add3A_66 : vector<16x8192xf32>
    %dot_general3A_68 = arith.constant dense<0.000000e+00> : vector<16x16xf32>
    %dot_general3A_69 = tpu.matmul %get3A_60, %log3A_67, %dot_general3A_68 {dimension_numbers = #tpu.dot_dimension_numbers<[1], [1], [0], [0], [0, 0, 1, 0], [], []>, transpose_lhs_hint = false} : vector<16x8192xf32>, vector<16x8192xf32>, vector<16x16xf32> -> vector<16x16xf32>
    %add3A_70 = arith.addf %dot_general3A_63, %dot_general3A_69 : vector<16x16xf32>
    %neg3A = arith.constant 0.000000e+00 : f32
    %neg3A_71 = vector.broadcast %neg3A : f32 to vector<16x16xf32>
    %neg3A_72 = arith.subf %neg3A_71, %add3A_70 : vector<16x16xf32>
    %reduce_max3A = vector.shape_cast %neg3A_72 : vector<16x16xf32> to vector<1x16x16xf32>
    %reduce_max3A_73 = arith.constant dense<0xFF800000> : vector<1xf32>
    %reduce_max3A_74 = vector.multi_reduction <maximumf>, %reduce_max3A, %reduce_max3A_73 [1, 2] : vector<1x16x16xf32> to vector<1xf32>
    %reduce_max3A_75 = vector.shape_cast %reduce_max3A_74 : vector<1xf32> to vector<1x1x1xf32>
    %reduce_max3A_76 = vector.extract %reduce_max3A_75[0, 0, 0] : f32 from vector<1x1x1xf32>
    %add3A_77 = vector.broadcast %reduce_max3A_76 : f32 to vector<16x16xf32>
    %add3A_78 = arith.addf %add3A_70, %add3A_77 : vector<16x16xf32>
    %exp3A = math.exp %add3A_78 : vector<16x16xf32>
    %reduce_sum3A_79 = arith.constant dense<0.000000e+00> : vector<16xf32>
    %reduce_sum3A_80 = vector.multi_reduction <add>, %exp3A, %reduce_sum3A_79 [1] : vector<16x16xf32> to vector<16xf32>
    %broadcast_in_dim3A_81 = vector.shape_cast %reduce_sum3A_80 : vector<16xf32> to vector<16x1xf32>
    %iota3A = tpu.iota {dimensions = array<i32: 0>} : vector<16x16xi32>
    %iota3A_82 = tpu.iota {dimensions = array<i32: 1>} : vector<16x16xi32>
    %eq3A = arith.cmpi eq, %iota3A, %iota3A_82 : vector<16x16xi32>
    %jit3A = arith.constant 0.000000e+00 : f32
    %broadcast_in_dim3A_83 = vector.broadcast %jit3A : f32 to vector<16x16xf32>
    %select_n3A = arith.select %eq3A, %exp3A, %broadcast_in_dim3A_83 : vector<16x16xi1>, vector<16x16xf32>
    %reduce_sum3A_84 = arith.constant dense<0.000000e+00> : vector<16xf32>
    %reduce_sum3A_85 = vector.multi_reduction <add>, %select_n3A, %reduce_sum3A_84 [1] : vector<16x16xf32> to vector<16xf32>
    %broadcast_in_dim3A_86 = vector.shape_cast %reduce_sum3A_85 : vector<16xf32> to vector<16x1xf32>
    %add3A_87 = arith.constant 9.99999974E-6 : f32
    %add3A_88 = vector.broadcast %add3A_87 : f32 to vector<16x1xf32>
    %add3A_89 = arith.addf %broadcast_in_dim3A_81, %add3A_88 : vector<16x1xf32>
    %div3A = arith.divf %broadcast_in_dim3A_86, %add3A_89 : vector<16x1xf32>
    %log3A_90 = math.log %div3A : vector<16x1xf32>
    %reduce_sum3A_91 = vector.shape_cast %log3A_90 : vector<16x1xf32> to vector<1x16x1xf32>
    %reduce_sum3A_92 = arith.constant dense<0.000000e+00> : vector<1xf32>
    %reduce_sum3A_93 = vector.multi_reduction <add>, %reduce_sum3A_91, %reduce_sum3A_92 [1, 2] : vector<1x16x1xf32> to vector<1xf32>
    %reduce_sum3A_94 = vector.shape_cast %reduce_sum3A_93 : vector<1xf32> to vector<1x1x1xf32>
    %reduce_sum3A_95 = vector.extract %reduce_sum3A_94[0, 0, 0] : f32 from vector<1x1x1xf32>
    %neg3A_96 = arith.constant 0.000000e+00 : f32
    %neg3A_97 = arith.subf %neg3A_96, %reduce_sum3A_95 : f32
    %div3A_98 = arith.constant 1.600000e+01 : f32
    %div3A_99 = arith.divf %neg3A_97, %div3A_98 : f32
    %broadcast_in_dim3A_100 = arith.constant 5.000000e-01 : f32
    %broadcast_in_dim3A_101 = vector.broadcast %broadcast_in_dim3A_100 : f32 to vector<1x1xf32>
    %mul3A_102 = vector.broadcast %div3A_99 : f32 to vector<1x1xf32>
    %mul3A_103 = arith.mulf %broadcast_in_dim3A_101, %mul3A_102 : vector<1x1xf32>
    %swap3A_104 = arith.constant 0 : index
    %swap3A_105 = arith.constant 0 : index
    %swap3A_106 = vector.load %arg8[%swap3A_104, %swap3A_105] : memref<1x1xf32, #tpu.memory_space<vmem>>, vector<1x1xf32>
    tpu.vector_store %arg8[%swap3A_104, %swap3A_105], %mul3A_103 {strides = array<i32>} : memref<1x1xf32, #tpu.memory_space<vmem>>, vector<1x1xf32>,
    return
  }
}

</mosaic_0001>

<sc_bundles>
// kernel: gather_offload_async_start.1
scs
__scs_entry_jumppad:
0x0: {  	(pc) =	sbr.rel $0x88, $3  }
0x1: {  	(tag) =	ssettag $0x0;
	lr =	simm.s32 $0x1  }
0x2: {  	[smem:$0x3F9B] =	sst lr;
	_ =	strace $0xD0000000  }
0x3: {  	_ = 	snop  }
0x4: {  	_ = 	snop  }
0x5: {  	_ = 	snop  }
0x6: {  	_ = 	snop  }
0x7: {  	_ = 	snop  }
__scs_overlays_trampoline_lowered:
0x8: {  	[smem:$0x3FAA] =	sst s0  }
0x9: {  	[smem:$0x3FAB] =	sst s1  }
0xa: {  	[smem:$0x3FAC] =	sst s2  }
0xb: {  	[smem:$0x3FAD] =	sst s3  }
0xc: {  	[smem:$0x3FAE] =	sst s4  }
0xd: {  	[smem:$0x3FAF] =	sst s5  }
0xe: {  	[smem:$0x3FB0] =	sst s6  }
0xf: {  	[smem:$0x3FB1] =	sst s7  }
0x10: {  	[smem:$0x3FB2] =	sst s8  }
0x11: {  	[smem:$0x3FB3] =	sst s9;
	s0 =	simm.s32 @!p0 $0x0  }
0x12: {  	s1 =	sld [smem:$0x3F99];
	s0 =	simm.s32 @p0 $0x1  }
0x13: {  	[smem:$0x3FB4] =	sst s0;
	s0 =	simm.s32 @!p1 $0x0  }
0x14: {  	s2 =	sld [smem:$0x3F98];
	s0 =	simm.s32 @p1 $0x1  }
0x15: {  	[smem:$0x3FB5] =	sst s0;
	s0 =	simm.s32 @!p2 $0x0  }
0x16: {  	s3 =	sld [smem:$0x3FDB];
	s0 =	simm.s32 @p2 $0x1  }
0x17: {  	s4 =	simm.s32 $0x1BF5;
	[smem:$0x3FB7] =	sst s0  }
0x18: {  	s0 =	sld [smem:$0x3F9A];
	_ =	swait.ge [sflag:s4], $0x0  }
0x19: {  	s7 =	sld [smem:$0x3F9B]  }
0x1a: {  	s8 =	sadd.s32 $0xFFFFE003, lr  }
0x1b: {  	s9 =	sadd.s32 $0xFFFFFEF7, lr;
	s5 =	simm.s32 $0xFFFFFFFF;
	p2 =	slt.u32 s8, $0xFFFFF086  }
0x1c: {  	p1 =	slt.u32 s9, $0xF7A;
	s5 =	simm.s32 @!p2 $0x0  }
0x1d: {  	s5 =	simm.s32 @p1 $0x1;
	p0 =	seq.s32 s7, s2  }
0x1e: {  	s7 =	smul.u32 @!p0 $0xF7A, s2;
	p2 =	seq.s32 @!p0 s5, $0x0  }
0x1f: {  	s9 =	smul.u32 $0xF7A, s1;
	s8 =	simm.s32 @!p0 $0x1BF5;
	p2 =	por !p2, p0  }
0x20: {  	[sflag:s8] =	ssyncset.s32 @!p0 $0xFFFFF086;
	s6 =	sadd.s32 @!p0 s3, s7;
	s7 =	simm.s32 @!p0 $0x108  }
0x21: {  	s3 =	sadd.s32 s3, s9;
	s6 =	sadd.s32 @!p0 $0x88, s6;
	s7 =	simm.s32 @p2 $0x1082  }
0x22: {  	[simem:s7], [sflag:s8] =	dma.local @!p0 [hbm:s6], $0xF7A  }
0x23: {  	s9 =	sor.u32 $0xD0000000, s2;
	s6 =	simm.s32 $0x108;
	_ =	swait.ge @!p0 [sflag:s8], $0x0  }
0x24: {  	s3 =	sadd.s32 $0x88, s3;
	s6 =	simm.s32 @!p1 $0x1082;
	[sflag:s4] =	ssyncset.s32 $0xFFFFF086  }
0x25: {  	[simem:s6], [sflag:s4] =	dma.local [hbm:s3], $0xF7A  }
0x26: {  	[smem:$0x3F9B] =	sst s1;
	(tag) =	ssettag s2;
	_ =	strace s9  }
0x27: {  	s1 =	sld [smem:$0x3FAB]  }
0x28: {  	s2 =	sld [smem:$0x3FAC]  }
0x29: {  	s4 =	sld [smem:$0x3FAE]  }
0x2a: {  	p0 =	seq.s32 s5, $0x0;
	s5 =	sld [smem:$0x3FAF]  }
0x2b: {  	s6 =	sld [smem:$0x3FB0]  }
0x2c: {  	s7 =	sld [smem:$0x3FB1]  }
0x2d: {  	s3 =	simm.s32 $0x108;
	s8 =	sld [smem:$0x3FB2]  }
0x2e: {  	s3 =	simm.s32 @!p0 $0x1082;
	s9 =	sld [smem:$0x3FB3]  }
0x2f: {  	lr =	sadd.s32 s0, s3;
	s0 =	sld [smem:$0x3FAA]  }
0x30: {  	s3 =	sld [smem:$0x3FAD]  }
0x31: {  	[smem:$0x3FB6] =	sst s10  }
0x32: {  	s10 =	sld [smem:$0x3FB4];
	_ =	sdelay $0x3  }
0x33: {  	p0 =	seq.s32 s10, $0x1;
	s10 =	sld [smem:$0x3FB6];
	_ =	sdelay $0x3  }
0x34: {  	[smem:$0x3FB6] =	sst s10  }
0x35: {  	s10 =	sld [smem:$0x3FB5];
	_ =	sdelay $0x3  }
0x36: {  	p1 =	seq.s32 s10, $0x1;
	s10 =	sld [smem:$0x3FB6];
	_ =	sdelay $0x3  }
0x37: {  	[smem:$0x3FB6] =	sst s10  }
0x38: {  	s10 =	sld [smem:$0x3FB7]  }
0x39: {  	_ = 	snop;
	(pc) =	sbr.ind lr, $3  }
0x3a: {  	_ = 	snop  }
0x3b: {  	_ = 	snop  }
0x3c: {  	p2 =	seq.s32 s10, $0x1;
	s10 =	sld [smem:$0x3FB6]  }
0x3d: {  	_ =	shalt  }
0x3e: {  	_ =	shalt  }
0x3f: {  	_ =	shalt  }
0x40: {  	_ =	shalt  }
0x41: {  	_ =	shalt  }
0x42: {  	_ =	shalt  }
0x43: {  	_ =	shalt  }
0x44: {  	_ =	shalt  }
0x45: {  	_ =	shalt  }
0x46: {  	_ =	shalt  }
0x47: {  	_ =	shalt  }
0x48: {  	_ =	shalt  }
0x49: {  	_ =	shalt  }
0x4a: {  	_ =	shalt  }
0x4b: {  	_ =	shalt  }
0x4c: {  	_ =	shalt  }
0x4d: {  	_ =	shalt  }
0x4e: {  	_ =	shalt  }
0x4f: {  	_ =	shalt  }
0x50: {  	_ =	shalt  }
0x51: {  	_ =	shalt  }
0x52: {  	_ =	shalt  }
0x53: {  	_ =	shalt  }
0x54: {  	_ =	shalt  }
0x55: {  	_ =	shalt  }
0x56: {  	_ =	shalt  }
0x57: {  	_ =	shalt  }
0x58: {  	_ =	shalt  }
0x59: {  	_ =	shalt  }
0x5a: {  	_ =	shalt  }
0x5b: {  	_ =	shalt  }
0x5c: {  	_ =	shalt  }
0x5d: {  	_ =	shalt  }
0x5e: {  	_ =	shalt  }
0x5f: {  	_ =	shalt  }
0x60: {  	_ =	shalt  }
0x61: {  	_ =	shalt  }
0x62: {  	_ =	shalt  }
0x63: {  	_ =	shalt  }
0x64: {  	_ =	shalt  }
0x65: {  	_ =	shalt  }
0x66: {  	_ =	shalt  }
0x67: {  	_ =	shalt  }
0x68: {  	_ =	shalt  }
0x69: {  	_ =	shalt  }
0x6a: {  	_ =	shalt  }
0x6b: {  	_ =	shalt  }
0x6c: {  	_ =	shalt  }
0x6d: {  	_ =	shalt  }
0x6e: {  	_ =	shalt  }
0x6f: {  	_ =	shalt  }
0x70: {  	_ =	shalt  }
0x71: {  	_ =	shalt  }
0x72: {  	_ =	shalt  }
0x73: {  	_ =	shalt  }
0x74: {  	_ =	shalt  }
0x75: {  	_ =	shalt  }
0x76: {  	_ =	shalt  }
0x77: {  	_ =	shalt  }
0x78: {  	_ =	shalt  }
0x79: {  	_ =	shalt  }
0x7a: {  	_ =	shalt  }
0x7b: {  	_ =	shalt  }
0x7c: {  	_ =	shalt  }
0x7d: {  	_ =	shalt  }
0x7e: {  	_ =	shalt  }
0x7f: {  	_ =	shalt  }
0x80: {  	_ =	shalt  }
0x81: {  	_ =	shalt  }
0x82: {  	_ =	shalt  }
0x83: {  	_ =	shalt  }
0x84: {  	_ =	shalt  }
0x85: {  	_ =	shalt  }
0x86: {  	_ =	shalt  }
0x87: {  	_ =	shalt  }
.Lfunc_end0:
.L_simem_size_0:
called_computation.7_lowered:
.L_overlay_start_0:
0x88: {  	s2 =	sld [smem:$0x3FD9]  }
0x89: {  	s3 =	sld [smem:$0x3FFE];
	_ =	sdelay $0x1  }
0x8a: {  	s1 =	srdreg.scid  }
0x8b: {  	s0 =	sand.u32 $0x1, s1  }
0x8c: {  	s17 =	sshll.u32 s0, $0xA;
	s2 =	sadd.s32 s3, s2  }
0x8d: {  	s2 =	sadd.s32 s2, s17  }
0x8e: {  	[smem:$0x3FC2] =	sst s2  }
0x8f: {  	_ = 	snop  }
0x90: {  	(tm) =	ssettm $0x1  }
0x91: {  	s18 =	sld [smem:$0x3FFB];
	_ =	sdelay $0x3  }
0x92: {  	_ =	strace s18  }
0x93: {  	s2 =	sld [smem:$0x3FFC];
	_ =	sdelay $0x3  }
0x94: {  	_ =	strace s2  }
0x95: {  	s2 =	sld [smem:$0x3FFD];
	_ =	sdelay $0x3  }
0x96: {  	_ =	strace s2  }
0x97: {  	_ =	strace $0x8FFFFFFF  }
0x98: {  	s19 =	sld [smem:$0x3FDB];
	_ =	sdelay $0x1  }
0x99: {  	s20 =	simm.s32 $_scs_section_size  }
0x9a: {  	s4 =	simm.s32 $_size__tile_overlayer_lowered;
	s5 =	simm.s32 $_tile_overlayer_lowered  }
0x9b: {  	s6 =	simm.s32 $0x1BFF;
	s21 =	sshll.u32 s5, $0x1;
	s3 =	sadd.s32 s20, s19  }
0x9c: {  	s22 =	simm.s32 $0x0;
	s4 =	sshll.u32 s4, $0x1;
	s5 =	sadd.s32 s21, s3  }
0x9d: {  	[timem:s22], [sflag:s6] =	dma.local [hbm:s5], s4  }
0x9e: {  	_ =	swait.ge [sflag:s6], s4  }
0x9f: {  	s4 =	ssub.s32 $0x0, s4;
	[sflag:s6] =	ssyncset.done $0x0  }
0xa0: {  	[sflag:s6] =	ssyncadd.s32 s4;
	_ =	sdelay $0x1  }
0xa1: {  	s23 =	simm.s32 $0x1B8B  }
0xa2: {  	_ =	swait.ge [sflag:s23], $0x1  }
0xa3: {  	[sflag:s23] =	ssyncset.done $0x0  }
0xa4: {  	[sflag:s23] =	ssyncadd.s32 $0xFFFFFFFF  }
0xa5: {  	s4 =	sld [smem:$0x0]  }
0xa6: {  	s5 =	sand.u32 $0xFFFFFFFE, s1  }
0xa7: {  	p0 =	sne.s32 s1, s5  }
0xa8: {  	s5 =	sshll.u32 @p0 s5, $0xE  }
0xa9: {  	s5 =	sadd.s32 @p0 $0x11B8D, s5;
	s6 =	sshll.u32 @p0 s4, $0x11  }
0xaa: {  	s5 =	sor.u32 @p0 s6, s5  }
0xab: {  	[sflag:s5] =	ssyncadd.remote.s32 @p0 $0x1;
	_ =	sdelay $0x1  }
0xac: {  	s5 =	simm.s32 @p0 $0x1B8D  }
0xad: {  	_ =	swait.eq @p0 [sflag:s5], $0x1  }
0xae: {  	[sflag:s5] =	ssyncadd.s32 @p0 $0xFFFFFFFF  }
0xaf: {  	s6 =	sshll.u32 @!p0 s1, $0xE  }
0xb0: {  	s6 =	sor.u32 @!p0 $0x4000, s6;
	s5 =	simm.s32 @!p0 $0x1B8D  }
0xb1: {  	s4 =	sshll.u32 @!p0 s4, $0x11;
	s6 =	sadd.s32 @!p0 $0x11B8D, s6;
	_ =	swait.eq @!p0 [sflag:s5], $0x1  }
0xb2: {  	s4 =	sor.u32 @!p0 s4, s6;
	[sflag:s5] =	ssyncadd.s32 @!p0 $0xFFFFFFFF  }
0xb3: {  	s25 =	simm.s32 $0x1B8E;
	s24 =	sld [smem:$0x3FFE];
	[sflag:s4] =	ssyncadd.remote.s32 @!p0 $0x1  }
0xb4: {  	s26 =	simm.s32 $execute0_lowered;
	[smem:$0x3FD2] =	sst s25  }
0xb5: {  	s5 =	sshll.u32 s26, $0x1;
	_ =	strace $0x80000064;
	[dreg:$0x1] =	wrdreg $0xFFFFFFFF  }
0xb6: {  	s28 =	simm.s32 $_size_execute0_lowered;
	s3 =	sadd.s32 s3, s5;
	[dreg:$0x0] =	wrdreg $0x0  }
0xb7: {  	s5 =	sshll.u32 s28, $0x1;
	[dreg:$0x2] =	wrdreg s3  }
0xb8: {  	[dreg:$0x3] =	wrdreg s5  }
0xb9: {  	[dreg:$0x4] =	wrdreg $0xC0  }
0xba: {  	_ =	task [dreg:s22], $0x5FFFF  }
0xbb: {  	[dreg:$0x1] =	wrdreg $0xFFFFFFFF  }
0xbc: {  	[dreg:$0x0] =	wrdreg $0x60  }
0xbd: {  	[dreg:$0x2] =	wrdreg s24  }
0xbe: {  	[dreg:$0x3] =	wrdreg $0xC  }
0xbf: {  	_ =	task.clear_ibuf [dreg:s22], $0x4FFFF;
	_ =	strace $0x90000064  }
0xc0: {  	s29 =	simm.s32 $0xC;
	_ =	strace $0x80000066  }
0xc1: {  	_ =	swait.ge [sflag:s29], $0x1  }
0xc2: {  	[sflag:s29] =	ssyncadd.s32 $0xFFFFFFFF  }
0xc3: {  	_ =	strace $0x90000066  }
0xc4: {  	_ =	sfence  }
0xc5: {  	s30 =	sld [smem:$0x0];
	_ =	sdelay $0x2  }
0xc6: {  	s31 =	sshll.u32 s1, $0xD;
	s1 =	sshrl.u32 s1, $0x2  }
0xc7: {  	s4 =	sand.u32 $0x4000, s31;
	s1 =	sadd.s32 s1, s30  }
0xc8: {  	s0 =	sor.u32 s4, s0;
	s1 =	sshll.u32 s1, $0x11  }
0xc9: {  	s0 =	sor.u32 s1, s0  }
0xca: {  	s0 =	sadd.s32 $0x8F2B, s0  }
0xcb: {  	[sflag:s0] =	ssyncadd.remote.s32 $0x1  }
0xcc: {  	_ =	sfence.sel $0xFFFF  }
0xcd: {  	[dreg:$0x0] =	wrdreg $0xFFFFFFFF;
	(pc) =	sbr.abs _section_cstart, $3  }
0xce: {  	[dreg:$0x1] =	wrdreg $0xFFFFFFFF  }
0xcf: {  	_ =	task.clear_ibuf [dreg:s22], $0x2FFFF;
	_ =	strace $0x9FFFFFFF  }
0xd0: {  	(tm) =	ssettm $0x7FFFFFFF  }
0xd1: {  	_ =	shalt  }
tec
execute0_lowered:
.L_overlay_start_1:
0x0: {  	(tag) =	ssettag $0x1  }
0x1: {  	s2 =	rddreg [dreg:$0x0]  }
0x2: {  	s0 =	rddreg [dreg:$0x1]  }
0x3: {  	s1 =	srdreg.scid;
	_ =	strace $0x80000065;
	s4 =	simm.s32 $0x1  }
0x4: {  	s9 =	simm.s32 $0x3;
	s12 =	simm.s32 $0x0;
	s5 =	sshll.u32 s1, $0x4  }
.Ltmp0:
0x5: {  	s1 =	stileid.u32;
	s5 =	sand.u32 $0x10, s5;
	(pc) =	sbr.rel .LBB2_1-.Ltmp0, $4  }
0x6: {  	s10 =	simm.s32 $0x0;
	s3 =	sadd.s32 $0x20600, s2;
	s6 =	sor.u32 s1, s5  }
0x7: {  	[sflag:s4] =	ssyncpa.u1 $0x0;
	s5 =	simm.s32 $0x2;
	s6 =	sshll.u32 s6, $0x6  }
0x8: {  	s7 =	sadd.s32 $0x28800, s2;
	[sflag:s5] =	ssyncpa.u1 $0x0;
	s8 =	sadd.s32 $0x40, s6  }
0x9: {  	vm0 =	vmmov $0xff;
	vm1 =	vcmask $0x3F20;
	[sflag:s9] =	ssyncpa.u1 $0x0;
	s9 =	simm.s32 $0x40;
	s11 =	smov.u32 s6  }
.LBB2_9:
0xa: {  	p0 =	seq.s32 s10, $0x2  }
.Ltmp1:
0xb: {  	_ = 	snop;
	(pc) =	sbr.rel @p0 .LBB2_11-.Ltmp1, $1  }
0xc: {  	_ =	sdelay $0x3  }
.LBB2_10:
0xd: {  	s12 =	sadd.s32 $0x40, s11  }
0xe: {  	s13 =	smov.u32 s6;
	p0 =	slt.s32 s12, s8  }
0xf: {  	s13 =	smov.u32 @p0 s12  }
0x10: {  	s10 =	sadd.s32 $0x1, s10;
	s12 =	smov.u32 s11;
	s11 =	smov.u32 s13  }
.LBB2_1:
0x11: {  	p0 =	sne.s32 s10, $0x0  }
.Ltmp2:
0x12: {  	_ = 	snop;
	(pc) =	sbr.rel @!p0 .LBB2_2-.Ltmp2, $1  }
0x13: {  	_ =	sdelay $0x3  }
0x14: {  	s13 =	sand.u32 $0x1, s10  }
0x15: {  	p0 =	seq.s32 s13, $0x0  }
.Ltmp3:
0x16: {  	_ = 	snop;
	(pc) =	sbr.rel @p0 .LBB2_9-.Ltmp3, $1  }
0x17: {  	_ =	sdelay $0x3  }
0x18: {  	_ =	swait.ge [sflag:s5], $0x40  }
0x19: {  	[sflag:s5] =	ssyncset.done $0x0  }
0x1a: {  	s13 =	simm.s32 $0x0;
	[sflag:s5] =	ssyncadd.s32 $0xFFFFFFC0  }
0x1b: {  	v0 =	vld.msk [tilespmem:s13+$0x40 ss:$0x1], $0xffff;
	_ =	sdelay $0x4  }
0x1c: {  	vm2 =	vgt.s32 v0, $0x0  }
0x1d: {  	v0 =	vnsel vm2, $0x0, v0  }
0x1e: {  	v0 =	vmin.u32 v0, $0x1FFF  }
0x1f: {  	v0 =	vshll.u32 v0, $0x4;
	_ =	sdelay $0x3  }
0x20: {  	s13 =	simm.s32 $0x2080  }
0x21: {  	[tilespmem:s13], [sflag:$0x1] =	stream.indirect_vreg.gather [hbm:s2], $0x80, v0, vm0, $0x38;
	[tilespmem:$0x4080] =	vst v63  }
0x22: {  	s14 =	simm.s32 $0x2480;
	s31 =	simm.s32 $0x10  }
0x23: {  	[tilespmem:s14], [sflag:$0x1] =	stream.indirect_vreg.gather [hbm:s2], $0x80, v0, vm1, $0x38;
	[tilespmem:$0x4080] =	vst v63  }
0x24: {  	s14 =	simm.s32 $0x80;
	v0 =	vld.msk [tilespmem:s31+$0x40 ss:$0x1], $0xffff  }
.LBB2_5:
0x25: {  	p0 =	sne.s32 s14, $0xC0;
	_ =	sdelay $0x4  }
0x26: {  	vm2 =	vgt.s32 v0, $0x0  }
0x27: {  	v0 =	vnsel vm2, $0x0, v0  }
0x28: {  	v0 =	vmin.u32 v0, $0x1FFF  }
0x29: {  	v0 =	vshll.u32 v0, $0x4;
	_ =	sdelay $0x3  }
.Ltmp4:
0x2a: {  	s13 =	sadd.s32 $0x800, s13;
	(pc) =	sbr.rel @p0 .LBB2_5-.Ltmp4, $4  }
0x2b: {  	[tilespmem:s13], [sflag:$0x1] =	stream.indirect_vreg.gather [hbm:s2], $0x80, v0, vm0, $0x38;
	[tilespmem:$0x4080] =	vst v63  }
0x2c: {  	s15 =	sshra.s32 s14, $0x2;
	s16 =	sadd.s32 $0x400, s13  }
0x2d: {  	[tilespmem:s16], [sflag:$0x1] =	stream.indirect_vreg.gather [hbm:s2], $0x80, v0, vm1, $0x38;
	[tilespmem:$0x4080] =	vst v63  }
0x2e: {  	s14 =	sadd.s32 $0x40, s14;
	v0 =	vld.msk [tilespmem:s15+$0x40 ss:$0x1], $0xffff  }
0x2f: {  	_ =	sdelay $0x3  }
0x30: {  	vm2 =	vgt.s32 v0, $0x0  }
0x31: {  	v0 =	vnsel vm2, $0x0, v0  }
0x32: {  	v0 =	vmin.u32 v0, $0x1FFF  }
0x33: {  	v0 =	vshll.u32 v0, $0x4;
	_ =	sdelay $0x3  }
0x34: {  	s13 =	sadd.s32 $0x800, s13  }
0x35: {  	[tilespmem:s13], [sflag:$0x1] =	stream.indirect_vreg.gather [hbm:s2], $0x80, v0, vm0, $0x38;
	[tilespmem:$0x4080] =	vst v63  }
0x36: {  	s13 =	sadd.s32 $0x400, s13  }
0x37: {  	[tilespmem:s13], [sflag:$0x1] =	stream.indirect_vreg.gather [hbm:s2], $0x80, v0, vm1, $0x38;
	[tilespmem:$0x4080] =	vst v63  }
0x38: {  	s12 =	sshll.u32 s12, $0x4;
	s14 =	simm.s32 $0x80;
	_ =	swait.ge [sflag:s4], $0x2000  }
0x39: {  	s15 =	simm.s32 $0x2480;
	s12 =	sadd.s32 s12, s7;
	[sflag:s4] =	ssyncset.done $0x0  }
0x3a: {  	s16 =	sadd.s32 $0x0, s12;
	s13 =	simm.s32 $0x2080;
	[sflag:s4] =	ssyncadd.s32 $0xFFFFE000  }
.LBB2_7:
0x3b: {  	[hbm:s16] =	stream.linear.scatter [tilespmem:s13], [sflag:$0x3], $0x400, $0x38;
	[tilespmem:$0x4080] =	vst v63  }
0x3c: {  	s16 =	smov.u32 s14;
	s13 =	smov.u32 s15;
	p0 =	sne.s32 s14, $0x380  }
.Ltmp5:
0x3d: {  	s14 =	sadd.s32 $0x80, s14;
	(pc) =	sbr.rel @p0 .LBB2_7-.Ltmp5, $2  }
0x3e: {  	_ =	sdelay $0x2  }
0x3f: {  	s15 =	sadd.s32 $0x400, s15;
	s16 =	sadd.s32 s16, s12  }
.Ltmp6:
0x40: {  	(pc) =	sbr.rel .LBB2_9-.Ltmp6, $2  }
0x41: {  	_ =	sdelay $0x2  }
0x42: {  	[hbm:s16] =	stream.linear.scatter [tilespmem:s13], [sflag:$0x3], $0x400, $0x38;
	[tilespmem:$0x4080] =	vst v63  }
.LBB2_2:
.Ltmp7:
0x43: {  	(pc) =	sbr.rel .LBB2_10-.Ltmp7, $4  }
0x44: {  	_ = 	snop  }
0x45: {  	s12 =	sshrl.u32 s11, $0x3  }
0x46: {  	s13 =	sand.u32 $0x7, s11;
	s12 =	sadd.s32 s3, s12  }
0x47: {  	[tilespmem:s9], [sflag:$0x2] =	stream.linear.gather [hbm4b:s12+s13], $0x40, $0x38;
	[tilespmem:$0x4080] =	vst v63  }
.LBB2_11:
0x48: {  	s2 =	simm.s32 $0x3  }
0x49: {  	_ =	swait.ge [sflag:s2], $0x2000  }
0x4a: {  	[sflag:s2] =	ssyncset.done $0x0  }
0x4b: {  	[sflag:s2] =	ssyncadd.s32 $0xFFFFE000  }
0x4c: {  	_ =	sfence.sel $0x180000  }
0x4d: {  	s3 =	simm.s32 $0x2;
	[bflag:$0x0] =	sbarrier.arrive $0xFFFF  }
0x4e: {  	[sflag:s3] =	ssyncpa.u1 $0x1  }
0x4f: {  	s31 =	simm.s32 $0x1;
	[sflag:s2] =	ssyncpa.u1 $0x1  }
0x50: {  	[sflag:s31] =	ssyncpa.u1 $0x1  }
0x51: {  	p0 =	sne.s32 s1, $0x0;
	_ =	strace $0x90000065  }
0x52: {  	s0 =	sadd.s32 @!p0 $0x100000, s0;
	[bflag:$0x2] =	sbarrier.arrive $0xFFFF  }
0x53: {  	[sflag:s0] =	ssyncadd.tile.s32 @!p0 $0x1;
	_ =	shalt  }
.Lfunc_end2:
_tile_overlayer_lowered:
.L_overlay_start_2:
0x54: {  	(tag) =	ssettag $0x2  }
0x55: {  	s0 =	rddreg [dreg:$0x0];
	s2 =	stileid.u32  }
0x56: {  	s1 =	rddreg [dreg:$0x1];
	p0 =	sne.s32 s2, $0x0  }
0x57: {  	s3 =	rddreg [dreg:$0x2];
	[bflag:$0x3] =	sbarrier.arrive $0xFFFF;
	s2 =	simm.s32 @!p0 $0x1C01  }
0x58: {  	[timem:s3], [sflag:s2] =	dma.local @!p0 [hbm:s0], s1  }
0x59: {  	s0 =	simm.s32 @!p0 $0x1  }
0x5a: {  	_ =	swait.ge @!p0 [sflag:s0], s1  }
0x5b: {  	s1 =	ssub.s32 @!p0 $0x0, s1;
	[sflag:s0] =	ssyncset.done @!p0 $0x0  }
0x5c: {  	[sflag:s0] =	ssyncadd.s32 @!p0 s1  }
0x5d: {  	[bflag:$0x3] =	sbarrier.arrive $0xFFFF  }
0x5e: {  	_ =	shalt  }

// kernel: gather_offload_async_start
scs
__scs_entry_jumppad:
0x0: {  	(pc) =	sbr.rel $0x88, $3  }
0x1: {  	(tag) =	ssettag $0x0;
	lr =	simm.s32 $0x1  }
0x2: {  	[smem:$0x3F9B] =	sst lr;
	_ =	strace $0xD0000000  }
0x3: {  	_ = 	snop  }
0x4: {  	_ = 	snop  }
0x5: {  	_ = 	snop  }
0x6: {  	_ = 	snop  }
0x7: {  	_ = 	snop  }
__scs_overlays_trampoline_lowered:
0x8: {  	[smem:$0x3FAA] =	sst s0  }
0x9: {  	[smem:$0x3FAB] =	sst s1  }
0xa: {  	[smem:$0x3FAC] =	sst s2  }
0xb: {  	[smem:$0x3FAD] =	sst s3  }
0xc: {  	[smem:$0x3FAE] =	sst s4  }
0xd: {  	[smem:$0x3FAF] =	sst s5  }
0xe: {  	[smem:$0x3FB0] =	sst s6  }
0xf: {  	[smem:$0x3FB1] =	sst s7  }
0x10: {  	[smem:$0x3FB2] =	sst s8  }
0x11: {  	[smem:$0x3FB3] =	sst s9;
	s0 =	simm.s32 @!p0 $0x0  }
0x12: {  	s1 =	sld [smem:$0x3F99];
	s0 =	simm.s32 @p0 $0x1  }
0x13: {  	[smem:$0x3FB4] =	sst s0;
	s0 =	simm.s32 @!p1 $0x0  }
0x14: {  	s2 =	sld [smem:$0x3F98];
	s0 =	simm.s32 @p1 $0x1  }
0x15: {  	[smem:$0x3FB5] =	sst s0;
	s0 =	simm.s32 @!p2 $0x0  }
0x16: {  	s3 =	sld [smem:$0x3FDB];
	s0 =	simm.s32 @p2 $0x1  }
0x17: {  	s4 =	simm.s32 $0x1BF5;
	[smem:$0x3FB7] =	sst s0  }
0x18: {  	s0 =	sld [smem:$0x3F9A];
	_ =	swait.ge [sflag:s4], $0x0  }
0x19: {  	s7 =	sld [smem:$0x3F9B]  }
0x1a: {  	s8 =	sadd.s32 $0xFFFFE003, lr  }
0x1b: {  	s9 =	sadd.s32 $0xFFFFFEF7, lr;
	s5 =	simm.s32 $0xFFFFFFFF;
	p2 =	slt.u32 s8, $0xFFFFF086  }
0x1c: {  	p1 =	slt.u32 s9, $0xF7A;
	s5 =	simm.s32 @!p2 $0x0  }
0x1d: {  	s5 =	simm.s32 @p1 $0x1;
	p0 =	seq.s32 s7, s2  }
0x1e: {  	s7 =	smul.u32 @!p0 $0xF7A, s2;
	p2 =	seq.s32 @!p0 s5, $0x0  }
0x1f: {  	s9 =	smul.u32 $0xF7A, s1;
	s8 =	simm.s32 @!p0 $0x1BF5;
	p2 =	por !p2, p0  }
0x20: {  	[sflag:s8] =	ssyncset.s32 @!p0 $0xFFFFF086;
	s6 =	sadd.s32 @!p0 s3, s7;
	s7 =	simm.s32 @!p0 $0x108  }
0x21: {  	s3 =	sadd.s32 s3, s9;
	s6 =	sadd.s32 @!p0 $0x88, s6;
	s7 =	simm.s32 @p2 $0x1082  }
0x22: {  	[simem:s7], [sflag:s8] =	dma.local @!p0 [hbm:s6], $0xF7A  }
0x23: {  	s9 =	sor.u32 $0xD0000000, s2;
	s6 =	simm.s32 $0x108;
	_ =	swait.ge @!p0 [sflag:s8], $0x0  }
0x24: {  	s3 =	sadd.s32 $0x88, s3;
	s6 =	simm.s32 @!p1 $0x1082;
	[sflag:s4] =	ssyncset.s32 $0xFFFFF086  }
0x25: {  	[simem:s6], [sflag:s4] =	dma.local [hbm:s3], $0xF7A  }
0x26: {  	[smem:$0x3F9B] =	sst s1;
	(tag) =	ssettag s2;
	_ =	strace s9  }
0x27: {  	s1 =	sld [smem:$0x3FAB]  }
0x28: {  	s2 =	sld [smem:$0x3FAC]  }
0x29: {  	s4 =	sld [smem:$0x3FAE]  }
0x2a: {  	p0 =	seq.s32 s5, $0x0;
	s5 =	sld [smem:$0x3FAF]  }
0x2b: {  	s6 =	sld [smem:$0x3FB0]  }
0x2c: {  	s7 =	sld [smem:$0x3FB1]  }
0x2d: {  	s3 =	simm.s32 $0x108;
	s8 =	sld [smem:$0x3FB2]  }
0x2e: {  	s3 =	simm.s32 @!p0 $0x1082;
	s9 =	sld [smem:$0x3FB3]  }
0x2f: {  	lr =	sadd.s32 s0, s3;
	s0 =	sld [smem:$0x3FAA]  }
0x30: {  	s3 =	sld [smem:$0x3FAD]  }
0x31: {  	[smem:$0x3FB6] =	sst s10  }
0x32: {  	s10 =	sld [smem:$0x3FB4];
	_ =	sdelay $0x3  }
0x33: {  	p0 =	seq.s32 s10, $0x1;
	s10 =	sld [smem:$0x3FB6];
	_ =	sdelay $0x3  }
0x34: {  	[smem:$0x3FB6] =	sst s10  }
0x35: {  	s10 =	sld [smem:$0x3FB5];
	_ =	sdelay $0x3  }
0x36: {  	p1 =	seq.s32 s10, $0x1;
	s10 =	sld [smem:$0x3FB6];
	_ =	sdelay $0x3  }
0x37: {  	[smem:$0x3FB6] =	sst s10  }
0x38: {  	s10 =	sld [smem:$0x3FB7]  }
0x39: {  	_ = 	snop;
	(pc) =	sbr.ind lr, $3  }
0x3a: {  	_ = 	snop  }
0x3b: {  	_ = 	snop  }
0x3c: {  	p2 =	seq.s32 s10, $0x1;
	s10 =	sld [smem:$0x3FB6]  }
0x3d: {  	_ =	shalt  }
0x3e: {  	_ =	shalt  }
0x3f: {  	_ =	shalt  }
0x40: {  	_ =	shalt  }
0x41: {  	_ =	shalt  }
0x42: {  	_ =	shalt  }
0x43: {  	_ =	shalt  }
0x44: {  	_ =	shalt  }
0x45: {  	_ =	shalt  }
0x46: {  	_ =	shalt  }
0x47: {  	_ =	shalt  }
0x48: {  	_ =	shalt  }
0x49: {  	_ =	shalt  }
0x4a: {  	_ =	shalt  }
0x4b: {  	_ =	shalt  }
0x4c: {  	_ =	shalt  }
0x4d: {  	_ =	shalt  }
0x4e: {  	_ =	shalt  }
0x4f: {  	_ =	shalt  }
0x50: {  	_ =	shalt  }
0x51: {  	_ =	shalt  }
0x52: {  	_ =	shalt  }
0x53: {  	_ =	shalt  }
0x54: {  	_ =	shalt  }
0x55: {  	_ =	shalt  }
0x56: {  	_ =	shalt  }
0x57: {  	_ =	shalt  }
0x58: {  	_ =	shalt  }
0x59: {  	_ =	shalt  }
0x5a: {  	_ =	shalt  }
0x5b: {  	_ =	shalt  }
0x5c: {  	_ =	shalt  }
0x5d: {  	_ =	shalt  }
0x5e: {  	_ =	shalt  }
0x5f: {  	_ =	shalt  }
0x60: {  	_ =	shalt  }
0x61: {  	_ =	shalt  }
0x62: {  	_ =	shalt  }
0x63: {  	_ =	shalt  }
0x64: {  	_ =	shalt  }
0x65: {  	_ =	shalt  }
0x66: {  	_ =	shalt  }
0x67: {  	_ =	shalt  }
0x68: {  	_ =	shalt  }
0x69: {  	_ =	shalt  }
0x6a: {  	_ =	shalt  }
0x6b: {  	_ =	shalt  }
0x6c: {  	_ =	shalt  }
0x6d: {  	_ =	shalt  }
0x6e: {  	_ =	shalt  }
0x6f: {  	_ =	shalt  }
0x70: {  	_ =	shalt  }
0x71: {  	_ =	shalt  }
0x72: {  	_ =	shalt  }
0x73: {  	_ =	shalt  }
0x74: {  	_ =	shalt  }
0x75: {  	_ =	shalt  }
0x76: {  	_ =	shalt  }
0x77: {  	_ =	shalt  }
0x78: {  	_ =	shalt  }
0x79: {  	_ =	shalt  }
0x7a: {  	_ =	shalt  }
0x7b: {  	_ =	shalt  }
0x7c: {  	_ =	shalt  }
0x7d: {  	_ =	shalt  }
0x7e: {  	_ =	shalt  }
0x7f: {  	_ =	shalt  }
0x80: {  	_ =	shalt  }
0x81: {  	_ =	shalt  }
0x82: {  	_ =	shalt  }
0x83: {  	_ =	shalt  }
0x84: {  	_ =	shalt  }
0x85: {  	_ =	shalt  }
0x86: {  	_ =	shalt  }
0x87: {  	_ =	shalt  }
.Lfunc_end0:
.L_simem_size_0:
called_computation.6_lowered:
.L_overlay_start_0:
0x88: {  	s2 =	sld [smem:$0x3FD9]  }
0x89: {  	s3 =	sld [smem:$0x3FFE];
	_ =	sdelay $0x1  }
0x8a: {  	s1 =	srdreg.scid  }
0x8b: {  	s0 =	sand.u32 $0x1, s1  }
0x8c: {  	s17 =	sshll.u32 s0, $0xA;
	s2 =	sadd.s32 s3, s2  }
0x8d: {  	s2 =	sadd.s32 s2, s17  }
0x8e: {  	[smem:$0x3FC2] =	sst s2  }
0x8f: {  	_ = 	snop  }
0x90: {  	(tm) =	ssettm $0x1  }
0x91: {  	s18 =	sld [smem:$0x3FFB];
	_ =	sdelay $0x3  }
0x92: {  	_ =	strace s18  }
0x93: {  	s2 =	sld [smem:$0x3FFC];
	_ =	sdelay $0x3  }
0x94: {  	_ =	strace s2  }
0x95: {  	s2 =	sld [smem:$0x3FFD];
	_ =	sdelay $0x3  }
0x96: {  	_ =	strace s2  }
0x97: {  	_ =	strace $0x8FFFFFFF  }
0x98: {  	s19 =	sld [smem:$0x3FDB];
	_ =	sdelay $0x1  }
0x99: {  	s20 =	simm.s32 $_scs_section_size  }
0x9a: {  	s4 =	simm.s32 $_size__tile_overlayer_lowered;
	s5 =	simm.s32 $_tile_overlayer_lowered  }
0x9b: {  	s6 =	simm.s32 $0x1BFF;
	s21 =	sshll.u32 s5, $0x1;
	s3 =	sadd.s32 s20, s19  }
0x9c: {  	s22 =	simm.s32 $0x0;
	s4 =	sshll.u32 s4, $0x1;
	s5 =	sadd.s32 s21, s3  }
0x9d: {  	[timem:s22], [sflag:s6] =	dma.local [hbm:s5], s4  }
0x9e: {  	_ =	swait.ge [sflag:s6], s4  }
0x9f: {  	s4 =	ssub.s32 $0x0, s4;
	[sflag:s6] =	ssyncset.done $0x0  }
0xa0: {  	[sflag:s6] =	ssyncadd.s32 s4;
	_ =	sdelay $0x1  }
0xa1: {  	s23 =	simm.s32 $0x1B8B  }
0xa2: {  	_ =	swait.ge [sflag:s23], $0x1  }
0xa3: {  	[sflag:s23] =	ssyncset.done $0x0  }
0xa4: {  	[sflag:s23] =	ssyncadd.s32 $0xFFFFFFFF  }
0xa5: {  	s4 =	sld [smem:$0x0]  }
0xa6: {  	s5 =	sand.u32 $0xFFFFFFFE, s1  }
0xa7: {  	p0 =	sne.s32 s1, s5  }
0xa8: {  	s5 =	sshll.u32 @p0 s5, $0xE  }
0xa9: {  	s5 =	sadd.s32 @p0 $0x11B8D, s5;
	s6 =	sshll.u32 @p0 s4, $0x11  }
0xaa: {  	s5 =	sor.u32 @p0 s6, s5  }
0xab: {  	[sflag:s5] =	ssyncadd.remote.s32 @p0 $0x1;
	_ =	sdelay $0x1  }
0xac: {  	s5 =	simm.s32 @p0 $0x1B8D  }
0xad: {  	_ =	swait.eq @p0 [sflag:s5], $0x1  }
0xae: {  	[sflag:s5] =	ssyncadd.s32 @p0 $0xFFFFFFFF  }
0xaf: {  	s6 =	sshll.u32 @!p0 s1, $0xE  }
0xb0: {  	s6 =	sor.u32 @!p0 $0x4000, s6;
	s5 =	simm.s32 @!p0 $0x1B8D  }
0xb1: {  	s4 =	sshll.u32 @!p0 s4, $0x11;
	s6 =	sadd.s32 @!p0 $0x11B8D, s6;
	_ =	swait.eq @!p0 [sflag:s5], $0x1  }
0xb2: {  	s4 =	sor.u32 @!p0 s4, s6;
	[sflag:s5] =	ssyncadd.s32 @!p0 $0xFFFFFFFF  }
0xb3: {  	s25 =	simm.s32 $0x1B8E;
	s24 =	sld [smem:$0x3FFE];
	[sflag:s4] =	ssyncadd.remote.s32 @!p0 $0x1  }
0xb4: {  	s26 =	simm.s32 $execute0_lowered;
	[smem:$0x3FD2] =	sst s25  }
0xb5: {  	s5 =	sshll.u32 s26, $0x1;
	_ =	strace $0x80000061;
	[dreg:$0x1] =	wrdreg $0xFFFFFFFF  }
0xb6: {  	s28 =	simm.s32 $_size_execute0_lowered;
	s3 =	sadd.s32 s3, s5;
	[dreg:$0x0] =	wrdreg $0x0  }
0xb7: {  	s5 =	sshll.u32 s28, $0x1;
	[dreg:$0x2] =	wrdreg s3  }
0xb8: {  	[dreg:$0x3] =	wrdreg s5  }
0xb9: {  	[dreg:$0x4] =	wrdreg $0xC0  }
0xba: {  	_ =	task [dreg:s22], $0x5FFFF  }
0xbb: {  	[dreg:$0x1] =	wrdreg $0xFFFFFFFF  }
0xbc: {  	[dreg:$0x0] =	wrdreg $0x60  }
0xbd: {  	[dreg:$0x2] =	wrdreg s24  }
0xbe: {  	[dreg:$0x3] =	wrdreg $0xE  }
0xbf: {  	_ =	task.clear_ibuf [dreg:s22], $0x4FFFF;
	_ =	strace $0x90000061  }
0xc0: {  	s29 =	simm.s32 $0xE;
	_ =	strace $0x80000063  }
0xc1: {  	_ =	swait.ge [sflag:s29], $0x1  }
0xc2: {  	[sflag:s29] =	ssyncadd.s32 $0xFFFFFFFF  }
0xc3: {  	_ =	strace $0x90000063  }
0xc4: {  	_ =	sfence  }
0xc5: {  	s30 =	sld [smem:$0x0];
	_ =	sdelay $0x2  }
0xc6: {  	s31 =	sshll.u32 s1, $0xD;
	s1 =	sshrl.u32 s1, $0x2  }
0xc7: {  	s4 =	sand.u32 $0x4000, s31;
	s1 =	sadd.s32 s1, s30  }
0xc8: {  	s0 =	sor.u32 s4, s0;
	s1 =	sshll.u32 s1, $0x11  }
0xc9: {  	s0 =	sor.u32 s1, s0  }
0xca: {  	s0 =	sadd.s32 $0x8F2B, s0  }
0xcb: {  	[sflag:s0] =	ssyncadd.remote.s32 $0x1  }
0xcc: {  	_ =	sfence.sel $0xFFFF  }
0xcd: {  	[dreg:$0x0] =	wrdreg $0xFFFFFFFF;
	(pc) =	sbr.abs _section_cstart, $3  }
0xce: {  	[dreg:$0x1] =	wrdreg $0xFFFFFFFF  }
0xcf: {  	_ =	task.clear_ibuf [dreg:s22], $0x2FFFF;
	_ =	strace $0x9FFFFFFF  }
0xd0: {  	(tm) =	ssettm $0x7FFFFFFF  }
0xd1: {  	_ =	shalt  }
tec
execute0_lowered:
.L_overlay_start_1:
0x0: {  	(tag) =	ssettag $0x1  }
0x1: {  	s2 =	rddreg [dreg:$0x0]  }
0x2: {  	s0 =	rddreg [dreg:$0x1]  }
0x3: {  	s1 =	srdreg.scid;
	_ =	strace $0x80000062;
	s4 =	simm.s32 $0x1  }
0x4: {  	s9 =	simm.s32 $0x3;
	s12 =	simm.s32 $0x0;
	s5 =	sshll.u32 s1, $0x4  }
.Ltmp0:
0x5: {  	s1 =	stileid.u32;
	s5 =	sand.u32 $0x10, s5;
	(pc) =	sbr.rel .LBB2_1-.Ltmp0, $4  }
0x6: {  	s10 =	simm.s32 $0x0;
	s3 =	sadd.s32 $0x20400, s2;
	s6 =	sor.u32 s1, s5  }
0x7: {  	[sflag:s4] =	ssyncpa.u1 $0x0;
	s5 =	simm.s32 $0x2;
	s6 =	sshll.u32 s6, $0x6  }
0x8: {  	s7 =	sadd.s32 $0x20800, s2;
	[sflag:s5] =	ssyncpa.u1 $0x0;
	s8 =	sadd.s32 $0x40, s6  }
0x9: {  	vm0 =	vmmov $0xff;
	vm1 =	vcmask $0x3F20;
	[sflag:s9] =	ssyncpa.u1 $0x0;
	s9 =	simm.s32 $0x40;
	s11 =	smov.u32 s6  }
.LBB2_9:
0xa: {  	p0 =	seq.s32 s10, $0x2  }
.Ltmp1:
0xb: {  	_ = 	snop;
	(pc) =	sbr.rel @p0 .LBB2_11-.Ltmp1, $1  }
0xc: {  	_ =	sdelay $0x3  }
.LBB2_10:
0xd: {  	s12 =	sadd.s32 $0x40, s11  }
0xe: {  	s13 =	smov.u32 s6;
	p0 =	slt.s32 s12, s8  }
0xf: {  	s13 =	smov.u32 @p0 s12  }
0x10: {  	s10 =	sadd.s32 $0x1, s10;
	s12 =	smov.u32 s11;
	s11 =	smov.u32 s13  }
.LBB2_1:
0x11: {  	p0 =	sne.s32 s10, $0x0  }
.Ltmp2:
0x12: {  	_ = 	snop;
	(pc) =	sbr.rel @!p0 .LBB2_2-.Ltmp2, $1  }
0x13: {  	_ =	sdelay $0x3  }
0x14: {  	s13 =	sand.u32 $0x1, s10  }
0x15: {  	p0 =	seq.s32 s13, $0x0  }
.Ltmp3:
0x16: {  	_ = 	snop;
	(pc) =	sbr.rel @p0 .LBB2_9-.Ltmp3, $1  }
0x17: {  	_ =	sdelay $0x3  }
0x18: {  	_ =	swait.ge [sflag:s5], $0x40  }
0x19: {  	[sflag:s5] =	ssyncset.done $0x0  }
0x1a: {  	s13 =	simm.s32 $0x0;
	[sflag:s5] =	ssyncadd.s32 $0xFFFFFFC0  }
0x1b: {  	v0 =	vld.msk [tilespmem:s13+$0x40 ss:$0x1], $0xffff;
	_ =	sdelay $0x4  }
0x1c: {  	vm2 =	vgt.s32 v0, $0x0  }
0x1d: {  	v0 =	vnsel vm2, $0x0, v0  }
0x1e: {  	v0 =	vmin.u32 v0, $0x1FFF  }
0x1f: {  	v0 =	vshll.u32 v0, $0x4;
	_ =	sdelay $0x3  }
0x20: {  	s13 =	simm.s32 $0x2080  }
0x21: {  	[tilespmem:s13], [sflag:$0x1] =	stream.indirect_vreg.gather [hbm:s2], $0x80, v0, vm0, $0x38;
	[tilespmem:$0x4080] =	vst v63  }
0x22: {  	s14 =	simm.s32 $0x2480;
	s31 =	simm.s32 $0x10  }
0x23: {  	[tilespmem:s14], [sflag:$0x1] =	stream.indirect_vreg.gather [hbm:s2], $0x80, v0, vm1, $0x38;
	[tilespmem:$0x4080] =	vst v63  }
0x24: {  	s14 =	simm.s32 $0x80;
	v0 =	vld.msk [tilespmem:s31+$0x40 ss:$0x1], $0xffff  }
.LBB2_5:
0x25: {  	p0 =	sne.s32 s14, $0xC0;
	_ =	sdelay $0x4  }
0x26: {  	vm2 =	vgt.s32 v0, $0x0  }
0x27: {  	v0 =	vnsel vm2, $0x0, v0  }
0x28: {  	v0 =	vmin.u32 v0, $0x1FFF  }
0x29: {  	v0 =	vshll.u32 v0, $0x4;
	_ =	sdelay $0x3  }
.Ltmp4:
0x2a: {  	s13 =	sadd.s32 $0x800, s13;
	(pc) =	sbr.rel @p0 .LBB2_5-.Ltmp4, $4  }
0x2b: {  	[tilespmem:s13], [sflag:$0x1] =	stream.indirect_vreg.gather [hbm:s2], $0x80, v0, vm0, $0x38;
	[tilespmem:$0x4080] =	vst v63  }
0x2c: {  	s15 =	sshra.s32 s14, $0x2;
	s16 =	sadd.s32 $0x400, s13  }
0x2d: {  	[tilespmem:s16], [sflag:$0x1] =	stream.indirect_vreg.gather [hbm:s2], $0x80, v0, vm1, $0x38;
	[tilespmem:$0x4080] =	vst v63  }
0x2e: {  	s14 =	sadd.s32 $0x40, s14;
	v0 =	vld.msk [tilespmem:s15+$0x40 ss:$0x1], $0xffff  }
0x2f: {  	_ =	sdelay $0x3  }
0x30: {  	vm2 =	vgt.s32 v0, $0x0  }
0x31: {  	v0 =	vnsel vm2, $0x0, v0  }
0x32: {  	v0 =	vmin.u32 v0, $0x1FFF  }
0x33: {  	v0 =	vshll.u32 v0, $0x4;
	_ =	sdelay $0x3  }
0x34: {  	s13 =	sadd.s32 $0x800, s13  }
0x35: {  	[tilespmem:s13], [sflag:$0x1] =	stream.indirect_vreg.gather [hbm:s2], $0x80, v0, vm0, $0x38;
	[tilespmem:$0x4080] =	vst v63  }
0x36: {  	s13 =	sadd.s32 $0x400, s13  }
0x37: {  	[tilespmem:s13], [sflag:$0x1] =	stream.indirect_vreg.gather [hbm:s2], $0x80, v0, vm1, $0x38;
	[tilespmem:$0x4080] =	vst v63  }
0x38: {  	s12 =	sshll.u32 s12, $0x4;
	s14 =	simm.s32 $0x80;
	_ =	swait.ge [sflag:s4], $0x2000  }
0x39: {  	s15 =	simm.s32 $0x2480;
	s12 =	sadd.s32 s12, s7;
	[sflag:s4] =	ssyncset.done $0x0  }
0x3a: {  	s16 =	sadd.s32 $0x0, s12;
	s13 =	simm.s32 $0x2080;
	[sflag:s4] =	ssyncadd.s32 $0xFFFFE000  }
.LBB2_7:
0x3b: {  	[hbm:s16] =	stream.linear.scatter [tilespmem:s13], [sflag:$0x3], $0x400, $0x38;
	[tilespmem:$0x4080] =	vst v63  }
0x3c: {  	s16 =	smov.u32 s14;
	s13 =	smov.u32 s15;
	p0 =	sne.s32 s14, $0x380  }
.Ltmp5:
0x3d: {  	s14 =	sadd.s32 $0x80, s14;
	(pc) =	sbr.rel @p0 .LBB2_7-.Ltmp5, $2  }
0x3e: {  	_ =	sdelay $0x2  }
0x3f: {  	s15 =	sadd.s32 $0x400, s15;
	s16 =	sadd.s32 s16, s12  }
.Ltmp6:
0x40: {  	(pc) =	sbr.rel .LBB2_9-.Ltmp6, $2  }
0x41: {  	_ =	sdelay $0x2  }
0x42: {  	[hbm:s16] =	stream.linear.scatter [tilespmem:s13], [sflag:$0x3], $0x400, $0x38;
	[tilespmem:$0x4080] =	vst v63  }
.LBB2_2:
.Ltmp7:
0x43: {  	(pc) =	sbr.rel .LBB2_10-.Ltmp7, $4  }
0x44: {  	_ = 	snop  }
0x45: {  	s12 =	sshrl.u32 s11, $0x3  }
0x46: {  	s13 =	sand.u32 $0x7, s11;
	s12 =	sadd.s32 s3, s12  }
0x47: {  	[tilespmem:s9], [sflag:$0x2] =	stream.linear.gather [hbm4b:s12+s13], $0x40, $0x38;
	[tilespmem:$0x4080] =	vst v63  }
.LBB2_11:
0x48: {  	s2 =	simm.s32 $0x3  }
0x49: {  	_ =	swait.ge [sflag:s2], $0x2000  }
0x4a: {  	[sflag:s2] =	ssyncset.done $0x0  }
0x4b: {  	[sflag:s2] =	ssyncadd.s32 $0xFFFFE000  }
0x4c: {  	_ =	sfence.sel $0x180000  }
0x4d: {  	s3 =	simm.s32 $0x2;
	[bflag:$0x0] =	sbarrier.arrive $0xFFFF  }
0x4e: {  	[sflag:s3] =	ssyncpa.u1 $0x1  }
0x4f: {  	s31 =	simm.s32 $0x1;
	[sflag:s2] =	ssyncpa.u1 $0x1  }
0x50: {  	[sflag:s31] =	ssyncpa.u1 $0x1  }
0x51: {  	p0 =	sne.s32 s1, $0x0;
	_ =	strace $0x90000062  }
0x52: {  	s0 =	sadd.s32 @!p0 $0x100000, s0;
	[bflag:$0x2] =	sbarrier.arrive $0xFFFF  }
0x53: {  	[sflag:s0] =	ssyncadd.tile.s32 @!p0 $0x1;
	_ =	shalt  }
.Lfunc_end2:
_tile_overlayer_lowered:
.L_overlay_start_2:
0x54: {  	(tag) =	ssettag $0x2  }
0x55: {  	s0 =	rddreg [dreg:$0x0];
	s2 =	stileid.u32  }
0x56: {  	s1 =	rddreg [dreg:$0x1];
	p0 =	sne.s32 s2, $0x0  }
0x57: {  	s3 =	rddreg [dreg:$0x2];
	[bflag:$0x3] =	sbarrier.arrive $0xFFFF;
	s2 =	simm.s32 @!p0 $0x1C01  }
0x58: {  	[timem:s3], [sflag:s2] =	dma.local @!p0 [hbm:s0], s1  }
0x59: {  	s0 =	simm.s32 @!p0 $0x1  }
0x5a: {  	_ =	swait.ge @!p0 [sflag:s0], s1  }
0x5b: {  	s1 =	ssub.s32 @!p0 $0x0, s1;
	[sflag:s0] =	ssyncset.done @!p0 $0x0  }
0x5c: {  	[sflag:s0] =	ssyncadd.s32 @!p0 s1  }
0x5d: {  	[bflag:$0x3] =	sbarrier.arrive $0xFFFF  }
0x5e: {  	_ =	shalt  }

// kernel: scatter_offload_async_start.1
scs
__scs_entry_jumppad:
0x0: {  	(pc) =	sbr.rel $0x88, $3  }
0x1: {  	(tag) =	ssettag $0x0;
	lr =	simm.s32 $0x1  }
0x2: {  	[smem:$0x3F9B] =	sst lr;
	_ =	strace $0xD0000000  }
0x3: {  	_ = 	snop  }
0x4: {  	_ = 	snop  }
0x5: {  	_ = 	snop  }
0x6: {  	_ = 	snop  }
0x7: {  	_ = 	snop  }
__scs_overlays_trampoline_lowered:
0x8: {  	[smem:$0x3FAA] =	sst s0  }
0x9: {  	[smem:$0x3FAB] =	sst s1  }
0xa: {  	[smem:$0x3FAC] =	sst s2  }
0xb: {  	[smem:$0x3FAD] =	sst s3  }
0xc: {  	[smem:$0x3FAE] =	sst s4  }
0xd: {  	[smem:$0x3FAF] =	sst s5  }
0xe: {  	[smem:$0x3FB0] =	sst s6  }
0xf: {  	[smem:$0x3FB1] =	sst s7  }
0x10: {  	[smem:$0x3FB2] =	sst s8  }
0x11: {  	[smem:$0x3FB3] =	sst s9;
	s0 =	simm.s32 @!p0 $0x0  }
0x12: {  	s1 =	sld [smem:$0x3F99];
	s0 =	simm.s32 @p0 $0x1  }
0x13: {  	[smem:$0x3FB4] =	sst s0;
	s0 =	simm.s32 @!p1 $0x0  }
0x14: {  	s2 =	sld [smem:$0x3F98];
	s0 =	simm.s32 @p1 $0x1  }
0x15: {  	[smem:$0x3FB5] =	sst s0;
	s0 =	simm.s32 @!p2 $0x0  }
0x16: {  	s3 =	sld [smem:$0x3FDB];
	s0 =	simm.s32 @p2 $0x1  }
0x17: {  	s4 =	simm.s32 $0x1BF5;
	[smem:$0x3FB7] =	sst s0  }
0x18: {  	s0 =	sld [smem:$0x3F9A];
	_ =	swait.ge [sflag:s4], $0x0  }
0x19: {  	s7 =	sld [smem:$0x3F9B]  }
0x1a: {  	s8 =	sadd.s32 $0xFFFFE003, lr  }
0x1b: {  	s9 =	sadd.s32 $0xFFFFFEF7, lr;
	s5 =	simm.s32 $0xFFFFFFFF;
	p2 =	slt.u32 s8, $0xFFFFF086  }
0x1c: {  	p1 =	slt.u32 s9, $0xF7A;
	s5 =	simm.s32 @!p2 $0x0  }
0x1d: {  	s5 =	simm.s32 @p1 $0x1;
	p0 =	seq.s32 s7, s2  }
0x1e: {  	s7 =	smul.u32 @!p0 $0xF7A, s2;
	p2 =	seq.s32 @!p0 s5, $0x0  }
0x1f: {  	s9 =	smul.u32 $0xF7A, s1;
	s8 =	simm.s32 @!p0 $0x1BF5;
	p2 =	por !p2, p0  }
0x20: {  	[sflag:s8] =	ssyncset.s32 @!p0 $0xFFFFF086;
	s6 =	sadd.s32 @!p0 s3, s7;
	s7 =	simm.s32 @!p0 $0x108  }
0x21: {  	s3 =	sadd.s32 s3, s9;
	s6 =	sadd.s32 @!p0 $0x88, s6;
	s7 =	simm.s32 @p2 $0x1082  }
0x22: {  	[simem:s7], [sflag:s8] =	dma.local @!p0 [hbm:s6], $0xF7A  }
0x23: {  	s9 =	sor.u32 $0xD0000000, s2;
	s6 =	simm.s32 $0x108;
	_ =	swait.ge @!p0 [sflag:s8], $0x0  }
0x24: {  	s3 =	sadd.s32 $0x88, s3;
	s6 =	simm.s32 @!p1 $0x1082;
	[sflag:s4] =	ssyncset.s32 $0xFFFFF086  }
0x25: {  	[simem:s6], [sflag:s4] =	dma.local [hbm:s3], $0xF7A  }
0x26: {  	[smem:$0x3F9B] =	sst s1;
	(tag) =	ssettag s2;
	_ =	strace s9  }
0x27: {  	s1 =	sld [smem:$0x3FAB]  }
0x28: {  	s2 =	sld [smem:$0x3FAC]  }
0x29: {  	s4 =	sld [smem:$0x3FAE]  }
0x2a: {  	p0 =	seq.s32 s5, $0x0;
	s5 =	sld [smem:$0x3FAF]  }
0x2b: {  	s6 =	sld [smem:$0x3FB0]  }
0x2c: {  	s7 =	sld [smem:$0x3FB1]  }
0x2d: {  	s3 =	simm.s32 $0x108;
	s8 =	sld [smem:$0x3FB2]  }
0x2e: {  	s3 =	simm.s32 @!p0 $0x1082;
	s9 =	sld [smem:$0x3FB3]  }
0x2f: {  	lr =	sadd.s32 s0, s3;
	s0 =	sld [smem:$0x3FAA]  }
0x30: {  	s3 =	sld [smem:$0x3FAD]  }
0x31: {  	[smem:$0x3FB6] =	sst s10  }
0x32: {  	s10 =	sld [smem:$0x3FB4];
	_ =	sdelay $0x3  }
0x33: {  	p0 =	seq.s32 s10, $0x1;
	s10 =	sld [smem:$0x3FB6];
	_ =	sdelay $0x3  }
0x34: {  	[smem:$0x3FB6] =	sst s10  }
0x35: {  	s10 =	sld [smem:$0x3FB5];
	_ =	sdelay $0x3  }
0x36: {  	p1 =	seq.s32 s10, $0x1;
	s10 =	sld [smem:$0x3FB6];
	_ =	sdelay $0x3  }
0x37: {  	[smem:$0x3FB6] =	sst s10  }
0x38: {  	s10 =	sld [smem:$0x3FB7]  }
0x39: {  	_ = 	snop;
	(pc) =	sbr.ind lr, $3  }
0x3a: {  	_ = 	snop  }
0x3b: {  	_ = 	snop  }
0x3c: {  	p2 =	seq.s32 s10, $0x1;
	s10 =	sld [smem:$0x3FB6]  }
0x3d: {  	_ =	shalt  }
0x3e: {  	_ =	shalt  }
0x3f: {  	_ =	shalt  }
0x40: {  	_ =	shalt  }
0x41: {  	_ =	shalt  }
0x42: {  	_ =	shalt  }
0x43: {  	_ =	shalt  }
0x44: {  	_ =	shalt  }
0x45: {  	_ =	shalt  }
0x46: {  	_ =	shalt  }
0x47: {  	_ =	shalt  }
0x48: {  	_ =	shalt  }
0x49: {  	_ =	shalt  }
0x4a: {  	_ =	shalt  }
0x4b: {  	_ =	shalt  }
0x4c: {  	_ =	shalt  }
0x4d: {  	_ =	shalt  }
0x4e: {  	_ =	shalt  }
0x4f: {  	_ =	shalt  }
0x50: {  	_ =	shalt  }
0x51: {  	_ =	shalt  }
0x52: {  	_ =	shalt  }
0x53: {  	_ =	shalt  }
0x54: {  	_ =	shalt  }
0x55: {  	_ =	shalt  }
0x56: {  	_ =	shalt  }
0x57: {  	_ =	shalt  }
0x58: {  	_ =	shalt  }
0x59: {  	_ =	shalt  }
0x5a: {  	_ =	shalt  }
0x5b: {  	_ =	shalt  }
0x5c: {  	_ =	shalt  }
0x5d: {  	_ =	shalt  }
0x5e: {  	_ =	shalt  }
0x5f: {  	_ =	shalt  }
0x60: {  	_ =	shalt  }
0x61: {  	_ =	shalt  }
0x62: {  	_ =	shalt  }
0x63: {  	_ =	shalt  }
0x64: {  	_ =	shalt  }
0x65: {  	_ =	shalt  }
0x66: {  	_ =	shalt  }
0x67: {  	_ =	shalt  }
0x68: {  	_ =	shalt  }
0x69: {  	_ =	shalt  }
0x6a: {  	_ =	shalt  }
0x6b: {  	_ =	shalt  }
0x6c: {  	_ =	shalt  }
0x6d: {  	_ =	shalt  }
0x6e: {  	_ =	shalt  }
0x6f: {  	_ =	shalt  }
0x70: {  	_ =	shalt  }
0x71: {  	_ =	shalt  }
0x72: {  	_ =	shalt  }
0x73: {  	_ =	shalt  }
0x74: {  	_ =	shalt  }
0x75: {  	_ =	shalt  }
0x76: {  	_ =	shalt  }
0x77: {  	_ =	shalt  }
0x78: {  	_ =	shalt  }
0x79: {  	_ =	shalt  }
0x7a: {  	_ =	shalt  }
0x7b: {  	_ =	shalt  }
0x7c: {  	_ =	shalt  }
0x7d: {  	_ =	shalt  }
0x7e: {  	_ =	shalt  }
0x7f: {  	_ =	shalt  }
0x80: {  	_ =	shalt  }
0x81: {  	_ =	shalt  }
0x82: {  	_ =	shalt  }
0x83: {  	_ =	shalt  }
0x84: {  	_ =	shalt  }
0x85: {  	_ =	shalt  }
0x86: {  	_ =	shalt  }
0x87: {  	_ =	shalt  }
.Lfunc_end0:
.L_simem_size_0:
called_computation.1_lowered:
.L_overlay_start_0:
0x88: {  	s0 =	sld [smem:$0x3FD9]  }
0x89: {  	s1 =	sld [smem:$0x3FFE];
	_ =	sdelay $0x3  }
0x8a: {  	s0 =	sadd.s32 s1, s0  }
0x8b: {  	[smem:$0x3FC2] =	sst s0  }
0x8c: {  	_ = 	snop  }
0x8d: {  	(tm) =	ssettm $0x1  }
0x8e: {  	s14 =	sld [smem:$0x3FFB];
	_ =	sdelay $0x3  }
0x8f: {  	_ =	strace s14  }
0x90: {  	s0 =	sld [smem:$0x3FFC];
	_ =	sdelay $0x3  }
0x91: {  	_ =	strace s0  }
0x92: {  	s0 =	sld [smem:$0x3FFD];
	_ =	sdelay $0x3  }
0x93: {  	_ =	strace s0  }
0x94: {  	_ =	strace $0x8FFFFFFF  }
0x95: {  	s15 =	sld [smem:$0x3FDB];
	_ =	sdelay $0x1  }
0x96: {  	s16 =	simm.s32 $_scs_section_size  }
0x97: {  	s2 =	simm.s32 $_size__tile_overlayer_lowered;
	s3 =	simm.s32 $_tile_overlayer_lowered  }
0x98: {  	s4 =	simm.s32 $0x1BFF;
	s17 =	sshll.u32 s3, $0x1;
	s1 =	sadd.s32 s16, s15  }
0x99: {  	s18 =	simm.s32 $0x0;
	s2 =	sshll.u32 s2, $0x1;
	s3 =	sadd.s32 s17, s1  }
0x9a: {  	[timem:s18], [sflag:s4] =	dma.local [hbm:s3], s2  }
0x9b: {  	_ =	swait.ge [sflag:s4], s2  }
0x9c: {  	s2 =	ssub.s32 $0x0, s2;
	[sflag:s4] =	ssyncset.done $0x0  }
0x9d: {  	[sflag:s4] =	ssyncadd.s32 s2;
	_ =	sdelay $0x1  }
0x9e: {  	s19 =	simm.s32 $0x1B8B  }
0x9f: {  	_ =	swait.ge [sflag:s19], $0x1  }
0xa0: {  	[sflag:s19] =	ssyncset.done $0x0  }
0xa1: {  	s21 =	simm.s32 $0x1B8E;
	s20 =	sld [smem:$0x3FFE];
	[sflag:s19] =	ssyncadd.s32 $0xFFFFFFFF  }
0xa2: {  	s22 =	simm.s32 $execute0_lowered;
	[smem:$0x3FD2] =	sst s21  }
0xa3: {  	s3 =	sshll.u32 s22, $0x1;
	_ =	strace $0x8000004C;
	[dreg:$0x1] =	wrdreg $0xFFFFFFFF  }
0xa4: {  	s23 =	simm.s32 $_size_execute0_lowered;
	s3 =	sadd.s32 s1, s3;
	[dreg:$0x0] =	wrdreg $0x0  }
0xa5: {  	s4 =	sshll.u32 s23, $0x1;
	[dreg:$0x2] =	wrdreg s3  }
0xa6: {  	[dreg:$0x3] =	wrdreg s4  }
0xa7: {  	[dreg:$0x4] =	wrdreg $0xC0  }
0xa8: {  	s24 =	simm.s32 $execute1_lowered;
	_ =	task [dreg:s18], $0x5FFFF  }
0xa9: {  	s3 =	sshll.u32 s24, $0x1;
	[dreg:$0x1] =	wrdreg $0xFFFFFFFF  }
0xaa: {  	s1 =	sadd.s32 s1, s3;
	[dreg:$0x0] =	wrdreg $0x60  }
0xab: {  	[dreg:$0x2] =	wrdreg s1  }
0xac: {  	[dreg:$0x3] =	wrdreg s20  }
0xad: {  	[dreg:$0x4] =	wrdreg $0x10  }
0xae: {  	_ =	task.clear_ibuf [dreg:s18], $0x5FFFF;
	_ =	strace $0x9000004C  }
0xaf: {  	s25 =	simm.s32 $0x10;
	_ =	strace $0x8000004E  }
0xb0: {  	_ =	swait.ge [sflag:s25], $0x1  }
0xb1: {  	[sflag:s25] =	ssyncadd.s32 $0xFFFFFFFF  }
0xb2: {  	_ =	strace $0x9000004E  }
0xb3: {  	_ =	strace $0x8000004F;
	[dreg:$0x1] =	wrdreg $0xFFFFFFFF  }
0xb4: {  	[dreg:$0x0] =	wrdreg $0x2030  }
0xb5: {  	[dreg:$0x2] =	wrdreg s20  }
0xb6: {  	[dreg:$0x3] =	wrdreg $0x11  }
0xb7: {  	_ =	task.clear_ibuf [dreg:s18], $0x4FFFF;
	_ =	strace $0x9000004F  }
0xb8: {  	s26 =	simm.s32 $0x11;
	_ =	strace $0x80000051  }
0xb9: {  	_ =	swait.ge [sflag:s26], $0x1  }
0xba: {  	[sflag:s26] =	ssyncadd.s32 $0xFFFFFFFF  }
0xbb: {  	_ =	strace $0x90000051  }
0xbc: {  	_ =	sfence  }
0xbd: {  	s28 =	sld [smem:$0x0];
	_ =	sdelay $0x1  }
0xbe: {  	s29 =	srdreg.scid  }
0xbf: {  	s30 =	sshll.u32 s29, $0xD;
	s31 =	sshrl.u32 s29, $0x2  }
0xc0: {  	s2 =	sand.u32 $0x1, s29;
	s3 =	sand.u32 $0x4000, s30;
	s1 =	sadd.s32 s31, s28  }
0xc1: {  	s2 =	sor.u32 s3, s2;
	s1 =	sshll.u32 s1, $0x11  }
0xc2: {  	s1 =	sor.u32 s1, s2  }
0xc3: {  	s1 =	sadd.s32 $0x8F2B, s1  }
0xc4: {  	[sflag:s1] =	ssyncadd.remote.s32 $0x1  }
0xc5: {  	_ =	sfence.sel $0xFFFF  }
0xc6: {  	[dreg:$0x0] =	wrdreg $0xFFFFFFFF;
	(pc) =	sbr.abs _section_cstart, $3  }
0xc7: {  	[dreg:$0x1] =	wrdreg $0xFFFFFFFF  }
0xc8: {  	_ =	task.clear_ibuf [dreg:s18], $0x2FFFF;
	_ =	strace $0x9FFFFFFF  }
0xc9: {  	(tm) =	ssettm $0x7FFFFFFF  }
tec
execute0_lowered:
.L_overlay_start_1:
0x0: {  	(tag) =	ssettag $0x1  }
0x1: {  	s2 =	rddreg [dreg:$0x0]  }
0x2: {  	s4 =	rddreg [dreg:$0x1]  }
0x3: {  	s0 =	rddreg [dreg:$0x2]  }
0x4: {  	s3 =	stileid.u32;
	[bflag:$0x3] =	sbarrier.arrive $0xFFFF;
	s1 =	simm.s32 $_size_execute1_lowered  }
0x5: {  	s8 =	simm.s32 $0x2;
	s9 =	simm.s32 $0x0;
	p0 =	sne.s32 s3, $0x0  }
0x6: {  	s1 =	sshll.u32 s1, $0x1;
	s5 =	simm.s32 @!p0 $0x1C3F;
	s6 =	simm.s32 @!p0 $0x4060  }
0x7: {  	[timem:s6], [sflag:s5] =	dma.local @!p0 [hbm:s2], s1  }
0x8: {  	s11 =	simm.s32 $0x0;
	s10 =	simm.s32 $0x0;
	s2 =	sshll.u32 s3, $0x9  }
0x9: {  	s3 =	sshll.u32 s3, $0x6;
	_ =	strace $0x8000004D;
	s30 =	ssub.s32 $0x2000, s2  }
.Ltmp0:
0xa: {  	s31 =	sadd.s32 s3, s4;
	s7 =	sand.u32 $0x1E00, s30;
	(pc) =	sbr.rel .LBB2_1-.Ltmp0, $4  }
0xb: {  	s3 =	simm.s32 $0x1;
	p1 =	sne.s32 s7, $0x0;
	s7 =	simm.s32 $0x1  }
0xc: {  	s4 =	sadd.s32 $0x61000, s4;
	s5 =	sshrl.u32 s30, $0xD;
	s7 =	simm.s32 @!p1 $0x0  }
0xd: {  	[sflag:s3] =	ssyncpa.u1 $0x0;
	s6 =	sadd.s32 $0x60400, s31;
	s5 =	sadd.s32 s7, s5  }
0xe: {  	[sflag:s8] =	ssyncpa.u1 $0x0;
	s8 =	simm.s32 $0x0;
	s7 =	sadd.s32 $0x1, s5  }
.LBB2_3:
0xf: {  	p2 =	sne.s32 s10, s7  }
.Ltmp1:
0x10: {  	p1 =	slt.u32 s10, $0x2;
	(pc) =	sbr.rel @!p2 .LBB2_4-.Ltmp1, $4  }
0x11: {  	s11 =	simm.s32 @!p1 $0x2  }
0x12: {  	_ =	swait.ge @!p1 [sflag:s11], $0x200  }
0x13: {  	s9 =	sadd.s32 $0x200, s9;
	[sflag:s11] =	ssyncset.done @!p1 $0x0  }
0x14: {  	s10 =	sadd.s32 $0x1, s10;
	[sflag:s11] =	ssyncadd.s32 @!p1 $0xFFFFFE00;
	s11 =	smov.u32 s2  }
.LBB2_1:
0x15: {  	p1 =	sge.u32 s10, s5  }
0x16: {  	s12 =	sxor.u32 @!p1 $0xFFFFFFFF, s9  }
0x17: {  	s31 =	sadd.s32 $0xFFFFFFFF, s10;
	s13 =	simm.s32 @!p1 $0x0;
	s12 =	sand.u32 @!p1 $0x200, s12  }
0x18: {  	[tilespmem:s12], [sflag:$0x1] =	stream.linear.gather @!p1 [hbm4b:s6+s13], $0x200, $0x38;
	[tilespmem:$0x800] =	vst v63  }
0x19: {  	p1 =	sge.u32 s31, s5  }
.Ltmp2:
0x1a: {  	_ = 	snop;
	(pc) =	sbr.rel @p1 .LBB2_3-.Ltmp2, $1  }
0x1b: {  	_ =	sdelay $0x3  }
0x1c: {  	_ =	swait.ge [sflag:s3], $0x200  }
0x1d: {  	[sflag:s3] =	ssyncset.done $0x0  }
0x1e: {  	s12 =	sand.u32 $0x200, s9;
	[sflag:s3] =	ssyncadd.s32 $0xFFFFFE00  }
0x1f: {  	v0 =	vld [tilespmem:s12+$0x0]  }
0x20: {  	v1 =	vld [tilespmem:s12+$0x10]  }
0x21: {  	v2 =	vld [tilespmem:s12+$0x20]  }
0x22: {  	v3 =	vld [tilespmem:s12+$0x30]  }
0x23: {  	v4 =	vld [tilespmem:s12+$0x40]  }
0x24: {  	v37 =	vld [tilespmem:s12+$0x50];
	[tilespmem:s12+$0x400] =	vst v0  }
0x25: {  	v38 =	vld [tilespmem:s12+$0x60];
	[tilespmem:s12+$0x410] =	vst v1  }
0x26: {  	v39 =	vld [tilespmem:s12+$0x70];
	[tilespmem:s12+$0x420] =	vst v2  }
0x27: {  	v40 =	vld [tilespmem:s12+$0x80];
	[tilespmem:s12+$0x430] =	vst v3  }
0x28: {  	v41 =	vld [tilespmem:s12+$0x90];
	[tilespmem:s12+$0x440] =	vst v4  }
0x29: {  	v42 =	vld [tilespmem:s12+$0xA0];
	[tilespmem:s12+$0x450] =	vst v37  }
0x2a: {  	v43 =	vld [tilespmem:s12+$0xB0];
	[tilespmem:s12+$0x460] =	vst v38  }
0x2b: {  	v44 =	vld [tilespmem:s12+$0xC0];
	[tilespmem:s12+$0x470] =	vst v39  }
0x2c: {  	v45 =	vld [tilespmem:s12+$0xD0];
	[tilespmem:s12+$0x480] =	vst v40  }
0x2d: {  	v46 =	vld [tilespmem:s12+$0xE0];
	[tilespmem:s12+$0x490] =	vst v41  }
0x2e: {  	v47 =	vld [tilespmem:s12+$0xF0];
	[tilespmem:s12+$0x4A0] =	vst v42  }
0x2f: {  	v48 =	vld [tilespmem:s12+$0x100];
	[tilespmem:s12+$0x4B0] =	vst v43  }
0x30: {  	v49 =	vld [tilespmem:s12+$0x110];
	[tilespmem:s12+$0x4C0] =	vst v44  }
0x31: {  	v50 =	vld [tilespmem:s12+$0x120];
	[tilespmem:s12+$0x4D0] =	vst v45  }
0x32: {  	v51 =	vld [tilespmem:s12+$0x130];
	[tilespmem:s12+$0x4E0] =	vst v46  }
0x33: {  	v52 =	vld [tilespmem:s12+$0x140];
	[tilespmem:s12+$0x4F0] =	vst v47  }
0x34: {  	v53 =	vld [tilespmem:s12+$0x150];
	[tilespmem:s12+$0x500] =	vst v48  }
0x35: {  	v54 =	vld [tilespmem:s12+$0x160];
	[tilespmem:s12+$0x510] =	vst v49  }
0x36: {  	v55 =	vld [tilespmem:s12+$0x170];
	[tilespmem:s12+$0x520] =	vst v50  }
0x37: {  	v56 =	vld [tilespmem:s12+$0x180];
	[tilespmem:s12+$0x530] =	vst v51  }
0x38: {  	v57 =	vld [tilespmem:s12+$0x190];
	[tilespmem:s12+$0x540] =	vst v52  }
0x39: {  	v58 =	vld [tilespmem:s12+$0x1A0];
	[tilespmem:s12+$0x550] =	vst v53  }
0x3a: {  	v59 =	vld [tilespmem:s12+$0x1B0];
	[tilespmem:s12+$0x560] =	vst v54  }
0x3b: {  	v60 =	vld [tilespmem:s12+$0x1C0];
	[tilespmem:s12+$0x570] =	vst v55  }
0x3c: {  	v61 =	vld [tilespmem:s12+$0x1D0];
	[tilespmem:s12+$0x580] =	vst v56  }
0x3d: {  	v62 =	vld [tilespmem:s12+$0x1E0];
	[tilespmem:s12+$0x590] =	vst v57  }
0x3e: {  	v63 =	vld [tilespmem:s12+$0x1F0];
	[tilespmem:s12+$0x5A0] =	vst v58  }
0x3f: {  	[tilespmem:s12+$0x5B0] =	vst v59  }
.Ltmp3:
0x40: {  	[tilespmem:s12+$0x5C0] =	vst v60;
	(pc) =	sbr.rel .LBB2_3-.Ltmp3, $4  }
0x41: {  	[tilespmem:s12+$0x5D0] =	vst v61  }
0x42: {  	s11 =	sshrl.u32 s11, $0x3;
	[tilespmem:s12+$0x5E0] =	vst v62  }
0x43: {  	s13 =	sor.u32 $0x400, s12;
	s11 =	sadd.s32 s4, s11;
	[tilespmem:s12+$0x5F0] =	vst v63  }
0x44: {  	[hbm4b:s11+s8] =	stream.linear.scatter [tilespmem:s13], [sflag:$0x2], $0x200, $0x38;
	[tilespmem:$0x800] =	vst v63  }
.LBB2_4:
0x45: {  	_ =	sfence.sel $0x180000  }
0x46: {  	s2 =	simm.s32 $0x1;
	[bflag:$0x0] =	sbarrier.arrive $0xFFFF  }
0x47: {  	s31 =	simm.s32 $0x2;
	[sflag:s2] =	ssyncpa.u1 $0x1  }
0x48: {  	[sflag:s31] =	ssyncpa.u1 $0x1  }
0x49: {  	_ =	strace $0x9000004D  }
0x4a: {  	s0 =	sadd.s32 @!p0 $0x100000, s0;
	[bflag:$0x2] =	sbarrier.arrive $0xFFFF  }
0x4b: {  	[sflag:s0] =	ssyncadd.tile.s32 @!p0 $0x1;
	s0 =	simm.s32 @!p0 $0x3F  }
0x4c: {  	_ =	swait.ge @!p0 [sflag:s0], s1  }
0x4d: {  	s1 =	ssub.s32 @!p0 $0x0, s1;
	[sflag:s0] =	ssyncset.done @!p0 $0x0  }
0x4e: {  	[sflag:s0] =	ssyncadd.s32 @!p0 s1  }
0x4f: {  	[bflag:$0x3] =	sbarrier.arrive $0xFFFF  }
0x50: {  	_ =	shalt  }
.Lfunc_end2:
execute1_lowered:
.L_overlay_start_2:
0x51: {  	(tag) =	ssettag $0x2  }
0x52: {  	s0 =	rddreg [dreg:$0x0];
	_ =	strace $0x80000050;
	s3 =	simm.s32 $0x1  }
0x53: {  	v1 =	vimm.s32 $0xFFFFFFFF;
	[sflag:s3] =	ssyncpa.u1 $0x0  }
0x54: {  	[tilespmem:$0x10] =	vst v1  }
0x55: {  	v0 =	vimm.f32 $0.0e+00;
	[tilespmem:$0x20] =	vst v1  }
0x56: {  	s25 =	simm.s32 $0x2;
	s2 =	stileid.u32;
	s7 =	simm.s32 $0x7;
	[tilespmem:$0x30] =	vst v0  }
0x57: {  	s9 =	simm.s32 $0x8;
	s26 =	simm.s32 $0x9;
	s14 =	simm.s32 $0x0;
	[tilespmem:$0x40] =	vst v0  }
0x58: {  	s15 =	simm.s32 $0x100;
	s17 =	simm.s32 $0x580;
	s18 =	simm.s32 $0xF;
	[tilespmem:$0x50] =	vst v0  }
0x59: {  	s24 =	simm.s32 $0x4A0;
	s28 =	simm.s32 $0x4D0;
	s29 =	simm.s32 $0x4E0;
	[tilespmem:$0x60] =	vst v1  }
0x5a: {  	s30 =	simm.s32 $0x4F0;
	s31 =	simm.s32 $0x30;
	s16 =	simm.s32 $0x80;
	[tilespmem:$0x70] =	vst v1  }
0x5b: {  	s21 =	simm.s32 $0x0;
	s20 =	simm.s32 $0x0;
	s1 =	sadd.s32 $0x61000, s0;
	[tilespmem:$0x80] =	vst v1  }
0x5c: {  	s4 =	sadd.s32 $0x60C00, s0;
	s5 =	sadd.s32 $0x60E00, s0;
	s19 =	sshll.u32 s2, $0x7;
	v1 =	vimm.s32 $0x0;
	[tilespmem:$0xB0] =	vst v0  }
.Ltmp4:
0x5d: {  	s10 =	sshll.u32 s2, $0x1;
	s12 =	sshllo.u32 s2, $0x1;
	[tilespmem:$0x90] =	vst v1;
	(pc) =	sbr.rel .LBB3_1-.Ltmp4, $4  }
0x5e: {  	s0 =	simm.s32 $0x380;
	s2 =	simm.s32 $0x4FF;
	[tilespmem:$0xA0] =	vst v1;
	[sflag:s25] =	ssyncpa.u1 $0x0  }
0x5f: {  	s8 =	sadd.s32 $0x80, s19;
	s11 =	sor.u32 $0x81, s10;
	[sflag:s7] =	ssyncpa.u1 $0x0  }
0x60: {  	vm0 =	vmmov $0xffff;
	v2 =	vlaneseq.u32;
	s13 =	sor.u32 $0x80, s10;
	s6 =	smov.u32 s19;
	[sflag:s9] =	ssyncpa.u1 $0x0  }
0x61: {  	vm1 =	vmxor vm1, vm1;
	vm2 =	vmmov $0x1;
	vm3 =	vcmask $0x3F3C;
	s25 =	simm.s32 $0x4B0;
	[sflag:s26] =	ssyncpa.u1 $0x0;
	s26 =	simm.s32 $0x4C0  }
.LBB3_7:
0x62: {  	_ =	swait.ge [sflag:s7], $0x80  }
0x63: {  	[sflag:s7] =	ssyncset.done $0x0  }
0x64: {  	[sflag:s7] =	ssyncadd.s32 $0xFFFFFF80;
	(ifvalue) =	ssetifvalue $0xFFFFFFFF;
	v3 =	vld.msk [tilespmem:s15+$0x0 ss:$0x1], $0xffff;
	_ =	sdelay $0x4  }
0x65: {  	v4 =	vperm.xlane v3, v1  }
0x66: {  	vm4 =	vlt.u32 v3, $0x2000  }
0x67: {  	v3 =	vnsel vm4, $0xFFFFFFFE, v3;
	vm4 =	vlt.u32 v4, $0x2000  }
0x68: {  	[tilespmem:$0x70] =	vst v3;
	v3 =	vnsel vm4, $0xFFFFFFFE, v4  }
0x69: {  	s22 =	simm.s32 $0x170;
	[tilespmem:$0x80] =	vst v3  }
0x6a: {  	v3 =	vld.msk [tilespmem:s22+$0x0 ss:$0x1], $0xffff;
	_ =	sdelay $0x4  }
0x6b: {  	(xrf1) =	vunique.msk.u32 $0xffff, v3;
	_ =	sdelay $0xd  }
0x6c: {  	v53, _, _ =	vpop (xrf1)  }
0x6d: {  	vm4 =	vlt.u32 v3, $0x2000;
	vm5 =	veq.s32 v53, v2  }
0x6e: {  	vm5 =	vmand vm4, vm5  }
0x6f: {  	v54 =	vnsel vm5, $0xFFFFFFFF, v3;
	_ =	sdelay $0x3  }
0x70: {  	s23 =	simm.s32 $0x2F0;
	(ifvalue) =	ssetifvalue $0xFFFFFFFF  }
0x71: {  	v4 =	vnsel vm4, $0xFFFFFFFE, v54;
	[tilespmem:s23], [sflag:$0x8] =	stream.indirect_vreg.gather [hbm4b:s1+s14], $0x1, v54, vm0, $0x4038;
	[tilespmem:$0x5A0] =	vst v63  }
0x72: {  	s23 =	simm.s32 $0x160;
	[tilespmem:$0x170] =	vst v4  }
0x73: {  	v4 =	vld.msk [tilespmem:s23+$0x0 ss:$0x1], $0xffff;
	_ =	sdelay $0x4  }
0x74: {  	(xrf1) =	vunique.msk.u32 $0xffff, v4;
	_ =	sdelay $0xc  }
0x75: {  	v3 =	vperm.xlane v3, v1  }
0x76: {  	v5, _, _ =	vpop (xrf1)  }
0x77: {  	vm5 =	vne.s32 v4, v3;
	vm4 =	veq.s32 v5, v2  }
0x78: {  	vm6 =	vlt.u32 v4, $0x2000;
	vm4 =	vmand vm5, vm4  }
0x79: {  	vm4 =	vmand vm6, vm4  }
0x7a: {  	v3 =	vnsel vm4, $0xFFFFFFFF, v4;
	_ =	sdelay $0x3  }
0x7b: {  	s23 =	simm.s32 $0x2E0;
	(ifvalue) =	ssetifvalue $0xFFFFFFFF  }
0x7c: {  	[tilespmem:s23], [sflag:$0x8] =	stream.indirect_vreg.gather [hbm4b:s1+s14], $0x1, v3, vm0, $0x4038;
	v3 =	vnsel vm6, $0xFFFFFFFE, v3;
	[tilespmem:$0x5A0] =	vst v63  }
0x7d: {  	s23 =	simm.s32 $0x150;
	[tilespmem:$0x160] =	vst v3  }
0x7e: {  	v3 =	vld.msk [tilespmem:s23+$0x0 ss:$0x1], $0xffff;
	_ =	sdelay $0x4  }
0x7f: {  	(xrf1) =	vunique.msk.u32 $0xffff, v3;
	_ =	sdelay $0xc  }
0x80: {  	v4 =	vperm.xlane v4, v1  }
0x81: {  	v55, _, _ =	vpop (xrf1)  }
0x82: {  	vm5 =	vne.s32 v3, v4;
	vm4 =	veq.s32 v55, v2  }
0x83: {  	vm10 =	vlt.u32 v3, $0x2000;
	vm4 =	vmand vm5, vm4  }
0x84: {  	vm4 =	vmand vm10, vm4  }
0x85: {  	v56 =	vnsel vm4, $0xFFFFFFFF, v3;
	_ =	sdelay $0x3  }
0x86: {  	s23 =	simm.s32 $0x2D0;
	(ifvalue) =	ssetifvalue $0xFFFFFFFF  }
0x87: {  	v4 =	vnsel vm10, $0xFFFFFFFE, v56;
	[tilespmem:s23], [sflag:$0x8] =	stream.indirect_vreg.gather [hbm4b:s1+s14], $0x1, v56, vm0, $0x4038;
	[tilespmem:$0x5A0] =	vst v63  }
0x88: {  	s23 =	simm.s32 $0x140;
	[tilespmem:$0x150] =	vst v4  }
0x89: {  	v4 =	vld.msk [tilespmem:s23+$0x0 ss:$0x1], $0xffff;
	_ =	sdelay $0x4  }
0x8a: {  	(xrf1) =	vunique.msk.u32 $0xffff, v4;
	_ =	sdelay $0xc  }
0x8b: {  	v3 =	vperm.xlane v3, v1  }
0x8c: {  	v57, _, _ =	vpop (xrf1)  }
0x8d: {  	vm5 =	vne.s32 v4, v3;
	vm4 =	veq.s32 v57, v2  }
0x8e: {  	vm11 =	vlt.u32 v4, $0x2000;
	vm4 =	vmand vm5, vm4  }
0x8f: {  	vm4 =	vmand vm11, vm4  }
0x90: {  	v3 =	vnsel vm4, $0xFFFFFFFF, v4;
	_ =	sdelay $0x3  }
0x91: {  	s23 =	simm.s32 $0x2C0;
	(ifvalue) =	ssetifvalue $0xFFFFFFFF  }
0x92: {  	[tilespmem:s23], [sflag:$0x8] =	stream.indirect_vreg.gather [hbm4b:s1+s14], $0x1, v3, vm0, $0x4038;
	v3 =	vnsel vm11, $0xFFFFFFFE, v3;
	[tilespmem:$0x5A0] =	vst v63  }
0x93: {  	s23 =	simm.s32 $0x130;
	[tilespmem:$0x140] =	vst v3  }
0x94: {  	v3 =	vld.msk [tilespmem:s23+$0x0 ss:$0x1], $0xffff;
	_ =	sdelay $0x4  }
0x95: {  	(xrf1) =	vunique.msk.u32 $0xffff, v3;
	_ =	sdelay $0xc  }
0x96: {  	v4 =	vperm.xlane v4, v1  }
0x97: {  	v58, _, _ =	vpop (xrf1)  }
0x98: {  	vm5 =	vne.s32 v3, v4;
	vm4 =	veq.s32 v58, v2  }
0x99: {  	vm12 =	vlt.u32 v3, $0x2000;
	vm4 =	vmand vm5, vm4  }
0x9a: {  	vm4 =	vmand vm12, vm4  }
0x9b: {  	v59 =	vnsel vm4, $0xFFFFFFFF, v3;
	_ =	sdelay $0x3  }
0x9c: {  	s23 =	simm.s32 $0x2B0;
	(ifvalue) =	ssetifvalue $0xFFFFFFFF  }
0x9d: {  	v4 =	vnsel vm12, $0xFFFFFFFE, v59;
	[tilespmem:s23], [sflag:$0x8] =	stream.indirect_vreg.gather [hbm4b:s1+s14], $0x1, v59, vm0, $0x4038;
	[tilespmem:$0x5A0] =	vst v63  }
0x9e: {  	s23 =	simm.s32 $0x120;
	[tilespmem:$0x130] =	vst v4  }
0x9f: {  	v4 =	vld.msk [tilespmem:s23+$0x0 ss:$0x1], $0xffff;
	_ =	sdelay $0x4  }
0xa0: {  	(xrf1) =	vunique.msk.u32 $0xffff, v4;
	_ =	sdelay $0xc  }
0xa1: {  	v3 =	vperm.xlane v3, v1  }
0xa2: {  	v60, _, _ =	vpop (xrf1)  }
0xa3: {  	vm5 =	vne.s32 v4, v3;
	vm4 =	veq.s32 v60, v2  }
0xa4: {  	vm13 =	vlt.u32 v4, $0x2000;
	vm4 =	vmand vm5, vm4  }
0xa5: {  	vm4 =	vmand vm13, vm4  }
0xa6: {  	v3 =	vnsel vm4, $0xFFFFFFFF, v4;
	_ =	sdelay $0x3  }
0xa7: {  	s23 =	simm.s32 $0x2A0;
	(ifvalue) =	ssetifvalue $0xFFFFFFFF  }
0xa8: {  	[tilespmem:s23], [sflag:$0x8] =	stream.indirect_vreg.gather [hbm4b:s1+s14], $0x1, v3, vm0, $0x4038;
	v3 =	vnsel vm13, $0xFFFFFFFE, v3;
	[tilespmem:$0x5A0] =	vst v63  }
0xa9: {  	s23 =	simm.s32 $0x110;
	[tilespmem:$0x120] =	vst v3  }
0xaa: {  	v3 =	vld.msk [tilespmem:s23+$0x0 ss:$0x1], $0xffff;
	_ =	sdelay $0x4  }
0xab: {  	(xrf1) =	vunique.msk.u32 $0xffff, v3;
	_ =	sdelay $0xc  }
0xac: {  	v4 =	vperm.xlane v4, v1  }
0xad: {  	v61, _, _ =	vpop (xrf1)  }
0xae: {  	vm5 =	vne.s32 v3, v4;
	vm4 =	veq.s32 v61, v2  }
0xaf: {  	vm14 =	vlt.u32 v3, $0x2000;
	vm4 =	vmand vm5, vm4  }
0xb0: {  	vm4 =	vmand vm14, vm4  }
0xb1: {  	v62 =	vnsel vm4, $0xFFFFFFFF, v3;
	_ =	sdelay $0x3  }
0xb2: {  	s23 =	simm.s32 $0x290;
	(ifvalue) =	ssetifvalue $0xFFFFFFFF  }
0xb3: {  	v4 =	vnsel vm14, $0xFFFFFFFE, v62;
	[tilespmem:s23], [sflag:$0x8] =	stream.indirect_vreg.gather [hbm4b:s1+s14], $0x1, v62, vm0, $0x4038;
	[tilespmem:$0x5A0] =	vst v63  }
0xb4: {  	[tilespmem:$0x110] =	vst v4  }
0xb5: {  	v4 =	vld.msk [tilespmem:s15+$0x0 ss:$0x1], $0xffff;
	_ =	sdelay $0x4  }
0xb6: {  	(xrf1) =	vunique.msk.u32 $0xffff, v4;
	_ =	sdelay $0xc  }
0xb7: {  	v3 =	vperm.xlane v3, v1  }
0xb8: {  	v63, _, _ =	vpop (xrf1)  }
0xb9: {  	vm5 =	vne.s32 v4, v3;
	vm4 =	veq.s32 v63, v2  }
0xba: {  	vm15 =	vlt.u32 v4, $0x2000;
	vm4 =	vmand vm5, vm4  }
0xbb: {  	vm4 =	vmand vm15, vm4  }
0xbc: {  	v3 =	vnsel vm4, $0xFFFFFFFF, v4;
	_ =	sdelay $0x3  }
0xbd: {  	s21 =	sshrl.u32 s21, $0x3;
	s23 =	simm.s32 $0x280;
	(ifvalue) =	ssetifvalue $0xFFFFFFFF  }
0xbe: {  	[tilespmem:s23], [sflag:$0x8] =	stream.indirect_vreg.gather [hbm4b:s1+s14], $0x1, v3, vm0, $0x4038;
	v3 =	vnsel vm15, $0xFFFFFFFE, v3;
	[tilespmem:$0x5A0] =	vst v63  }
0xbf: {  	s21 =	sadd.s32 s5, s21;
	[tilespmem:$0x100] =	vst v3  }
0xc0: {  	[tilespmem:s0], [sflag:$0x8] =	stream.linear.gather [hbm:s21], $0x80, $0x38;
	[tilespmem:$0x5A0] =	vst v63  }
.LBB3_8:
0xc1: {  	s21 =	sadd.s32 $0x80, s6  }
0xc2: {  	s22 =	smov.u32 s19;
	s20 =	sadd.s32 $0x1, s20;
	p0 =	slt.s32 s21, s8  }
0xc3: {  	s22 =	smov.u32 @p0 s21;
	p0 =	sne.s32 s20, $0x4  }
.Ltmp5:
0xc4: {  	_ = 	snop;
	(pc) =	sbr.rel @!p0 .LBB3_9-.Ltmp5, $2  }
0xc5: {  	_ =	sdelay $0x2  }
0xc6: {  	s21 =	smov.u32 s6;
	s6 =	smov.u32 s22  }
.LBB3_1:
0xc7: {  	p0 =	sgt.s32 s20, $0x1  }
.Ltmp6:
0xc8: {  	_ = 	snop;
	(pc) =	sbr.rel @p0 .LBB3_5-.Ltmp6, $1  }
0xc9: {  	_ =	sdelay $0x3  }
0xca: {  	p0 =	seq.s32 s20, $0x0  }
.Ltmp7:
0xcb: {  	_ = 	snop;
	(pc) =	sbr.rel @!p0 .LBB3_7-.Ltmp7, $1  }
0xcc: {  	_ =	sdelay $0x3  }
.Ltmp8:
0xcd: {  	(pc) =	sbr.rel .LBB3_8-.Ltmp8, $4  }
0xce: {  	_ = 	snop  }
0xcf: {  	s21 =	sshrl.u32 s6, $0x3  }
0xd0: {  	s22 =	sand.u32 $0x7, s6;
	s21 =	sadd.s32 s4, s21  }
0xd1: {  	[tilespmem:s15], [sflag:$0x7] =	stream.linear.gather [hbm4b:s21+s22], $0x80, $0x38;
	[tilespmem:$0x5A0] =	vst v63  }
.LBB3_5:
0xd2: {  	p0 =	seq.s32 s20, $0x2  }
.Ltmp9:
0xd3: {  	_ = 	snop;
	(pc) =	sbr.rel @!p0 .LBB3_6-.Ltmp9, $1  }
0xd4: {  	_ =	sdelay $0x3  }
0xd5: {  	_ =	swait.ge [sflag:s9], $0x100  }
0xd6: {  	[sflag:s9] =	ssyncset.done $0x0  }
0xd7: {  	s21 =	simm.s32 $0x17F;
	[sflag:s9] =	ssyncadd.s32 $0xFFFFFF00  }
0xd8: {  	[spmem:s11] =	stream.linear.scatter [tilespmem:s21], [sflag:$0x1], $0x1, $0x38;
	[tilespmem:$0x5A0] =	vst v63  }
0xd9: {  	_ =	swait.ge [sflag:s3], $0x1  }
0xda: {  	[sflag:s3] =	ssyncset.done $0x0  }
0xdb: {  	[sflag:s3] =	ssyncadd.s32 $0xFFFFFFFF  }
0xdc: {  	v3 =	vld [tilespmem:$0x10]  }
0xdd: {  	v5 =	vld [tilespmem:$0x70]  }
0xde: {  	v4 =	vld [tilespmem:$0x80];
	_ =	sdelay $0x2  }
0xdf: {  	(v2sf) =	vpush v3, $0x0  }
0xe0: {  	(v2sf) =	vpush v5, $0x0  }
0xe1: {  	(v2sf) =	vpush v4, $0x0;
	_ =	sdelay $0xc  }
0xe2: {  	s22 =	spop (v2sf)  }
0xe3: {  	s23 =	spop (v2sf)  }
0xe4: {  	s21 =	spop (v2sf)  }
0xe5: {  	p0 =	seq.s32 s22, s23;
	p1 =	seq.s32 s21, s22  }
0xe6: {  	p1 =	por p0, p1  }
0xe7: {  	s23 =	simm.s32 $0x10;
	v3 =	vpsel p1, $0xFFFFFFFF, v3  }
0xe8: {  	[tilespmem:s23+$0x0] =	vst.msk $0x1, v3  }
0xe9: {  	v3 =	vld [tilespmem:$0x30]  }
0xea: {  	v34 =	vld [tilespmem:$0x380]  }
0xeb: {  	v6 =	vld [tilespmem:$0x40];
	_ =	sdelay $0x3  }
0xec: {  	vm4 =	vmmov vm1;
	v5 =	vadd.f32 v34, v3  }
0xed: {  	vm5 =	vmmov vm2;
	vm4 =	vmmov @p0 vm2;
	v3 =	vadd.f32 v6, v3  }
0xee: {  	vm5 =	vmmov @p1 vm1;
	[tilespmem:s0+$0x0] =	vst.msk vm4, v5  }
0xef: {  	[tilespmem:s17+$0x0] =	vst.msk vm5, v3  }
0xf0: {  	v3 =	vld [tilespmem:$0x2F0];
	_ =	sdelay $0x4  }
0xf1: {  	v3 =	vshift.insert v3, v0, s18  }
0xf2: {  	s23 =	simm.s32 $0x50  }
0xf3: {  	[tilespmem:s23+$0x0] =	vst.msk $0x1, v3;
	s23 =	simm.s32 $0x2FF  }
0xf4: {  	[tilespmem:s23+$0x0] =	vst.msk $0x1, v0  }
0xf5: {  	v3 =	vld [tilespmem:$0x170];
	_ =	sdelay $0x4  }
0xf6: {  	v3 =	vshift.insert v3, v1, s18  }
0xf7: {  	s23 =	simm.s32 $0x20  }
0xf8: {  	[tilespmem:s23+$0x0] =	vst.msk $0x1, v3  }
0xf9: {  	v5 =	vld [tilespmem:$0x380]  }
0xfa: {  	v35 =	vld [tilespmem:$0x100];
	_ =	sdelay $0x3  }
0xfb: {  	v5 =	vadd.f32 $0.0e+00, v5  }
0xfc: {  	vm5 =	vne.s32 v35, $0xFFFFFFFF  }
0xfd: {  	(xrf2) =	vadd.seg.scan.f32 vm5, v5;
	_ =	sdelay $0x3  }
0xfe: {  	v7 =	vperm.xlane v3, v1  }
0xff: {  	v8 =	vld [tilespmem:$0x280]  }
0x100: {  	vm4 =	veq.s32 v35, v4;
	vm6 =	veq.s32 v35, v7  }
0x101: {  	vm7 =	vgt.u32 v35, $0xFFFFFFFD;
	vm6 =	vmor vm6, vm4  }
0x102: {  	vm6 =	vmor vm6, vm7  }
0x103: {  	v9 =	vsel vm6, $0xFFFFFFFF, v35  }
0x104: {  	v36 =	vsel vm4, $0x0, v8;
	v5, _, _ =	vpop (xrf2)  }
0x105: {  	v10 =	vadd.f32 v5, v36  }
0x106: {  	v37 =	vld [tilespmem:$0xA0]  }
0x107: {  	s23 =	simm.s32 $0x480;
	v38 =	vld [tilespmem:$0x90];
	[tilespmem:$0x480] =	vst v10;
	(ifvalue) =	ssetifvalue $0xFFFFFFFF  }
0x108: {  	[hbm4b:s1+s14] =	stream.indirect_vreg.scatter [tilespmem:s23], [sflag:$0x2], $0x1, v9, vm0, $0x4038;
	[tilespmem:$0x5A0] =	vst v63  }
0x109: {  	v9 =	vld [tilespmem:$0x390]  }
0x10a: {  	vm5 =	vmand vm5, vm3;
	v39 =	vld [tilespmem:$0x110]  }
0x10b: {  	v11 =	vsel vm5, $0x0, v5  }
0x10c: {  	v11 =	vshift.insert v11, v0, s18;
	_ =	sdelay $0x1  }
0x10d: {  	v9 =	vadd.f32 v9, v11  }
0x10e: {  	vm15 =	vne.s32 v39, $0xFFFFFFFF  }
0x10f: {  	(xrf2) =	vadd.seg.scan.f32 vm15, v9;
	_ =	sdelay $0x4  }
0x110: {  	v40 =	vld [tilespmem:$0x290]  }
0x111: {  	vm5 =	veq.s32 v39, v4;
	vm12 =	veq.s32 v39, v7  }
0x112: {  	vm8 =	vgt.u32 v39, $0xFFFFFFFD;
	vm7 =	vmor vm12, vm5  }
0x113: {  	vm7 =	vmor vm7, vm8  }
0x114: {  	v10 =	vsel vm7, $0xFFFFFFFF, v39  }
0x115: {  	v11 =	vsel vm5, $0x0, v40;
	v9, _, _ =	vpop (xrf2)  }
0x116: {  	v11 =	vadd.f32 v9, v11;
	_ =	sdelay $0x1  }
0x117: {  	s23 =	simm.s32 $0x490;
	[tilespmem:$0x490] =	vst v11;
	(ifvalue) =	ssetifvalue $0xFFFFFFFF  }
0x118: {  	[hbm4b:s1+s14] =	stream.indirect_vreg.scatter [tilespmem:s23], [sflag:$0x2], $0x1, v10, vm0, $0x4038;
	[tilespmem:$0x5A0] =	vst v63  }
0x119: {  	v10 =	vld [tilespmem:$0x3A0]  }
0x11a: {  	vm6 =	vmand vm15, vm3;
	v41 =	vld [tilespmem:$0x120]  }
0x11b: {  	v12 =	vsel vm6, $0x0, v9  }
0x11c: {  	v12 =	vshift.insert v12, v0, s18;
	_ =	sdelay $0x1  }
0x11d: {  	v10 =	vadd.f32 v10, v12  }
0x11e: {  	vm13 =	vne.s32 v41, $0xFFFFFFFF  }
0x11f: {  	(xrf2) =	vadd.seg.scan.f32 vm13, v10;
	_ =	sdelay $0x4  }
0x120: {  	v42 =	vld [tilespmem:$0x2A0]  }
0x121: {  	vm6 =	veq.s32 v41, v4;
	vm14 =	veq.s32 v41, v7  }
0x122: {  	vm9 =	vgt.u32 v41, $0xFFFFFFFD;
	vm8 =	vmor vm14, vm6  }
0x123: {  	vm8 =	vmor vm8, vm9  }
0x124: {  	v11 =	vsel vm8, $0xFFFFFFFF, v41  }
0x125: {  	v10 =	vsel vm6, $0x0, v42;
	v43, _, _ =	vpop (xrf2)  }
0x126: {  	v10 =	vadd.f32 v43, v10;
	_ =	sdelay $0x1  }
0x127: {  	[tilespmem:$0x4A0] =	vst v10;
	(ifvalue) =	ssetifvalue $0xFFFFFFFF  }
0x128: {  	[hbm4b:s1+s14] =	stream.indirect_vreg.scatter [tilespmem:s24], [sflag:$0x2], $0x1, v11, vm0, $0x4038;
	[tilespmem:$0x5A0] =	vst v63  }
0x129: {  	v44 =	vld [tilespmem:$0x3B0]  }
0x12a: {  	vm7 =	vmand vm13, vm3;
	v11 =	vld [tilespmem:$0x130]  }
0x12b: {  	v13 =	vsel vm7, $0x0, v43  }
0x12c: {  	v13 =	vshift.insert v13, v0, s18;
	_ =	sdelay $0x1  }
0x12d: {  	v10 =	vadd.f32 v44, v13  }
0x12e: {  	vm15 =	vne.s32 v11, $0xFFFFFFFF  }
0x12f: {  	(xrf2) =	vadd.seg.scan.f32 vm15, v10;
	_ =	sdelay $0x4  }
0x130: {  	v45 =	vld [tilespmem:$0x2B0]  }
0x131: {  	vm7 =	veq.s32 v11, v4;
	vm12 =	veq.s32 v11, v7  }
0x132: {  	vm10 =	vgt.u32 v11, $0xFFFFFFFD;
	vm9 =	vmor vm12, vm7  }
0x133: {  	vm9 =	vmor vm9, vm10  }
0x134: {  	v11 =	vsel vm9, $0xFFFFFFFF, v11  }
0x135: {  	v10 =	vsel vm7, $0x0, v45;
	v46, _, _ =	vpop (xrf2)  }
0x136: {  	v10 =	vadd.f32 v46, v10;
	_ =	sdelay $0x1  }
0x137: {  	[tilespmem:$0x4B0] =	vst v10;
	(ifvalue) =	ssetifvalue $0xFFFFFFFF  }
0x138: {  	[hbm4b:s1+s14] =	stream.indirect_vreg.scatter [tilespmem:s25], [sflag:$0x2], $0x1, v11, vm0, $0x4038;
	[tilespmem:$0x5A0] =	vst v63  }
0x139: {  	v47 =	vld [tilespmem:$0x3C0]  }
0x13a: {  	vm8 =	vmand vm15, vm3;
	v11 =	vld [tilespmem:$0x140]  }
0x13b: {  	v14 =	vsel vm8, $0x0, v46  }
0x13c: {  	v14 =	vshift.insert v14, v0, s18;
	_ =	sdelay $0x1  }
0x13d: {  	v10 =	vadd.f32 v47, v14  }
0x13e: {  	vm13 =	vne.s32 v11, $0xFFFFFFFF  }
0x13f: {  	(xrf2) =	vadd.seg.scan.f32 vm13, v10;
	_ =	sdelay $0x4  }
0x140: {  	v48 =	vld [tilespmem:$0x2C0]  }
0x141: {  	vm8 =	veq.s32 v11, v4;
	vm14 =	veq.s32 v11, v7  }
0x142: {  	vm11 =	vgt.u32 v11, $0xFFFFFFFD;
	vm10 =	vmor vm14, vm8  }
0x143: {  	vm10 =	vmor vm10, vm11  }
0x144: {  	v11 =	vsel vm10, $0xFFFFFFFF, v11  }
0x145: {  	v10 =	vsel vm8, $0x0, v48;
	v49, _, _ =	vpop (xrf2)  }
0x146: {  	v10 =	vadd.f32 v49, v10;
	_ =	sdelay $0x1  }
0x147: {  	[tilespmem:$0x4C0] =	vst v10;
	(ifvalue) =	ssetifvalue $0xFFFFFFFF  }
0x148: {  	[hbm4b:s1+s14] =	stream.indirect_vreg.scatter [tilespmem:s26], [sflag:$0x2], $0x1, v11, vm0, $0x4038;
	[tilespmem:$0x5A0] =	vst v63  }
0x149: {  	v50 =	vld [tilespmem:$0x3D0]  }
0x14a: {  	vm9 =	vmand vm13, vm3;
	v11 =	vld [tilespmem:$0x150]  }
0x14b: {  	v15 =	vsel vm9, $0x0, v49  }
0x14c: {  	v15 =	vshift.insert v15, v0, s18;
	_ =	sdelay $0x1  }
0x14d: {  	v10 =	vadd.f32 v50, v15  }
0x14e: {  	vm10 =	vne.s32 v11, $0xFFFFFFFF  }
0x14f: {  	(xrf2) =	vadd.seg.scan.f32 vm10, v10;
	_ =	sdelay $0x4  }
0x150: {  	v51 =	vld [tilespmem:$0x2D0]  }
0x151: {  	vm9 =	veq.s32 v11, v4;
	vm11 =	veq.s32 v11, v7  }
0x152: {  	vm12 =	vgt.u32 v11, $0xFFFFFFFD;
	vm11 =	vmor vm11, vm9  }
0x153: {  	vm11 =	vmor vm11, vm12  }
0x154: {  	v11 =	vsel vm11, $0xFFFFFFFF, v11  }
0x155: {  	v10 =	vsel vm9, $0x0, v51;
	v52, _, _ =	vpop (xrf2)  }
0x156: {  	v10 =	vadd.f32 v52, v10;
	_ =	sdelay $0x1  }
0x157: {  	[tilespmem:$0x4D0] =	vst v10;
	(ifvalue) =	ssetifvalue $0xFFFFFFFF  }
0x158: {  	[hbm4b:s1+s14] =	stream.indirect_vreg.scatter [tilespmem:s28], [sflag:$0x2], $0x1, v11, vm0, $0x4038;
	[tilespmem:$0x5A0] =	vst v63  }
0x159: {  	v53 =	vld [tilespmem:$0x3E0]  }
0x15a: {  	vm10 =	vmand vm10, vm3;
	v11 =	vld [tilespmem:$0x160]  }
0x15b: {  	v16 =	vsel vm10, $0x0, v52  }
0x15c: {  	v16 =	vshift.insert v16, v0, s18;
	_ =	sdelay $0x1  }
0x15d: {  	v10 =	vadd.f32 v53, v16  }
0x15e: {  	vm11 =	vne.s32 v11, $0xFFFFFFFF  }
0x15f: {  	(xrf2) =	vadd.seg.scan.f32 vm11, v10;
	_ =	sdelay $0x4  }
0x160: {  	v54 =	vld [tilespmem:$0x2E0]  }
0x161: {  	vm10 =	veq.s32 v11, v4;
	vm12 =	veq.s32 v11, v7  }
0x162: {  	vm13 =	vgt.u32 v11, $0xFFFFFFFD;
	vm12 =	vmor vm12, vm10  }
0x163: {  	vm12 =	vmor vm12, vm13  }
0x164: {  	v11 =	vsel vm12, $0xFFFFFFFF, v11  }
0x165: {  	v10 =	vsel vm10, $0x0, v54;
	v55, _, _ =	vpop (xrf2)  }
0x166: {  	v10 =	vadd.f32 v55, v10;
	_ =	sdelay $0x1  }
0x167: {  	[tilespmem:$0x4E0] =	vst v10;
	(ifvalue) =	ssetifvalue $0xFFFFFFFF  }
0x168: {  	[hbm4b:s1+s14] =	stream.indirect_vreg.scatter [tilespmem:s29], [sflag:$0x2], $0x1, v11, vm0, $0x4038;
	[tilespmem:$0x5A0] =	vst v63  }
0x169: {  	v56 =	vld [tilespmem:$0x3F0]  }
0x16a: {  	vm11 =	vmand vm11, vm3;
	v11 =	vld [tilespmem:$0x170]  }
0x16b: {  	v17 =	vsel vm11, $0x0, v55  }
0x16c: {  	v17 =	vshift.insert v17, v0, s18;
	_ =	sdelay $0x1  }
0x16d: {  	v10 =	vadd.f32 v56, v17  }
0x16e: {  	vm15 =	vne.s32 v11, $0xFFFFFFFF  }
0x16f: {  	(xrf2) =	vadd.seg.scan.f32 vm15, v10;
	_ =	sdelay $0x4  }
0x170: {  	v57 =	vld [tilespmem:$0x2F0]  }
0x171: {  	vm11 =	veq.s32 v11, v4;
	vm12 =	veq.s32 v11, v7  }
0x172: {  	vm13 =	vgt.u32 v11, $0xFFFFFFFD;
	vm12 =	vmor vm12, vm11  }
0x173: {  	vm12 =	vmor vm12, vm13  }
0x174: {  	v58 =	vsel vm12, $0xFFFFFFFF, v11  }
0x175: {  	v10 =	vsel vm11, $0x0, v57;
	v59, _, _ =	vpop (xrf2)  }
0x176: {  	v10 =	vadd.f32 v59, v10;
	_ =	sdelay $0x1  }
0x177: {  	[tilespmem:$0x4F0] =	vst v10;
	(ifvalue) =	ssetifvalue $0xFFFFFFFF  }
0x178: {  	vm12 =	veq.s32 v37, $0x1;
	[hbm4b:s1+s14] =	stream.indirect_vreg.scatter [tilespmem:s30], [sflag:$0x2], $0x1, v58, vm0, $0x4038;
	[tilespmem:$0x5A0] =	vst v63  }
0x179: {  	v60 =	vsel vm4, v5, v38;
	vm12 =	vmor vm12, vm4;
	v61 =	vld [tilespmem:$0x4F0]  }
0x17a: {  	v4 =	vsel vm5, v9, v60;
	vm4 =	vmor vm12, vm5  }
0x17b: {  	v4 =	vsel vm6, v43, v4;
	vm4 =	vmor vm4, vm6  }
0x17c: {  	v4 =	vsel vm7, v46, v4;
	vm4 =	vmor vm4, vm7  }
0x17d: {  	v4 =	vsel vm8, v49, v4;
	vm4 =	vmor vm4, vm8  }
0x17e: {  	v4 =	vsel vm9, v52, v4;
	vm4 =	vmor vm4, vm9;
	v5 =	vshift.insert v61, v0, s18  }
0x17f: {  	v4 =	vsel vm10, v55, v4;
	vm4 =	vmor vm4, vm10  }
0x180: {  	vm4 =	vmor vm4, vm11;
	v4 =	vsel vm11, v59, v4;
	[tilespmem:s31+$0x0] =	vst.msk $0x1, v5  }
0x181: {  	v62 =	vsel vm4, $0x1, v1;
	[tilespmem:$0x90] =	vst v4  }
0x182: {  	[tilespmem:$0xA0] =	vst v62  }
0x183: {  	[spmem:s12] =	stream.linear.scatter [tilespmem:s2], [sflag:$0x1], $0x1, $0x38;
	[tilespmem:$0x5A0] =	vst v63  }
0x184: {  	v63 =	vmctz.xlane vm4;
	_ =	swait.ge [sflag:s3], $0x1  }
0x185: {  	(v2sf) =	vpush v3, $0x0  }
0x186: {  	(v2sf) =	vpush v63, $0x0;
	_ =	sdelay $0xd  }
0x187: {  	s22 =	spop (v2sf)  }
0x188: {  	s23 =	spop (v2sf)  }
0x189: {  	[sflag:s3] =	ssyncset.done $0x0;
	p0 =	sne.s32 s21, s22;
	p1 =	slt.s32 s23, $0xF  }
0x18a: {  	[sflag:s3] =	ssyncadd.s32 $0xFFFFFFFF;
	v3 =	vimm.s32 @!p0 $0xFFFFFFFF;
	s23 =	simm.s32 @!p1 $0xF  }
0x18b: {  	[tilespmem:$0x80] =	vst @!p0 v3;
	s23 =	sadd.s32 $0x90, s23  }
0x18c: {  	[spmem:s10] =	stream.linear.scatter [tilespmem:s23], [sflag:$0x1], $0x1, $0x38;
	[tilespmem:$0x5A0] =	vst v63  }
0x18d: {  	_ =	swait.ge [sflag:s3], $0x1  }
0x18e: {  	[sflag:s3] =	ssyncset.done $0x0  }
0x18f: {  	[sflag:s3] =	ssyncadd.s32 $0xFFFFFFFF  }
0x190: {  	[spmem:s13] =	stream.linear.scatter [tilespmem:s16], [sflag:$0x1], $0x1, $0x38;
	[tilespmem:$0x5A0] =	vst v63  }
0x191: {  	_ =	swait.ge [sflag:s3], $0x1  }
0x192: {  	[sflag:s3] =	ssyncset.done $0x0  }
0x193: {  	[sflag:s3] =	ssyncadd.s32 $0xFFFFFFFF;
	(ifvalue) =	ssetifvalue $0xFFFFFFFF;
	v3 =	vld [tilespmem:$0x10];
	_ =	sdelay $0x3  }
.Ltmp10:
0x194: {  	_ = 	snop;
	(pc) =	sbr.rel .LBB3_8-.Ltmp10, $3  }
0x195: {  	_ =	sdelay $0x1  }
0x196: {  	(ifvalue) =	ssetifvalue $0xFFFFFFFF  }
0x197: {  	[hbm4b:s1+s14] =	stream.indirect_vreg.scatter [tilespmem:s17], [sflag:$0x9], $0x1, v3, vm0, $0x4038;
	[tilespmem:$0x5A0] =	vst v63  }
.LBB3_6:
0x198: {  	s0 =	simm.s32 $0x2  }
0x199: {  	_ =	swait.ge [sflag:s0], $0x80  }
0x19a: {  	[sflag:s0] =	ssyncset.done $0x0  }
0x19b: {  	s31 =	simm.s32 $0x9;
	[sflag:s0] =	ssyncadd.s32 $0xFFFFFF80  }
0x19c: {  	_ =	swait.ge [sflag:s31], $0x10  }
0x19d: {  	[sflag:s31] =	ssyncset.done $0x0  }
0x19e: {  	[sflag:s31] =	ssyncadd.s32 $0xFFFFFFF0  }
.LBB3_9:
0x19f: {  	_ =	sfence.sel $0x180000  }
0x1a0: {  	s0 =	simm.s32 $0x7;
	[bflag:$0x0] =	sbarrier.arrive $0xFFFF  }
0x1a1: {  	s26 =	simm.s32 $0x8;
	[sflag:s0] =	ssyncpa.u1 $0x1  }
0x1a2: {  	s28 =	simm.s32 $0x9;
	[sflag:s26] =	ssyncpa.u1 $0x1  }
0x1a3: {  	[sflag:s28] =	ssyncpa.u1 $0x1  }
0x1a4: {  	_ =	sfence.stream.spmem  }
0x1a5: {  	s29 =	simm.s32 $0x3;
	[bflag:$0x0] =	sbarrier.arrive $0xFFFF  }
0x1a6: {  	s30 =	simm.s32 $0x4;
	[sflag:s29] =	ssyncpa.u1 $0x1  }
0x1a7: {  	s31 =	simm.s32 $0x3C;
	s2 =	stileid.u32;
	[sflag:s30] =	ssyncpa.u1 $0x1  }
0x1a8: {  	p0 =	sne.s32 s2, $0x0;
	[sflag:s31] =	ssyncpa.u1 $0x1  }
0x1a9: {  	s0 =	simm.s32 @p0 $0x1;
	_ =	sfence @p0  }
0x1aa: {  	[sflag:s0] =	ssyncpa.u1 @p0 $0x1;
	s0 =	simm.s32 @p0 $0x2  }
0x1ab: {  	[sflag:s0] =	ssyncpa.u1 @p0 $0x1  }
0x1ac: {  	_ =	strace @p0 $0x90000050  }
0x1ad: {  	[bflag:$0x2] =	sbarrier.arrive @p0 $0xFFFF  }
0x1ae: {  	_ =	shalt @p0  }
.LBB3_10:
0x1af: {  	_ =	sfence.stream.spmem;
	s3 =	simm.s32 $0x5  }
0x1b0: {  	s0 =	simm.s32 $0x80;
	s2 =	simm.s32 $0xC0;
	[sflag:s3] =	ssyncpa.u1 $0x0  }
0x1b1: {  	[tilespmem:s2], [sflag:$0x5] =	stream.linear.gather [spmem:s0], $0x20, $0x38;
	[tilespmem:$0x5A0] =	vst v63  }
0x1b2: {  	s0 =	simm.s32 $0x0;
	s2 =	simm.s32 $0xE0  }
0x1b3: {  	[tilespmem:s2], [sflag:$0x5] =	stream.linear.gather [spmem:s0], $0x20, $0x38;
	[tilespmem:$0x5A0] =	vst v63  }
.Ltmp11:
0x1b4: {  	_ = 	snop;
	(pc) =	sbr.rel .LBB3_11-.Ltmp11, $4  }
0x1b5: {  	_ =	swait.ge [sflag:s3], $0x40  }
0x1b6: {  	[sflag:s3] =	ssyncset.done $0x0  }
0x1b7: {  	s31 =	simm.s32 $0x6;
	[sflag:s3] =	ssyncadd.s32 $0xFFFFFFC0  }
0x1b8: {  	s3 =	simm.s32 $0x0;
	[sflag:s31] =	ssyncpa.u1 $0x0  }
.LBB3_16:
0x1b9: {  	p0 =	sgt.u32 s4, $0x1FFF  }
0x1ba: {  	s5 =	sshrl.u32 @!p0 s4, $0x3  }
0x1bb: {  	s4 =	sand.u32 @!p0 $0x7, s4;
	s6 =	simm.s32 @!p0 $0xB0;
	s5 =	sadd.s32 @!p0 s1, s5  }
0x1bc: {  	[tilespmem:s6], [sflag:$0x6] =	stream.linear.gather @!p0 [hbm4b:s5+s4], $0x1, $0x38;
	[tilespmem:$0x5A0] =	vst v63  }
0x1bd: {  	s4 =	simm.s32 @!p0 $0x6  }
0x1be: {  	_ =	swait.ge @!p0 [sflag:s4], $0x1  }
0x1bf: {  	[sflag:s4] =	ssyncset.done @!p0 $0x0  }
0x1c0: {  	[sflag:s4] =	ssyncadd.s32 @!p0 $0xFFFFFFFF  }
0x1c1: {  	v2 =	vmov @!p0 s3;
	v1 =	vld.msk @!p0 [tilespmem:$0xB0], $0x1;
	_ =	sdelay $0x3  }
0x1c2: {  	s4 =	simm.s32 @!p0 $0xE0  }
0x1c3: {  	[tilespmem:v2+s4+$0x0], v1 =	vst.idx.ret.add.f32.msk @!p0 $0x1, v1  }
0x1c4: {  	[tilespmem:s0+$0xC0] =	vst.msk $0x1, v0  }
0x1c5: {  	v0 =	vld.msk [tilespmem:s3+$0xE0], $0x1;
	_ =	sdelay $0x4  }
0x1c6: {  	[tilespmem:s0+$0xE0] =	vst.msk $0x1, v0;
	s0 =	sadd.s32 $0x1, s0  }
.LBB3_18:
0x1c7: {  	s3 =	sadd.s32 $0x1, s3  }
0x1c8: {  	p0 =	sne.s32 s3, $0x20  }
.Ltmp12:
0x1c9: {  	_ = 	snop;
	(pc) =	sbr.rel @!p0 .LBB3_19-.Ltmp12, $1  }
0x1ca: {  	_ =	sdelay $0x3  }
.LBB3_11:
0x1cb: {  	v0 =	vld.msk [tilespmem:s3+$0xC0], $0x1;
	_ =	sdelay $0x4  }
0x1cc: {  	(v2sf) =	vpush v0, $0x0;
	_ =	sdelay $0xe  }
0x1cd: {  	s4 =	spop (v2sf)  }
0x1ce: {  	p0 =	seq.s32 s4, $0xFFFFFFFF  }
.Ltmp13:
0x1cf: {  	_ = 	snop;
	(pc) =	sbr.rel @p0 .LBB3_18-.Ltmp13, $1  }
0x1d0: {  	_ =	sdelay $0x3  }
0x1d1: {  	p0 =	slt.s32 s0, $0x1  }
.Ltmp14:
0x1d2: {  	_ = 	snop;
	(pc) =	sbr.rel @p0 .LBB3_16-.Ltmp14, $1  }
0x1d3: {  	_ =	sdelay $0x3  }
0x1d4: {  	s5 =	simm.s32 $0xC0;
	p0 =	por $0x0, $0x0  }
0x1d5: {  	v1 =	vld.msk @!p0 [tilespmem:s5+$0x0], $0x1;
	_ =	sdelay $0x4  }
0x1d6: {  	(v2sf) =	vpush @!p0 v1, $0x0;
	_ =	sdelay $0xd  }
0x1d7: {  	p2 =	sne.s32 s0, $0x1  }
.Ltmp15:
0x1d8: {  	s6 =	spop @!p0 (v2sf);
	(pc) =	sbr.rel @!p2 .LBB3_15-.Ltmp15, $4  }
0x1d9: {  	p1 =	seq.s32 @!p0 s4, s6  }
0x1da: {  	s6 =	simm.s32 $0x0;
	p1 =	por !p1, p0  }
0x1db: {  	s8 =	simm.s32 $0xFFFFFFFF;
	s6 =	simm.s32 @p1 $0xFFFFFFFF  }
0x1dc: {  	s7 =	simm.s32 $0x1;
	s6 =	smov.u32 @p0 s8  }
.LBB3_14:
0x1dd: {  	s8 =	smov.u32 s6;
	p0 =	sne.s32 s6, $0xFFFFFFFF  }
0x1de: {  	s5 =	sadd.s32 $0x1, s5;
	s6 =	smov.u32 s7;
	s7 =	sadd.s32 $0x1, s7  }
0x1df: {  	p1 =	sne.s32 s0, s7;
	v1 =	vld.msk @!p0 [tilespmem:s5+$0x0], $0x1;
	_ =	sdelay $0x4  }
0x1e0: {  	(v2sf) =	vpush @!p0 v1, $0x0;
	_ =	sdelay $0xe  }
.Ltmp16:
0x1e1: {  	s9 =	spop @!p0 (v2sf);
	(pc) =	sbr.rel @p1 .LBB3_14-.Ltmp16, $4  }
0x1e2: {  	p2 =	seq.s32 @!p0 s4, s9  }
0x1e3: {  	p2 =	por !p2, p0  }
0x1e4: {  	s6 =	simm.s32 @p2 $0xFFFFFFFF  }
0x1e5: {  	s6 =	smov.u32 @p0 s8  }
.LBB3_15:
0x1e6: {  	p0 =	sne.s32 s6, $0xFFFFFFFF  }
.Ltmp17:
0x1e7: {  	_ = 	snop;
	(pc) =	sbr.rel @!p0 .LBB3_16-.Ltmp17, $1  }
0x1e8: {  	_ =	sdelay $0x3  }
0x1e9: {  	v0 =	vld.msk [tilespmem:s3+$0xE0], $0x1;
	v1 =	vmov s6  }
.Ltmp18:
0x1ea: {  	_ = 	snop;
	(pc) =	sbr.rel .LBB3_18-.Ltmp18, $2  }
0x1eb: {  	_ =	sdelay $0x2  }
0x1ec: {  	[tilespmem:v1+s2+$0x0], v0 =	vst.idx.ret.add.f32.msk $0x1, v0  }
.LBB3_19:
0x1ed: {  	p0 =	slt.s32 s0, $0x1  }
.Ltmp19:
0x1ee: {  	_ = 	snop;
	(pc) =	sbr.rel @p0 .LBB3_23-.Ltmp19, $3  }
0x1ef: {  	_ =	sdelay $0x1  }
0x1f0: {  	s2 =	simm.s32 $0x6  }
0x1f1: {  	[sflag:s2] =	ssyncpa.u1 $0x1;
	s2 =	simm.s32 $0x0  }
0x1f2: {  	s3 =	simm.s32 $0xC0  }
0x1f3: {  	v0 =	vld.msk [tilespmem:s3+$0x0], $0x1;
	_ =	sdelay $0x4  }
0x1f4: {  	(v2sf) =	vpush v0, $0x0;
	_ =	sdelay $0xe  }
0x1f5: {  	s0 =	sadd.s32 $0xFFFFFFFF, s0;
	s4 =	spop (v2sf)  }
0x1f6: {  	p1 =	sne.s32 s0, $0x0;
	p0 =	sgt.u32 s4, $0x1FFF  }
.Ltmp20:
0x1f7: {  	s5 =	sshrl.u32 @!p0 s4, $0x3;
	(pc) =	sbr.rel @!p1 .LBB3_22-.Ltmp20, $4  }
0x1f8: {  	s3 =	simm.s32 $0xE0;
	s4 =	sand.u32 @!p0 $0x7, s4;
	s5 =	sadd.s32 @!p0 s1, s5  }
0x1f9: {  	[hbm4b:s5+s4] =	stream.linear.scatter @!p0 [tilespmem:s3], [sflag:$0x5], $0x1, $0x38;
	[tilespmem:$0x5A0] =	vst v63  }
0x1fa: {  	s5 =	simm.s32 $0x0  }
0x1fb: {  	s4 =	simm.s32 $0xC1;
	s5 =	simm.s32 @!p0 $0x4  }
.LBB3_21:
0x1fc: {  	v0 =	vld.msk [tilespmem:s4+$0x0], $0x1;
	s0 =	sadd.s32 $0xFFFFFFFF, s0;
	s2 =	sadd.s32 s2, s5  }
0x1fd: {  	p0 =	sne.s32 s0, $0x0;
	_ =	sdelay $0x3  }
0x1fe: {  	(v2sf) =	vpush v0, $0x0;
	_ =	sdelay $0xe  }
.Ltmp21:
0x1ff: {  	s6 =	spop (v2sf);
	(pc) =	sbr.rel @p0 .LBB3_21-.Ltmp21, $4  }
0x200: {  	s5 =	simm.s32 $0x0;
	p1 =	sgt.u32 s6, $0x1FFF  }
0x201: {  	s3 =	sadd.s32 $0x1, s3;
	s5 =	simm.s32 @!p1 $0x4;
	s7 =	sshrl.u32 @!p1 s6, $0x3  }
0x202: {  	s4 =	sadd.s32 $0x1, s4;
	s6 =	sand.u32 @!p1 $0x7, s6;
	s7 =	sadd.s32 @!p1 s1, s7  }
0x203: {  	[hbm4b:s7+s6] =	stream.linear.scatter @!p1 [tilespmem:s3], [sflag:$0x5], $0x1, $0x38;
	[tilespmem:$0x5A0] =	vst v63  }
.LBB3_22:
0x204: {  	s0 =	sadd.s32 s2, s5  }
0x205: {  	s2 =	sshrl.u32 s0, $0x2  }
.LBB3_23:
0x206: {  	s0 =	simm.s32 $0x5  }
0x207: {  	_ =	swait.ge [sflag:s0], s2  }
0x208: {  	s1 =	ssub.s32 $0x0, s2;
	[sflag:s0] =	ssyncset.done $0x0  }
0x209: {  	[sflag:s0] =	ssyncadd.s32 s1  }
0x20a: {  	[sflag:s0] =	ssyncpa.u1 $0x1  }
0x20b: {  	s29 =	simm.s32 $0x1;
	_ =	sfence  }
0x20c: {  	s30 =	simm.s32 $0x2;
	[sflag:s29] =	ssyncpa.u1 $0x1  }
0x20d: {  	[sflag:s30] =	ssyncpa.u1 $0x1  }
0x20e: {  	_ =	strace $0x90000050  }
0x20f: {  	[bflag:$0x2] =	sbarrier.arrive $0xFFFF  }
0x210: {  	s31 =	rddreg [dreg:$0x1]  }
0x211: {  	s0 =	sadd.s32 $0x100000, s31  }
0x212: {  	[sflag:s0] =	ssyncadd.tile.s32 $0x1;
	_ =	shalt  }
.Lfunc_end3:
_tile_overlayer_lowered:
.L_overlay_start_3:
0x213: {  	(tag) =	ssettag $0x3  }
0x214: {  	s0 =	rddreg [dreg:$0x0];
	s2 =	stileid.u32  }
0x215: {  	s1 =	rddreg [dreg:$0x1];
	p0 =	sne.s32 s2, $0x0  }
0x216: {  	s3 =	rddreg [dreg:$0x2];
	[bflag:$0x3] =	sbarrier.arrive $0xFFFF;
	s2 =	simm.s32 @!p0 $0x1C01  }
0x217: {  	[timem:s3], [sflag:s2] =	dma.local @!p0 [hbm:s0], s1  }
0x218: {  	s0 =	simm.s32 @!p0 $0x1  }
0x219: {  	_ =	swait.ge @!p0 [sflag:s0], s1  }
0x21a: {  	s1 =	ssub.s32 @!p0 $0x0, s1;
	[sflag:s0] =	ssyncset.done @!p0 $0x0  }
0x21b: {  	[sflag:s0] =	ssyncadd.s32 @!p0 s1  }
0x21c: {  	[bflag:$0x3] =	sbarrier.arrive $0xFFFF  }
0x21d: {  	_ =	shalt  }

// kernel: scatter_offload_async_start.2
scs
__scs_entry_jumppad:
0x0: {  	(pc) =	sbr.rel $0x88, $3  }
0x1: {  	(tag) =	ssettag $0x0;
	lr =	simm.s32 $0x1  }
0x2: {  	[smem:$0x3F9B] =	sst lr;
	_ =	strace $0xD0000000  }
0x3: {  	_ = 	snop  }
0x4: {  	_ = 	snop  }
0x5: {  	_ = 	snop  }
0x6: {  	_ = 	snop  }
0x7: {  	_ = 	snop  }
__scs_overlays_trampoline_lowered:
0x8: {  	[smem:$0x3FAA] =	sst s0  }
0x9: {  	[smem:$0x3FAB] =	sst s1  }
0xa: {  	[smem:$0x3FAC] =	sst s2  }
0xb: {  	[smem:$0x3FAD] =	sst s3  }
0xc: {  	[smem:$0x3FAE] =	sst s4  }
0xd: {  	[smem:$0x3FAF] =	sst s5  }
0xe: {  	[smem:$0x3FB0] =	sst s6  }
0xf: {  	[smem:$0x3FB1] =	sst s7  }
0x10: {  	[smem:$0x3FB2] =	sst s8  }
0x11: {  	[smem:$0x3FB3] =	sst s9;
	s0 =	simm.s32 @!p0 $0x0  }
0x12: {  	s1 =	sld [smem:$0x3F99];
	s0 =	simm.s32 @p0 $0x1  }
0x13: {  	[smem:$0x3FB4] =	sst s0;
	s0 =	simm.s32 @!p1 $0x0  }
0x14: {  	s2 =	sld [smem:$0x3F98];
	s0 =	simm.s32 @p1 $0x1  }
0x15: {  	[smem:$0x3FB5] =	sst s0;
	s0 =	simm.s32 @!p2 $0x0  }
0x16: {  	s3 =	sld [smem:$0x3FDB];
	s0 =	simm.s32 @p2 $0x1  }
0x17: {  	s4 =	simm.s32 $0x1BF5;
	[smem:$0x3FB7] =	sst s0  }
0x18: {  	s0 =	sld [smem:$0x3F9A];
	_ =	swait.ge [sflag:s4], $0x0  }
0x19: {  	s7 =	sld [smem:$0x3F9B]  }
0x1a: {  	s8 =	sadd.s32 $0xFFFFE003, lr  }
0x1b: {  	s9 =	sadd.s32 $0xFFFFFEF7, lr;
	s5 =	simm.s32 $0xFFFFFFFF;
	p2 =	slt.u32 s8, $0xFFFFF086  }
0x1c: {  	p1 =	slt.u32 s9, $0xF7A;
	s5 =	simm.s32 @!p2 $0x0  }
0x1d: {  	s5 =	simm.s32 @p1 $0x1;
	p0 =	seq.s32 s7, s2  }
0x1e: {  	s7 =	smul.u32 @!p0 $0xF7A, s2;
	p2 =	seq.s32 @!p0 s5, $0x0  }
0x1f: {  	s9 =	smul.u32 $0xF7A, s1;
	s8 =	simm.s32 @!p0 $0x1BF5;
	p2 =	por !p2, p0  }
0x20: {  	[sflag:s8] =	ssyncset.s32 @!p0 $0xFFFFF086;
	s6 =	sadd.s32 @!p0 s3, s7;
	s7 =	simm.s32 @!p0 $0x108  }
0x21: {  	s3 =	sadd.s32 s3, s9;
	s6 =	sadd.s32 @!p0 $0x88, s6;
	s7 =	simm.s32 @p2 $0x1082  }
0x22: {  	[simem:s7], [sflag:s8] =	dma.local @!p0 [hbm:s6], $0xF7A  }
0x23: {  	s9 =	sor.u32 $0xD0000000, s2;
	s6 =	simm.s32 $0x108;
	_ =	swait.ge @!p0 [sflag:s8], $0x0  }
0x24: {  	s3 =	sadd.s32 $0x88, s3;
	s6 =	simm.s32 @!p1 $0x1082;
	[sflag:s4] =	ssyncset.s32 $0xFFFFF086  }
0x25: {  	[simem:s6], [sflag:s4] =	dma.local [hbm:s3], $0xF7A  }
0x26: {  	[smem:$0x3F9B] =	sst s1;
	(tag) =	ssettag s2;
	_ =	strace s9  }
0x27: {  	s1 =	sld [smem:$0x3FAB]  }
0x28: {  	s2 =	sld [smem:$0x3FAC]  }
0x29: {  	s4 =	sld [smem:$0x3FAE]  }
0x2a: {  	p0 =	seq.s32 s5, $0x0;
	s5 =	sld [smem:$0x3FAF]  }
0x2b: {  	s6 =	sld [smem:$0x3FB0]  }
0x2c: {  	s7 =	sld [smem:$0x3FB1]  }
0x2d: {  	s3 =	simm.s32 $0x108;
	s8 =	sld [smem:$0x3FB2]  }
0x2e: {  	s3 =	simm.s32 @!p0 $0x1082;
	s9 =	sld [smem:$0x3FB3]  }
0x2f: {  	lr =	sadd.s32 s0, s3;
	s0 =	sld [smem:$0x3FAA]  }
0x30: {  	s3 =	sld [smem:$0x3FAD]  }
0x31: {  	[smem:$0x3FB6] =	sst s10  }
0x32: {  	s10 =	sld [smem:$0x3FB4];
	_ =	sdelay $0x3  }
0x33: {  	p0 =	seq.s32 s10, $0x1;
	s10 =	sld [smem:$0x3FB6];
	_ =	sdelay $0x3  }
0x34: {  	[smem:$0x3FB6] =	sst s10  }
0x35: {  	s10 =	sld [smem:$0x3FB5];
	_ =	sdelay $0x3  }
0x36: {  	p1 =	seq.s32 s10, $0x1;
	s10 =	sld [smem:$0x3FB6];
	_ =	sdelay $0x3  }
0x37: {  	[smem:$0x3FB6] =	sst s10  }
0x38: {  	s10 =	sld [smem:$0x3FB7]  }
0x39: {  	_ = 	snop;
	(pc) =	sbr.ind lr, $3  }
0x3a: {  	_ = 	snop  }
0x3b: {  	_ = 	snop  }
0x3c: {  	p2 =	seq.s32 s10, $0x1;
	s10 =	sld [smem:$0x3FB6]  }
0x3d: {  	_ =	shalt  }
0x3e: {  	_ =	shalt  }
0x3f: {  	_ =	shalt  }
0x40: {  	_ =	shalt  }
0x41: {  	_ =	shalt  }
0x42: {  	_ =	shalt  }
0x43: {  	_ =	shalt  }
0x44: {  	_ =	shalt  }
0x45: {  	_ =	shalt  }
0x46: {  	_ =	shalt  }
0x47: {  	_ =	shalt  }
0x48: {  	_ =	shalt  }
0x49: {  	_ =	shalt  }
0x4a: {  	_ =	shalt  }
0x4b: {  	_ =	shalt  }
0x4c: {  	_ =	shalt  }
0x4d: {  	_ =	shalt  }
0x4e: {  	_ =	shalt  }
0x4f: {  	_ =	shalt  }
0x50: {  	_ =	shalt  }
0x51: {  	_ =	shalt  }
0x52: {  	_ =	shalt  }
0x53: {  	_ =	shalt  }
0x54: {  	_ =	shalt  }
0x55: {  	_ =	shalt  }
0x56: {  	_ =	shalt  }
0x57: {  	_ =	shalt  }
0x58: {  	_ =	shalt  }
0x59: {  	_ =	shalt  }
0x5a: {  	_ =	shalt  }
0x5b: {  	_ =	shalt  }
0x5c: {  	_ =	shalt  }
0x5d: {  	_ =	shalt  }
0x5e: {  	_ =	shalt  }
0x5f: {  	_ =	shalt  }
0x60: {  	_ =	shalt  }
0x61: {  	_ =	shalt  }
0x62: {  	_ =	shalt  }
0x63: {  	_ =	shalt  }
0x64: {  	_ =	shalt  }
0x65: {  	_ =	shalt  }
0x66: {  	_ =	shalt  }
0x67: {  	_ =	shalt  }
0x68: {  	_ =	shalt  }
0x69: {  	_ =	shalt  }
0x6a: {  	_ =	shalt  }
0x6b: {  	_ =	shalt  }
0x6c: {  	_ =	shalt  }
0x6d: {  	_ =	shalt  }
0x6e: {  	_ =	shalt  }
0x6f: {  	_ =	shalt  }
0x70: {  	_ =	shalt  }
0x71: {  	_ =	shalt  }
0x72: {  	_ =	shalt  }
0x73: {  	_ =	shalt  }
0x74: {  	_ =	shalt  }
0x75: {  	_ =	shalt  }
0x76: {  	_ =	shalt  }
0x77: {  	_ =	shalt  }
0x78: {  	_ =	shalt  }
0x79: {  	_ =	shalt  }
0x7a: {  	_ =	shalt  }
0x7b: {  	_ =	shalt  }
0x7c: {  	_ =	shalt  }
0x7d: {  	_ =	shalt  }
0x7e: {  	_ =	shalt  }
0x7f: {  	_ =	shalt  }
0x80: {  	_ =	shalt  }
0x81: {  	_ =	shalt  }
0x82: {  	_ =	shalt  }
0x83: {  	_ =	shalt  }
0x84: {  	_ =	shalt  }
0x85: {  	_ =	shalt  }
0x86: {  	_ =	shalt  }
0x87: {  	_ =	shalt  }
.Lfunc_end0:
.L_simem_size_0:
called_computation.2_lowered:
.L_overlay_start_0:
0x88: {  	s2 =	sld [smem:$0x3FD9]  }
0x89: {  	s3 =	sld [smem:$0x3FFE];
	_ =	sdelay $0x1  }
0x8a: {  	s1 =	srdreg.scid  }
0x8b: {  	s0 =	sand.u32 $0x1, s1  }
0x8c: {  	s17 =	sshll.u32 s0, $0xA;
	s2 =	sadd.s32 s3, s2  }
0x8d: {  	s2 =	sadd.s32 s2, s17  }
0x8e: {  	[smem:$0x3FC2] =	sst s2  }
0x8f: {  	_ = 	snop  }
0x90: {  	(tm) =	ssettm $0x1  }
0x91: {  	s18 =	sld [smem:$0x3FFB];
	_ =	sdelay $0x3  }
0x92: {  	_ =	strace s18  }
0x93: {  	s2 =	sld [smem:$0x3FFC];
	_ =	sdelay $0x3  }
0x94: {  	_ =	strace s2  }
0x95: {  	s2 =	sld [smem:$0x3FFD];
	_ =	sdelay $0x3  }
0x96: {  	_ =	strace s2  }
0x97: {  	_ =	strace $0x8FFFFFFF  }
0x98: {  	s19 =	sld [smem:$0x3FDB];
	_ =	sdelay $0x1  }
0x99: {  	s20 =	simm.s32 $_scs_section_size  }
0x9a: {  	s4 =	simm.s32 $_size__tile_overlayer_lowered;
	s5 =	simm.s32 $_tile_overlayer_lowered  }
0x9b: {  	s6 =	simm.s32 $0x1BFF;
	s21 =	sshll.u32 s5, $0x1;
	s3 =	sadd.s32 s20, s19  }
0x9c: {  	s22 =	simm.s32 $0x0;
	s4 =	sshll.u32 s4, $0x1;
	s5 =	sadd.s32 s21, s3  }
0x9d: {  	[timem:s22], [sflag:s6] =	dma.local [hbm:s5], s4  }
0x9e: {  	_ =	swait.ge [sflag:s6], s4  }
0x9f: {  	s4 =	ssub.s32 $0x0, s4;
	[sflag:s6] =	ssyncset.done $0x0  }
0xa0: {  	[sflag:s6] =	ssyncadd.s32 s4;
	_ =	sdelay $0x1  }
0xa1: {  	s23 =	simm.s32 $0x1B8B  }
0xa2: {  	_ =	swait.ge [sflag:s23], $0x1  }
0xa3: {  	[sflag:s23] =	ssyncset.done $0x0  }
0xa4: {  	[sflag:s23] =	ssyncadd.s32 $0xFFFFFFFF  }
0xa5: {  	s4 =	sld [smem:$0x0]  }
0xa6: {  	s5 =	sand.u32 $0xFFFFFFFE, s1  }
0xa7: {  	p0 =	sne.s32 s1, s5  }
0xa8: {  	s5 =	sshll.u32 @p0 s5, $0xE  }
0xa9: {  	s5 =	sadd.s32 @p0 $0x11B8D, s5;
	s6 =	sshll.u32 @p0 s4, $0x11  }
0xaa: {  	s5 =	sor.u32 @p0 s6, s5  }
0xab: {  	[sflag:s5] =	ssyncadd.remote.s32 @p0 $0x1;
	_ =	sdelay $0x1  }
0xac: {  	s5 =	simm.s32 @p0 $0x1B8D  }
0xad: {  	_ =	swait.eq @p0 [sflag:s5], $0x1  }
0xae: {  	[sflag:s5] =	ssyncadd.s32 @p0 $0xFFFFFFFF  }
0xaf: {  	s6 =	sshll.u32 @!p0 s1, $0xE  }
0xb0: {  	s6 =	sor.u32 @!p0 $0x4000, s6;
	s5 =	simm.s32 @!p0 $0x1B8D  }
0xb1: {  	s7 =	sshll.u32 @!p0 s4, $0x11;
	s6 =	sadd.s32 @!p0 $0x11B8D, s6;
	_ =	swait.eq @!p0 [sflag:s5], $0x1  }
0xb2: {  	[sflag:s5] =	ssyncadd.s32 @!p0 $0xFFFFFFFF;
	s5 =	sor.u32 @!p0 s7, s6  }
0xb3: {  	s25 =	simm.s32 $0x1B8E;
	s24 =	sld [smem:$0x3FFE];
	[sflag:s5] =	ssyncadd.remote.s32 @!p0 $0x1  }
0xb4: {  	s26 =	simm.s32 $execute0_lowered;
	[smem:$0x3FD2] =	sst s25  }
0xb5: {  	s6 =	sshll.u32 s26, $0x1;
	_ =	strace $0x8000005E;
	[dreg:$0x1] =	wrdreg $0xFFFFFFFF  }
0xb6: {  	s28 =	simm.s32 $_size_execute0_lowered;
	s3 =	sadd.s32 s3, s6;
	[dreg:$0x0] =	wrdreg $0x0  }
0xb7: {  	s6 =	sshll.u32 s28, $0x1;
	[dreg:$0x2] =	wrdreg s3  }
0xb8: {  	[dreg:$0x3] =	wrdreg s6  }
0xb9: {  	[dreg:$0x4] =	wrdreg $0xC0  }
0xba: {  	_ =	task [dreg:s22], $0x5FFFF  }
0xbb: {  	[dreg:$0x1] =	wrdreg $0xFFFFFFFF  }
0xbc: {  	[dreg:$0x0] =	wrdreg $0x60  }
0xbd: {  	[dreg:$0x2] =	wrdreg s24  }
0xbe: {  	[dreg:$0x3] =	wrdreg s1  }
0xbf: {  	[dreg:$0x4] =	wrdreg s4  }
0xc0: {  	[dreg:$0x5] =	wrdreg $0x9  }
0xc1: {  	_ =	task.clear_ibuf [dreg:s22], $0x6FFFF;
	_ =	strace $0x9000005E  }
0xc2: {  	s29 =	simm.s32 $0x9;
	_ =	strace $0x80000060  }
0xc3: {  	_ =	swait.ge [sflag:s29], $0x1  }
0xc4: {  	[sflag:s29] =	ssyncadd.s32 $0xFFFFFFFF  }
0xc5: {  	_ =	strace $0x90000060  }
0xc6: {  	_ =	sfence  }
0xc7: {  	s30 =	sld [smem:$0x0];
	_ =	sdelay $0x2  }
0xc8: {  	s31 =	sshll.u32 s1, $0xD;
	s1 =	sshrl.u32 s1, $0x2  }
0xc9: {  	s4 =	sand.u32 $0x4000, s31;
	s1 =	sadd.s32 s1, s30  }
0xca: {  	s0 =	sor.u32 s4, s0;
	s1 =	sshll.u32 s1, $0x11  }
0xcb: {  	s0 =	sor.u32 s1, s0  }
0xcc: {  	s0 =	sadd.s32 $0x8F2B, s0  }
0xcd: {  	[sflag:s0] =	ssyncadd.remote.s32 $0x1  }
0xce: {  	_ =	sfence.sel $0xFFFF  }
0xcf: {  	[dreg:$0x0] =	wrdreg $0xFFFFFFFF;
	(pc) =	sbr.abs _section_cstart, $3  }
0xd0: {  	[dreg:$0x1] =	wrdreg $0xFFFFFFFF  }
0xd1: {  	_ =	task.clear_ibuf [dreg:s22], $0x2FFFF;
	_ =	strace $0x9FFFFFFF  }
0xd2: {  	(tm) =	ssettm $0x7FFFFFFF  }
0xd3: {  	_ =	shalt  }
tec
execute0_lowered:
.L_overlay_start_1:
0x0: {  	(tag) =	ssettag $0x1  }
0x1: {  	s2 =	rddreg [dreg:$0x0]  }
0x2: {  	s3 =	rddreg [dreg:$0x1];
	_ =	strace $0x8000005F;
	s0 =	simm.s32 $0x1  }
0x3: {  	s4 =	simm.s32 $0x88;
	v0 =	vimm.s32 $0x0;
	[sflag:s0] =	ssyncpa.u1 $0x0  }
0x4: {  	s5 =	simm.s32 $0x40;
	s1 =	sadd.s32 $0x6DA00, s2;
	[tilespmem:s4+$0x30] =	vst v0  }
0x5: {  	s0 =	sadd.s32 $0x8DA00, s2;
	s6 =	sadd.s32 $0x65A00, s2;
	s3 =	sand.u32 $0x1, s3;
	[tilespmem:s4+$0x20] =	vst v0  }
0x6: {  	s2 =	sadd.s32 $0x8DC00, s2;
	[dreg:$0x4] =	wrdreg s3;
	s3 =	sshll.u32 s3, $0x7;
	[tilespmem:s4+$0x10] =	vst v0  }
.LBB2_1:
0x7: {  	s5 =	sadd.s32 $0x40, s5  }
0x8: {  	[tilespmem:s4+$0x0] =	vst v0;
	s4 =	sadd.s32 $0x40, s4;
	p0 =	slt.u32 s5, $0x1040  }
.Ltmp0:
0x9: {  	(pc) =	sbr.rel @p0 .LBB2_1-.Ltmp0, $4  }
0xa: {  	_ = 	snop  }
0xb: {  	[tilespmem:s4+$0x30] =	vst v0  }
0xc: {  	[tilespmem:s4+$0x20] =	vst v0  }
0xd: {  	[tilespmem:s4+$0x10] =	vst v0  }
0xe: {  	s26 =	simm.s32 $0x2;
	s5 =	simm.s32 $0x9;
	s28 =	stileid.u32  }
0xf: {  	s29 =	simm.s32 $0xA;
	s30 =	simm.s32 $0xB;
	s0 =	sadd.s32 s3, s0  }
0x10: {  	s31 =	sadd.s32 s3, s2;
	s16 =	simm.s32 $0x0;
	s17 =	simm.s32 $0x2908  }
0x11: {  	s11 =	simm.s32 $0xC;
	s20 =	simm.s32 $0x1;
	s25 =	simm.s32 $0x0  }
.Ltmp1:
0x12: {  	s23 =	simm.s32 $0x0;
	s22 =	simm.s32 $0x0;
	(pc) =	sbr.rel .LBB2_3-.Ltmp1, $4  }
0x13: {  	[tilespmem:s4+$0x0] =	vst v0;
	v0 =	vimm.s32 $0xFFFFFFFF;
	[sflag:s26] =	ssyncpa.u1 $0x0;
	s9 =	sshll.u32 s28, $0x6;
	[dreg:$0x6] =	wrdreg s0  }
0x14: {  	s10 =	sshll.u32 s28, $0x7;
	[dreg:$0x8] =	wrdreg s31;
	[tilespmem:$0x2108] =	vst v0;
	[sflag:s5] =	ssyncpa.u1 $0x0  }
0x15: {  	s12 =	sadd.s32 $0x40, s9;
	[dreg:$0x5] =	wrdreg s9;
	[sflag:s29] =	ssyncpa.u1 $0x0  }
0x16: {  	v0 =	vlaneseq.u32;
	s24 =	smov.u32 s9;
	[dreg:$0x7] =	wrdreg s10;
	[sflag:s30] =	ssyncpa.u1 $0x0  }
.LBB2_4:
0x17: {  	p0 =	sgt.s32 s24, $0x3C0;
	s0 =	smov.u32 s24;
	s2 =	sshra.s32 s24, $0x1F  }
0x18: {  	s0 =	simm.s32 @!p0 $0x3C0;
	s2 =	sand.u32 s2, s24  }
0x19: {  	s0 =	ssub.s32 s0, s2  }
0x1a: {  	s0 =	sadd.s32 $0xFFFFFC40, s0  }
0x1b: {  	s29 =	sshll.u32 s0, $0x2  }
0x1c: {  	s30 =	sshrl.u32 s24, $0x3;
	s3 =	rddreg [dreg:$0x8];
	s2 =	ssub.s32 $0x100, s29  }
0x1d: {  	s31 =	sand.u32 $0x7, s24;
	p0 =	sgt.s32 s0, $0x3F;
	s0 =	sshrl.u32 s2, $0x2  }
0x1e: {  	s4 =	simm.s32 $0x2948;
	s2 =	sadd.s32 s30, s3;
	s0 =	simm.s32 @p0 $0x0  }
0x1f: {  	[tilespmem:s4], [sflag:$0xA] =	stream.linear.gather [hbm4b:s2+s31], s0, $0x38;
	[tilespmem:$0x6A88] =	vst v63  }
.LBB2_27:
0x20: {  	s0 =	sadd.s32 $0x40, s24  }
0x21: {  	s2 =	smov.u32 s9;
	s22 =	sadd.s32 $0x1, s22;
	p0 =	slt.s32 s0, s12  }
0x22: {  	s2 =	smov.u32 @p0 s0;
	p0 =	sne.s32 s22, $0x3  }
.Ltmp2:
0x23: {  	_ = 	snop;
	(pc) =	sbr.rel @!p0 .LBB2_28-.Ltmp2, $3  }
0x24: {  	_ =	sdelay $0x1  }
0x25: {  	s25 =	smov.u32 s23  }
0x26: {  	s23 =	smov.u32 s24;
	s17 =	sadd.s32 $0x40, s17;
	s24 =	smov.u32 s2  }
.LBB2_3:
0x27: {  	p0 =	sne.s32 s22, $0x0  }
.Ltmp3:
0x28: {  	_ = 	snop;
	(pc) =	sbr.rel @!p0 .LBB2_4-.Ltmp3, $1  }
0x29: {  	_ =	sdelay $0x3  }
0x2a: {  	s0 =	sand.u32 $0x1, s22  }
0x2b: {  	p0 =	seq.s32 s0, $0x0  }
.Ltmp4:
0x2c: {  	_ = 	snop;
	(pc) =	sbr.rel @p0 .LBB2_9-.Ltmp4, $1  }
0x2d: {  	_ =	sdelay $0x3  }
0x2e: {  	p0 =	sgt.s32 s23, $0x3C0;
	s0 =	smov.u32 s23;
	s2 =	sshra.s32 s23, $0x1F  }
0x2f: {  	s0 =	simm.s32 @!p0 $0x3C0;
	s2 =	sand.u32 s2, s23  }
0x30: {  	s0 =	ssub.s32 s0, s2  }
0x31: {  	s0 =	sadd.s32 $0xFFFFFC40, s0  }
0x32: {  	s4 =	sshll.u32 s0, $0x2  }
0x33: {  	s2 =	ssub.s32 $0x100, s4  }
0x34: {  	p0 =	sgt.s32 s0, $0x3F;
	s0 =	sshrl.u32 s2, $0x2  }
0x35: {  	s4 =	simm.s32 $0xA;
	s0 =	simm.s32 @p0 $0x0  }
0x36: {  	s3 =	sshrl.u32 s23, $0x3;
	s8 =	sand.u32 $0x7, s23;
	_ =	swait.ge [sflag:s4], s0  }
0x37: {  	s5 =	ssub.s32 $0x0, s0;
	[sflag:s4] =	ssyncset.done $0x0;
	s7 =	rddreg [dreg:$0x6]  }
0x38: {  	s9 =	simm.s32 $0x2A08;
	[sflag:s4] =	ssyncadd.s32 s5;
	s2 =	sadd.s32 s3, s7  }
0x39: {  	[tilespmem:s9], [sflag:$0xB] =	stream.linear.gather [hbm4b:s2+s8], s0, $0x38;
	[tilespmem:$0x6A88] =	vst v63  }
0x3a: {  	v1 =	vld.msk [tilespmem:s17+$0x0], $0xffff;
	_ =	sdelay $0x4  }
0x3b: {  	v1 =	vshll.u32 v1, $0x4  }
0x3c: {  	(v2sf) =	vpush v1, $0x0  }
0x3d: {  	(v2sf) =	vpush v1, $0x1  }
0x3e: {  	(v2sf) =	vpush v1, $0x2;
	_ =	sdelay $0x1  }
0x3f: {  	(v2sf) =	vpush v1, $0x3;
	_ =	sdelay $0x1  }
0x40: {  	(v2sf) =	vpush v1, $0x4;
	_ =	sdelay $0x1  }
0x41: {  	(v2sf) =	vpush v1, $0x5;
	_ =	sdelay $0x1  }
0x42: {  	(v2sf) =	vpush v1, $0x6  }
0x43: {  	s18 =	simm.s32 $0x2E08  }
0x44: {  	s21 =	simm.s32 $0x2E88;
	s26 =	simm.s32 $0x2C08;
	s28 =	simm.s32 $0x2C88;
	(v2sf) =	vpush v1, $0x7  }
0x45: {  	s29 =	simm.s32 $0x2D08;
	s30 =	simm.s32 $0x2B08;
	s31 =	simm.s32 $0x2B88  }
0x46: {  	s15 =	simm.s32 $0x2A88;
	s4 =	simm.s32 $0x2F08;
	s3 =	simm.s32 $0x2F88;
	(v2sf) =	vpush v1, $0x8  }
0x47: {  	s5 =	simm.s32 $0x2D88;
	s0 =	simm.s32 $0x3088;
	s13 =	spop (v2sf)  }
0x48: {  	s2 =	simm.s32 $0x3008;
	(v2sf) =	vpush v1, $0x9;
	s13 =	sand.u32 $0x1FFFFFF0, s13;
	s7 =	spop (v2sf)  }
0x49: {  	(v2sf) =	vpush v1, $0xA;
	s13 =	sadd.s32 s6, s13;
	s7 =	sand.u32 $0x1FFFFFF0, s7;
	s8 =	spop (v2sf)  }
0x4a: {  	[tilespmem:s15], [sflag:$0x9] =	stream.linear.gather [hbm4b:s13+s16], $0x40, $0x38;
	[tilespmem:$0x6A88] =	vst v63  }
0x4b: {  	(v2sf) =	vpush v1, $0xB;
	s7 =	sadd.s32 s6, s7;
	s8 =	sand.u32 $0x1FFFFFF0, s8;
	s10 =	spop (v2sf)  }
0x4c: {  	[tilespmem:s30], [sflag:$0x9] =	stream.linear.gather [hbm4b:s7+s16], $0x40, $0x38;
	[tilespmem:$0x6A88] =	vst v63  }
0x4d: {  	(v2sf) =	vpush v1, $0xC;
	s11 =	sadd.s32 s6, s8;
	s13 =	sand.u32 $0x1FFFFFF0, s10;
	s14 =	spop (v2sf)  }
0x4e: {  	[tilespmem:s31], [sflag:$0x9] =	stream.linear.gather [hbm4b:s11+s16], $0x40, $0x38;
	[tilespmem:$0x6A88] =	vst v63  }
0x4f: {  	s15 =	sadd.s32 s6, s13;
	s19 =	sand.u32 $0x1FFFFFF0, s14;
	s31 =	spop (v2sf)  }
0x50: {  	[tilespmem:s26], [sflag:$0x9] =	stream.linear.gather [hbm4b:s15+s16], $0x40, $0x38;
	[tilespmem:$0x6A88] =	vst v63  }
0x51: {  	(v2sf) =	vpush v1, $0xD;
	s8 =	sadd.s32 s6, s19;
	s9 =	sand.u32 $0x1FFFFFF0, s31;
	s10 =	spop (v2sf)  }
0x52: {  	[tilespmem:s28], [sflag:$0x9] =	stream.linear.gather [hbm4b:s8+s16], $0x40, $0x38;
	[tilespmem:$0x6A88] =	vst v63  }
0x53: {  	(v2sf) =	vpush v1, $0xE;
	s11 =	sadd.s32 s6, s9;
	s14 =	sand.u32 $0x1FFFFFF0, s10;
	s15 =	spop (v2sf)  }
0x54: {  	[tilespmem:s29], [sflag:$0x9] =	stream.linear.gather [hbm4b:s11+s16], $0x40, $0x38;
	[tilespmem:$0x6A88] =	vst v63  }
0x55: {  	(v2sf) =	vpush v1, $0xF;
	s19 =	sadd.s32 s6, s14;
	s26 =	sand.u32 $0x1FFFFFF0, s15;
	s31 =	spop (v2sf)  }
0x56: {  	[tilespmem:s5], [sflag:$0x9] =	stream.linear.gather [hbm4b:s19+s16], $0x40, $0x38;
	[tilespmem:$0x6A88] =	vst v63  }
0x57: {  	s30 =	sadd.s32 $0x10, s17;
	s8 =	sadd.s32 s6, s26;
	s10 =	spop (v2sf)  }
0x58: {  	s9 =	sand.u32 $0x1FFFFFF0, s31;
	s28 =	simm.s32 $0x3208;
	s14 =	spop (v2sf)  }
0x59: {  	[tilespmem:s18], [sflag:$0x9] =	stream.linear.gather [hbm4b:s8+s16], $0x40, $0x38;
	[tilespmem:$0x6A88] =	vst v63  }
0x5a: {  	s11 =	sadd.s32 s6, s9;
	s13 =	sand.u32 $0x1FFFFFF0, s10;
	s19 =	spop (v2sf)  }
0x5b: {  	[tilespmem:s21], [sflag:$0x9] =	stream.linear.gather [hbm4b:s11+s16], $0x40, $0x38;
	[tilespmem:$0x6A88] =	vst v63  }
0x5c: {  	s15 =	sadd.s32 s6, s13;
	s18 =	sand.u32 $0x1FFFFFF0, s14;
	s31 =	spop (v2sf)  }
0x5d: {  	[tilespmem:s4], [sflag:$0x9] =	stream.linear.gather [hbm4b:s15+s16], $0x40, $0x38;
	[tilespmem:$0x6A88] =	vst v63  }
0x5e: {  	s26 =	sand.u32 $0x1FFFFFF0, s19;
	s21 =	sadd.s32 s6, s18;
	s9 =	sand.u32 $0x1FFFFFF0, s31  }
0x5f: {  	[tilespmem:s3], [sflag:$0x9] =	stream.linear.gather [hbm4b:s21+s16], $0x40, $0x38;
	[tilespmem:$0x6A88] =	vst v63  }
0x60: {  	s8 =	sadd.s32 s6, s26;
	s10 =	spop (v2sf);
	s11 =	sadd.s32 s6, s9  }
0x61: {  	[tilespmem:s2], [sflag:$0x9] =	stream.linear.gather [hbm4b:s8+s16], $0x40, $0x38;
	[tilespmem:$0x6A88] =	vst v63  }
0x62: {  	s13 =	sand.u32 $0x1FFFFFF0, s10;
	s15 =	simm.s32 $0x3108;
	s14 =	spop (v2sf)  }
0x63: {  	[tilespmem:s0], [sflag:$0x9] =	stream.linear.gather [hbm4b:s11+s16], $0x40, $0x38;
	[tilespmem:$0x6A88] =	vst v63  }
0x64: {  	s18 =	sadd.s32 s6, s13;
	s19 =	sand.u32 $0x1FFFFFF0, s14;
	s21 =	spop (v2sf)  }
0x65: {  	[tilespmem:s15], [sflag:$0x9] =	stream.linear.gather [hbm4b:s18+s16], $0x40, $0x38;
	[tilespmem:$0x6A88] =	vst v63  }
0x66: {  	s31 =	simm.s32 $0x3188;
	s26 =	sadd.s32 s6, s19;
	s0 =	sand.u32 $0x1FFFFFF0, s21  }
0x67: {  	[tilespmem:s31], [sflag:$0x9] =	stream.linear.gather [hbm4b:s26+s16], $0x40, $0x38;
	[tilespmem:$0x6A88] =	vst v63  }
0x68: {  	s29 =	simm.s32 $0x3A08;
	s0 =	sadd.s32 s6, s0;
	s26 =	simm.s32 $0x0  }
.LBB2_7:
0x69: {  	[tilespmem:s28], [sflag:$0x9] =	stream.linear.gather [hbm4b:s0+s16], $0x40, $0x38;
	[tilespmem:$0x6A88] =	vst v63  }
0x6a: {  	s26 =	sadd.s32 $0x10, s26;
	s28 =	smov.u32 s29  }
0x6b: {  	p0 =	slt.u32 s26, $0x30;
	v1 =	vld.msk [tilespmem:s30+$0x0], $0xffff;
	_ =	sdelay $0x4  }
0x6c: {  	v1 =	vshll.u32 v1, $0x4  }
0x6d: {  	(v2sf) =	vpush v1, $0x0  }
0x6e: {  	(v2sf) =	vpush v1, $0x1  }
0x6f: {  	(v2sf) =	vpush v1, $0x2;
	_ =	sdelay $0x1  }
0x70: {  	(v2sf) =	vpush v1, $0x3;
	_ =	sdelay $0x1  }
0x71: {  	(v2sf) =	vpush v1, $0x4;
	_ =	sdelay $0x1  }
0x72: {  	(v2sf) =	vpush v1, $0x5;
	_ =	sdelay $0x1  }
0x73: {  	(v2sf) =	vpush v1, $0x6  }
0x74: {  	s0 =	sadd.s32 $0xFFFFFE80, s29;
	s31 =	sadd.s32 $0xFFFFFF00, s29  }
0x75: {  	s3 =	sadd.s32 $0xFFFFFD00, s29;
	s5 =	sadd.s32 $0xFFFFFD80, s29;
	s4 =	sadd.s32 $0xFFFFFE00, s29;
	(v2sf) =	vpush v1, $0x7  }
0x76: {  	s18 =	sadd.s32 $0xFFFFFB80, s29;
	s21 =	sadd.s32 $0xFFFFFC00, s29;
	s2 =	sadd.s32 $0xFFFFFC80, s29  }
0x77: {  	s7 =	sadd.s32 $0xFFFFFA00, s29;
	s8 =	sadd.s32 $0xFFFFFA80, s29;
	s13 =	sadd.s32 $0xFFFFFB00, s29;
	(v2sf) =	vpush v1, $0x8  }
0x78: {  	s15 =	sadd.s32 $0xFFFFF900, s29;
	s9 =	sadd.s32 $0xFFFFF980, s29;
	s11 =	spop (v2sf)  }
0x79: {  	s19 =	sadd.s32 $0xFFFFF880, s29;
	s11 =	sand.u32 $0x1FFFFFF0, s11;
	s10 =	spop (v2sf);
	(v2sf) =	vpush v1, $0x9  }
0x7a: {  	s11 =	sadd.s32 s6, s11;
	s10 =	sand.u32 $0x1FFFFFF0, s10;
	s14 =	spop (v2sf)  }
0x7b: {  	[tilespmem:s19], [sflag:$0x9] =	stream.linear.gather [hbm4b:s11+s16], $0x40, $0x38;
	(v2sf) =	vpush v1, $0xA;
	[tilespmem:$0x6A88] =	vst v63  }
0x7c: {  	s10 =	sadd.s32 s6, s10;
	s11 =	sand.u32 $0x1FFFFFF0, s14;
	s14 =	spop (v2sf)  }
0x7d: {  	[tilespmem:s15], [sflag:$0x9] =	stream.linear.gather [hbm4b:s10+s16], $0x40, $0x38;
	(v2sf) =	vpush v1, $0xB;
	[tilespmem:$0x6A88] =	vst v63  }
0x7e: {  	s10 =	sadd.s32 s6, s11;
	s11 =	sand.u32 $0x1FFFFFF0, s14;
	s14 =	spop (v2sf)  }
0x7f: {  	[tilespmem:s9], [sflag:$0x9] =	stream.linear.gather [hbm4b:s10+s16], $0x40, $0x38;
	(v2sf) =	vpush v1, $0xC;
	[tilespmem:$0x6A88] =	vst v63  }
0x80: {  	s9 =	sadd.s32 s6, s11;
	s10 =	sand.u32 $0x1FFFFFF0, s14;
	s11 =	spop (v2sf)  }
0x81: {  	[tilespmem:s7], [sflag:$0x9] =	stream.linear.gather [hbm4b:s9+s16], $0x40, $0x38;
	(v2sf) =	vpush v1, $0xD;
	[tilespmem:$0x6A88] =	vst v63  }
0x82: {  	s7 =	sadd.s32 s6, s10;
	s9 =	sand.u32 $0x1FFFFFF0, s11;
	s10 =	spop (v2sf)  }
0x83: {  	[tilespmem:s8], [sflag:$0x9] =	stream.linear.gather [hbm4b:s7+s16], $0x40, $0x38;
	(v2sf) =	vpush v1, $0xE;
	[tilespmem:$0x6A88] =	vst v63  }
0x84: {  	s7 =	sadd.s32 s6, s9;
	s8 =	sand.u32 $0x1FFFFFF0, s10;
	s9 =	spop (v2sf)  }
0x85: {  	[tilespmem:s13], [sflag:$0x9] =	stream.linear.gather [hbm4b:s7+s16], $0x40, $0x38;
	(v2sf) =	vpush v1, $0xF;
	[tilespmem:$0x6A88] =	vst v63  }
0x86: {  	s7 =	sadd.s32 s6, s8;
	s8 =	sand.u32 $0x1FFFFFF0, s9;
	s9 =	spop (v2sf)  }
0x87: {  	[tilespmem:s18], [sflag:$0x9] =	stream.linear.gather [hbm4b:s7+s16], $0x40, $0x38;
	[tilespmem:$0x6A88] =	vst v63  }
0x88: {  	s7 =	sadd.s32 s6, s8;
	s8 =	sand.u32 $0x1FFFFFF0, s9;
	s9 =	spop (v2sf)  }
0x89: {  	[tilespmem:s21], [sflag:$0x9] =	stream.linear.gather [hbm4b:s7+s16], $0x40, $0x38;
	[tilespmem:$0x6A88] =	vst v63  }
0x8a: {  	s7 =	sadd.s32 s6, s8;
	s8 =	sand.u32 $0x1FFFFFF0, s9;
	s9 =	spop (v2sf)  }
0x8b: {  	[tilespmem:s2], [sflag:$0x9] =	stream.linear.gather [hbm4b:s7+s16], $0x40, $0x38;
	[tilespmem:$0x6A88] =	vst v63  }
0x8c: {  	s2 =	sadd.s32 s6, s8;
	s7 =	sand.u32 $0x1FFFFFF0, s9;
	s8 =	spop (v2sf)  }
0x8d: {  	[tilespmem:s3], [sflag:$0x9] =	stream.linear.gather [hbm4b:s2+s16], $0x40, $0x38;
	[tilespmem:$0x6A88] =	vst v63  }
0x8e: {  	s2 =	sadd.s32 s6, s7;
	s3 =	sand.u32 $0x1FFFFFF0, s8;
	s7 =	spop (v2sf)  }
0x8f: {  	[tilespmem:s5], [sflag:$0x9] =	stream.linear.gather [hbm4b:s2+s16], $0x40, $0x38;
	[tilespmem:$0x6A88] =	vst v63  }
0x90: {  	s2 =	sadd.s32 s6, s3;
	s3 =	sand.u32 $0x1FFFFFF0, s7;
	s5 =	spop (v2sf)  }
0x91: {  	[tilespmem:s4], [sflag:$0x9] =	stream.linear.gather [hbm4b:s2+s16], $0x40, $0x38;
	[tilespmem:$0x6A88] =	vst v63  }
0x92: {  	s2 =	sadd.s32 s6, s3;
	s3 =	sand.u32 $0x1FFFFFF0, s5;
	s4 =	spop (v2sf)  }
0x93: {  	[tilespmem:s0], [sflag:$0x9] =	stream.linear.gather [hbm4b:s2+s16], $0x40, $0x38;
	[tilespmem:$0x6A88] =	vst v63  }
0x94: {  	s0 =	sadd.s32 s6, s3  }
.Ltmp5:
0x95: {  	s2 =	sand.u32 $0x1FFFFFF0, s4;
	s3 =	spop (v2sf);
	(pc) =	sbr.rel @p0 .LBB2_7-.Ltmp5, $4  }
0x96: {  	[tilespmem:s31], [sflag:$0x9] =	stream.linear.gather [hbm4b:s0+s16], $0x40, $0x38;
	[tilespmem:$0x6A88] =	vst v63  }
0x97: {  	s0 =	sadd.s32 s6, s2;
	s2 =	sadd.s32 $0xFFFFFF80, s29;
	s3 =	sand.u32 $0x1FFFFFF0, s3  }
0x98: {  	[tilespmem:s2], [sflag:$0x9] =	stream.linear.gather [hbm4b:s0+s16], $0x40, $0x38;
	[tilespmem:$0x6A88] =	vst v63  }
0x99: {  	s30 =	sadd.s32 $0x10, s30;
	s29 =	sadd.s32 $0x800, s29;
	s0 =	sadd.s32 s6, s3  }
0x9a: {  	[tilespmem:s28], [sflag:$0x9] =	stream.linear.gather [hbm4b:s0+s16], $0x40, $0x38;
	[tilespmem:$0x6A88] =	vst v63  }
0x9b: {  	s9 =	rddreg [dreg:$0x5]  }
0x9c: {  	s10 =	rddreg [dreg:$0x7];
	s11 =	simm.s32 $0xC  }
.LBB2_9:
0x9d: {  	p0 =	sne.s32 s22, $0x2  }
.Ltmp6:
0x9e: {  	_ = 	snop;
	(pc) =	sbr.rel @p0 .LBB2_27-.Ltmp6, $1  }
0x9f: {  	_ =	sdelay $0x3  }
0xa0: {  	p0 =	sgt.s32 s25, $0x3C0;
	s0 =	smov.u32 s25;
	s2 =	sshra.s32 s25, $0x1F  }
0xa1: {  	s0 =	simm.s32 @!p0 $0x3C0;
	s2 =	sand.u32 s2, s25  }
0xa2: {  	s0 =	ssub.s32 s0, s2  }
0xa3: {  	s0 =	sadd.s32 $0xFFFFFC40, s0  }
0xa4: {  	s3 =	simm.s32 $0x9;
	s30 =	sshll.u32 s0, $0x2  }
0xa5: {  	_ =	swait.ge [sflag:s3], $0x1000;
	s2 =	ssub.s32 $0x100, s30  }
0xa6: {  	[sflag:s3] =	ssyncset.done $0x0;
	p0 =	sgt.s32 s0, $0x3F;
	s0 =	sshrl.u32 s2, $0x2  }
0xa7: {  	s31 =	simm.s32 $0xB;
	[sflag:s3] =	ssyncadd.s32 $0xFFFFF000;
	s0 =	simm.s32 @p0 $0x0  }
0xa8: {  	_ =	swait.ge [sflag:s31], s0  }
0xa9: {  	s0 =	ssub.s32 $0x0, s0;
	[sflag:s31] =	ssyncset.done $0x0  }
0xaa: {  	[sflag:s31] =	ssyncadd.s32 s0  }
0xab: {  	v1 =	vld [tilespmem:$0x2108];
	_ =	sdelay $0x4  }
0xac: {  	(v2sf) =	vpush v1, $0x0  }
0xad: {  	(v2sf) =	vpush v1, $0x1  }
0xae: {  	(v2sf) =	vpush v1, $0x2;
	_ =	sdelay $0x3  }
0xaf: {  	s0 =	sadd.s32 $0x40, s25  }
0xb0: {  	s2 =	ssub.s32 $0x800, s25;
	p0 =	slt.s32 s12, s0  }
0xb1: {  	s0 =	smov.u32 @p0 s12;
	p0 =	sgt.s32 s2, $0x0  }
0xb2: {  	s26 =	ssub.s32 s0, s25;
	s2 =	simm.s32 @!p0 $0x0  }
0xb3: {  	p0 =	slt.s32 s2, s26  }
0xb4: {  	s26 =	smov.u32 @p0 s2  }
0xb5: {  	p0 =	slt.s32 s26, $0x1  }
.Ltmp7:
0xb6: {  	_ = 	snop;
	(pc) =	sbr.rel @p0 .LBB2_14-.Ltmp7, $4  }
0xb7: {  	_ = 	snop  }
0xb8: {  	s0 =	spop (v2sf)  }
0xb9: {  	s2 =	spop (v2sf)  }
0xba: {  	s25 =	spop (v2sf)  }
0xbb: {  	s3 =	smin.u32 s26, $0x10  }
0xbc: {  	v1 =	vmov s3  }
0xbd: {  	p1 =	sgt.s32 s26, $0x10;
	vm1 =	vgt.u32 v1, v0  }
.Ltmp8:
0xbe: {  	_ = 	snop;
	(pc) =	sbr.rel @!p1 .LBB2_13-.Ltmp8, $2  }
0xbf: {  	_ =	sdelay $0x2  }
0xc0: {  	s4 =	simm.s32 $0x10;
	s5 =	sadd.s32 $0xFFFFFFF0, s26;
	s3 =	simm.s32 $0x2A08;
	vm0 =	vmmov vm1  }
.LBB2_12:
0xc1: {  	s7 =	smin.u32 s5, $0x10;
	s4 =	sadd.s32 $0x10, s4;
	v1 =	vld.msk [tilespmem:s3+$0x0 ss:$0x1], vm1  }
0xc2: {  	v2 =	vmov s7;
	p1 =	slt.s32 s4, s26  }
0xc3: {  	vm1 =	vgt.u32 v2, v0  }
.Ltmp9:
0xc4: {  	(pc) =	sbr.rel @p1 .LBB2_12-.Ltmp9, $3  }
0xc5: {  	_ =	sdelay $0x1  }
0xc6: {  	v1 =	vshll.u32 v1, $0x4  }
0xc7: {  	s5 =	sadd.s32 $0xFFFFFFF0, s5;
	[tilespmem:s3+$0x0] =	vst.msk vm0, v1;
	s3 =	sadd.s32 $0x10, s3;
	vm0 =	vmmov vm1  }
.LBB2_13:
0xc8: {  	_ =	sdelay $0x4  }
0xc9: {  	v1 =	vld.msk [tilespmem:s3+$0x0 ss:$0x1], vm1;
	_ =	sdelay $0x4  }
0xca: {  	v1 =	vshll.u32 v1, $0x4  }
0xcb: {  	[tilespmem:s3+$0x0] =	vst.msk vm0, v1  }
.LBB2_14:
0xcc: {  	p1 =	sne.s32 s2, $0xFFFFFFFF  }
0xcd: {  	v1 =	vld.msk @!p1 [tilespmem:$0x2A08], $0x1;
	_ =	sdelay $0x4  }
0xce: {  	(v2sf) =	vpush @!p1 v1, $0x0;
	_ =	sdelay $0xc  }
.Ltmp10:
0xcf: {  	_ = 	snop;
	(pc) =	sbr.rel @p0 .LBB2_25-.Ltmp10, $4  }
0xd0: {  	_ = 	snop  }
0xd1: {  	s31 =	spop @!p1 (v2sf)  }
0xd2: {  	s25 =	simm.s32 @!p1 $0x0;
	s28 =	smov.u32 s31  }
0xd3: {  	[sflag:s11] =	ssyncpa.u1 $0x0;
	s31 =	smov.u32 @p1 s0;
	s28 =	smov.u32 @p1 s2  }
0xd4: {  	s29 =	simm.s32 $0x2A08  }
0xd5: {  	v1 =	vld.msk [tilespmem:s29+$0x0], $0x1;
	_ =	sdelay $0x4  }
0xd6: {  	(v2sf) =	vpush v1, $0x0;
	_ =	sdelay $0xe  }
0xd7: {  	s3 =	spop (v2sf)  }
0xd8: {  	p0 =	seq.s32 s31, s3  }
0xd9: {  	p1 =	sgt.s32 @!p0 s31, $0x0  }
0xda: {  	s2 =	smov.u32 s31;
	s0 =	sadd.s32 $0xFFFFFFFF, s26;
	p1 =	por !p1, p0  }
0xdb: {  	s2 =	simm.s32 @p1 $0x0;
	p1 =	sne.s32 s0, $0x0  }
.Ltmp11:
0xdc: {  	_ = 	snop;
	(pc) =	sbr.rel @!p1 .LBB2_17-.Ltmp11, $4  }
0xdd: {  	_ = 	snop  }
0xde: {  	s30 =	simm.s32 $0x0;
	s4 =	simm.s32 @!p0 $0x1;
	s2 =	smin.u32 @!p0 s2, $0x1FFF8  }
0xdf: {  	s5 =	simm.s32 @!p0 $0x10C8;
	s4 =	smov.u32 @p0 s30;
	s7 =	sand.u32 @!p0 $0x1FFF8, s2  }
0xe0: {  	s18 =	sand.u32 @!p0 $0x7, s2;
	s2 =	simm.s32 $0x2A09;
	s21 =	sadd.s32 @!p0 s1, s7  }
.LBB2_16:
0xe1: {  	s7 =	smov.u32 s4  }
0xe2: {  	[tilespmem:s5], [sflag:$0x2] =	stream.linear.gather @!p0 [hbm4b:s21+s18], $0x40, $0x38;
	[tilespmem:$0x6A88] =	vst v63  }
0xe3: {  	s0 =	sadd.s32 $0xFFFFFFFF, s0;
	s8 =	smov.u32 s3;
	v1 =	vld.msk [tilespmem:s2+$0x0], $0x1  }
0xe4: {  	p1 =	sne.s32 s0, $0x0;
	_ =	sdelay $0x3  }
0xe5: {  	(v2sf) =	vpush v1, $0x0;
	_ =	sdelay $0xe  }
0xe6: {  	s3 =	spop (v2sf)  }
0xe7: {  	p0 =	seq.s32 s8, s3  }
0xe8: {  	p2 =	sgt.s32 @!p0 s8, $0x0;
	s5 =	sshll.u32 @!p0 s4, $0x8;
	s4 =	sadd.s32 @!p0 $0x1, s4  }
.Ltmp12:
0xe9: {  	p2 =	por !p2, p0;
	s5 =	sshra.s32 @!p0 s5, $0x2;
	(pc) =	sbr.rel @p1 .LBB2_16-.Ltmp12, $4  }
0xea: {  	s4 =	smov.u32 @p0 s7;
	s8 =	simm.s32 @p2 $0x0;
	s5 =	sadd.s32 @!p0 $0x10C8, s5  }
0xeb: {  	s7 =	smin.u32 @!p0 s8, $0x1FFF8  }
0xec: {  	s8 =	sand.u32 @!p0 $0x1FFF8, s7;
	s18 =	sand.u32 @!p0 $0x7, s7  }
0xed: {  	s2 =	sadd.s32 $0x1, s2;
	s21 =	sadd.s32 @!p0 s1, s8  }
.LBB2_17:
0xee: {  	[tilespmem:s5], [sflag:$0x2] =	stream.linear.gather @!p0 [hbm4b:s21+s18], $0x40, $0x38;
	[tilespmem:$0x6A88] =	vst v63  }
.Ltmp13:
0xef: {  	s0 =	sshll.u32 s4, $0x6;
	(pc) =	sbr.rel .LBB2_18-.Ltmp13, $4  }
0xf0: {  	s2 =	simm.s32 $0x2;
	s0 =	sand.u32 $0x3FFFFFC0, s0  }
0xf1: {  	_ =	swait.ge [sflag:s2], s0  }
0xf2: {  	s0 =	ssub.s32 $0x0, s0;
	[sflag:s2] =	ssyncset.done $0x0  }
0xf3: {  	s4 =	simm.s32 $0x2AA8;
	s3 =	simm.s32 $0x0;
	[sflag:s2] =	ssyncadd.s32 s0  }
.LBB2_19:
0xf4: {  	v1 =	vld [tilespmem:s4+$0xFFFFFFE0];
	_ =	sdelay $0x4  }
0xf5: {  	[tilespmem:s2+$0x88] =	vst.add.f32.msk $0xffff, v1  }
0xf6: {  	v1 =	vld [tilespmem:s4+$0xFFFFFFF0];
	_ =	sdelay $0x4  }
0xf7: {  	[tilespmem:s2+$0x98] =	vst.add.f32.msk $0xffff, v1  }
0xf8: {  	v1 =	vld [tilespmem:s4+$0x0];
	_ =	sdelay $0x4  }
0xf9: {  	[tilespmem:s2+$0xA8] =	vst.add.f32.msk $0xffff, v1  }
0xfa: {  	v1 =	vld [tilespmem:s4+$0x10];
	_ =	sdelay $0x4  }
0xfb: {  	[tilespmem:s2+$0xB8] =	vst.add.f32.msk $0xffff, v1  }
.LBB2_23:
0xfc: {  	s26 =	sadd.s32 $0xFFFFFFFF, s26  }
0xfd: {  	p0 =	sne.s32 s26, $0x0  }
.Ltmp14:
0xfe: {  	_ = 	snop;
	(pc) =	sbr.rel @!p0 .LBB2_24-.Ltmp14, $2  }
0xff: {  	_ =	sdelay $0x2  }
0x100: {  	s4 =	sadd.s32 $0x80, s4;
	s29 =	sadd.s32 $0x1, s29;
	s31 =	smov.u32 s0  }
.LBB2_18:
0x101: {  	v1 =	vld.msk [tilespmem:s29+$0x0], $0x1;
	_ =	sdelay $0x4  }
0x102: {  	(v2sf) =	vpush v1, $0x0;
	_ =	sdelay $0xe  }
0x103: {  	s0 =	spop (v2sf)  }
0x104: {  	p0 =	sne.s32 s31, s0  }
.Ltmp15:
0x105: {  	_ = 	snop;
	(pc) =	sbr.rel @!p0 .LBB2_19-.Ltmp15, $3  }
0x106: {  	_ =	sdelay $0x1  }
0x107: {  	s2 =	sshll.u32 s25, $0x8  }
0x108: {  	s2 =	sshra.s32 s2, $0x2  }
0x109: {  	p0 =	seq.s32 s31, s28  }
.Ltmp16:
0x10a: {  	_ = 	snop;
	(pc) =	sbr.rel @!p0 .LBB2_21-.Ltmp16, $1  }
0x10b: {  	_ =	sdelay $0x3  }
.Ltmp17:
0x10c: {  	s2 =	sadd.s32 $0x88, s2;
	(pc) =	sbr.rel .LBB2_22-.Ltmp17, $4  }
0x10d: {  	[spmem:s10] =	stream.linear.scatter [tilespmem:s2], [sflag:$0x1], $0x40, $0x38;
	[tilespmem:$0x6A88] =	vst v63  }
0x10e: {  	_ =	swait.ge [sflag:s20], $0x40  }
0x10f: {  	[sflag:s20] =	ssyncset.done $0x0  }
0x110: {  	[sflag:s20] =	ssyncadd.s32 $0xFFFFFFC0  }
.LBB2_21:
0x111: {  	s5 =	sshll.u32 s30, $0x8  }
0x112: {  	s5 =	sshra.s32 s5, $0x2  }
0x113: {  	v1 =	vld [tilespmem:s5+$0x10C8];
	_ =	sdelay $0x4  }
0x114: {  	[tilespmem:s2+$0x88] =	vst.add.f32.msk $0xffff, v1  }
0x115: {  	v1 =	vld [tilespmem:s5+$0x10D8];
	_ =	sdelay $0x4  }
0x116: {  	[tilespmem:s2+$0x98] =	vst.add.f32.msk $0xffff, v1  }
0x117: {  	v1 =	vld [tilespmem:s5+$0x10E8];
	_ =	sdelay $0x4  }
0x118: {  	[tilespmem:s2+$0xA8] =	vst.add.f32.msk $0xffff, v1  }
0x119: {  	v1 =	vld [tilespmem:s5+$0x10F8];
	_ =	sdelay $0x2  }
0x11a: {  	p0 =	sgt.u32 s31, $0x1FFF8  }
0x11b: {  	s5 =	sand.u32 @!p0 $0x1FFF8, s31  }
0x11c: {  	s7 =	sadd.s32 $0x88, s2;
	[tilespmem:s2+$0xB8] =	vst.add.f32.msk $0xffff, v1;
	s2 =	sadd.s32 @!p0 s1, s5;
	s5 =	sand.u32 @!p0 $0x7, s31  }
0x11d: {  	[hbm4b:s2+s5] =	stream.linear.scatter @!p0 [tilespmem:s7], [sflag:$0xC], $0x40, $0x38;
	[tilespmem:$0x6A88] =	vst v63  }
0x11e: {  	s2 =	simm.s32 $0x0  }
0x11f: {  	s2 =	simm.s32 @!p0 $0x100  }
0x120: {  	s3 =	sadd.s32 s2, s3  }
.LBB2_22:
0x121: {  	v1 =	vld [tilespmem:s4+$0xFFFFFFE0];
	_ =	sdelay $0x1  }
0x122: {  	s2 =	sadd.s32 $0x1, s25  }
0x123: {  	s25 =	sand.u32 $0x3F, s2  }
0x124: {  	s2 =	sshll.u32 s25, $0x6  }
0x125: {  	[tilespmem:s2+$0x88] =	vst v1  }
0x126: {  	v1 =	vld [tilespmem:s4+$0xFFFFFFF0];
	_ =	sdelay $0x4  }
0x127: {  	[tilespmem:s2+$0x98] =	vst v1  }
0x128: {  	v1 =	vld [tilespmem:s4+$0x0];
	_ =	sdelay $0x4  }
0x129: {  	[tilespmem:s2+$0xA8] =	vst v1  }
0x12a: {  	v1 =	vld [tilespmem:s4+$0x10]  }
.Ltmp18:
0x12b: {  	_ = 	snop;
	(pc) =	sbr.rel .LBB2_23-.Ltmp18, $2  }
0x12c: {  	_ =	sdelay $0x2  }
0x12d: {  	s30 =	sadd.s32 $0x1, s30;
	[tilespmem:s2+$0xB8] =	vst v1  }
.LBB2_24:
.Ltmp19:
0x12e: {  	(pc) =	sbr.rel .LBB2_26-.Ltmp19, $2  }
0x12f: {  	_ =	sdelay $0x2  }
0x130: {  	s2 =	sshrl.u32 s3, $0x2  }
.LBB2_25:
0x131: {  	s0 =	simm.s32 $0x2  }
0x132: {  	_ =	swait.ge [sflag:s0], $0x0  }
0x133: {  	s2 =	simm.s32 $0x0;
	[sflag:s0] =	ssyncset.done $0x0;
	s0 =	smov.u32 s31  }
.LBB2_26:
.Ltmp20:
0x134: {  	_ =	swait.ge [sflag:s11], s2;
	(pc) =	sbr.rel .LBB2_27-.Ltmp20, $4  }
0x135: {  	s31 =	ssub.s32 $0x0, s2;
	v1 =	vmov s28;
	vm0 =	veq.s32 v0, $0x0;
	[sflag:s11] =	ssyncset.done $0x0  }
0x136: {  	vm15 =	veq.s32 v0, $0x2;
	v1 =	vsel vm0, s0, v1;
	[sflag:s11] =	ssyncadd.s32 s31  }
0x137: {  	v1 =	vsel vm15, s25, v1;
	[sflag:s11] =	ssyncpa.u1 $0x1  }
0x138: {  	[tilespmem:$0x2108] =	vst v1  }
.LBB2_28:
0x139: {  	_ =	sfence.sel $0x180000  }
0x13a: {  	s0 =	simm.s32 $0x9;
	[bflag:$0x0] =	sbarrier.arrive $0xFFFF  }
0x13b: {  	s24 =	simm.s32 $0xA;
	[sflag:s0] =	ssyncpa.u1 $0x1  }
0x13c: {  	s25 =	simm.s32 $0xB;
	[sflag:s24] =	ssyncpa.u1 $0x1  }
0x13d: {  	s26 =	simm.s32 $0x2;
	[sflag:s25] =	ssyncpa.u1 $0x1  }
0x13e: {  	[sflag:s26] =	ssyncpa.u1 $0x1  }
0x13f: {  	v0 =	vld [tilespmem:$0x2108];
	_ =	sdelay $0x4  }
0x140: {  	(v2sf) =	vpush v0, $0x0  }
0x141: {  	(v2sf) =	vpush v0, $0x1;
	_ =	sdelay $0x1  }
0x142: {  	(v2sf) =	vpush v0, $0x2;
	_ =	sdelay $0xb  }
0x143: {  	s0 =	spop (v2sf)  }
0x144: {  	s2 =	spop (v2sf)  }
0x145: {  	s3 =	smov.u32 s0;
	p0 =	sne.s32 s0, s2  }
0x146: {  	s4 =	spop (v2sf);
	s3 =	simm.s32 @!p0 $0xFFFFFFFF  }
0x147: {  	v2 =	vimm.s32 $0x1;
	v3 =	vlaneseq.u32;
	p0 =	seq.s32 s4, $0xFFFFFFFF;
	v1 =	vmov s3  }
0x148: {  	s14 =	stileid.u32;
	v0 =	vperm.xlane v0, v2;
	p1 =	sne.s32 @!p0 s0, s2;
	v1 =	vperm.xlane v1, v3  }
0x149: {  	vm0 =	vcmask $0x3F04;
	s6 =	simm.s32 $0x2108;
	s0 =	simm.s32 @!p0 $0x1;
	p1 =	por !p1, p0  }
0x14a: {  	s3 =	sshll.u32 s14, $0x1;
	s2 =	sshll.u32 @!p0 s4, $0x8;
	s0 =	simm.s32 @p1 $0x0;
	v0 =	vsel vm0, v1, v0  }
0x14b: {  	s5 =	sor.u32 $0x800, s3;
	s2 =	sshra.s32 @!p0 s2, $0x2;
	s0 =	sor.u32 @!p0 s0, s3;
	[tilespmem:$0x2108] =	vst v0  }
0x14c: {  	[spmem:s5] =	stream.linear.scatter [tilespmem:s6], [sflag:$0x1], $0x2, $0x38;
	[tilespmem:$0x6A88] =	vst v63  }
0x14d: {  	s2 =	sadd.s32 @!p0 $0x88, s2;
	s0 =	sshll.u32 @!p0 s0, $0x6  }
0x14e: {  	[spmem:s0] =	stream.linear.scatter @!p0 [tilespmem:s2], [sflag:$0x1], $0x40, $0x38;
	[tilespmem:$0x6A88] =	vst v63  }
0x14f: {  	s0 =	simm.s32 @!p0 $0x42  }
0x150: {  	s28 =	simm.s32 $0x1;
	s0 =	simm.s32 @p0 $0x2  }
0x151: {  	_ =	swait.ge [sflag:s28], s0  }
0x152: {  	s0 =	ssub.s32 $0x0, s0;
	[sflag:s28] =	ssyncset.done $0x0  }
0x153: {  	p0 =	sne.s32 s14, $0x0;
	[sflag:s28] =	ssyncadd.s32 s0  }
.Ltmp21:
0x154: {  	_ =	sfence.stream.spmem;
	(pc) =	sbr.rel @p0 .LBB2_45-.Ltmp21, $4  }
0x155: {  	s29 =	simm.s32 $0x3;
	[bflag:$0x0] =	sbarrier.arrive $0xFFFF  }
0x156: {  	s30 =	simm.s32 $0x4;
	[sflag:s29] =	ssyncpa.u1 $0x1  }
0x157: {  	s31 =	simm.s32 $0x3C;
	[sflag:s30] =	ssyncpa.u1 $0x1  }
0x158: {  	s13 =	rddreg [dreg:$0x4];
	[sflag:s31] =	ssyncpa.u1 $0x1  }
0x159: {  	_ =	sfence.stream.spmem;
	s0 =	simm.s32 $0x5  }
0x15a: {  	s2 =	simm.s32 $0x800;
	s3 =	simm.s32 $0x2118;
	[sflag:s0] =	ssyncpa.u1 $0x0  }
0x15b: {  	[tilespmem:s3], [sflag:$0x5] =	stream.linear.gather [spmem:s2], $0x20, $0x38;
	[tilespmem:$0x6A88] =	vst v63  }
0x15c: {  	s26 =	simm.s32 $0x0;
	s28 =	simm.s32 $0x2138  }
0x15d: {  	[tilespmem:s28], [sflag:$0x5] =	stream.linear.gather [spmem:s26], $0x800, $0x38;
	[tilespmem:$0x6A88] =	vst v63  }
0x15e: {  	_ =	swait.ge [sflag:s0], $0x820  }
0x15f: {  	[sflag:s0] =	ssyncset.done $0x0  }
0x160: {  	s29 =	simm.s32 $0x0;
	[sflag:s0] =	ssyncadd.s32 $0xFFFFF7E0  }
0x161: {  	v0 =	vld.msk [tilespmem:s29+$0x2118], $0x1;
	_ =	sdelay $0x1  }
0x162: {  	s30 =	simm.s32 $0x1  }
0x163: {  	v1 =	vld.msk [tilespmem:s30+$0x2118], $0x1;
	_ =	sdelay $0x1  }
0x164: {  	(v2sf) =	vpush v0, $0x0;
	_ =	sdelay $0x2  }
0x165: {  	(v2sf) =	vpush v1, $0x0;
	_ =	sdelay $0x2  }
0x166: {  	s31 =	simm.s32 $0x2  }
0x167: {  	v0 =	vld.msk [tilespmem:s31+$0x2118], $0x1;
	_ =	sdelay $0x2  }
0x168: {  	s2 =	simm.s32 $0xFFFFFFFF;
	s3 =	simm.s32 $0xFFFFFFFF;
	s0 =	simm.s32 $0xC  }
.LBB2_30:
0x169: {  	s4 =	smov.u32 s3;
	s5 =	smov.u32 s2  }
0x16a: {  	s2 =	sshra.s32 s0, $0x2;
	p1 =	sne.s32 s0, $0x7C;
	s0 =	sadd.s32 $0x4, s0;
	(v2sf) =	vpush v0, $0x0  }
0x16b: {  	v0 =	vld.msk [tilespmem:s2+$0x2118], $0x1  }
.Ltmp22:
0x16c: {  	(pc) =	sbr.rel @p1 .LBB2_30-.Ltmp22, $4  }
0x16d: {  	s3 =	spop (v2sf)  }
0x16e: {  	p2 =	sne.s32 s5, $0xFFFFFFFF;
	s2 =	smov.u32 s3  }
0x16f: {  	p3 =	seq.s32 s3, $0xFFFFFFFF;
	s2 =	smov.u32 @p2 s5  }
0x170: {  	s3 =	smov.u32 @p3 s4;
	s2 =	smov.u32 @p3 s5  }
0x171: {  	(v2sf) =	vpush v0, $0x0;
	_ =	sdelay $0x8  }
0x172: {  	s0 =	spop (v2sf)  }
0x173: {  	p1 =	sne.s32 s2, $0xFFFFFFFF;
	s4 =	smov.u32 s0  }
0x174: {  	s9 =	simm.s32 $0x6;
	p2 =	seq.s32 s0, $0xFFFFFFFF;
	s4 =	smov.u32 @p1 s2  }
0x175: {  	s6 =	simm.s32 $0x0;
	s4 =	smov.u32 @p2 s2;
	s2 =	spop (v2sf)  }
0x176: {  	s0 =	smov.u32 @p2 s3;
	p1 =	sne.s32 s4, $0xFFFFFFFF;
	s5 =	smov.u32 s2  }
.Ltmp23:
0x177: {  	p2 =	seq.s32 s2, $0xFFFFFFFF;
	s5 =	smov.u32 @p1 s4;
	(pc) =	sbr.rel .LBB2_32-.Ltmp23, $4  }
0x178: {  	s10 =	simm.s32 $0x20C8;
	s5 =	smov.u32 @p2 s4;
	s7 =	spop (v2sf)  }
0x179: {  	s11 =	simm.s32 $0x0;
	p1 =	sne.s32 s5, $0xFFFFFFFF;
	s8 =	smov.u32 s7  }
0x17a: {  	s2 =	smov.u32 @p2 s0;
	p2 =	seq.s32 s7, $0xFFFFFFFF;
	s8 =	smov.u32 @p1 s5  }
0x17b: {  	[sflag:s9] =	ssyncpa.u1 $0x0;
	s7 =	smov.u32 @p2 s2;
	s8 =	smov.u32 @p2 s5  }
.LBB2_38:
0x17c: {  	p1 =	sgt.u32 s0, $0x1FFF8  }
0x17d: {  	p2 =	seq.s32 @!p1 s0, s8  }
0x17e: {  	p1 =	por p1, p2  }
0x17f: {  	p2 =	sne.s32 @!p1 s0, s7  }
0x180: {  	p1 =	por p1, !p2  }
0x181: {  	s0 =	sshll.u32 @p1 s11, $0x8  }
0x182: {  	s2 =	sand.u32 @!p1 $0x1FFF8, s0  }
0x183: {  	s0 =	sand.u32 @!p1 $0x7, s0;
	s2 =	sadd.s32 @!p1 s1, s2  }
0x184: {  	[tilespmem:s10], [sflag:$0x6] =	stream.linear.gather @!p1 [hbm4b:s2+s0], $0x40, $0x38;
	[tilespmem:$0x6A88] =	vst v63  }
0x185: {  	_ =	swait.ge @!p1 [sflag:s9], $0x40  }
0x186: {  	[sflag:s9] =	ssyncset.done @!p1 $0x0  }
0x187: {  	[sflag:s9] =	ssyncadd.s32 @!p1 $0xFFFFFFC0  }
0x188: {  	v1 =	vld @!p1 [tilespmem:$0x20C8];
	_ =	sdelay $0x2  }
0x189: {  	s0 =	sshll.u32 @!p1 s11, $0x8  }
0x18a: {  	s2 =	sshrl.u32 @!p1 s0, $0x2  }
0x18b: {  	[tilespmem:s2+$0x2138] =	vst.add.f32.msk @!p1 $0xffff, v1  }
0x18c: {  	v1 =	vld @!p1 [tilespmem:$0x20D8];
	_ =	sdelay $0x4  }
0x18d: {  	[tilespmem:s2+$0x2148] =	vst.add.f32.msk @!p1 $0xffff, v1  }
0x18e: {  	v1 =	vld @!p1 [tilespmem:$0x20E8];
	_ =	sdelay $0x4  }
0x18f: {  	[tilespmem:s2+$0x2158] =	vst.add.f32.msk @!p1 $0xffff, v1  }
0x190: {  	v1 =	vld @!p1 [tilespmem:$0x20F8];
	_ =	sdelay $0x4  }
0x191: {  	[tilespmem:s2+$0x2168] =	vst.add.f32.msk @!p1 $0xffff, v1  }
0x192: {  	s0 =	sshrl.u32 s0, $0x2;
	[tilespmem:s6+$0x2118] =	vst.msk $0x1, v0  }
0x193: {  	v0 =	vld [tilespmem:s0+$0x2138];
	_ =	sdelay $0x2  }
0x194: {  	s31 =	sshll.u32 s6, $0x8  }
0x195: {  	s2 =	sshra.s32 s31, $0x2  }
0x196: {  	[tilespmem:s2+$0x2138] =	vst v0  }
0x197: {  	v0 =	vld [tilespmem:s0+$0x2148];
	_ =	sdelay $0x4  }
0x198: {  	[tilespmem:s2+$0x2148] =	vst v0  }
0x199: {  	v0 =	vld [tilespmem:s0+$0x2158];
	_ =	sdelay $0x4  }
0x19a: {  	[tilespmem:s2+$0x2158] =	vst v0  }
0x19b: {  	v0 =	vld [tilespmem:s0+$0x2168];
	_ =	sdelay $0x4  }
0x19c: {  	s6 =	sadd.s32 $0x1, s6;
	[tilespmem:s2+$0x2168] =	vst v0  }
.LBB2_39:
0x19d: {  	s11 =	sadd.s32 $0x1, s11  }
0x19e: {  	p1 =	sne.s32 s11, $0x20  }
.Ltmp24:
0x19f: {  	_ = 	snop;
	(pc) =	sbr.rel @!p1 .LBB2_40-.Ltmp24, $1  }
0x1a0: {  	_ =	sdelay $0x3  }
.LBB2_32:
0x1a1: {  	v0 =	vld.msk [tilespmem:s11+$0x2118], $0x1;
	_ =	sdelay $0x4  }
0x1a2: {  	(v2sf) =	vpush v0, $0x0;
	_ =	sdelay $0xe  }
0x1a3: {  	s0 =	spop (v2sf)  }
0x1a4: {  	p1 =	seq.s32 s0, $0xFFFFFFFF  }
.Ltmp25:
0x1a5: {  	_ = 	snop;
	(pc) =	sbr.rel @p1 .LBB2_39-.Ltmp25, $1  }
0x1a6: {  	_ =	sdelay $0x3  }
0x1a7: {  	p1 =	slt.s32 s6, $0x1  }
.Ltmp26:
0x1a8: {  	_ = 	snop;
	(pc) =	sbr.rel @p1 .LBB2_38-.Ltmp26, $1  }
0x1a9: {  	_ =	sdelay $0x3  }
0x1aa: {  	s2 =	simm.s32 $0x2118;
	p1 =	por $0x0, $0x0  }
0x1ab: {  	v1 =	vld.msk @!p1 [tilespmem:s2+$0x0], $0x1;
	_ =	sdelay $0x4  }
0x1ac: {  	(v2sf) =	vpush @!p1 v1, $0x0;
	_ =	sdelay $0xd  }
0x1ad: {  	p3 =	sne.s32 s6, $0x1  }
.Ltmp27:
0x1ae: {  	s3 =	spop @!p1 (v2sf);
	(pc) =	sbr.rel @!p3 .LBB2_36-.Ltmp27, $4  }
0x1af: {  	p2 =	seq.s32 @!p1 s0, s3  }
0x1b0: {  	s3 =	simm.s32 $0x0;
	p2 =	por !p2, p1  }
0x1b1: {  	s5 =	simm.s32 $0xFFFFFFFF;
	s3 =	simm.s32 @p2 $0xFFFFFFFF  }
0x1b2: {  	s4 =	simm.s32 $0x1;
	s3 =	smov.u32 @p1 s5  }
.LBB2_35:
0x1b3: {  	s5 =	smov.u32 s3;
	p1 =	sne.s32 s3, $0xFFFFFFFF  }
0x1b4: {  	s2 =	sadd.s32 $0x1, s2;
	s3 =	smov.u32 s4;
	s4 =	sadd.s32 $0x1, s4  }
0x1b5: {  	p2 =	sne.s32 s6, s4;
	v1 =	vld.msk @!p1 [tilespmem:s2+$0x0], $0x1;
	_ =	sdelay $0x4  }
0x1b6: {  	(v2sf) =	vpush @!p1 v1, $0x0;
	_ =	sdelay $0xe  }
.Ltmp28:
0x1b7: {  	s12 =	spop @!p1 (v2sf);
	(pc) =	sbr.rel @p2 .LBB2_35-.Ltmp28, $4  }
0x1b8: {  	p3 =	seq.s32 @!p1 s0, s12  }
0x1b9: {  	p3 =	por !p3, p1  }
0x1ba: {  	s3 =	simm.s32 @p3 $0xFFFFFFFF  }
0x1bb: {  	s3 =	smov.u32 @p1 s5  }
.LBB2_36:
0x1bc: {  	p1 =	seq.s32 s3, $0xFFFFFFFF  }
.Ltmp29:
0x1bd: {  	_ = 	snop;
	(pc) =	sbr.rel @p1 .LBB2_38-.Ltmp29, $1  }
0x1be: {  	_ =	sdelay $0x3  }
0x1bf: {  	s0 =	sshll.u32 s11, $0x6  }
0x1c0: {  	s0 =	sand.u32 $0x3FFFFFC0, s0  }
0x1c1: {  	v0 =	vld [tilespmem:s0+$0x2138];
	_ =	sdelay $0x2  }
0x1c2: {  	s2 =	sshll.u32 s3, $0x8  }
0x1c3: {  	s2 =	sshra.s32 s2, $0x2  }
0x1c4: {  	[tilespmem:s2+$0x2138] =	vst.add.f32.msk $0xffff, v0  }
0x1c5: {  	v0 =	vld [tilespmem:s0+$0x2148];
	_ =	sdelay $0x4  }
0x1c6: {  	[tilespmem:s2+$0x2148] =	vst.add.f32.msk $0xffff, v0  }
0x1c7: {  	v0 =	vld [tilespmem:s0+$0x2158];
	_ =	sdelay $0x4  }
0x1c8: {  	[tilespmem:s2+$0x2158] =	vst.add.f32.msk $0xffff, v0  }
0x1c9: {  	v0 =	vld [tilespmem:s0+$0x2168]  }
.Ltmp30:
0x1ca: {  	_ = 	snop;
	(pc) =	sbr.rel .LBB2_39-.Ltmp30, $2  }
0x1cb: {  	_ =	sdelay $0x2  }
0x1cc: {  	[tilespmem:s2+$0x2168] =	vst.add.f32.msk $0xffff, v0  }
.LBB2_40:
0x1cd: {  	s0 =	simm.s32 $0x6;
	p1 =	seq.s32 s6, $0x0  }
0x1ce: {  	[sflag:s0] =	ssyncpa.u1 $0x1;
	v0 =	vimm.s32 @p1 $0xFFFFFFFF  }
0x1cf: {  	s0 =	sadd.s32 $0xFFFFFFFF, s6;
	[tilespmem:$0x2938] =	vst @p1 v0  }
0x1d0: {  	v0 =	vld.msk @!p1 [tilespmem:s0+$0x2118], $0x1;
	_ =	sdelay $0x1  }
0x1d1: {  	v1 =	vld.msk @!p1 [tilespmem:$0x2118], $0x1;
	_ =	sdelay $0x2  }
0x1d2: {  	p2 =	seq.s32 @!p1 s0, $0x0;
	v0 =	vbroadcast @!p1 v0, $0x0  }
0x1d3: {  	vm0 =	vmmov @!p1 $0x1;
	p2 =	por !p2, p1  }
0x1d4: {  	v1 =	vnsel @!p1 vm0, $0xFFFFFFFF, v1;
	vm0 =	vcmask @!p1 $0x308;
	v0 =	vpsel !p2, $0xFFFFFFFF, v0  }
0x1d5: {  	p2 =	sne.s32 @!p1 s8, s7;
	v0 =	vsel @!p1 vm0, v1, v0  }
0x1d6: {  	s2 =	simm.s32 @!p1 $0x2138;
	s3 =	simm.s32 @!p1 $0x0;
	p3 =	por !p2, p1;
	[tilespmem:$0x2938] =	vst @!p1 v0  }
0x1d7: {  	[spmem:s3] =	stream.linear.scatter @!p1 [tilespmem:s2], [sflag:$0x1], $0x40, $0x38;
	[tilespmem:$0x6A88] =	vst v63  }
0x1d8: {  	s2 =	sshll.u32 @!p3 s0, $0x8  }
0x1d9: {  	s2 =	sshra.s32 @!p3 s2, $0x2  }
0x1da: {  	s3 =	simm.s32 @!p3 $0x40;
	s2 =	sadd.s32 @!p3 $0x2138, s2  }
0x1db: {  	[spmem:s3] =	stream.linear.scatter @!p3 [tilespmem:s2], [sflag:$0x1], $0x40, $0x38;
	[tilespmem:$0x6A88] =	vst v63  }
0x1dc: {  	s2 =	simm.s32 @!p3 $0x1  }
0x1dd: {  	_ =	swait.ge @!p3 [sflag:s2], $0x80  }
0x1de: {  	p1 =	por p2, p1;
	[sflag:s2] =	ssyncset.done @!p3 $0x0  }
0x1df: {  	[sflag:s2] =	ssyncadd.s32 @!p3 $0xFFFFFF80;
	s2 =	simm.s32 @!p1 $0x1  }
0x1e0: {  	_ =	swait.ge @!p1 [sflag:s2], $0x40  }
0x1e1: {  	s29 =	simm.s32 $0x2938;
	[sflag:s2] =	ssyncset.done @!p1 $0x0  }
0x1e2: {  	s30 =	simm.s32 $0x800;
	s31 =	simm.s32 $0x1;
	[sflag:s2] =	ssyncadd.s32 @!p1 $0xFFFFFFC0  }
0x1e3: {  	[spmem:s30] =	stream.linear.scatter [tilespmem:s29], [sflag:$0x1], $0x10, $0x38;
	[tilespmem:$0x6A88] =	vst v63  }
0x1e4: {  	_ =	swait.ge [sflag:s31], $0x10  }
0x1e5: {  	[sflag:s31] =	ssyncset.done $0x0  }
0x1e6: {  	p1 =	seq.s32 s13, $0x0;
	s9 =	rddreg [dreg:$0x1];
	[sflag:s31] =	ssyncadd.s32 $0xFFFFFFF0  }
0x1e7: {  	s3 =	sshll.u32 @p1 s9, $0xE;
	s8 =	rddreg [dreg:$0x2]  }
0x1e8: {  	s2 =	sadd.s32 @p1 $0x15C3C, s3;
	s3 =	sshll.u32 @p1 s8, $0x11  }
0x1e9: {  	_ =	sfence.stream.spmem;
	s2 =	sor.u32 @p1 s3, s2  }
0x1ea: {  	[sflag:s2] =	ssyncadd.remote.s32 @p1 $0x1;
	s2 =	simm.s32 @p1 $0x4  }
0x1eb: {  	s4 =	simm.s32 @!p1 $0x3C;
	s3 =	sand.u32 $0xFFFFFFFE, s9;
	_ =	swait.ge @p1 [sflag:s2], $0x12  }
0x1ec: {  	s5 =	simm.s32 @!p1 $0x0;
	s3 =	sadd.s32 @!p1 $0x4, s3;
	[sflag:s2] =	ssyncset.done @p1 $0x0  }
0x1ed: {  	s7 =	simm.s32 @!p1 $0x80;
	[sflag:s2] =	ssyncadd.s32 @p1 $0xFFFFFFEE;
	s2 =	sshll.u32 @!p1 s3, $0x1A  }
0x1ee: {  	s3 =	sshll.u32 @!p1 s3, $0xD;
	s2 =	sor.u32 @!p1 s2, s8;
	_ =	swait.eq @!p1 [sflag:s4], $0x1  }
0x1ef: {  	s3 =	sor.u32 @!p1 $0x1C04, s3;
	s4 =	simm.s32 @!p1 $0x1C03;
	s2 =	sor.u32 @!p1 $0x80004000, s2  }
0x1f0: {  	[spmem:s7], [sflag:s3] =	dma.general @!p1 [spmem:s5], [sflag:s4], length:$0x10, [dreg:$0x0], stride_count:$0x0, ici_dest:s2, dma_misc:DstOpCode:WRITE  }
0x1f1: {  	p2 =	slt.s32 s0, $0x2;
	s5 =	simm.s32 @!p1 $0x100;
	s7 =	simm.s32 @!p1 $0x102  }
0x1f2: {  	[spmem:s7], [sflag:s3] =	dma.general @!p1 [spmem:s5], [sflag:s4], length:$0x2, [dreg:$0x0], stride_count:$0x0, ici_dest:s2, dma_misc:DstOpCode:WRITE  }
.Ltmp31:
0x1f3: {  	s2 =	simm.s32 @!p1 $0x3;
	(pc) =	sbr.rel @p2 .LBB2_44-.Ltmp31, $4  }
0x1f4: {  	s3 =	sshll.u32 @!p1 s9, $0xE;
	_ =	swait.ge @!p1 [sflag:s2], $0x12  }
0x1f5: {  	s4 =	sshll.u32 @!p1 s8, $0x11;
	s3 =	sadd.s32 @!p1 $0x11C3C, s3;
	[sflag:s2] =	ssyncset.done @!p1 $0x0  }
0x1f6: {  	[sflag:s2] =	ssyncadd.s32 @!p1 $0xFFFFFFEE;
	s2 =	sor.u32 @!p1 s4, s3  }
0x1f7: {  	s0 =	simm.s32 $0x0;
	[sflag:s2] =	ssyncadd.remote.s32 @!p1 $0xFFFFFFFF  }
0x1f8: {  	s0 =	simm.s32 $0x2119  }
0x1f9: {  	v0 =	vld.msk [tilespmem:s0+$0x0], $0x1;
	_ =	sdelay $0x4  }
0x1fa: {  	(v2sf) =	vpush v0, $0x0;
	_ =	sdelay $0xc  }
0x1fb: {  	s2 =	sadd.s32 $0xFFFFFFFE, s6  }
0x1fc: {  	s2 =	sadd.s32 $0xFFFFFFFF, s2  }
0x1fd: {  	p2 =	sne.s32 s2, $0x0;
	s3 =	spop (v2sf)  }
.Ltmp32:
0x1fe: {  	p1 =	sgt.u32 s3, $0x1FFF8;
	(pc) =	sbr.rel @!p2 .LBB2_43-.Ltmp32, $4  }
0x1ff: {  	s5 =	simm.s32 $0x0;
	s4 =	sand.u32 @!p1 $0x1FFF8, s3  }
0x200: {  	s0 =	simm.s32 $0x2178;
	s3 =	sand.u32 @!p1 $0x7, s3;
	s4 =	sadd.s32 @!p1 s1, s4  }
0x201: {  	[hbm4b:s4+s3] =	stream.linear.scatter @!p1 [tilespmem:s0], [sflag:$0x5], $0x40, $0x38;
	[tilespmem:$0x6A88] =	vst v63  }
0x202: {  	s5 =	simm.s32 @!p1 $0x100;
	s3 =	simm.s32 $0x0;
	s4 =	simm.s32 $0x211A  }
.LBB2_42:
0x203: {  	v0 =	vld.msk [tilespmem:s4+$0x0], $0x1;
	s2 =	sadd.s32 $0xFFFFFFFF, s2;
	s3 =	sadd.s32 s3, s5  }
0x204: {  	p1 =	sne.s32 s2, $0x0;
	_ =	sdelay $0x3  }
0x205: {  	(v2sf) =	vpush v0, $0x0;
	_ =	sdelay $0xe  }
.Ltmp33:
0x206: {  	s6 =	spop (v2sf);
	(pc) =	sbr.rel @p1 .LBB2_42-.Ltmp33, $4  }
0x207: {  	s5 =	simm.s32 $0x0;
	p2 =	sgt.u32 s6, $0x1FFF8  }
0x208: {  	s0 =	sadd.s32 $0x40, s0;
	s5 =	simm.s32 @!p2 $0x100;
	s7 =	sand.u32 @!p2 $0x1FFF8, s6  }
0x209: {  	s4 =	sadd.s32 $0x1, s4;
	s6 =	sand.u32 @!p2 $0x7, s6;
	s7 =	sadd.s32 @!p2 s1, s7  }
0x20a: {  	[hbm4b:s7+s6] =	stream.linear.scatter @!p2 [tilespmem:s0], [sflag:$0x5], $0x40, $0x38;
	[tilespmem:$0x6A88] =	vst v63  }
.LBB2_43:
0x20b: {  	s0 =	sadd.s32 s3, s5  }
0x20c: {  	s0 =	sshrl.u32 s0, $0x2  }
.LBB2_44:
0x20d: {  	s2 =	simm.s32 $0x5  }
0x20e: {  	_ =	swait.ge [sflag:s2], s0  }
0x20f: {  	s31 =	ssub.s32 $0x0, s0;
	[sflag:s2] =	ssyncset.done $0x0  }
0x210: {  	[sflag:s2] =	ssyncadd.s32 s31  }
0x211: {  	[sflag:s2] =	ssyncpa.u1 $0x1  }
.LBB2_45:
0x212: {  	s0 =	sor.u32 s13, s14  }
0x213: {  	p1 =	sne.s32 s0, $0x0  }
.Ltmp34:
0x214: {  	_ = 	snop;
	(pc) =	sbr.rel @p1 .LBB2_60-.Ltmp34, $3  }
0x215: {  	_ =	sdelay $0x1  }
0x216: {  	[bflag:$0x0] =	sbarrier.arrive $0xFFFF  }
0x217: {  	_ =	sfence  }
0x218: {  	s0 =	simm.s32 $0x7  }
0x219: {  	s2 =	simm.s32 $0x800;
	s3 =	simm.s32 $0x2118;
	[sflag:s0] =	ssyncpa.u1 $0x0  }
0x21a: {  	[tilespmem:s3], [sflag:$0x7] =	stream.linear.gather [spmem:s2], $0x20, $0x38;
	[tilespmem:$0x6A88] =	vst v63  }
0x21b: {  	s30 =	simm.s32 $0x2138;
	s2 =	simm.s32 $0x0  }
0x21c: {  	[tilespmem:s30], [sflag:$0x7] =	stream.linear.gather [spmem:s2], $0x800, $0x38;
	[tilespmem:$0x6A88] =	vst v63  }
.Ltmp35:
0x21d: {  	_ = 	snop;
	(pc) =	sbr.rel .LBB2_47-.Ltmp35, $4  }
0x21e: {  	_ =	swait.ge [sflag:s0], $0x820  }
0x21f: {  	[sflag:s0] =	ssyncset.done $0x0  }
0x220: {  	s31 =	simm.s32 $0x8;
	[sflag:s0] =	ssyncadd.s32 $0xFFFFF7E0  }
0x221: {  	s3 =	simm.s32 $0x0;
	[sflag:s31] =	ssyncpa.u1 $0x0  }
.LBB2_53:
0x222: {  	p1 =	slt.u32 s0, $0x1FFF9  }
0x223: {  	s4 =	sand.u32 @p1 $0x1FFF8, s0  }
0x224: {  	s0 =	sand.u32 @p1 $0x7, s0;
	s5 =	simm.s32 @p1 $0x20C8;
	s4 =	sadd.s32 @p1 s1, s4  }
0x225: {  	[tilespmem:s5], [sflag:$0x8] =	stream.linear.gather @p1 [hbm4b:s4+s0], $0x40, $0x38;
	[tilespmem:$0x6A88] =	vst v63  }
0x226: {  	s0 =	simm.s32 @p1 $0x8  }
0x227: {  	_ =	swait.ge @p1 [sflag:s0], $0x40  }
0x228: {  	[sflag:s0] =	ssyncset.done @p1 $0x0  }
0x229: {  	[sflag:s0] =	ssyncadd.s32 @p1 $0xFFFFFFC0  }
0x22a: {  	v1 =	vld @p1 [tilespmem:$0x20C8];
	_ =	sdelay $0x2  }
0x22b: {  	s0 =	sshll.u32 @p1 s3, $0x8  }
0x22c: {  	s4 =	sshrl.u32 @p1 s0, $0x2  }
0x22d: {  	[tilespmem:s4+$0x2138] =	vst.add.f32.msk @p1 $0xffff, v1  }
0x22e: {  	v1 =	vld @p1 [tilespmem:$0x20D8];
	_ =	sdelay $0x4  }
0x22f: {  	[tilespmem:s4+$0x2148] =	vst.add.f32.msk @p1 $0xffff, v1  }
0x230: {  	v1 =	vld @p1 [tilespmem:$0x20E8];
	_ =	sdelay $0x4  }
0x231: {  	[tilespmem:s4+$0x2158] =	vst.add.f32.msk @p1 $0xffff, v1  }
0x232: {  	v1 =	vld @p1 [tilespmem:$0x20F8];
	_ =	sdelay $0x3  }
0x233: {  	s5 =	sshll.u32 @!p1 s3, $0x8  }
0x234: {  	s5 =	smov.u32 @p1 s0;
	[tilespmem:s4+$0x2168] =	vst.add.f32.msk @p1 $0xffff, v1  }
0x235: {  	s0 =	sshrl.u32 s5, $0x2;
	[tilespmem:s2+$0x2118] =	vst.msk $0x1, v0  }
0x236: {  	v0 =	vld [tilespmem:s0+$0x2138];
	_ =	sdelay $0x2  }
0x237: {  	s31 =	sshll.u32 s2, $0x8  }
0x238: {  	s4 =	sshra.s32 s31, $0x2  }
0x239: {  	[tilespmem:s4+$0x2138] =	vst v0  }
0x23a: {  	v0 =	vld [tilespmem:s0+$0x2148];
	_ =	sdelay $0x4  }
0x23b: {  	[tilespmem:s4+$0x2148] =	vst v0  }
0x23c: {  	v0 =	vld [tilespmem:s0+$0x2158];
	_ =	sdelay $0x4  }
0x23d: {  	[tilespmem:s4+$0x2158] =	vst v0  }
0x23e: {  	v0 =	vld [tilespmem:s0+$0x2168];
	_ =	sdelay $0x4  }
0x23f: {  	s2 =	sadd.s32 $0x1, s2;
	[tilespmem:s4+$0x2168] =	vst v0  }
.LBB2_54:
0x240: {  	s3 =	sadd.s32 $0x1, s3  }
0x241: {  	p1 =	sne.s32 s3, $0x20  }
.Ltmp36:
0x242: {  	_ = 	snop;
	(pc) =	sbr.rel @!p1 .LBB2_55-.Ltmp36, $1  }
0x243: {  	_ =	sdelay $0x3  }
.LBB2_47:
0x244: {  	v0 =	vld.msk [tilespmem:s3+$0x2118], $0x1;
	_ =	sdelay $0x4  }
0x245: {  	(v2sf) =	vpush v0, $0x0;
	_ =	sdelay $0xe  }
0x246: {  	s0 =	spop (v2sf)  }
0x247: {  	p1 =	seq.s32 s0, $0xFFFFFFFF  }
.Ltmp37:
0x248: {  	_ = 	snop;
	(pc) =	sbr.rel @p1 .LBB2_54-.Ltmp37, $1  }
0x249: {  	_ =	sdelay $0x3  }
0x24a: {  	p1 =	slt.s32 s2, $0x1  }
.Ltmp38:
0x24b: {  	_ = 	snop;
	(pc) =	sbr.rel @p1 .LBB2_53-.Ltmp38, $1  }
0x24c: {  	_ =	sdelay $0x3  }
0x24d: {  	s4 =	simm.s32 $0x2118;
	p1 =	por $0x0, $0x0  }
0x24e: {  	v1 =	vld.msk @!p1 [tilespmem:s4+$0x0], $0x1;
	_ =	sdelay $0x4  }
0x24f: {  	(v2sf) =	vpush @!p1 v1, $0x0;
	_ =	sdelay $0xd  }
0x250: {  	p3 =	sne.s32 s2, $0x1  }
.Ltmp39:
0x251: {  	s5 =	spop @!p1 (v2sf);
	(pc) =	sbr.rel @!p3 .LBB2_51-.Ltmp39, $4  }
0x252: {  	p2 =	seq.s32 @!p1 s0, s5  }
0x253: {  	s5 =	simm.s32 $0x0;
	p2 =	por !p2, p1  }
0x254: {  	s7 =	simm.s32 $0xFFFFFFFF;
	s5 =	simm.s32 @p2 $0xFFFFFFFF  }
0x255: {  	s6 =	simm.s32 $0x1;
	s5 =	smov.u32 @p1 s7  }
.LBB2_50:
0x256: {  	s7 =	smov.u32 s5;
	p1 =	sne.s32 s5, $0xFFFFFFFF  }
0x257: {  	s4 =	sadd.s32 $0x1, s4;
	s5 =	smov.u32 s6;
	s6 =	sadd.s32 $0x1, s6  }
0x258: {  	p2 =	sne.s32 s2, s6;
	v1 =	vld.msk @!p1 [tilespmem:s4+$0x0], $0x1;
	_ =	sdelay $0x4  }
0x259: {  	(v2sf) =	vpush @!p1 v1, $0x0;
	_ =	sdelay $0xe  }
.Ltmp40:
0x25a: {  	s8 =	spop @!p1 (v2sf);
	(pc) =	sbr.rel @p2 .LBB2_50-.Ltmp40, $4  }
0x25b: {  	p3 =	seq.s32 @!p1 s0, s8  }
0x25c: {  	p3 =	por !p3, p1  }
0x25d: {  	s5 =	simm.s32 @p3 $0xFFFFFFFF  }
0x25e: {  	s5 =	smov.u32 @p1 s7  }
.LBB2_51:
0x25f: {  	p1 =	seq.s32 s5, $0xFFFFFFFF  }
.Ltmp41:
0x260: {  	_ = 	snop;
	(pc) =	sbr.rel @p1 .LBB2_53-.Ltmp41, $1  }
0x261: {  	_ =	sdelay $0x3  }
0x262: {  	s0 =	sshll.u32 s3, $0x6  }
0x263: {  	s0 =	sand.u32 $0x3FFFFFC0, s0  }
0x264: {  	v0 =	vld [tilespmem:s0+$0x2138];
	_ =	sdelay $0x2  }
0x265: {  	s4 =	sshll.u32 s5, $0x8  }
0x266: {  	s4 =	sshra.s32 s4, $0x2  }
0x267: {  	[tilespmem:s4+$0x2138] =	vst.add.f32.msk $0xffff, v0  }
0x268: {  	v0 =	vld [tilespmem:s0+$0x2148];
	_ =	sdelay $0x4  }
0x269: {  	[tilespmem:s4+$0x2148] =	vst.add.f32.msk $0xffff, v0  }
0x26a: {  	v0 =	vld [tilespmem:s0+$0x2158];
	_ =	sdelay $0x4  }
0x26b: {  	[tilespmem:s4+$0x2158] =	vst.add.f32.msk $0xffff, v0  }
0x26c: {  	v0 =	vld [tilespmem:s0+$0x2168]  }
.Ltmp42:
0x26d: {  	_ = 	snop;
	(pc) =	sbr.rel .LBB2_54-.Ltmp42, $2  }
0x26e: {  	_ =	sdelay $0x2  }
0x26f: {  	[tilespmem:s4+$0x2168] =	vst.add.f32.msk $0xffff, v0  }
.LBB2_55:
0x270: {  	p1 =	slt.s32 s2, $0x1  }
.Ltmp43:
0x271: {  	_ = 	snop;
	(pc) =	sbr.rel @p1 .LBB2_59-.Ltmp43, $3  }
0x272: {  	_ =	sdelay $0x1  }
0x273: {  	s0 =	simm.s32 $0x8  }
0x274: {  	[sflag:s0] =	ssyncpa.u1 $0x1;
	s0 =	simm.s32 $0x0  }
0x275: {  	s3 =	simm.s32 $0x2118  }
0x276: {  	v0 =	vld.msk [tilespmem:s3+$0x0], $0x1;
	_ =	sdelay $0x4  }
0x277: {  	(v2sf) =	vpush v0, $0x0;
	_ =	sdelay $0xe  }
0x278: {  	s2 =	sadd.s32 $0xFFFFFFFF, s2;
	s4 =	spop (v2sf)  }
0x279: {  	p2 =	sne.s32 s2, $0x0;
	p1 =	sgt.u32 s4, $0x1FFF8  }
.Ltmp44:
0x27a: {  	s5 =	sand.u32 @!p1 $0x1FFF8, s4;
	(pc) =	sbr.rel @!p2 .LBB2_58-.Ltmp44, $4  }
0x27b: {  	s3 =	simm.s32 $0x2138;
	s4 =	sand.u32 @!p1 $0x7, s4;
	s5 =	sadd.s32 @!p1 s1, s5  }
0x27c: {  	[hbm4b:s5+s4] =	stream.linear.scatter @!p1 [tilespmem:s3], [sflag:$0x7], $0x40, $0x38;
	[tilespmem:$0x6A88] =	vst v63  }
0x27d: {  	s5 =	simm.s32 $0x0  }
0x27e: {  	s4 =	simm.s32 $0x2119;
	s5 =	simm.s32 @!p1 $0x100  }
.LBB2_57:
0x27f: {  	v0 =	vld.msk [tilespmem:s4+$0x0], $0x1;
	s2 =	sadd.s32 $0xFFFFFFFF, s2;
	s0 =	sadd.s32 s0, s5  }
0x280: {  	p1 =	sne.s32 s2, $0x0;
	_ =	sdelay $0x3  }
0x281: {  	(v2sf) =	vpush v0, $0x0;
	_ =	sdelay $0xe  }
.Ltmp45:
0x282: {  	s6 =	spop (v2sf);
	(pc) =	sbr.rel @p1 .LBB2_57-.Ltmp45, $4  }
0x283: {  	s5 =	simm.s32 $0x0;
	p2 =	sgt.u32 s6, $0x1FFF8  }
0x284: {  	s3 =	sadd.s32 $0x40, s3;
	s5 =	simm.s32 @!p2 $0x100;
	s7 =	sand.u32 @!p2 $0x1FFF8, s6  }
0x285: {  	s4 =	sadd.s32 $0x1, s4;
	s6 =	sand.u32 @!p2 $0x7, s6;
	s7 =	sadd.s32 @!p2 s1, s7  }
0x286: {  	[hbm4b:s7+s6] =	stream.linear.scatter @!p2 [tilespmem:s3], [sflag:$0x7], $0x40, $0x38;
	[tilespmem:$0x6A88] =	vst v63  }
.LBB2_58:
0x287: {  	s0 =	sadd.s32 s0, s5  }
0x288: {  	s0 =	sshrl.u32 s0, $0x2  }
.LBB2_59:
0x289: {  	s1 =	simm.s32 $0x7  }
0x28a: {  	_ =	swait.ge [sflag:s1], s0  }
0x28b: {  	s31 =	ssub.s32 $0x0, s0;
	[sflag:s1] =	ssyncset.done $0x0  }
0x28c: {  	[sflag:s1] =	ssyncadd.s32 s31  }
0x28d: {  	[sflag:s1] =	ssyncpa.u1 $0x1  }
.LBB2_60:
0x28e: {  	_ =	sfence;
	s0 =	simm.s32 $0x1  }
0x28f: {  	[sflag:s0] =	ssyncpa.u1 $0x1  }
0x290: {  	_ =	strace $0x9000005F  }
0x291: {  	[bflag:$0x2] =	sbarrier.arrive $0xFFFF  }
0x292: {  	s0 =	rddreg [dreg:$0x3]  }
0x293: {  	s0 =	sadd.s32 @!p0 $0x100000, s0  }
0x294: {  	[sflag:s0] =	ssyncadd.tile.s32 @!p0 $0x1;
	_ =	shalt  }
.Lfunc_end2:
_tile_overlayer_lowered:
.L_overlay_start_2:
0x295: {  	(tag) =	ssettag $0x2  }
0x296: {  	s0 =	rddreg [dreg:$0x0];
	s2 =	stileid.u32  }
0x297: {  	s1 =	rddreg [dreg:$0x1];
	p0 =	sne.s32 s2, $0x0  }
0x298: {  	s3 =	rddreg [dreg:$0x2];
	[bflag:$0x3] =	sbarrier.arrive $0xFFFF;
	s2 =	simm.s32 @!p0 $0x1C01  }
0x299: {  	[timem:s3], [sflag:s2] =	dma.local @!p0 [hbm:s0], s1  }
0x29a: {  	s0 =	simm.s32 @!p0 $0x1  }
0x29b: {  	_ =	swait.ge @!p0 [sflag:s0], s1  }
0x29c: {  	s1 =	ssub.s32 @!p0 $0x0, s1;
	[sflag:s0] =	ssyncset.done @!p0 $0x0  }
0x29d: {  	[sflag:s0] =	ssyncadd.s32 @!p0 s1  }
0x29e: {  	[bflag:$0x3] =	sbarrier.arrive $0xFFFF  }
0x29f: {  	_ =	shalt  }

// kernel: scatter_offload_async_start.3
scs
__scs_entry_jumppad:
0x0: {  	(pc) =	sbr.rel $0x88, $3  }
0x1: {  	(tag) =	ssettag $0x0;
	lr =	simm.s32 $0x1  }
0x2: {  	[smem:$0x3F9B] =	sst lr;
	_ =	strace $0xD0000000  }
0x3: {  	_ = 	snop  }
0x4: {  	_ = 	snop  }
0x5: {  	_ = 	snop  }
0x6: {  	_ = 	snop  }
0x7: {  	_ = 	snop  }
__scs_overlays_trampoline_lowered:
0x8: {  	[smem:$0x3FAA] =	sst s0  }
0x9: {  	[smem:$0x3FAB] =	sst s1  }
0xa: {  	[smem:$0x3FAC] =	sst s2  }
0xb: {  	[smem:$0x3FAD] =	sst s3  }
0xc: {  	[smem:$0x3FAE] =	sst s4  }
0xd: {  	[smem:$0x3FAF] =	sst s5  }
0xe: {  	[smem:$0x3FB0] =	sst s6  }
0xf: {  	[smem:$0x3FB1] =	sst s7  }
0x10: {  	[smem:$0x3FB2] =	sst s8  }
0x11: {  	[smem:$0x3FB3] =	sst s9;
	s0 =	simm.s32 @!p0 $0x0  }
0x12: {  	s1 =	sld [smem:$0x3F99];
	s0 =	simm.s32 @p0 $0x1  }
0x13: {  	[smem:$0x3FB4] =	sst s0;
	s0 =	simm.s32 @!p1 $0x0  }
0x14: {  	s2 =	sld [smem:$0x3F98];
	s0 =	simm.s32 @p1 $0x1  }
0x15: {  	[smem:$0x3FB5] =	sst s0;
	s0 =	simm.s32 @!p2 $0x0  }
0x16: {  	s3 =	sld [smem:$0x3FDB];
	s0 =	simm.s32 @p2 $0x1  }
0x17: {  	s4 =	simm.s32 $0x1BF5;
	[smem:$0x3FB7] =	sst s0  }
0x18: {  	s0 =	sld [smem:$0x3F9A];
	_ =	swait.ge [sflag:s4], $0x0  }
0x19: {  	s7 =	sld [smem:$0x3F9B]  }
0x1a: {  	s8 =	sadd.s32 $0xFFFFE003, lr  }
0x1b: {  	s9 =	sadd.s32 $0xFFFFFEF7, lr;
	s5 =	simm.s32 $0xFFFFFFFF;
	p2 =	slt.u32 s8, $0xFFFFF086  }
0x1c: {  	p1 =	slt.u32 s9, $0xF7A;
	s5 =	simm.s32 @!p2 $0x0  }
0x1d: {  	s5 =	simm.s32 @p1 $0x1;
	p0 =	seq.s32 s7, s2  }
0x1e: {  	s7 =	smul.u32 @!p0 $0xF7A, s2;
	p2 =	seq.s32 @!p0 s5, $0x0  }
0x1f: {  	s9 =	smul.u32 $0xF7A, s1;
	s8 =	simm.s32 @!p0 $0x1BF5;
	p2 =	por !p2, p0  }
0x20: {  	[sflag:s8] =	ssyncset.s32 @!p0 $0xFFFFF086;
	s6 =	sadd.s32 @!p0 s3, s7;
	s7 =	simm.s32 @!p0 $0x108  }
0x21: {  	s3 =	sadd.s32 s3, s9;
	s6 =	sadd.s32 @!p0 $0x88, s6;
	s7 =	simm.s32 @p2 $0x1082  }
0x22: {  	[simem:s7], [sflag:s8] =	dma.local @!p0 [hbm:s6], $0xF7A  }
0x23: {  	s9 =	sor.u32 $0xD0000000, s2;
	s6 =	simm.s32 $0x108;
	_ =	swait.ge @!p0 [sflag:s8], $0x0  }
0x24: {  	s3 =	sadd.s32 $0x88, s3;
	s6 =	simm.s32 @!p1 $0x1082;
	[sflag:s4] =	ssyncset.s32 $0xFFFFF086  }
0x25: {  	[simem:s6], [sflag:s4] =	dma.local [hbm:s3], $0xF7A  }
0x26: {  	[smem:$0x3F9B] =	sst s1;
	(tag) =	ssettag s2;
	_ =	strace s9  }
0x27: {  	s1 =	sld [smem:$0x3FAB]  }
0x28: {  	s2 =	sld [smem:$0x3FAC]  }
0x29: {  	s4 =	sld [smem:$0x3FAE]  }
0x2a: {  	p0 =	seq.s32 s5, $0x0;
	s5 =	sld [smem:$0x3FAF]  }
0x2b: {  	s6 =	sld [smem:$0x3FB0]  }
0x2c: {  	s7 =	sld [smem:$0x3FB1]  }
0x2d: {  	s3 =	simm.s32 $0x108;
	s8 =	sld [smem:$0x3FB2]  }
0x2e: {  	s3 =	simm.s32 @!p0 $0x1082;
	s9 =	sld [smem:$0x3FB3]  }
0x2f: {  	lr =	sadd.s32 s0, s3;
	s0 =	sld [smem:$0x3FAA]  }
0x30: {  	s3 =	sld [smem:$0x3FAD]  }
0x31: {  	[smem:$0x3FB6] =	sst s10  }
0x32: {  	s10 =	sld [smem:$0x3FB4];
	_ =	sdelay $0x3  }
0x33: {  	p0 =	seq.s32 s10, $0x1;
	s10 =	sld [smem:$0x3FB6];
	_ =	sdelay $0x3  }
0x34: {  	[smem:$0x3FB6] =	sst s10  }
0x35: {  	s10 =	sld [smem:$0x3FB5];
	_ =	sdelay $0x3  }
0x36: {  	p1 =	seq.s32 s10, $0x1;
	s10 =	sld [smem:$0x3FB6];
	_ =	sdelay $0x3  }
0x37: {  	[smem:$0x3FB6] =	sst s10  }
0x38: {  	s10 =	sld [smem:$0x3FB7]  }
0x39: {  	_ = 	snop;
	(pc) =	sbr.ind lr, $3  }
0x3a: {  	_ = 	snop  }
0x3b: {  	_ = 	snop  }
0x3c: {  	p2 =	seq.s32 s10, $0x1;
	s10 =	sld [smem:$0x3FB6]  }
0x3d: {  	_ =	shalt  }
0x3e: {  	_ =	shalt  }
0x3f: {  	_ =	shalt  }
0x40: {  	_ =	shalt  }
0x41: {  	_ =	shalt  }
0x42: {  	_ =	shalt  }
0x43: {  	_ =	shalt  }
0x44: {  	_ =	shalt  }
0x45: {  	_ =	shalt  }
0x46: {  	_ =	shalt  }
0x47: {  	_ =	shalt  }
0x48: {  	_ =	shalt  }
0x49: {  	_ =	shalt  }
0x4a: {  	_ =	shalt  }
0x4b: {  	_ =	shalt  }
0x4c: {  	_ =	shalt  }
0x4d: {  	_ =	shalt  }
0x4e: {  	_ =	shalt  }
0x4f: {  	_ =	shalt  }
0x50: {  	_ =	shalt  }
0x51: {  	_ =	shalt  }
0x52: {  	_ =	shalt  }
0x53: {  	_ =	shalt  }
0x54: {  	_ =	shalt  }
0x55: {  	_ =	shalt  }
0x56: {  	_ =	shalt  }
0x57: {  	_ =	shalt  }
0x58: {  	_ =	shalt  }
0x59: {  	_ =	shalt  }
0x5a: {  	_ =	shalt  }
0x5b: {  	_ =	shalt  }
0x5c: {  	_ =	shalt  }
0x5d: {  	_ =	shalt  }
0x5e: {  	_ =	shalt  }
0x5f: {  	_ =	shalt  }
0x60: {  	_ =	shalt  }
0x61: {  	_ =	shalt  }
0x62: {  	_ =	shalt  }
0x63: {  	_ =	shalt  }
0x64: {  	_ =	shalt  }
0x65: {  	_ =	shalt  }
0x66: {  	_ =	shalt  }
0x67: {  	_ =	shalt  }
0x68: {  	_ =	shalt  }
0x69: {  	_ =	shalt  }
0x6a: {  	_ =	shalt  }
0x6b: {  	_ =	shalt  }
0x6c: {  	_ =	shalt  }
0x6d: {  	_ =	shalt  }
0x6e: {  	_ =	shalt  }
0x6f: {  	_ =	shalt  }
0x70: {  	_ =	shalt  }
0x71: {  	_ =	shalt  }
0x72: {  	_ =	shalt  }
0x73: {  	_ =	shalt  }
0x74: {  	_ =	shalt  }
0x75: {  	_ =	shalt  }
0x76: {  	_ =	shalt  }
0x77: {  	_ =	shalt  }
0x78: {  	_ =	shalt  }
0x79: {  	_ =	shalt  }
0x7a: {  	_ =	shalt  }
0x7b: {  	_ =	shalt  }
0x7c: {  	_ =	shalt  }
0x7d: {  	_ =	shalt  }
0x7e: {  	_ =	shalt  }
0x7f: {  	_ =	shalt  }
0x80: {  	_ =	shalt  }
0x81: {  	_ =	shalt  }
0x82: {  	_ =	shalt  }
0x83: {  	_ =	shalt  }
0x84: {  	_ =	shalt  }
0x85: {  	_ =	shalt  }
0x86: {  	_ =	shalt  }
0x87: {  	_ =	shalt  }
.Lfunc_end0:
.L_simem_size_0:
called_computation.3_lowered:
.L_overlay_start_0:
0x88: {  	s2 =	sld [smem:$0x3FD9]  }
0x89: {  	s3 =	sld [smem:$0x3FFE];
	_ =	sdelay $0x1  }
0x8a: {  	s1 =	srdreg.scid  }
0x8b: {  	s0 =	sand.u32 $0x1, s1  }
0x8c: {  	s16 =	sshll.u32 s0, $0xA;
	s2 =	sadd.s32 s3, s2  }
0x8d: {  	s2 =	sadd.s32 s2, s16  }
0x8e: {  	[smem:$0x3FC2] =	sst s2  }
0x8f: {  	_ = 	snop  }
0x90: {  	s2 =	sld [smem:$0x3FD0];
	_ =	sdelay $0x3  }
0x91: {  	s17 =	simm.s32 $0x12;
	s4 =	simm.s32 $0x10;
	s2 =	sadd.s32 $0x1, s2  }
0x92: {  	[smem:s4], [sflag:s17] =	dma.local [hbm:s2], $0x1  }
0x93: {  	_ =	swait.eq [sflag:s17], $0x1  }
0x94: {  	[sflag:s17] =	ssyncset.done $0x0  }
0x95: {  	[sflag:s17] =	ssyncadd.s32 $0xFFFFFFFF  }
0x96: {  	s3 =	sld [smem:$0x10];
	(tm) =	ssettm $0x1  }
0x97: {  	s18 =	sld [smem:$0x3FFB];
	_ =	sdelay $0x3  }
0x98: {  	_ =	strace s18  }
0x99: {  	s2 =	sld [smem:$0x3FFC];
	_ =	sdelay $0x3  }
0x9a: {  	_ =	strace s2  }
0x9b: {  	s2 =	sld [smem:$0x3FFD];
	_ =	sdelay $0x3  }
0x9c: {  	_ =	strace s2  }
0x9d: {  	_ =	strace $0x8FFFFFFF  }
0x9e: {  	s19 =	sld [smem:$0x3FDB];
	_ =	sdelay $0x1  }
0x9f: {  	s20 =	simm.s32 $_scs_section_size  }
0xa0: {  	s5 =	simm.s32 $_size__tile_overlayer_lowered;
	s6 =	simm.s32 $_tile_overlayer_lowered  }
0xa1: {  	s7 =	simm.s32 $0x1BFF;
	s21 =	sshll.u32 s6, $0x1;
	s4 =	sadd.s32 s20, s19  }
0xa2: {  	s22 =	simm.s32 $0x0;
	s5 =	sshll.u32 s5, $0x1;
	s6 =	sadd.s32 s21, s4  }
0xa3: {  	[timem:s22], [sflag:s7] =	dma.local [hbm:s6], s5  }
0xa4: {  	_ =	swait.ge [sflag:s7], s5  }
0xa5: {  	s5 =	ssub.s32 $0x0, s5;
	[sflag:s7] =	ssyncset.done $0x0  }
0xa6: {  	[sflag:s7] =	ssyncadd.s32 s5;
	_ =	sdelay $0x1  }
0xa7: {  	s23 =	simm.s32 $0x1B8B  }
0xa8: {  	_ =	swait.ge [sflag:s23], $0x1  }
0xa9: {  	[sflag:s23] =	ssyncset.done $0x0  }
0xaa: {  	[sflag:s23] =	ssyncadd.s32 $0xFFFFFFFF  }
0xab: {  	s5 =	sld [smem:$0x0]  }
0xac: {  	s6 =	sand.u32 $0xFFFFFFFE, s1  }
0xad: {  	p0 =	sne.s32 s1, s6  }
0xae: {  	s6 =	sshll.u32 @p0 s6, $0xE  }
0xaf: {  	s6 =	sadd.s32 @p0 $0x11B8D, s6;
	s7 =	sshll.u32 @p0 s5, $0x11  }
0xb0: {  	s6 =	sor.u32 @p0 s7, s6  }
0xb1: {  	[sflag:s6] =	ssyncadd.remote.s32 @p0 $0x1;
	_ =	sdelay $0x1  }
0xb2: {  	s6 =	simm.s32 @p0 $0x1B8D  }
0xb3: {  	_ =	swait.eq @p0 [sflag:s6], $0x1  }
0xb4: {  	[sflag:s6] =	ssyncadd.s32 @p0 $0xFFFFFFFF  }
0xb5: {  	s7 =	sshll.u32 @!p0 s1, $0xE  }
0xb6: {  	s7 =	sor.u32 @!p0 $0x4000, s7;
	s6 =	simm.s32 @!p0 $0x1B8D  }
0xb7: {  	s8 =	sshll.u32 @!p0 s5, $0x11;
	s7 =	sadd.s32 @!p0 $0x11B8D, s7;
	_ =	swait.eq @!p0 [sflag:s6], $0x1  }
0xb8: {  	[sflag:s6] =	ssyncadd.s32 @!p0 $0xFFFFFFFF;
	s6 =	sor.u32 @!p0 s8, s7  }
0xb9: {  	s25 =	simm.s32 $0x1B8E;
	s24 =	sld [smem:$0x3FFE];
	[sflag:s6] =	ssyncadd.remote.s32 @!p0 $0x1  }
0xba: {  	s26 =	simm.s32 $execute0_lowered;
	[smem:$0x3FD2] =	sst s25  }
0xbb: {  	s7 =	sshll.u32 s26, $0x1;
	_ =	strace $0x80000067;
	[dreg:$0x1] =	wrdreg $0xFFFFFFFF  }
0xbc: {  	s28 =	simm.s32 $_size_execute0_lowered;
	s4 =	sadd.s32 s4, s7;
	[dreg:$0x0] =	wrdreg $0x0  }
0xbd: {  	s7 =	sshll.u32 s28, $0x1;
	[dreg:$0x2] =	wrdreg s4  }
0xbe: {  	[dreg:$0x3] =	wrdreg s7  }
0xbf: {  	[dreg:$0x4] =	wrdreg $0xC0  }
0xc0: {  	_ =	task [dreg:s22], $0x5FFFF  }
0xc1: {  	[dreg:$0x1] =	wrdreg $0xFFFFFFFF  }
0xc2: {  	[dreg:$0x0] =	wrdreg $0x60  }
0xc3: {  	[dreg:$0x2] =	wrdreg s24  }
0xc4: {  	[dreg:$0x3] =	wrdreg s3  }
0xc5: {  	[dreg:$0x4] =	wrdreg s1  }
0xc6: {  	[dreg:$0x5] =	wrdreg s5  }
0xc7: {  	[dreg:$0x6] =	wrdreg $0xD  }
0xc8: {  	_ =	task.clear_ibuf [dreg:s22], $0x7FFFF;
	_ =	strace $0x90000067  }
0xc9: {  	s29 =	simm.s32 $0xD;
	_ =	strace $0x80000069  }
0xca: {  	_ =	swait.ge [sflag:s29], $0x1  }
0xcb: {  	[sflag:s29] =	ssyncadd.s32 $0xFFFFFFFF  }
0xcc: {  	_ =	strace $0x90000069  }
0xcd: {  	_ =	sfence  }
0xce: {  	s30 =	sld [smem:$0x0];
	_ =	sdelay $0x2  }
0xcf: {  	s31 =	sshll.u32 s1, $0xD;
	s1 =	sshrl.u32 s1, $0x2  }
0xd0: {  	s4 =	sand.u32 $0x4000, s31;
	s1 =	sadd.s32 s1, s30  }
0xd1: {  	s0 =	sor.u32 s4, s0;
	s1 =	sshll.u32 s1, $0x11  }
0xd2: {  	s0 =	sor.u32 s1, s0  }
0xd3: {  	s0 =	sadd.s32 $0x8F2B, s0  }
0xd4: {  	[sflag:s0] =	ssyncadd.remote.s32 $0x1  }
0xd5: {  	_ =	sfence.sel $0xFFFF  }
0xd6: {  	[dreg:$0x0] =	wrdreg $0xFFFFFFFF;
	(pc) =	sbr.abs _section_cstart, $3  }
0xd7: {  	[dreg:$0x1] =	wrdreg $0xFFFFFFFF  }
0xd8: {  	_ =	task.clear_ibuf [dreg:s22], $0x2FFFF;
	_ =	strace $0x9FFFFFFF  }
0xd9: {  	(tm) =	ssettm $0x7FFFFFFF  }
tec
execute0_lowered:
.L_overlay_start_1:
0x0: {  	(tag) =	ssettag $0x1  }
0x1: {  	s2 =	rddreg [dreg:$0x0]  }
0x2: {  	s6 =	rddreg [dreg:$0x1]  }
0x3: {  	s3 =	rddreg [dreg:$0x2];
	_ =	strace $0x80000068;
	s0 =	simm.s32 $0x1  }
0x4: {  	s4 =	simm.s32 $0x88;
	v0 =	vimm.s32 $0x0;
	[sflag:s0] =	ssyncpa.u1 $0x0  }
0x5: {  	s5 =	simm.s32 $0x40;
	[tilespmem:s4+$0x30] =	vst v0  }
0x6: {  	s1 =	sadd.s32 $0x6DA00, s2;
	s0 =	sadd.s32 $0x20000, s2;
	s3 =	sand.u32 $0x1, s3;
	[tilespmem:s4+$0x20] =	vst v0  }
0x7: {  	s2 =	sadd.s32 $0x20200, s2;
	[dreg:$0x5] =	wrdreg s3;
	s3 =	sshll.u32 s3, $0x7;
	[tilespmem:s4+$0x10] =	vst v0  }
.LBB2_1:
0x8: {  	s5 =	sadd.s32 $0x40, s5  }
0x9: {  	[tilespmem:s4+$0x0] =	vst v0;
	s4 =	sadd.s32 $0x40, s4;
	p0 =	slt.u32 s5, $0x1040  }
.Ltmp0:
0xa: {  	(pc) =	sbr.rel @p0 .LBB2_1-.Ltmp0, $4  }
0xb: {  	_ = 	snop  }
0xc: {  	[tilespmem:s4+$0x30] =	vst v0  }
0xd: {  	[tilespmem:s4+$0x20] =	vst v0  }
0xe: {  	[tilespmem:s4+$0x10] =	vst v0  }
0xf: {  	s26 =	simm.s32 $0x2;
	s5 =	simm.s32 $0x9;
	s28 =	stileid.u32  }
0x10: {  	s29 =	simm.s32 $0xA;
	s30 =	simm.s32 $0xB;
	s0 =	sadd.s32 s3, s0  }
0x11: {  	s31 =	sadd.s32 s3, s2;
	s16 =	simm.s32 $0x0;
	s17 =	simm.s32 $0x2908  }
0x12: {  	s11 =	simm.s32 $0xC;
	s20 =	simm.s32 $0x1;
	s25 =	simm.s32 $0x0  }
.Ltmp1:
0x13: {  	s23 =	simm.s32 $0x0;
	s22 =	simm.s32 $0x0;
	(pc) =	sbr.rel .LBB2_3-.Ltmp1, $4  }
0x14: {  	[tilespmem:s4+$0x0] =	vst v0;
	v0 =	vimm.s32 $0xFFFFFFFF;
	[sflag:s26] =	ssyncpa.u1 $0x0;
	s9 =	sshll.u32 s28, $0x6;
	[dreg:$0x7] =	wrdreg s0  }
0x15: {  	s10 =	sshll.u32 s28, $0x7;
	[dreg:$0x9] =	wrdreg s31;
	[tilespmem:$0x2108] =	vst v0;
	[sflag:s5] =	ssyncpa.u1 $0x0  }
0x16: {  	s12 =	sadd.s32 $0x40, s9;
	[dreg:$0x6] =	wrdreg s9;
	[sflag:s29] =	ssyncpa.u1 $0x0  }
0x17: {  	v0 =	vlaneseq.u32;
	s24 =	smov.u32 s9;
	[dreg:$0x8] =	wrdreg s10;
	[sflag:s30] =	ssyncpa.u1 $0x0  }
.LBB2_4:
0x18: {  	p0 =	sgt.s32 s24, $0x3C0;
	s0 =	smov.u32 s24;
	s2 =	sshra.s32 s24, $0x1F  }
0x19: {  	s0 =	simm.s32 @!p0 $0x3C0;
	s2 =	sand.u32 s2, s24  }
0x1a: {  	s0 =	ssub.s32 s0, s2  }
0x1b: {  	s0 =	sadd.s32 $0xFFFFFC40, s0  }
0x1c: {  	s29 =	sshll.u32 s0, $0x2  }
0x1d: {  	s30 =	sshrl.u32 s24, $0x3;
	s3 =	rddreg [dreg:$0x9];
	s2 =	ssub.s32 $0x100, s29  }
0x1e: {  	s31 =	sand.u32 $0x7, s24;
	p0 =	sgt.s32 s0, $0x3F;
	s0 =	sshrl.u32 s2, $0x2  }
0x1f: {  	s4 =	simm.s32 $0x2948;
	s2 =	sadd.s32 s30, s3;
	s0 =	simm.s32 @p0 $0x0  }
0x20: {  	[tilespmem:s4], [sflag:$0xA] =	stream.linear.gather [hbm4b:s2+s31], s0, $0x38;
	[tilespmem:$0x6A88] =	vst v63  }
.LBB2_27:
0x21: {  	s0 =	sadd.s32 $0x40, s24  }
0x22: {  	s2 =	smov.u32 s9;
	s22 =	sadd.s32 $0x1, s22;
	p0 =	slt.s32 s0, s12  }
0x23: {  	s2 =	smov.u32 @p0 s0;
	p0 =	sne.s32 s22, $0x3  }
.Ltmp2:
0x24: {  	_ = 	snop;
	(pc) =	sbr.rel @!p0 .LBB2_28-.Ltmp2, $3  }
0x25: {  	_ =	sdelay $0x1  }
0x26: {  	s25 =	smov.u32 s23  }
0x27: {  	s23 =	smov.u32 s24;
	s17 =	sadd.s32 $0x40, s17;
	s24 =	smov.u32 s2  }
.LBB2_3:
0x28: {  	p0 =	sne.s32 s22, $0x0  }
.Ltmp3:
0x29: {  	_ = 	snop;
	(pc) =	sbr.rel @!p0 .LBB2_4-.Ltmp3, $1  }
0x2a: {  	_ =	sdelay $0x3  }
0x2b: {  	s0 =	sand.u32 $0x1, s22  }
0x2c: {  	p0 =	seq.s32 s0, $0x0  }
.Ltmp4:
0x2d: {  	_ = 	snop;
	(pc) =	sbr.rel @p0 .LBB2_9-.Ltmp4, $1  }
0x2e: {  	_ =	sdelay $0x3  }
0x2f: {  	p0 =	sgt.s32 s23, $0x3C0;
	s0 =	smov.u32 s23;
	s2 =	sshra.s32 s23, $0x1F  }
0x30: {  	s0 =	simm.s32 @!p0 $0x3C0;
	s2 =	sand.u32 s2, s23  }
0x31: {  	s0 =	ssub.s32 s0, s2  }
0x32: {  	s0 =	sadd.s32 $0xFFFFFC40, s0  }
0x33: {  	s4 =	sshll.u32 s0, $0x2  }
0x34: {  	s2 =	ssub.s32 $0x100, s4  }
0x35: {  	p0 =	sgt.s32 s0, $0x3F;
	s0 =	sshrl.u32 s2, $0x2  }
0x36: {  	s4 =	simm.s32 $0xA;
	s0 =	simm.s32 @p0 $0x0  }
0x37: {  	s3 =	sshrl.u32 s23, $0x3;
	s8 =	sand.u32 $0x7, s23;
	_ =	swait.ge [sflag:s4], s0  }
0x38: {  	s5 =	ssub.s32 $0x0, s0;
	[sflag:s4] =	ssyncset.done $0x0;
	s7 =	rddreg [dreg:$0x7]  }
0x39: {  	s9 =	simm.s32 $0x2A08;
	[sflag:s4] =	ssyncadd.s32 s5;
	s2 =	sadd.s32 s3, s7  }
0x3a: {  	[tilespmem:s9], [sflag:$0xB] =	stream.linear.gather [hbm4b:s2+s8], s0, $0x38;
	[tilespmem:$0x6A88] =	vst v63  }
0x3b: {  	v1 =	vld.msk [tilespmem:s17+$0x0], $0xffff;
	_ =	sdelay $0x4  }
0x3c: {  	v1 =	vshll.u32 v1, $0x4  }
0x3d: {  	(v2sf) =	vpush v1, $0x0  }
0x3e: {  	(v2sf) =	vpush v1, $0x1  }
0x3f: {  	(v2sf) =	vpush v1, $0x2;
	_ =	sdelay $0x1  }
0x40: {  	(v2sf) =	vpush v1, $0x3;
	_ =	sdelay $0x1  }
0x41: {  	(v2sf) =	vpush v1, $0x4;
	_ =	sdelay $0x1  }
0x42: {  	(v2sf) =	vpush v1, $0x5;
	_ =	sdelay $0x1  }
0x43: {  	(v2sf) =	vpush v1, $0x6  }
0x44: {  	s18 =	simm.s32 $0x2E08  }
0x45: {  	s21 =	simm.s32 $0x2E88;
	s26 =	simm.s32 $0x2C08;
	s28 =	simm.s32 $0x2C88;
	(v2sf) =	vpush v1, $0x7  }
0x46: {  	s29 =	simm.s32 $0x2D08;
	s30 =	simm.s32 $0x2B08;
	s31 =	simm.s32 $0x2B88  }
0x47: {  	s15 =	simm.s32 $0x2A88;
	s4 =	simm.s32 $0x2F08;
	s3 =	simm.s32 $0x2F88;
	(v2sf) =	vpush v1, $0x8  }
0x48: {  	s5 =	simm.s32 $0x2D88;
	s0 =	simm.s32 $0x3088;
	s13 =	spop (v2sf)  }
0x49: {  	s2 =	simm.s32 $0x3008;
	(v2sf) =	vpush v1, $0x9;
	s13 =	sand.u32 $0x1FFFFFF0, s13;
	s7 =	spop (v2sf)  }
0x4a: {  	(v2sf) =	vpush v1, $0xA;
	s13 =	sadd.s32 s6, s13;
	s7 =	sand.u32 $0x1FFFFFF0, s7;
	s8 =	spop (v2sf)  }
0x4b: {  	[tilespmem:s15], [sflag:$0x9] =	stream.linear.gather [hbm4b:s13+s16], $0x40, $0x38;
	[tilespmem:$0x6A88] =	vst v63  }
0x4c: {  	(v2sf) =	vpush v1, $0xB;
	s7 =	sadd.s32 s6, s7;
	s8 =	sand.u32 $0x1FFFFFF0, s8;
	s10 =	spop (v2sf)  }
0x4d: {  	[tilespmem:s30], [sflag:$0x9] =	stream.linear.gather [hbm4b:s7+s16], $0x40, $0x38;
	[tilespmem:$0x6A88] =	vst v63  }
0x4e: {  	(v2sf) =	vpush v1, $0xC;
	s11 =	sadd.s32 s6, s8;
	s13 =	sand.u32 $0x1FFFFFF0, s10;
	s14 =	spop (v2sf)  }
0x4f: {  	[tilespmem:s31], [sflag:$0x9] =	stream.linear.gather [hbm4b:s11+s16], $0x40, $0x38;
	[tilespmem:$0x6A88] =	vst v63  }
0x50: {  	s15 =	sadd.s32 s6, s13;
	s19 =	sand.u32 $0x1FFFFFF0, s14;
	s31 =	spop (v2sf)  }
0x51: {  	[tilespmem:s26], [sflag:$0x9] =	stream.linear.gather [hbm4b:s15+s16], $0x40, $0x38;
	[tilespmem:$0x6A88] =	vst v63  }
0x52: {  	(v2sf) =	vpush v1, $0xD;
	s8 =	sadd.s32 s6, s19;
	s9 =	sand.u32 $0x1FFFFFF0, s31;
	s10 =	spop (v2sf)  }
0x53: {  	[tilespmem:s28], [sflag:$0x9] =	stream.linear.gather [hbm4b:s8+s16], $0x40, $0x38;
	[tilespmem:$0x6A88] =	vst v63  }
0x54: {  	(v2sf) =	vpush v1, $0xE;
	s11 =	sadd.s32 s6, s9;
	s14 =	sand.u32 $0x1FFFFFF0, s10;
	s15 =	spop (v2sf)  }
0x55: {  	[tilespmem:s29], [sflag:$0x9] =	stream.linear.gather [hbm4b:s11+s16], $0x40, $0x38;
	[tilespmem:$0x6A88] =	vst v63  }
0x56: {  	(v2sf) =	vpush v1, $0xF;
	s19 =	sadd.s32 s6, s14;
	s26 =	sand.u32 $0x1FFFFFF0, s15;
	s31 =	spop (v2sf)  }
0x57: {  	[tilespmem:s5], [sflag:$0x9] =	stream.linear.gather [hbm4b:s19+s16], $0x40, $0x38;
	[tilespmem:$0x6A88] =	vst v63  }
0x58: {  	s30 =	sadd.s32 $0x10, s17;
	s8 =	sadd.s32 s6, s26;
	s10 =	spop (v2sf)  }
0x59: {  	s9 =	sand.u32 $0x1FFFFFF0, s31;
	s28 =	simm.s32 $0x3208;
	s14 =	spop (v2sf)  }
0x5a: {  	[tilespmem:s18], [sflag:$0x9] =	stream.linear.gather [hbm4b:s8+s16], $0x40, $0x38;
	[tilespmem:$0x6A88] =	vst v63  }
0x5b: {  	s11 =	sadd.s32 s6, s9;
	s13 =	sand.u32 $0x1FFFFFF0, s10;
	s19 =	spop (v2sf)  }
0x5c: {  	[tilespmem:s21], [sflag:$0x9] =	stream.linear.gather [hbm4b:s11+s16], $0x40, $0x38;
	[tilespmem:$0x6A88] =	vst v63  }
0x5d: {  	s15 =	sadd.s32 s6, s13;
	s18 =	sand.u32 $0x1FFFFFF0, s14;
	s31 =	spop (v2sf)  }
0x5e: {  	[tilespmem:s4], [sflag:$0x9] =	stream.linear.gather [hbm4b:s15+s16], $0x40, $0x38;
	[tilespmem:$0x6A88] =	vst v63  }
0x5f: {  	s26 =	sand.u32 $0x1FFFFFF0, s19;
	s21 =	sadd.s32 s6, s18;
	s9 =	sand.u32 $0x1FFFFFF0, s31  }
0x60: {  	[tilespmem:s3], [sflag:$0x9] =	stream.linear.gather [hbm4b:s21+s16], $0x40, $0x38;
	[tilespmem:$0x6A88] =	vst v63  }
0x61: {  	s8 =	sadd.s32 s6, s26;
	s10 =	spop (v2sf);
	s11 =	sadd.s32 s6, s9  }
0x62: {  	[tilespmem:s2], [sflag:$0x9] =	stream.linear.gather [hbm4b:s8+s16], $0x40, $0x38;
	[tilespmem:$0x6A88] =	vst v63  }
0x63: {  	s13 =	sand.u32 $0x1FFFFFF0, s10;
	s15 =	simm.s32 $0x3108;
	s14 =	spop (v2sf)  }
0x64: {  	[tilespmem:s0], [sflag:$0x9] =	stream.linear.gather [hbm4b:s11+s16], $0x40, $0x38;
	[tilespmem:$0x6A88] =	vst v63  }
0x65: {  	s18 =	sadd.s32 s6, s13;
	s19 =	sand.u32 $0x1FFFFFF0, s14;
	s21 =	spop (v2sf)  }
0x66: {  	[tilespmem:s15], [sflag:$0x9] =	stream.linear.gather [hbm4b:s18+s16], $0x40, $0x38;
	[tilespmem:$0x6A88] =	vst v63  }
0x67: {  	s31 =	simm.s32 $0x3188;
	s26 =	sadd.s32 s6, s19;
	s0 =	sand.u32 $0x1FFFFFF0, s21  }
0x68: {  	[tilespmem:s31], [sflag:$0x9] =	stream.linear.gather [hbm4b:s26+s16], $0x40, $0x38;
	[tilespmem:$0x6A88] =	vst v63  }
0x69: {  	s29 =	simm.s32 $0x3A08;
	s0 =	sadd.s32 s6, s0;
	s26 =	simm.s32 $0x0  }
.LBB2_7:
0x6a: {  	[tilespmem:s28], [sflag:$0x9] =	stream.linear.gather [hbm4b:s0+s16], $0x40, $0x38;
	[tilespmem:$0x6A88] =	vst v63  }
0x6b: {  	s26 =	sadd.s32 $0x10, s26;
	s28 =	smov.u32 s29  }
0x6c: {  	p0 =	slt.u32 s26, $0x30;
	v1 =	vld.msk [tilespmem:s30+$0x0], $0xffff;
	_ =	sdelay $0x4  }
0x6d: {  	v1 =	vshll.u32 v1, $0x4  }
0x6e: {  	(v2sf) =	vpush v1, $0x0  }
0x6f: {  	(v2sf) =	vpush v1, $0x1  }
0x70: {  	(v2sf) =	vpush v1, $0x2;
	_ =	sdelay $0x1  }
0x71: {  	(v2sf) =	vpush v1, $0x3;
	_ =	sdelay $0x1  }
0x72: {  	(v2sf) =	vpush v1, $0x4;
	_ =	sdelay $0x1  }
0x73: {  	(v2sf) =	vpush v1, $0x5;
	_ =	sdelay $0x1  }
0x74: {  	(v2sf) =	vpush v1, $0x6  }
0x75: {  	s0 =	sadd.s32 $0xFFFFFE80, s29;
	s31 =	sadd.s32 $0xFFFFFF00, s29  }
0x76: {  	s3 =	sadd.s32 $0xFFFFFD00, s29;
	s5 =	sadd.s32 $0xFFFFFD80, s29;
	s4 =	sadd.s32 $0xFFFFFE00, s29;
	(v2sf) =	vpush v1, $0x7  }
0x77: {  	s18 =	sadd.s32 $0xFFFFFB80, s29;
	s21 =	sadd.s32 $0xFFFFFC00, s29;
	s2 =	sadd.s32 $0xFFFFFC80, s29  }
0x78: {  	s7 =	sadd.s32 $0xFFFFFA00, s29;
	s8 =	sadd.s32 $0xFFFFFA80, s29;
	s13 =	sadd.s32 $0xFFFFFB00, s29;
	(v2sf) =	vpush v1, $0x8  }
0x79: {  	s15 =	sadd.s32 $0xFFFFF900, s29;
	s9 =	sadd.s32 $0xFFFFF980, s29;
	s11 =	spop (v2sf)  }
0x7a: {  	s19 =	sadd.s32 $0xFFFFF880, s29;
	s11 =	sand.u32 $0x1FFFFFF0, s11;
	s10 =	spop (v2sf);
	(v2sf) =	vpush v1, $0x9  }
0x7b: {  	s11 =	sadd.s32 s6, s11;
	s10 =	sand.u32 $0x1FFFFFF0, s10;
	s14 =	spop (v2sf)  }
0x7c: {  	[tilespmem:s19], [sflag:$0x9] =	stream.linear.gather [hbm4b:s11+s16], $0x40, $0x38;
	(v2sf) =	vpush v1, $0xA;
	[tilespmem:$0x6A88] =	vst v63  }
0x7d: {  	s10 =	sadd.s32 s6, s10;
	s11 =	sand.u32 $0x1FFFFFF0, s14;
	s14 =	spop (v2sf)  }
0x7e: {  	[tilespmem:s15], [sflag:$0x9] =	stream.linear.gather [hbm4b:s10+s16], $0x40, $0x38;
	(v2sf) =	vpush v1, $0xB;
	[tilespmem:$0x6A88] =	vst v63  }
0x7f: {  	s10 =	sadd.s32 s6, s11;
	s11 =	sand.u32 $0x1FFFFFF0, s14;
	s14 =	spop (v2sf)  }
0x80: {  	[tilespmem:s9], [sflag:$0x9] =	stream.linear.gather [hbm4b:s10+s16], $0x40, $0x38;
	(v2sf) =	vpush v1, $0xC;
	[tilespmem:$0x6A88] =	vst v63  }
0x81: {  	s9 =	sadd.s32 s6, s11;
	s10 =	sand.u32 $0x1FFFFFF0, s14;
	s11 =	spop (v2sf)  }
0x82: {  	[tilespmem:s7], [sflag:$0x9] =	stream.linear.gather [hbm4b:s9+s16], $0x40, $0x38;
	(v2sf) =	vpush v1, $0xD;
	[tilespmem:$0x6A88] =	vst v63  }
0x83: {  	s7 =	sadd.s32 s6, s10;
	s9 =	sand.u32 $0x1FFFFFF0, s11;
	s10 =	spop (v2sf)  }
0x84: {  	[tilespmem:s8], [sflag:$0x9] =	stream.linear.gather [hbm4b:s7+s16], $0x40, $0x38;
	(v2sf) =	vpush v1, $0xE;
	[tilespmem:$0x6A88] =	vst v63  }
0x85: {  	s7 =	sadd.s32 s6, s9;
	s8 =	sand.u32 $0x1FFFFFF0, s10;
	s9 =	spop (v2sf)  }
0x86: {  	[tilespmem:s13], [sflag:$0x9] =	stream.linear.gather [hbm4b:s7+s16], $0x40, $0x38;
	(v2sf) =	vpush v1, $0xF;
	[tilespmem:$0x6A88] =	vst v63  }
0x87: {  	s7 =	sadd.s32 s6, s8;
	s8 =	sand.u32 $0x1FFFFFF0, s9;
	s9 =	spop (v2sf)  }
0x88: {  	[tilespmem:s18], [sflag:$0x9] =	stream.linear.gather [hbm4b:s7+s16], $0x40, $0x38;
	[tilespmem:$0x6A88] =	vst v63  }
0x89: {  	s7 =	sadd.s32 s6, s8;
	s8 =	sand.u32 $0x1FFFFFF0, s9;
	s9 =	spop (v2sf)  }
0x8a: {  	[tilespmem:s21], [sflag:$0x9] =	stream.linear.gather [hbm4b:s7+s16], $0x40, $0x38;
	[tilespmem:$0x6A88] =	vst v63  }
0x8b: {  	s7 =	sadd.s32 s6, s8;
	s8 =	sand.u32 $0x1FFFFFF0, s9;
	s9 =	spop (v2sf)  }
0x8c: {  	[tilespmem:s2], [sflag:$0x9] =	stream.linear.gather [hbm4b:s7+s16], $0x40, $0x38;
	[tilespmem:$0x6A88] =	vst v63  }
0x8d: {  	s2 =	sadd.s32 s6, s8;
	s7 =	sand.u32 $0x1FFFFFF0, s9;
	s8 =	spop (v2sf)  }
0x8e: {  	[tilespmem:s3], [sflag:$0x9] =	stream.linear.gather [hbm4b:s2+s16], $0x40, $0x38;
	[tilespmem:$0x6A88] =	vst v63  }
0x8f: {  	s2 =	sadd.s32 s6, s7;
	s3 =	sand.u32 $0x1FFFFFF0, s8;
	s7 =	spop (v2sf)  }
0x90: {  	[tilespmem:s5], [sflag:$0x9] =	stream.linear.gather [hbm4b:s2+s16], $0x40, $0x38;
	[tilespmem:$0x6A88] =	vst v63  }
0x91: {  	s2 =	sadd.s32 s6, s3;
	s3 =	sand.u32 $0x1FFFFFF0, s7;
	s5 =	spop (v2sf)  }
0x92: {  	[tilespmem:s4], [sflag:$0x9] =	stream.linear.gather [hbm4b:s2+s16], $0x40, $0x38;
	[tilespmem:$0x6A88] =	vst v63  }
0x93: {  	s2 =	sadd.s32 s6, s3;
	s3 =	sand.u32 $0x1FFFFFF0, s5;
	s4 =	spop (v2sf)  }
0x94: {  	[tilespmem:s0], [sflag:$0x9] =	stream.linear.gather [hbm4b:s2+s16], $0x40, $0x38;
	[tilespmem:$0x6A88] =	vst v63  }
0x95: {  	s0 =	sadd.s32 s6, s3  }
.Ltmp5:
0x96: {  	s2 =	sand.u32 $0x1FFFFFF0, s4;
	s3 =	spop (v2sf);
	(pc) =	sbr.rel @p0 .LBB2_7-.Ltmp5, $4  }
0x97: {  	[tilespmem:s31], [sflag:$0x9] =	stream.linear.gather [hbm4b:s0+s16], $0x40, $0x38;
	[tilespmem:$0x6A88] =	vst v63  }
0x98: {  	s0 =	sadd.s32 s6, s2;
	s2 =	sadd.s32 $0xFFFFFF80, s29;
	s3 =	sand.u32 $0x1FFFFFF0, s3  }
0x99: {  	[tilespmem:s2], [sflag:$0x9] =	stream.linear.gather [hbm4b:s0+s16], $0x40, $0x38;
	[tilespmem:$0x6A88] =	vst v63  }
0x9a: {  	s30 =	sadd.s32 $0x10, s30;
	s29 =	sadd.s32 $0x800, s29;
	s0 =	sadd.s32 s6, s3  }
0x9b: {  	[tilespmem:s28], [sflag:$0x9] =	stream.linear.gather [hbm4b:s0+s16], $0x40, $0x38;
	[tilespmem:$0x6A88] =	vst v63  }
0x9c: {  	s9 =	rddreg [dreg:$0x6]  }
0x9d: {  	s10 =	rddreg [dreg:$0x8];
	s11 =	simm.s32 $0xC  }
.LBB2_9:
0x9e: {  	p0 =	sne.s32 s22, $0x2  }
.Ltmp6:
0x9f: {  	_ = 	snop;
	(pc) =	sbr.rel @p0 .LBB2_27-.Ltmp6, $1  }
0xa0: {  	_ =	sdelay $0x3  }
0xa1: {  	p0 =	sgt.s32 s25, $0x3C0;
	s0 =	smov.u32 s25;
	s2 =	sshra.s32 s25, $0x1F  }
0xa2: {  	s0 =	simm.s32 @!p0 $0x3C0;
	s2 =	sand.u32 s2, s25  }
0xa3: {  	s0 =	ssub.s32 s0, s2  }
0xa4: {  	s0 =	sadd.s32 $0xFFFFFC40, s0  }
0xa5: {  	s3 =	simm.s32 $0x9;
	s30 =	sshll.u32 s0, $0x2  }
0xa6: {  	_ =	swait.ge [sflag:s3], $0x1000;
	s2 =	ssub.s32 $0x100, s30  }
0xa7: {  	[sflag:s3] =	ssyncset.done $0x0;
	p0 =	sgt.s32 s0, $0x3F;
	s0 =	sshrl.u32 s2, $0x2  }
0xa8: {  	s31 =	simm.s32 $0xB;
	[sflag:s3] =	ssyncadd.s32 $0xFFFFF000;
	s0 =	simm.s32 @p0 $0x0  }
0xa9: {  	_ =	swait.ge [sflag:s31], s0  }
0xaa: {  	s0 =	ssub.s32 $0x0, s0;
	[sflag:s31] =	ssyncset.done $0x0  }
0xab: {  	[sflag:s31] =	ssyncadd.s32 s0  }
0xac: {  	v1 =	vld [tilespmem:$0x2108];
	_ =	sdelay $0x4  }
0xad: {  	(v2sf) =	vpush v1, $0x0  }
0xae: {  	(v2sf) =	vpush v1, $0x1  }
0xaf: {  	(v2sf) =	vpush v1, $0x2;
	_ =	sdelay $0x3  }
0xb0: {  	s0 =	sadd.s32 $0x40, s25  }
0xb1: {  	s2 =	ssub.s32 $0x800, s25;
	p0 =	slt.s32 s12, s0  }
0xb2: {  	s0 =	smov.u32 @p0 s12;
	p0 =	sgt.s32 s2, $0x0  }
0xb3: {  	s26 =	ssub.s32 s0, s25;
	s2 =	simm.s32 @!p0 $0x0  }
0xb4: {  	p0 =	slt.s32 s2, s26  }
0xb5: {  	s26 =	smov.u32 @p0 s2  }
0xb6: {  	p0 =	slt.s32 s26, $0x1  }
.Ltmp7:
0xb7: {  	_ = 	snop;
	(pc) =	sbr.rel @p0 .LBB2_14-.Ltmp7, $4  }
0xb8: {  	_ = 	snop  }
0xb9: {  	s0 =	spop (v2sf)  }
0xba: {  	s2 =	spop (v2sf)  }
0xbb: {  	s25 =	spop (v2sf)  }
0xbc: {  	s3 =	smin.u32 s26, $0x10  }
0xbd: {  	v1 =	vmov s3  }
0xbe: {  	p1 =	sgt.s32 s26, $0x10;
	vm1 =	vgt.u32 v1, v0  }
.Ltmp8:
0xbf: {  	_ = 	snop;
	(pc) =	sbr.rel @!p1 .LBB2_13-.Ltmp8, $2  }
0xc0: {  	_ =	sdelay $0x2  }
0xc1: {  	s4 =	simm.s32 $0x10;
	s5 =	sadd.s32 $0xFFFFFFF0, s26;
	s3 =	simm.s32 $0x2A08;
	vm0 =	vmmov vm1  }
.LBB2_12:
0xc2: {  	s7 =	smin.u32 s5, $0x10;
	s4 =	sadd.s32 $0x10, s4;
	v1 =	vld.msk [tilespmem:s3+$0x0 ss:$0x1], vm1  }
0xc3: {  	v2 =	vmov s7;
	p1 =	slt.s32 s4, s26  }
0xc4: {  	vm1 =	vgt.u32 v2, v0  }
.Ltmp9:
0xc5: {  	(pc) =	sbr.rel @p1 .LBB2_12-.Ltmp9, $3  }
0xc6: {  	_ =	sdelay $0x1  }
0xc7: {  	v1 =	vshll.u32 v1, $0x4  }
0xc8: {  	s5 =	sadd.s32 $0xFFFFFFF0, s5;
	[tilespmem:s3+$0x0] =	vst.msk vm0, v1;
	s3 =	sadd.s32 $0x10, s3;
	vm0 =	vmmov vm1  }
.LBB2_13:
0xc9: {  	_ =	sdelay $0x4  }
0xca: {  	v1 =	vld.msk [tilespmem:s3+$0x0 ss:$0x1], vm1;
	_ =	sdelay $0x4  }
0xcb: {  	v1 =	vshll.u32 v1, $0x4  }
0xcc: {  	[tilespmem:s3+$0x0] =	vst.msk vm0, v1  }
.LBB2_14:
0xcd: {  	p1 =	sne.s32 s2, $0xFFFFFFFF  }
0xce: {  	v1 =	vld.msk @!p1 [tilespmem:$0x2A08], $0x1;
	_ =	sdelay $0x4  }
0xcf: {  	(v2sf) =	vpush @!p1 v1, $0x0;
	_ =	sdelay $0xc  }
.Ltmp10:
0xd0: {  	_ = 	snop;
	(pc) =	sbr.rel @p0 .LBB2_25-.Ltmp10, $4  }
0xd1: {  	_ = 	snop  }
0xd2: {  	s31 =	spop @!p1 (v2sf)  }
0xd3: {  	s25 =	simm.s32 @!p1 $0x0;
	s28 =	smov.u32 s31  }
0xd4: {  	[sflag:s11] =	ssyncpa.u1 $0x0;
	s31 =	smov.u32 @p1 s0;
	s28 =	smov.u32 @p1 s2  }
0xd5: {  	s29 =	simm.s32 $0x2A08  }
0xd6: {  	v1 =	vld.msk [tilespmem:s29+$0x0], $0x1;
	_ =	sdelay $0x4  }
0xd7: {  	(v2sf) =	vpush v1, $0x0;
	_ =	sdelay $0xe  }
0xd8: {  	s3 =	spop (v2sf)  }
0xd9: {  	p0 =	seq.s32 s31, s3  }
0xda: {  	p1 =	sgt.s32 @!p0 s31, $0x0  }
0xdb: {  	s2 =	smov.u32 s31;
	s0 =	sadd.s32 $0xFFFFFFFF, s26;
	p1 =	por !p1, p0  }
0xdc: {  	s2 =	simm.s32 @p1 $0x0;
	p1 =	sne.s32 s0, $0x0  }
.Ltmp11:
0xdd: {  	_ = 	snop;
	(pc) =	sbr.rel @!p1 .LBB2_17-.Ltmp11, $4  }
0xde: {  	_ = 	snop  }
0xdf: {  	s30 =	simm.s32 $0x0;
	s4 =	simm.s32 @!p0 $0x1;
	s2 =	smin.u32 @!p0 s2, $0x1FFF8  }
0xe0: {  	s5 =	simm.s32 @!p0 $0x10C8;
	s4 =	smov.u32 @p0 s30;
	s7 =	sand.u32 @!p0 $0x1FFF8, s2  }
0xe1: {  	s18 =	sand.u32 @!p0 $0x7, s2;
	s2 =	simm.s32 $0x2A09;
	s21 =	sadd.s32 @!p0 s1, s7  }
.LBB2_16:
0xe2: {  	s7 =	smov.u32 s4  }
0xe3: {  	[tilespmem:s5], [sflag:$0x2] =	stream.linear.gather @!p0 [hbm4b:s21+s18], $0x40, $0x38;
	[tilespmem:$0x6A88] =	vst v63  }
0xe4: {  	s0 =	sadd.s32 $0xFFFFFFFF, s0;
	s8 =	smov.u32 s3;
	v1 =	vld.msk [tilespmem:s2+$0x0], $0x1  }
0xe5: {  	p1 =	sne.s32 s0, $0x0;
	_ =	sdelay $0x3  }
0xe6: {  	(v2sf) =	vpush v1, $0x0;
	_ =	sdelay $0xe  }
0xe7: {  	s3 =	spop (v2sf)  }
0xe8: {  	p0 =	seq.s32 s8, s3  }
0xe9: {  	p2 =	sgt.s32 @!p0 s8, $0x0;
	s5 =	sshll.u32 @!p0 s4, $0x8;
	s4 =	sadd.s32 @!p0 $0x1, s4  }
.Ltmp12:
0xea: {  	p2 =	por !p2, p0;
	s5 =	sshra.s32 @!p0 s5, $0x2;
	(pc) =	sbr.rel @p1 .LBB2_16-.Ltmp12, $4  }
0xeb: {  	s4 =	smov.u32 @p0 s7;
	s8 =	simm.s32 @p2 $0x0;
	s5 =	sadd.s32 @!p0 $0x10C8, s5  }
0xec: {  	s7 =	smin.u32 @!p0 s8, $0x1FFF8  }
0xed: {  	s8 =	sand.u32 @!p0 $0x1FFF8, s7;
	s18 =	sand.u32 @!p0 $0x7, s7  }
0xee: {  	s2 =	sadd.s32 $0x1, s2;
	s21 =	sadd.s32 @!p0 s1, s8  }
.LBB2_17:
0xef: {  	[tilespmem:s5], [sflag:$0x2] =	stream.linear.gather @!p0 [hbm4b:s21+s18], $0x40, $0x38;
	[tilespmem:$0x6A88] =	vst v63  }
.Ltmp13:
0xf0: {  	s0 =	sshll.u32 s4, $0x6;
	(pc) =	sbr.rel .LBB2_18-.Ltmp13, $4  }
0xf1: {  	s2 =	simm.s32 $0x2;
	s0 =	sand.u32 $0x3FFFFFC0, s0  }
0xf2: {  	_ =	swait.ge [sflag:s2], s0  }
0xf3: {  	s0 =	ssub.s32 $0x0, s0;
	[sflag:s2] =	ssyncset.done $0x0  }
0xf4: {  	s4 =	simm.s32 $0x2AA8;
	s3 =	simm.s32 $0x0;
	[sflag:s2] =	ssyncadd.s32 s0  }
.LBB2_19:
0xf5: {  	v1 =	vld [tilespmem:s4+$0xFFFFFFE0];
	_ =	sdelay $0x4  }
0xf6: {  	[tilespmem:s2+$0x88] =	vst.add.f32.msk $0xffff, v1  }
0xf7: {  	v1 =	vld [tilespmem:s4+$0xFFFFFFF0];
	_ =	sdelay $0x4  }
0xf8: {  	[tilespmem:s2+$0x98] =	vst.add.f32.msk $0xffff, v1  }
0xf9: {  	v1 =	vld [tilespmem:s4+$0x0];
	_ =	sdelay $0x4  }
0xfa: {  	[tilespmem:s2+$0xA8] =	vst.add.f32.msk $0xffff, v1  }
0xfb: {  	v1 =	vld [tilespmem:s4+$0x10];
	_ =	sdelay $0x4  }
0xfc: {  	[tilespmem:s2+$0xB8] =	vst.add.f32.msk $0xffff, v1  }
.LBB2_23:
0xfd: {  	s26 =	sadd.s32 $0xFFFFFFFF, s26  }
0xfe: {  	p0 =	sne.s32 s26, $0x0  }
.Ltmp14:
0xff: {  	_ = 	snop;
	(pc) =	sbr.rel @!p0 .LBB2_24-.Ltmp14, $2  }
0x100: {  	_ =	sdelay $0x2  }
0x101: {  	s4 =	sadd.s32 $0x80, s4;
	s29 =	sadd.s32 $0x1, s29;
	s31 =	smov.u32 s0  }
.LBB2_18:
0x102: {  	v1 =	vld.msk [tilespmem:s29+$0x0], $0x1;
	_ =	sdelay $0x4  }
0x103: {  	(v2sf) =	vpush v1, $0x0;
	_ =	sdelay $0xe  }
0x104: {  	s0 =	spop (v2sf)  }
0x105: {  	p0 =	sne.s32 s31, s0  }
.Ltmp15:
0x106: {  	_ = 	snop;
	(pc) =	sbr.rel @!p0 .LBB2_19-.Ltmp15, $3  }
0x107: {  	_ =	sdelay $0x1  }
0x108: {  	s2 =	sshll.u32 s25, $0x8  }
0x109: {  	s2 =	sshra.s32 s2, $0x2  }
0x10a: {  	p0 =	seq.s32 s31, s28  }
.Ltmp16:
0x10b: {  	_ = 	snop;
	(pc) =	sbr.rel @!p0 .LBB2_21-.Ltmp16, $1  }
0x10c: {  	_ =	sdelay $0x3  }
.Ltmp17:
0x10d: {  	s2 =	sadd.s32 $0x88, s2;
	(pc) =	sbr.rel .LBB2_22-.Ltmp17, $4  }
0x10e: {  	[spmem:s10] =	stream.linear.scatter [tilespmem:s2], [sflag:$0x1], $0x40, $0x38;
	[tilespmem:$0x6A88] =	vst v63  }
0x10f: {  	_ =	swait.ge [sflag:s20], $0x40  }
0x110: {  	[sflag:s20] =	ssyncset.done $0x0  }
0x111: {  	[sflag:s20] =	ssyncadd.s32 $0xFFFFFFC0  }
.LBB2_21:
0x112: {  	s5 =	sshll.u32 s30, $0x8  }
0x113: {  	s5 =	sshra.s32 s5, $0x2  }
0x114: {  	v1 =	vld [tilespmem:s5+$0x10C8];
	_ =	sdelay $0x4  }
0x115: {  	[tilespmem:s2+$0x88] =	vst.add.f32.msk $0xffff, v1  }
0x116: {  	v1 =	vld [tilespmem:s5+$0x10D8];
	_ =	sdelay $0x4  }
0x117: {  	[tilespmem:s2+$0x98] =	vst.add.f32.msk $0xffff, v1  }
0x118: {  	v1 =	vld [tilespmem:s5+$0x10E8];
	_ =	sdelay $0x4  }
0x119: {  	[tilespmem:s2+$0xA8] =	vst.add.f32.msk $0xffff, v1  }
0x11a: {  	v1 =	vld [tilespmem:s5+$0x10F8];
	_ =	sdelay $0x2  }
0x11b: {  	p0 =	sgt.u32 s31, $0x1FFF8  }
0x11c: {  	s5 =	sand.u32 @!p0 $0x1FFF8, s31  }
0x11d: {  	s7 =	sadd.s32 $0x88, s2;
	[tilespmem:s2+$0xB8] =	vst.add.f32.msk $0xffff, v1;
	s2 =	sadd.s32 @!p0 s1, s5;
	s5 =	sand.u32 @!p0 $0x7, s31  }
0x11e: {  	[hbm4b:s2+s5] =	stream.linear.scatter @!p0 [tilespmem:s7], [sflag:$0xC], $0x40, $0x38;
	[tilespmem:$0x6A88] =	vst v63  }
0x11f: {  	s2 =	simm.s32 $0x0  }
0x120: {  	s2 =	simm.s32 @!p0 $0x100  }
0x121: {  	s3 =	sadd.s32 s2, s3  }
.LBB2_22:
0x122: {  	v1 =	vld [tilespmem:s4+$0xFFFFFFE0];
	_ =	sdelay $0x1  }
0x123: {  	s2 =	sadd.s32 $0x1, s25  }
0x124: {  	s25 =	sand.u32 $0x3F, s2  }
0x125: {  	s2 =	sshll.u32 s25, $0x6  }
0x126: {  	[tilespmem:s2+$0x88] =	vst v1  }
0x127: {  	v1 =	vld [tilespmem:s4+$0xFFFFFFF0];
	_ =	sdelay $0x4  }
0x128: {  	[tilespmem:s2+$0x98] =	vst v1  }
0x129: {  	v1 =	vld [tilespmem:s4+$0x0];
	_ =	sdelay $0x4  }
0x12a: {  	[tilespmem:s2+$0xA8] =	vst v1  }
0x12b: {  	v1 =	vld [tilespmem:s4+$0x10]  }
.Ltmp18:
0x12c: {  	_ = 	snop;
	(pc) =	sbr.rel .LBB2_23-.Ltmp18, $2  }
0x12d: {  	_ =	sdelay $0x2  }
0x12e: {  	s30 =	sadd.s32 $0x1, s30;
	[tilespmem:s2+$0xB8] =	vst v1  }
.LBB2_24:
.Ltmp19:
0x12f: {  	(pc) =	sbr.rel .LBB2_26-.Ltmp19, $2  }
0x130: {  	_ =	sdelay $0x2  }
0x131: {  	s2 =	sshrl.u32 s3, $0x2  }
.LBB2_25:
0x132: {  	s0 =	simm.s32 $0x2  }
0x133: {  	_ =	swait.ge [sflag:s0], $0x0  }
0x134: {  	s2 =	simm.s32 $0x0;
	[sflag:s0] =	ssyncset.done $0x0;
	s0 =	smov.u32 s31  }
.LBB2_26:
.Ltmp20:
0x135: {  	_ =	swait.ge [sflag:s11], s2;
	(pc) =	sbr.rel .LBB2_27-.Ltmp20, $4  }
0x136: {  	s31 =	ssub.s32 $0x0, s2;
	v1 =	vmov s28;
	vm0 =	veq.s32 v0, $0x0;
	[sflag:s11] =	ssyncset.done $0x0  }
0x137: {  	vm15 =	veq.s32 v0, $0x2;
	v1 =	vsel vm0, s0, v1;
	[sflag:s11] =	ssyncadd.s32 s31  }
0x138: {  	v1 =	vsel vm15, s25, v1;
	[sflag:s11] =	ssyncpa.u1 $0x1  }
0x139: {  	[tilespmem:$0x2108] =	vst v1  }
.LBB2_28:
0x13a: {  	_ =	sfence.sel $0x180000  }
0x13b: {  	s0 =	simm.s32 $0x9;
	[bflag:$0x0] =	sbarrier.arrive $0xFFFF  }
0x13c: {  	s24 =	simm.s32 $0xA;
	[sflag:s0] =	ssyncpa.u1 $0x1  }
0x13d: {  	s25 =	simm.s32 $0xB;
	[sflag:s24] =	ssyncpa.u1 $0x1  }
0x13e: {  	s26 =	simm.s32 $0x2;
	[sflag:s25] =	ssyncpa.u1 $0x1  }
0x13f: {  	[sflag:s26] =	ssyncpa.u1 $0x1  }
0x140: {  	v0 =	vld [tilespmem:$0x2108];
	_ =	sdelay $0x4  }
0x141: {  	(v2sf) =	vpush v0, $0x0  }
0x142: {  	(v2sf) =	vpush v0, $0x1;
	_ =	sdelay $0x1  }
0x143: {  	(v2sf) =	vpush v0, $0x2;
	_ =	sdelay $0xb  }
0x144: {  	s0 =	spop (v2sf)  }
0x145: {  	s2 =	spop (v2sf)  }
0x146: {  	s3 =	smov.u32 s0;
	p0 =	sne.s32 s0, s2  }
0x147: {  	s4 =	spop (v2sf);
	s3 =	simm.s32 @!p0 $0xFFFFFFFF  }
0x148: {  	v2 =	vimm.s32 $0x1;
	v3 =	vlaneseq.u32;
	p0 =	seq.s32 s4, $0xFFFFFFFF;
	v1 =	vmov s3  }
0x149: {  	s14 =	stileid.u32;
	v0 =	vperm.xlane v0, v2;
	p1 =	sne.s32 @!p0 s0, s2;
	v1 =	vperm.xlane v1, v3  }
0x14a: {  	vm0 =	vcmask $0x3F04;
	s6 =	simm.s32 $0x2108;
	s0 =	simm.s32 @!p0 $0x1;
	p1 =	por !p1, p0  }
0x14b: {  	s3 =	sshll.u32 s14, $0x1;
	s2 =	sshll.u32 @!p0 s4, $0x8;
	s0 =	simm.s32 @p1 $0x0;
	v0 =	vsel vm0, v1, v0  }
0x14c: {  	s5 =	sor.u32 $0x800, s3;
	s2 =	sshra.s32 @!p0 s2, $0x2;
	s0 =	sor.u32 @!p0 s0, s3;
	[tilespmem:$0x2108] =	vst v0  }
0x14d: {  	[spmem:s5] =	stream.linear.scatter [tilespmem:s6], [sflag:$0x1], $0x2, $0x38;
	[tilespmem:$0x6A88] =	vst v63  }
0x14e: {  	s2 =	sadd.s32 @!p0 $0x88, s2;
	s0 =	sshll.u32 @!p0 s0, $0x6  }
0x14f: {  	[spmem:s0] =	stream.linear.scatter @!p0 [tilespmem:s2], [sflag:$0x1], $0x40, $0x38;
	[tilespmem:$0x6A88] =	vst v63  }
0x150: {  	s0 =	simm.s32 @!p0 $0x42  }
0x151: {  	s28 =	simm.s32 $0x1;
	s0 =	simm.s32 @p0 $0x2  }
0x152: {  	_ =	swait.ge [sflag:s28], s0  }
0x153: {  	s0 =	ssub.s32 $0x0, s0;
	[sflag:s28] =	ssyncset.done $0x0  }
0x154: {  	p0 =	sne.s32 s14, $0x0;
	[sflag:s28] =	ssyncadd.s32 s0  }
.Ltmp21:
0x155: {  	_ =	sfence.stream.spmem;
	(pc) =	sbr.rel @p0 .LBB2_45-.Ltmp21, $4  }
0x156: {  	s29 =	simm.s32 $0x3;
	[bflag:$0x0] =	sbarrier.arrive $0xFFFF  }
0x157: {  	s30 =	simm.s32 $0x4;
	[sflag:s29] =	ssyncpa.u1 $0x1  }
0x158: {  	s31 =	simm.s32 $0x3C;
	[sflag:s30] =	ssyncpa.u1 $0x1  }
0x159: {  	s13 =	rddreg [dreg:$0x5];
	[sflag:s31] =	ssyncpa.u1 $0x1  }
0x15a: {  	_ =	sfence.stream.spmem;
	s0 =	simm.s32 $0x5  }
0x15b: {  	s2 =	simm.s32 $0x800;
	s3 =	simm.s32 $0x2118;
	[sflag:s0] =	ssyncpa.u1 $0x0  }
0x15c: {  	[tilespmem:s3], [sflag:$0x5] =	stream.linear.gather [spmem:s2], $0x20, $0x38;
	[tilespmem:$0x6A88] =	vst v63  }
0x15d: {  	s26 =	simm.s32 $0x0;
	s28 =	simm.s32 $0x2138  }
0x15e: {  	[tilespmem:s28], [sflag:$0x5] =	stream.linear.gather [spmem:s26], $0x800, $0x38;
	[tilespmem:$0x6A88] =	vst v63  }
0x15f: {  	_ =	swait.ge [sflag:s0], $0x820  }
0x160: {  	[sflag:s0] =	ssyncset.done $0x0  }
0x161: {  	s29 =	simm.s32 $0x0;
	[sflag:s0] =	ssyncadd.s32 $0xFFFFF7E0  }
0x162: {  	v0 =	vld.msk [tilespmem:s29+$0x2118], $0x1;
	_ =	sdelay $0x1  }
0x163: {  	s30 =	simm.s32 $0x1  }
0x164: {  	v1 =	vld.msk [tilespmem:s30+$0x2118], $0x1;
	_ =	sdelay $0x1  }
0x165: {  	(v2sf) =	vpush v0, $0x0;
	_ =	sdelay $0x2  }
0x166: {  	(v2sf) =	vpush v1, $0x0;
	_ =	sdelay $0x2  }
0x167: {  	s31 =	simm.s32 $0x2  }
0x168: {  	v0 =	vld.msk [tilespmem:s31+$0x2118], $0x1;
	_ =	sdelay $0x2  }
0x169: {  	s2 =	simm.s32 $0xFFFFFFFF;
	s3 =	simm.s32 $0xFFFFFFFF;
	s0 =	simm.s32 $0xC  }
.LBB2_30:
0x16a: {  	s4 =	smov.u32 s3;
	s5 =	smov.u32 s2  }
0x16b: {  	s2 =	sshra.s32 s0, $0x2;
	p1 =	sne.s32 s0, $0x7C;
	s0 =	sadd.s32 $0x4, s0;
	(v2sf) =	vpush v0, $0x0  }
0x16c: {  	v0 =	vld.msk [tilespmem:s2+$0x2118], $0x1  }
.Ltmp22:
0x16d: {  	(pc) =	sbr.rel @p1 .LBB2_30-.Ltmp22, $4  }
0x16e: {  	s3 =	spop (v2sf)  }
0x16f: {  	p2 =	sne.s32 s5, $0xFFFFFFFF;
	s2 =	smov.u32 s3  }
0x170: {  	p3 =	seq.s32 s3, $0xFFFFFFFF;
	s2 =	smov.u32 @p2 s5  }
0x171: {  	s3 =	smov.u32 @p3 s4;
	s2 =	smov.u32 @p3 s5  }
0x172: {  	(v2sf) =	vpush v0, $0x0;
	_ =	sdelay $0x8  }
0x173: {  	s0 =	spop (v2sf)  }
0x174: {  	p1 =	sne.s32 s2, $0xFFFFFFFF;
	s4 =	smov.u32 s0  }
0x175: {  	s9 =	simm.s32 $0x6;
	p2 =	seq.s32 s0, $0xFFFFFFFF;
	s4 =	smov.u32 @p1 s2  }
0x176: {  	s6 =	simm.s32 $0x0;
	s4 =	smov.u32 @p2 s2;
	s2 =	spop (v2sf)  }
0x177: {  	s0 =	smov.u32 @p2 s3;
	p1 =	sne.s32 s4, $0xFFFFFFFF;
	s5 =	smov.u32 s2  }
.Ltmp23:
0x178: {  	p2 =	seq.s32 s2, $0xFFFFFFFF;
	s5 =	smov.u32 @p1 s4;
	(pc) =	sbr.rel .LBB2_32-.Ltmp23, $4  }
0x179: {  	s10 =	simm.s32 $0x20C8;
	s5 =	smov.u32 @p2 s4;
	s7 =	spop (v2sf)  }
0x17a: {  	s11 =	simm.s32 $0x0;
	p1 =	sne.s32 s5, $0xFFFFFFFF;
	s8 =	smov.u32 s7  }
0x17b: {  	s2 =	smov.u32 @p2 s0;
	p2 =	seq.s32 s7, $0xFFFFFFFF;
	s8 =	smov.u32 @p1 s5  }
0x17c: {  	[sflag:s9] =	ssyncpa.u1 $0x0;
	s7 =	smov.u32 @p2 s2;
	s8 =	smov.u32 @p2 s5  }
.LBB2_38:
0x17d: {  	p1 =	sgt.u32 s0, $0x1FFF8  }
0x17e: {  	p2 =	seq.s32 @!p1 s0, s8  }
0x17f: {  	p1 =	por p1, p2  }
0x180: {  	p2 =	sne.s32 @!p1 s0, s7  }
0x181: {  	p1 =	por p1, !p2  }
0x182: {  	s0 =	sshll.u32 @p1 s11, $0x8  }
0x183: {  	s2 =	sand.u32 @!p1 $0x1FFF8, s0  }
0x184: {  	s0 =	sand.u32 @!p1 $0x7, s0;
	s2 =	sadd.s32 @!p1 s1, s2  }
0x185: {  	[tilespmem:s10], [sflag:$0x6] =	stream.linear.gather @!p1 [hbm4b:s2+s0], $0x40, $0x38;
	[tilespmem:$0x6A88] =	vst v63  }
0x186: {  	_ =	swait.ge @!p1 [sflag:s9], $0x40  }
0x187: {  	[sflag:s9] =	ssyncset.done @!p1 $0x0  }
0x188: {  	[sflag:s9] =	ssyncadd.s32 @!p1 $0xFFFFFFC0  }
0x189: {  	v1 =	vld @!p1 [tilespmem:$0x20C8];
	_ =	sdelay $0x2  }
0x18a: {  	s0 =	sshll.u32 @!p1 s11, $0x8  }
0x18b: {  	s2 =	sshrl.u32 @!p1 s0, $0x2  }
0x18c: {  	[tilespmem:s2+$0x2138] =	vst.add.f32.msk @!p1 $0xffff, v1  }
0x18d: {  	v1 =	vld @!p1 [tilespmem:$0x20D8];
	_ =	sdelay $0x4  }
0x18e: {  	[tilespmem:s2+$0x2148] =	vst.add.f32.msk @!p1 $0xffff, v1  }
0x18f: {  	v1 =	vld @!p1 [tilespmem:$0x20E8];
	_ =	sdelay $0x4  }
0x190: {  	[tilespmem:s2+$0x2158] =	vst.add.f32.msk @!p1 $0xffff, v1  }
0x191: {  	v1 =	vld @!p1 [tilespmem:$0x20F8];
	_ =	sdelay $0x4  }
0x192: {  	[tilespmem:s2+$0x2168] =	vst.add.f32.msk @!p1 $0xffff, v1  }
0x193: {  	s0 =	sshrl.u32 s0, $0x2;
	[tilespmem:s6+$0x2118] =	vst.msk $0x1, v0  }
0x194: {  	v0 =	vld [tilespmem:s0+$0x2138];
	_ =	sdelay $0x2  }
0x195: {  	s31 =	sshll.u32 s6, $0x8  }
0x196: {  	s2 =	sshra.s32 s31, $0x2  }
0x197: {  	[tilespmem:s2+$0x2138] =	vst v0  }
0x198: {  	v0 =	vld [tilespmem:s0+$0x2148];
	_ =	sdelay $0x4  }
0x199: {  	[tilespmem:s2+$0x2148] =	vst v0  }
0x19a: {  	v0 =	vld [tilespmem:s0+$0x2158];
	_ =	sdelay $0x4  }
0x19b: {  	[tilespmem:s2+$0x2158] =	vst v0  }
0x19c: {  	v0 =	vld [tilespmem:s0+$0x2168];
	_ =	sdelay $0x4  }
0x19d: {  	s6 =	sadd.s32 $0x1, s6;
	[tilespmem:s2+$0x2168] =	vst v0  }
.LBB2_39:
0x19e: {  	s11 =	sadd.s32 $0x1, s11  }
0x19f: {  	p1 =	sne.s32 s11, $0x20  }
.Ltmp24:
0x1a0: {  	_ = 	snop;
	(pc) =	sbr.rel @!p1 .LBB2_40-.Ltmp24, $1  }
0x1a1: {  	_ =	sdelay $0x3  }
.LBB2_32:
0x1a2: {  	v0 =	vld.msk [tilespmem:s11+$0x2118], $0x1;
	_ =	sdelay $0x4  }
0x1a3: {  	(v2sf) =	vpush v0, $0x0;
	_ =	sdelay $0xe  }
0x1a4: {  	s0 =	spop (v2sf)  }
0x1a5: {  	p1 =	seq.s32 s0, $0xFFFFFFFF  }
.Ltmp25:
0x1a6: {  	_ = 	snop;
	(pc) =	sbr.rel @p1 .LBB2_39-.Ltmp25, $1  }
0x1a7: {  	_ =	sdelay $0x3  }
0x1a8: {  	p1 =	slt.s32 s6, $0x1  }
.Ltmp26:
0x1a9: {  	_ = 	snop;
	(pc) =	sbr.rel @p1 .LBB2_38-.Ltmp26, $1  }
0x1aa: {  	_ =	sdelay $0x3  }
0x1ab: {  	s2 =	simm.s32 $0x2118;
	p1 =	por $0x0, $0x0  }
0x1ac: {  	v1 =	vld.msk @!p1 [tilespmem:s2+$0x0], $0x1;
	_ =	sdelay $0x4  }
0x1ad: {  	(v2sf) =	vpush @!p1 v1, $0x0;
	_ =	sdelay $0xd  }
0x1ae: {  	p3 =	sne.s32 s6, $0x1  }
.Ltmp27:
0x1af: {  	s3 =	spop @!p1 (v2sf);
	(pc) =	sbr.rel @!p3 .LBB2_36-.Ltmp27, $4  }
0x1b0: {  	p2 =	seq.s32 @!p1 s0, s3  }
0x1b1: {  	s3 =	simm.s32 $0x0;
	p2 =	por !p2, p1  }
0x1b2: {  	s5 =	simm.s32 $0xFFFFFFFF;
	s3 =	simm.s32 @p2 $0xFFFFFFFF  }
0x1b3: {  	s4 =	simm.s32 $0x1;
	s3 =	smov.u32 @p1 s5  }
.LBB2_35:
0x1b4: {  	s5 =	smov.u32 s3;
	p1 =	sne.s32 s3, $0xFFFFFFFF  }
0x1b5: {  	s2 =	sadd.s32 $0x1, s2;
	s3 =	smov.u32 s4;
	s4 =	sadd.s32 $0x1, s4  }
0x1b6: {  	p2 =	sne.s32 s6, s4;
	v1 =	vld.msk @!p1 [tilespmem:s2+$0x0], $0x1;
	_ =	sdelay $0x4  }
0x1b7: {  	(v2sf) =	vpush @!p1 v1, $0x0;
	_ =	sdelay $0xe  }
.Ltmp28:
0x1b8: {  	s12 =	spop @!p1 (v2sf);
	(pc) =	sbr.rel @p2 .LBB2_35-.Ltmp28, $4  }
0x1b9: {  	p3 =	seq.s32 @!p1 s0, s12  }
0x1ba: {  	p3 =	por !p3, p1  }
0x1bb: {  	s3 =	simm.s32 @p3 $0xFFFFFFFF  }
0x1bc: {  	s3 =	smov.u32 @p1 s5  }
.LBB2_36:
0x1bd: {  	p1 =	seq.s32 s3, $0xFFFFFFFF  }
.Ltmp29:
0x1be: {  	_ = 	snop;
	(pc) =	sbr.rel @p1 .LBB2_38-.Ltmp29, $1  }
0x1bf: {  	_ =	sdelay $0x3  }
0x1c0: {  	s0 =	sshll.u32 s11, $0x6  }
0x1c1: {  	s0 =	sand.u32 $0x3FFFFFC0, s0  }
0x1c2: {  	v0 =	vld [tilespmem:s0+$0x2138];
	_ =	sdelay $0x2  }
0x1c3: {  	s2 =	sshll.u32 s3, $0x8  }
0x1c4: {  	s2 =	sshra.s32 s2, $0x2  }
0x1c5: {  	[tilespmem:s2+$0x2138] =	vst.add.f32.msk $0xffff, v0  }
0x1c6: {  	v0 =	vld [tilespmem:s0+$0x2148];
	_ =	sdelay $0x4  }
0x1c7: {  	[tilespmem:s2+$0x2148] =	vst.add.f32.msk $0xffff, v0  }
0x1c8: {  	v0 =	vld [tilespmem:s0+$0x2158];
	_ =	sdelay $0x4  }
0x1c9: {  	[tilespmem:s2+$0x2158] =	vst.add.f32.msk $0xffff, v0  }
0x1ca: {  	v0 =	vld [tilespmem:s0+$0x2168]  }
.Ltmp30:
0x1cb: {  	_ = 	snop;
	(pc) =	sbr.rel .LBB2_39-.Ltmp30, $2  }
0x1cc: {  	_ =	sdelay $0x2  }
0x1cd: {  	[tilespmem:s2+$0x2168] =	vst.add.f32.msk $0xffff, v0  }
.LBB2_40:
0x1ce: {  	s0 =	simm.s32 $0x6;
	p1 =	seq.s32 s6, $0x0  }
0x1cf: {  	[sflag:s0] =	ssyncpa.u1 $0x1;
	v0 =	vimm.s32 @p1 $0xFFFFFFFF  }
0x1d0: {  	s0 =	sadd.s32 $0xFFFFFFFF, s6;
	[tilespmem:$0x2938] =	vst @p1 v0  }
0x1d1: {  	v0 =	vld.msk @!p1 [tilespmem:s0+$0x2118], $0x1;
	_ =	sdelay $0x1  }
0x1d2: {  	v1 =	vld.msk @!p1 [tilespmem:$0x2118], $0x1;
	_ =	sdelay $0x2  }
0x1d3: {  	p2 =	seq.s32 @!p1 s0, $0x0;
	v0 =	vbroadcast @!p1 v0, $0x0  }
0x1d4: {  	vm0 =	vmmov @!p1 $0x1;
	p2 =	por !p2, p1  }
0x1d5: {  	v1 =	vnsel @!p1 vm0, $0xFFFFFFFF, v1;
	vm0 =	vcmask @!p1 $0x308;
	v0 =	vpsel !p2, $0xFFFFFFFF, v0  }
0x1d6: {  	p2 =	sne.s32 @!p1 s8, s7;
	v0 =	vsel @!p1 vm0, v1, v0  }
0x1d7: {  	s2 =	simm.s32 @!p1 $0x2138;
	s3 =	simm.s32 @!p1 $0x0;
	p3 =	por !p2, p1;
	[tilespmem:$0x2938] =	vst @!p1 v0  }
0x1d8: {  	[spmem:s3] =	stream.linear.scatter @!p1 [tilespmem:s2], [sflag:$0x1], $0x40, $0x38;
	[tilespmem:$0x6A88] =	vst v63  }
0x1d9: {  	s2 =	sshll.u32 @!p3 s0, $0x8  }
0x1da: {  	s2 =	sshra.s32 @!p3 s2, $0x2  }
0x1db: {  	s3 =	simm.s32 @!p3 $0x40;
	s2 =	sadd.s32 @!p3 $0x2138, s2  }
0x1dc: {  	[spmem:s3] =	stream.linear.scatter @!p3 [tilespmem:s2], [sflag:$0x1], $0x40, $0x38;
	[tilespmem:$0x6A88] =	vst v63  }
0x1dd: {  	s2 =	simm.s32 @!p3 $0x1  }
0x1de: {  	_ =	swait.ge @!p3 [sflag:s2], $0x80  }
0x1df: {  	p1 =	por p2, p1;
	[sflag:s2] =	ssyncset.done @!p3 $0x0  }
0x1e0: {  	[sflag:s2] =	ssyncadd.s32 @!p3 $0xFFFFFF80;
	s2 =	simm.s32 @!p1 $0x1  }
0x1e1: {  	_ =	swait.ge @!p1 [sflag:s2], $0x40  }
0x1e2: {  	s29 =	simm.s32 $0x2938;
	[sflag:s2] =	ssyncset.done @!p1 $0x0  }
0x1e3: {  	s30 =	simm.s32 $0x800;
	s31 =	simm.s32 $0x1;
	[sflag:s2] =	ssyncadd.s32 @!p1 $0xFFFFFFC0  }
0x1e4: {  	[spmem:s30] =	stream.linear.scatter [tilespmem:s29], [sflag:$0x1], $0x10, $0x38;
	[tilespmem:$0x6A88] =	vst v63  }
0x1e5: {  	_ =	swait.ge [sflag:s31], $0x10  }
0x1e6: {  	[sflag:s31] =	ssyncset.done $0x0  }
0x1e7: {  	p1 =	seq.s32 s13, $0x0;
	s9 =	rddreg [dreg:$0x2];
	[sflag:s31] =	ssyncadd.s32 $0xFFFFFFF0  }
0x1e8: {  	s3 =	sshll.u32 @p1 s9, $0xE;
	s8 =	rddreg [dreg:$0x3]  }
0x1e9: {  	s2 =	sadd.s32 @p1 $0x15C3C, s3;
	s3 =	sshll.u32 @p1 s8, $0x11  }
0x1ea: {  	_ =	sfence.stream.spmem;
	s2 =	sor.u32 @p1 s3, s2  }
0x1eb: {  	[sflag:s2] =	ssyncadd.remote.s32 @p1 $0x1;
	s2 =	simm.s32 @p1 $0x4  }
0x1ec: {  	s4 =	simm.s32 @!p1 $0x3C;
	s3 =	sand.u32 $0xFFFFFFFE, s9;
	_ =	swait.ge @p1 [sflag:s2], $0x12  }
0x1ed: {  	s5 =	simm.s32 @!p1 $0x0;
	s3 =	sadd.s32 @!p1 $0x4, s3;
	[sflag:s2] =	ssyncset.done @p1 $0x0  }
0x1ee: {  	s7 =	simm.s32 @!p1 $0x80;
	[sflag:s2] =	ssyncadd.s32 @p1 $0xFFFFFFEE;
	s2 =	sshll.u32 @!p1 s3, $0x1A  }
0x1ef: {  	s3 =	sshll.u32 @!p1 s3, $0xD;
	s2 =	sor.u32 @!p1 s2, s8;
	_ =	swait.eq @!p1 [sflag:s4], $0x1  }
0x1f0: {  	s3 =	sor.u32 @!p1 $0x1C04, s3;
	s4 =	simm.s32 @!p1 $0x1C03;
	s2 =	sor.u32 @!p1 $0x80004000, s2  }
0x1f1: {  	[spmem:s7], [sflag:s3] =	dma.general @!p1 [spmem:s5], [sflag:s4], length:$0x10, [dreg:$0x0], stride_count:$0x0, ici_dest:s2, dma_misc:DstOpCode:WRITE  }
0x1f2: {  	p2 =	slt.s32 s0, $0x2;
	s5 =	simm.s32 @!p1 $0x100;
	s7 =	simm.s32 @!p1 $0x102  }
0x1f3: {  	[spmem:s7], [sflag:s3] =	dma.general @!p1 [spmem:s5], [sflag:s4], length:$0x2, [dreg:$0x0], stride_count:$0x0, ici_dest:s2, dma_misc:DstOpCode:WRITE  }
.Ltmp31:
0x1f4: {  	s2 =	simm.s32 @!p1 $0x3;
	(pc) =	sbr.rel @p2 .LBB2_44-.Ltmp31, $4  }
0x1f5: {  	s3 =	sshll.u32 @!p1 s9, $0xE;
	_ =	swait.ge @!p1 [sflag:s2], $0x12  }
0x1f6: {  	s4 =	sshll.u32 @!p1 s8, $0x11;
	s3 =	sadd.s32 @!p1 $0x11C3C, s3;
	[sflag:s2] =	ssyncset.done @!p1 $0x0  }
0x1f7: {  	[sflag:s2] =	ssyncadd.s32 @!p1 $0xFFFFFFEE;
	s2 =	sor.u32 @!p1 s4, s3  }
0x1f8: {  	s0 =	simm.s32 $0x0;
	[sflag:s2] =	ssyncadd.remote.s32 @!p1 $0xFFFFFFFF  }
0x1f9: {  	s0 =	simm.s32 $0x2119  }
0x1fa: {  	v0 =	vld.msk [tilespmem:s0+$0x0], $0x1;
	_ =	sdelay $0x4  }
0x1fb: {  	(v2sf) =	vpush v0, $0x0;
	_ =	sdelay $0xc  }
0x1fc: {  	s2 =	sadd.s32 $0xFFFFFFFE, s6  }
0x1fd: {  	s2 =	sadd.s32 $0xFFFFFFFF, s2  }
0x1fe: {  	p2 =	sne.s32 s2, $0x0;
	s3 =	spop (v2sf)  }
.Ltmp32:
0x1ff: {  	p1 =	sgt.u32 s3, $0x1FFF8;
	(pc) =	sbr.rel @!p2 .LBB2_43-.Ltmp32, $4  }
0x200: {  	s5 =	simm.s32 $0x0;
	s4 =	sand.u32 @!p1 $0x1FFF8, s3  }
0x201: {  	s0 =	simm.s32 $0x2178;
	s3 =	sand.u32 @!p1 $0x7, s3;
	s4 =	sadd.s32 @!p1 s1, s4  }
0x202: {  	[hbm4b:s4+s3] =	stream.linear.scatter @!p1 [tilespmem:s0], [sflag:$0x5], $0x40, $0x38;
	[tilespmem:$0x6A88] =	vst v63  }
0x203: {  	s5 =	simm.s32 @!p1 $0x100;
	s3 =	simm.s32 $0x0;
	s4 =	simm.s32 $0x211A  }
.LBB2_42:
0x204: {  	v0 =	vld.msk [tilespmem:s4+$0x0], $0x1;
	s2 =	sadd.s32 $0xFFFFFFFF, s2;
	s3 =	sadd.s32 s3, s5  }
0x205: {  	p1 =	sne.s32 s2, $0x0;
	_ =	sdelay $0x3  }
0x206: {  	(v2sf) =	vpush v0, $0x0;
	_ =	sdelay $0xe  }
.Ltmp33:
0x207: {  	s6 =	spop (v2sf);
	(pc) =	sbr.rel @p1 .LBB2_42-.Ltmp33, $4  }
0x208: {  	s5 =	simm.s32 $0x0;
	p2 =	sgt.u32 s6, $0x1FFF8  }
0x209: {  	s0 =	sadd.s32 $0x40, s0;
	s5 =	simm.s32 @!p2 $0x100;
	s7 =	sand.u32 @!p2 $0x1FFF8, s6  }
0x20a: {  	s4 =	sadd.s32 $0x1, s4;
	s6 =	sand.u32 @!p2 $0x7, s6;
	s7 =	sadd.s32 @!p2 s1, s7  }
0x20b: {  	[hbm4b:s7+s6] =	stream.linear.scatter @!p2 [tilespmem:s0], [sflag:$0x5], $0x40, $0x38;
	[tilespmem:$0x6A88] =	vst v63  }
.LBB2_43:
0x20c: {  	s0 =	sadd.s32 s3, s5  }
0x20d: {  	s0 =	sshrl.u32 s0, $0x2  }
.LBB2_44:
0x20e: {  	s2 =	simm.s32 $0x5  }
0x20f: {  	_ =	swait.ge [sflag:s2], s0  }
0x210: {  	s31 =	ssub.s32 $0x0, s0;
	[sflag:s2] =	ssyncset.done $0x0  }
0x211: {  	[sflag:s2] =	ssyncadd.s32 s31  }
0x212: {  	[sflag:s2] =	ssyncpa.u1 $0x1  }
.LBB2_45:
0x213: {  	s0 =	sor.u32 s13, s14  }
0x214: {  	p1 =	sne.s32 s0, $0x0  }
.Ltmp34:
0x215: {  	_ = 	snop;
	(pc) =	sbr.rel @p1 .LBB2_60-.Ltmp34, $3  }
0x216: {  	_ =	sdelay $0x1  }
0x217: {  	[bflag:$0x0] =	sbarrier.arrive $0xFFFF  }
0x218: {  	_ =	sfence  }
0x219: {  	s0 =	simm.s32 $0x7  }
0x21a: {  	s2 =	simm.s32 $0x800;
	s3 =	simm.s32 $0x2118;
	[sflag:s0] =	ssyncpa.u1 $0x0  }
0x21b: {  	[tilespmem:s3], [sflag:$0x7] =	stream.linear.gather [spmem:s2], $0x20, $0x38;
	[tilespmem:$0x6A88] =	vst v63  }
0x21c: {  	s30 =	simm.s32 $0x2138;
	s2 =	simm.s32 $0x0  }
0x21d: {  	[tilespmem:s30], [sflag:$0x7] =	stream.linear.gather [spmem:s2], $0x800, $0x38;
	[tilespmem:$0x6A88] =	vst v63  }
.Ltmp35:
0x21e: {  	_ = 	snop;
	(pc) =	sbr.rel .LBB2_47-.Ltmp35, $4  }
0x21f: {  	_ =	swait.ge [sflag:s0], $0x820  }
0x220: {  	[sflag:s0] =	ssyncset.done $0x0  }
0x221: {  	s31 =	simm.s32 $0x8;
	[sflag:s0] =	ssyncadd.s32 $0xFFFFF7E0  }
0x222: {  	s3 =	simm.s32 $0x0;
	[sflag:s31] =	ssyncpa.u1 $0x0  }
.LBB2_53:
0x223: {  	p1 =	slt.u32 s0, $0x1FFF9  }
0x224: {  	s4 =	sand.u32 @p1 $0x1FFF8, s0  }
0x225: {  	s0 =	sand.u32 @p1 $0x7, s0;
	s5 =	simm.s32 @p1 $0x20C8;
	s4 =	sadd.s32 @p1 s1, s4  }
0x226: {  	[tilespmem:s5], [sflag:$0x8] =	stream.linear.gather @p1 [hbm4b:s4+s0], $0x40, $0x38;
	[tilespmem:$0x6A88] =	vst v63  }
0x227: {  	s0 =	simm.s32 @p1 $0x8  }
0x228: {  	_ =	swait.ge @p1 [sflag:s0], $0x40  }
0x229: {  	[sflag:s0] =	ssyncset.done @p1 $0x0  }
0x22a: {  	[sflag:s0] =	ssyncadd.s32 @p1 $0xFFFFFFC0  }
0x22b: {  	v1 =	vld @p1 [tilespmem:$0x20C8];
	_ =	sdelay $0x2  }
0x22c: {  	s0 =	sshll.u32 @p1 s3, $0x8  }
0x22d: {  	s4 =	sshrl.u32 @p1 s0, $0x2  }
0x22e: {  	[tilespmem:s4+$0x2138] =	vst.add.f32.msk @p1 $0xffff, v1  }
0x22f: {  	v1 =	vld @p1 [tilespmem:$0x20D8];
	_ =	sdelay $0x4  }
0x230: {  	[tilespmem:s4+$0x2148] =	vst.add.f32.msk @p1 $0xffff, v1  }
0x231: {  	v1 =	vld @p1 [tilespmem:$0x20E8];
	_ =	sdelay $0x4  }
0x232: {  	[tilespmem:s4+$0x2158] =	vst.add.f32.msk @p1 $0xffff, v1  }
0x233: {  	v1 =	vld @p1 [tilespmem:$0x20F8];
	_ =	sdelay $0x3  }
0x234: {  	s5 =	sshll.u32 @!p1 s3, $0x8  }
0x235: {  	s5 =	smov.u32 @p1 s0;
	[tilespmem:s4+$0x2168] =	vst.add.f32.msk @p1 $0xffff, v1  }
0x236: {  	s0 =	sshrl.u32 s5, $0x2;
	[tilespmem:s2+$0x2118] =	vst.msk $0x1, v0  }
0x237: {  	v0 =	vld [tilespmem:s0+$0x2138];
	_ =	sdelay $0x2  }
0x238: {  	s31 =	sshll.u32 s2, $0x8  }
0x239: {  	s4 =	sshra.s32 s31, $0x2  }
0x23a: {  	[tilespmem:s4+$0x2138] =	vst v0  }
0x23b: {  	v0 =	vld [tilespmem:s0+$0x2148];
	_ =	sdelay $0x4  }
0x23c: {  	[tilespmem:s4+$0x2148] =	vst v0  }
0x23d: {  	v0 =	vld [tilespmem:s0+$0x2158];
	_ =	sdelay $0x4  }
0x23e: {  	[tilespmem:s4+$0x2158] =	vst v0  }
0x23f: {  	v0 =	vld [tilespmem:s0+$0x2168];
	_ =	sdelay $0x4  }
0x240: {  	s2 =	sadd.s32 $0x1, s2;
	[tilespmem:s4+$0x2168] =	vst v0  }
.LBB2_54:
0x241: {  	s3 =	sadd.s32 $0x1, s3  }
0x242: {  	p1 =	sne.s32 s3, $0x20  }
.Ltmp36:
0x243: {  	_ = 	snop;
	(pc) =	sbr.rel @!p1 .LBB2_55-.Ltmp36, $1  }
0x244: {  	_ =	sdelay $0x3  }
.LBB2_47:
0x245: {  	v0 =	vld.msk [tilespmem:s3+$0x2118], $0x1;
	_ =	sdelay $0x4  }
0x246: {  	(v2sf) =	vpush v0, $0x0;
	_ =	sdelay $0xe  }
0x247: {  	s0 =	spop (v2sf)  }
0x248: {  	p1 =	seq.s32 s0, $0xFFFFFFFF  }
.Ltmp37:
0x249: {  	_ = 	snop;
	(pc) =	sbr.rel @p1 .LBB2_54-.Ltmp37, $1  }
0x24a: {  	_ =	sdelay $0x3  }
0x24b: {  	p1 =	slt.s32 s2, $0x1  }
.Ltmp38:
0x24c: {  	_ = 	snop;
	(pc) =	sbr.rel @p1 .LBB2_53-.Ltmp38, $1  }
0x24d: {  	_ =	sdelay $0x3  }
0x24e: {  	s4 =	simm.s32 $0x2118;
	p1 =	por $0x0, $0x0  }
0x24f: {  	v1 =	vld.msk @!p1 [tilespmem:s4+$0x0], $0x1;
	_ =	sdelay $0x4  }
0x250: {  	(v2sf) =	vpush @!p1 v1, $0x0;
	_ =	sdelay $0xd  }
0x251: {  	p3 =	sne.s32 s2, $0x1  }
.Ltmp39:
0x252: {  	s5 =	spop @!p1 (v2sf);
	(pc) =	sbr.rel @!p3 .LBB2_51-.Ltmp39, $4  }
0x253: {  	p2 =	seq.s32 @!p1 s0, s5  }
0x254: {  	s5 =	simm.s32 $0x0;
	p2 =	por !p2, p1  }
0x255: {  	s7 =	simm.s32 $0xFFFFFFFF;
	s5 =	simm.s32 @p2 $0xFFFFFFFF  }
0x256: {  	s6 =	simm.s32 $0x1;
	s5 =	smov.u32 @p1 s7  }
.LBB2_50:
0x257: {  	s7 =	smov.u32 s5;
	p1 =	sne.s32 s5, $0xFFFFFFFF  }
0x258: {  	s4 =	sadd.s32 $0x1, s4;
	s5 =	smov.u32 s6;
	s6 =	sadd.s32 $0x1, s6  }
0x259: {  	p2 =	sne.s32 s2, s6;
	v1 =	vld.msk @!p1 [tilespmem:s4+$0x0], $0x1;
	_ =	sdelay $0x4  }
0x25a: {  	(v2sf) =	vpush @!p1 v1, $0x0;
	_ =	sdelay $0xe  }
.Ltmp40:
0x25b: {  	s8 =	spop @!p1 (v2sf);
	(pc) =	sbr.rel @p2 .LBB2_50-.Ltmp40, $4  }
0x25c: {  	p3 =	seq.s32 @!p1 s0, s8  }
0x25d: {  	p3 =	por !p3, p1  }
0x25e: {  	s5 =	simm.s32 @p3 $0xFFFFFFFF  }
0x25f: {  	s5 =	smov.u32 @p1 s7  }
.LBB2_51:
0x260: {  	p1 =	seq.s32 s5, $0xFFFFFFFF  }
.Ltmp41:
0x261: {  	_ = 	snop;
	(pc) =	sbr.rel @p1 .LBB2_53-.Ltmp41, $1  }
0x262: {  	_ =	sdelay $0x3  }
0x263: {  	s0 =	sshll.u32 s3, $0x6  }
0x264: {  	s0 =	sand.u32 $0x3FFFFFC0, s0  }
0x265: {  	v0 =	vld [tilespmem:s0+$0x2138];
	_ =	sdelay $0x2  }
0x266: {  	s4 =	sshll.u32 s5, $0x8  }
0x267: {  	s4 =	sshra.s32 s4, $0x2  }
0x268: {  	[tilespmem:s4+$0x2138] =	vst.add.f32.msk $0xffff, v0  }
0x269: {  	v0 =	vld [tilespmem:s0+$0x2148];
	_ =	sdelay $0x4  }
0x26a: {  	[tilespmem:s4+$0x2148] =	vst.add.f32.msk $0xffff, v0  }
0x26b: {  	v0 =	vld [tilespmem:s0+$0x2158];
	_ =	sdelay $0x4  }
0x26c: {  	[tilespmem:s4+$0x2158] =	vst.add.f32.msk $0xffff, v0  }
0x26d: {  	v0 =	vld [tilespmem:s0+$0x2168]  }
.Ltmp42:
0x26e: {  	_ = 	snop;
	(pc) =	sbr.rel .LBB2_54-.Ltmp42, $2  }
0x26f: {  	_ =	sdelay $0x2  }
0x270: {  	[tilespmem:s4+$0x2168] =	vst.add.f32.msk $0xffff, v0  }
.LBB2_55:
0x271: {  	p1 =	slt.s32 s2, $0x1  }
.Ltmp43:
0x272: {  	_ = 	snop;
	(pc) =	sbr.rel @p1 .LBB2_59-.Ltmp43, $3  }
0x273: {  	_ =	sdelay $0x1  }
0x274: {  	s0 =	simm.s32 $0x8  }
0x275: {  	[sflag:s0] =	ssyncpa.u1 $0x1;
	s0 =	simm.s32 $0x0  }
0x276: {  	s3 =	simm.s32 $0x2118  }
0x277: {  	v0 =	vld.msk [tilespmem:s3+$0x0], $0x1;
	_ =	sdelay $0x4  }
0x278: {  	(v2sf) =	vpush v0, $0x0;
	_ =	sdelay $0xe  }
0x279: {  	s2 =	sadd.s32 $0xFFFFFFFF, s2;
	s4 =	spop (v2sf)  }
0x27a: {  	p2 =	sne.s32 s2, $0x0;
	p1 =	sgt.u32 s4, $0x1FFF8  }
.Ltmp44:
0x27b: {  	s5 =	sand.u32 @!p1 $0x1FFF8, s4;
	(pc) =	sbr.rel @!p2 .LBB2_58-.Ltmp44, $4  }
0x27c: {  	s3 =	simm.s32 $0x2138;
	s4 =	sand.u32 @!p1 $0x7, s4;
	s5 =	sadd.s32 @!p1 s1, s5  }
0x27d: {  	[hbm4b:s5+s4] =	stream.linear.scatter @!p1 [tilespmem:s3], [sflag:$0x7], $0x40, $0x38;
	[tilespmem:$0x6A88] =	vst v63  }
0x27e: {  	s5 =	simm.s32 $0x0  }
0x27f: {  	s4 =	simm.s32 $0x2119;
	s5 =	simm.s32 @!p1 $0x100  }
.LBB2_57:
0x280: {  	v0 =	vld.msk [tilespmem:s4+$0x0], $0x1;
	s2 =	sadd.s32 $0xFFFFFFFF, s2;
	s0 =	sadd.s32 s0, s5  }
0x281: {  	p1 =	sne.s32 s2, $0x0;
	_ =	sdelay $0x3  }
0x282: {  	(v2sf) =	vpush v0, $0x0;
	_ =	sdelay $0xe  }
.Ltmp45:
0x283: {  	s6 =	spop (v2sf);
	(pc) =	sbr.rel @p1 .LBB2_57-.Ltmp45, $4  }
0x284: {  	s5 =	simm.s32 $0x0;
	p2 =	sgt.u32 s6, $0x1FFF8  }
0x285: {  	s3 =	sadd.s32 $0x40, s3;
	s5 =	simm.s32 @!p2 $0x100;
	s7 =	sand.u32 @!p2 $0x1FFF8, s6  }
0x286: {  	s4 =	sadd.s32 $0x1, s4;
	s6 =	sand.u32 @!p2 $0x7, s6;
	s7 =	sadd.s32 @!p2 s1, s7  }
0x287: {  	[hbm4b:s7+s6] =	stream.linear.scatter @!p2 [tilespmem:s3], [sflag:$0x7], $0x40, $0x38;
	[tilespmem:$0x6A88] =	vst v63  }
.LBB2_58:
0x288: {  	s0 =	sadd.s32 s0, s5  }
0x289: {  	s0 =	sshrl.u32 s0, $0x2  }
.LBB2_59:
0x28a: {  	s1 =	simm.s32 $0x7  }
0x28b: {  	_ =	swait.ge [sflag:s1], s0  }
0x28c: {  	s31 =	ssub.s32 $0x0, s0;
	[sflag:s1] =	ssyncset.done $0x0  }
0x28d: {  	[sflag:s1] =	ssyncadd.s32 s31  }
0x28e: {  	[sflag:s1] =	ssyncpa.u1 $0x1  }
.LBB2_60:
0x28f: {  	_ =	sfence;
	s0 =	simm.s32 $0x1  }
0x290: {  	[sflag:s0] =	ssyncpa.u1 $0x1  }
0x291: {  	_ =	strace $0x90000068  }
0x292: {  	[bflag:$0x2] =	sbarrier.arrive $0xFFFF  }
0x293: {  	s0 =	rddreg [dreg:$0x4]  }
0x294: {  	s0 =	sadd.s32 @!p0 $0x100000, s0  }
0x295: {  	[sflag:s0] =	ssyncadd.tile.s32 @!p0 $0x1;
	_ =	shalt  }
.Lfunc_end2:
_tile_overlayer_lowered:
.L_overlay_start_2:
0x296: {  	(tag) =	ssettag $0x2  }
0x297: {  	s0 =	rddreg [dreg:$0x0];
	s2 =	stileid.u32  }
0x298: {  	s1 =	rddreg [dreg:$0x1];
	p0 =	sne.s32 s2, $0x0  }
0x299: {  	s3 =	rddreg [dreg:$0x2];
	[bflag:$0x3] =	sbarrier.arrive $0xFFFF;
	s2 =	simm.s32 @!p0 $0x1C01  }
0x29a: {  	[timem:s3], [sflag:s2] =	dma.local @!p0 [hbm:s0], s1  }
0x29b: {  	s0 =	simm.s32 @!p0 $0x1  }
0x29c: {  	_ =	swait.ge @!p0 [sflag:s0], s1  }
0x29d: {  	s1 =	ssub.s32 @!p0 $0x0, s1;
	[sflag:s0] =	ssyncset.done @!p0 $0x0  }
0x29e: {  	[sflag:s0] =	ssyncadd.s32 @!p0 s1  }
0x29f: {  	[bflag:$0x3] =	sbarrier.arrive $0xFFFF  }
0x2a0: {  	_ =	shalt  }

// kernel: scatter_offload_async_start.4
scs
__scs_entry_jumppad:
0x0: {  	(pc) =	sbr.rel $0x88, $3  }
0x1: {  	(tag) =	ssettag $0x0;
	lr =	simm.s32 $0x1  }
0x2: {  	[smem:$0x3F9B] =	sst lr;
	_ =	strace $0xD0000000  }
0x3: {  	_ = 	snop  }
0x4: {  	_ = 	snop  }
0x5: {  	_ = 	snop  }
0x6: {  	_ = 	snop  }
0x7: {  	_ = 	snop  }
__scs_overlays_trampoline_lowered:
0x8: {  	[smem:$0x3FAA] =	sst s0  }
0x9: {  	[smem:$0x3FAB] =	sst s1  }
0xa: {  	[smem:$0x3FAC] =	sst s2  }
0xb: {  	[smem:$0x3FAD] =	sst s3  }
0xc: {  	[smem:$0x3FAE] =	sst s4  }
0xd: {  	[smem:$0x3FAF] =	sst s5  }
0xe: {  	[smem:$0x3FB0] =	sst s6  }
0xf: {  	[smem:$0x3FB1] =	sst s7  }
0x10: {  	[smem:$0x3FB2] =	sst s8  }
0x11: {  	[smem:$0x3FB3] =	sst s9;
	s0 =	simm.s32 @!p0 $0x0  }
0x12: {  	s1 =	sld [smem:$0x3F99];
	s0 =	simm.s32 @p0 $0x1  }
0x13: {  	[smem:$0x3FB4] =	sst s0;
	s0 =	simm.s32 @!p1 $0x0  }
0x14: {  	s2 =	sld [smem:$0x3F98];
	s0 =	simm.s32 @p1 $0x1  }
0x15: {  	[smem:$0x3FB5] =	sst s0;
	s0 =	simm.s32 @!p2 $0x0  }
0x16: {  	s3 =	sld [smem:$0x3FDB];
	s0 =	simm.s32 @p2 $0x1  }
0x17: {  	s4 =	simm.s32 $0x1BF5;
	[smem:$0x3FB7] =	sst s0  }
0x18: {  	s0 =	sld [smem:$0x3F9A];
	_ =	swait.ge [sflag:s4], $0x0  }
0x19: {  	s7 =	sld [smem:$0x3F9B]  }
0x1a: {  	s8 =	sadd.s32 $0xFFFFE003, lr  }
0x1b: {  	s9 =	sadd.s32 $0xFFFFFEF7, lr;
	s5 =	simm.s32 $0xFFFFFFFF;
	p2 =	slt.u32 s8, $0xFFFFF086  }
0x1c: {  	p1 =	slt.u32 s9, $0xF7A;
	s5 =	simm.s32 @!p2 $0x0  }
0x1d: {  	s5 =	simm.s32 @p1 $0x1;
	p0 =	seq.s32 s7, s2  }
0x1e: {  	s7 =	smul.u32 @!p0 $0xF7A, s2;
	p2 =	seq.s32 @!p0 s5, $0x0  }
0x1f: {  	s9 =	smul.u32 $0xF7A, s1;
	s8 =	simm.s32 @!p0 $0x1BF5;
	p2 =	por !p2, p0  }
0x20: {  	[sflag:s8] =	ssyncset.s32 @!p0 $0xFFFFF086;
	s6 =	sadd.s32 @!p0 s3, s7;
	s7 =	simm.s32 @!p0 $0x108  }
0x21: {  	s3 =	sadd.s32 s3, s9;
	s6 =	sadd.s32 @!p0 $0x88, s6;
	s7 =	simm.s32 @p2 $0x1082  }
0x22: {  	[simem:s7], [sflag:s8] =	dma.local @!p0 [hbm:s6], $0xF7A  }
0x23: {  	s9 =	sor.u32 $0xD0000000, s2;
	s6 =	simm.s32 $0x108;
	_ =	swait.ge @!p0 [sflag:s8], $0x0  }
0x24: {  	s3 =	sadd.s32 $0x88, s3;
	s6 =	simm.s32 @!p1 $0x1082;
	[sflag:s4] =	ssyncset.s32 $0xFFFFF086  }
0x25: {  	[simem:s6], [sflag:s4] =	dma.local [hbm:s3], $0xF7A  }
0x26: {  	[smem:$0x3F9B] =	sst s1;
	(tag) =	ssettag s2;
	_ =	strace s9  }
0x27: {  	s1 =	sld [smem:$0x3FAB]  }
0x28: {  	s2 =	sld [smem:$0x3FAC]  }
0x29: {  	s4 =	sld [smem:$0x3FAE]  }
0x2a: {  	p0 =	seq.s32 s5, $0x0;
	s5 =	sld [smem:$0x3FAF]  }
0x2b: {  	s6 =	sld [smem:$0x3FB0]  }
0x2c: {  	s7 =	sld [smem:$0x3FB1]  }
0x2d: {  	s3 =	simm.s32 $0x108;
	s8 =	sld [smem:$0x3FB2]  }
0x2e: {  	s3 =	simm.s32 @!p0 $0x1082;
	s9 =	sld [smem:$0x3FB3]  }
0x2f: {  	lr =	sadd.s32 s0, s3;
	s0 =	sld [smem:$0x3FAA]  }
0x30: {  	s3 =	sld [smem:$0x3FAD]  }
0x31: {  	[smem:$0x3FB6] =	sst s10  }
0x32: {  	s10 =	sld [smem:$0x3FB4];
	_ =	sdelay $0x3  }
0x33: {  	p0 =	seq.s32 s10, $0x1;
	s10 =	sld [smem:$0x3FB6];
	_ =	sdelay $0x3  }
0x34: {  	[smem:$0x3FB6] =	sst s10  }
0x35: {  	s10 =	sld [smem:$0x3FB5];
	_ =	sdelay $0x3  }
0x36: {  	p1 =	seq.s32 s10, $0x1;
	s10 =	sld [smem:$0x3FB6];
	_ =	sdelay $0x3  }
0x37: {  	[smem:$0x3FB6] =	sst s10  }
0x38: {  	s10 =	sld [smem:$0x3FB7]  }
0x39: {  	_ = 	snop;
	(pc) =	sbr.ind lr, $3  }
0x3a: {  	_ = 	snop  }
0x3b: {  	_ = 	snop  }
0x3c: {  	p2 =	seq.s32 s10, $0x1;
	s10 =	sld [smem:$0x3FB6]  }
0x3d: {  	_ =	shalt  }
0x3e: {  	_ =	shalt  }
0x3f: {  	_ =	shalt  }
0x40: {  	_ =	shalt  }
0x41: {  	_ =	shalt  }
0x42: {  	_ =	shalt  }
0x43: {  	_ =	shalt  }
0x44: {  	_ =	shalt  }
0x45: {  	_ =	shalt  }
0x46: {  	_ =	shalt  }
0x47: {  	_ =	shalt  }
0x48: {  	_ =	shalt  }
0x49: {  	_ =	shalt  }
0x4a: {  	_ =	shalt  }
0x4b: {  	_ =	shalt  }
0x4c: {  	_ =	shalt  }
0x4d: {  	_ =	shalt  }
0x4e: {  	_ =	shalt  }
0x4f: {  	_ =	shalt  }
0x50: {  	_ =	shalt  }
0x51: {  	_ =	shalt  }
0x52: {  	_ =	shalt  }
0x53: {  	_ =	shalt  }
0x54: {  	_ =	shalt  }
0x55: {  	_ =	shalt  }
0x56: {  	_ =	shalt  }
0x57: {  	_ =	shalt  }
0x58: {  	_ =	shalt  }
0x59: {  	_ =	shalt  }
0x5a: {  	_ =	shalt  }
0x5b: {  	_ =	shalt  }
0x5c: {  	_ =	shalt  }
0x5d: {  	_ =	shalt  }
0x5e: {  	_ =	shalt  }
0x5f: {  	_ =	shalt  }
0x60: {  	_ =	shalt  }
0x61: {  	_ =	shalt  }
0x62: {  	_ =	shalt  }
0x63: {  	_ =	shalt  }
0x64: {  	_ =	shalt  }
0x65: {  	_ =	shalt  }
0x66: {  	_ =	shalt  }
0x67: {  	_ =	shalt  }
0x68: {  	_ =	shalt  }
0x69: {  	_ =	shalt  }
0x6a: {  	_ =	shalt  }
0x6b: {  	_ =	shalt  }
0x6c: {  	_ =	shalt  }
0x6d: {  	_ =	shalt  }
0x6e: {  	_ =	shalt  }
0x6f: {  	_ =	shalt  }
0x70: {  	_ =	shalt  }
0x71: {  	_ =	shalt  }
0x72: {  	_ =	shalt  }
0x73: {  	_ =	shalt  }
0x74: {  	_ =	shalt  }
0x75: {  	_ =	shalt  }
0x76: {  	_ =	shalt  }
0x77: {  	_ =	shalt  }
0x78: {  	_ =	shalt  }
0x79: {  	_ =	shalt  }
0x7a: {  	_ =	shalt  }
0x7b: {  	_ =	shalt  }
0x7c: {  	_ =	shalt  }
0x7d: {  	_ =	shalt  }
0x7e: {  	_ =	shalt  }
0x7f: {  	_ =	shalt  }
0x80: {  	_ =	shalt  }
0x81: {  	_ =	shalt  }
0x82: {  	_ =	shalt  }
0x83: {  	_ =	shalt  }
0x84: {  	_ =	shalt  }
0x85: {  	_ =	shalt  }
0x86: {  	_ =	shalt  }
0x87: {  	_ =	shalt  }
.Lfunc_end0:
.L_simem_size_0:
called_computation.4_lowered:
.L_overlay_start_0:
0x88: {  	s0 =	sld [smem:$0x3FD9]  }
0x89: {  	s1 =	sld [smem:$0x3FFE];
	_ =	sdelay $0x3  }
0x8a: {  	s0 =	sadd.s32 s1, s0  }
0x8b: {  	[smem:$0x3FC2] =	sst s0  }
0x8c: {  	_ = 	snop  }
0x8d: {  	s0 =	sld [smem:$0x3FD0];
	_ =	sdelay $0x2  }
0x8e: {  	s13 =	simm.s32 $0x12;
	s2 =	simm.s32 $0x10  }
0x8f: {  	[smem:s2], [sflag:s13] =	dma.local [hbm:s0], $0x1  }
0x90: {  	_ =	swait.eq [sflag:s13], $0x1  }
0x91: {  	[sflag:s13] =	ssyncset.done $0x0  }
0x92: {  	[sflag:s13] =	ssyncadd.s32 $0xFFFFFFFF  }
0x93: {  	s1 =	sld [smem:$0x11];
	(tm) =	ssettm $0x1  }
0x94: {  	s14 =	sld [smem:$0x3FFB];
	_ =	sdelay $0x3  }
0x95: {  	_ =	strace s14  }
0x96: {  	s0 =	sld [smem:$0x3FFC];
	_ =	sdelay $0x3  }
0x97: {  	_ =	strace s0  }
0x98: {  	s0 =	sld [smem:$0x3FFD];
	_ =	sdelay $0x3  }
0x99: {  	_ =	strace s0  }
0x9a: {  	_ =	strace $0x8FFFFFFF  }
0x9b: {  	s15 =	sld [smem:$0x3FDB];
	_ =	sdelay $0x1  }
0x9c: {  	s16 =	simm.s32 $_scs_section_size  }
0x9d: {  	s3 =	simm.s32 $_size__tile_overlayer_lowered;
	s4 =	simm.s32 $_tile_overlayer_lowered  }
0x9e: {  	s5 =	simm.s32 $0x1BFF;
	s17 =	sshll.u32 s4, $0x1;
	s2 =	sadd.s32 s16, s15  }
0x9f: {  	s18 =	simm.s32 $0x0;
	s3 =	sshll.u32 s3, $0x1;
	s4 =	sadd.s32 s17, s2  }
0xa0: {  	[timem:s18], [sflag:s5] =	dma.local [hbm:s4], s3  }
0xa1: {  	_ =	swait.ge [sflag:s5], s3  }
0xa2: {  	s3 =	ssub.s32 $0x0, s3;
	[sflag:s5] =	ssyncset.done $0x0  }
0xa3: {  	[sflag:s5] =	ssyncadd.s32 s3;
	_ =	sdelay $0x1  }
0xa4: {  	s19 =	simm.s32 $0x1B8B  }
0xa5: {  	_ =	swait.ge [sflag:s19], $0x1  }
0xa6: {  	[sflag:s19] =	ssyncset.done $0x0  }
0xa7: {  	s21 =	simm.s32 $0x1B8E;
	s20 =	sld [smem:$0x3FFE];
	[sflag:s19] =	ssyncadd.s32 $0xFFFFFFFF  }
0xa8: {  	s22 =	simm.s32 $execute0_lowered;
	[smem:$0x3FD2] =	sst s21  }
0xa9: {  	s4 =	sshll.u32 s22, $0x1;
	_ =	strace $0x80000052;
	[dreg:$0x1] =	wrdreg $0xFFFFFFFF  }
0xaa: {  	s23 =	simm.s32 $_size_execute0_lowered;
	s4 =	sadd.s32 s2, s4;
	[dreg:$0x0] =	wrdreg $0x0  }
0xab: {  	s5 =	sshll.u32 s23, $0x1;
	[dreg:$0x2] =	wrdreg s4  }
0xac: {  	[dreg:$0x3] =	wrdreg s5  }
0xad: {  	[dreg:$0x4] =	wrdreg $0xC0  }
0xae: {  	s24 =	simm.s32 $execute1_lowered;
	_ =	task [dreg:s18], $0x5FFFF  }
0xaf: {  	s4 =	sshll.u32 s24, $0x1;
	[dreg:$0x1] =	wrdreg $0xFFFFFFFF  }
0xb0: {  	s2 =	sadd.s32 s2, s4;
	[dreg:$0x0] =	wrdreg $0x60  }
0xb1: {  	[dreg:$0x2] =	wrdreg s2  }
0xb2: {  	[dreg:$0x3] =	wrdreg s1  }
0xb3: {  	[dreg:$0x4] =	wrdreg s20  }
0xb4: {  	[dreg:$0x5] =	wrdreg $0xC  }
0xb5: {  	_ =	task.clear_ibuf [dreg:s18], $0x6FFFF;
	_ =	strace $0x90000052  }
0xb6: {  	s25 =	simm.s32 $0xC;
	_ =	strace $0x80000054  }
0xb7: {  	_ =	swait.ge [sflag:s25], $0x1  }
0xb8: {  	[sflag:s25] =	ssyncadd.s32 $0xFFFFFFFF  }
0xb9: {  	_ =	strace $0x90000054  }
0xba: {  	_ =	strace $0x80000055;
	[dreg:$0x1] =	wrdreg $0xFFFFFFFF  }
0xbb: {  	[dreg:$0x0] =	wrdreg $0x2030  }
0xbc: {  	[dreg:$0x2] =	wrdreg s20  }
0xbd: {  	[dreg:$0x3] =	wrdreg $0xD  }
0xbe: {  	_ =	task.clear_ibuf [dreg:s18], $0x4FFFF;
	_ =	strace $0x90000055  }
0xbf: {  	s26 =	simm.s32 $0xD;
	_ =	strace $0x80000057  }
0xc0: {  	_ =	swait.ge [sflag:s26], $0x1  }
0xc1: {  	[sflag:s26] =	ssyncadd.s32 $0xFFFFFFFF  }
0xc2: {  	_ =	strace $0x90000057  }
0xc3: {  	_ =	sfence  }
0xc4: {  	s28 =	sld [smem:$0x0];
	_ =	sdelay $0x1  }
0xc5: {  	s29 =	srdreg.scid  }
0xc6: {  	s30 =	sshll.u32 s29, $0xD;
	s31 =	sshrl.u32 s29, $0x2  }
0xc7: {  	s3 =	sand.u32 $0x4000, s30;
	s2 =	sand.u32 $0x1, s29;
	s1 =	sadd.s32 s31, s28  }
0xc8: {  	s2 =	sor.u32 s3, s2;
	s1 =	sshll.u32 s1, $0x11  }
0xc9: {  	s1 =	sor.u32 s1, s2  }
0xca: {  	s1 =	sadd.s32 $0x8F2B, s1  }
0xcb: {  	[sflag:s1] =	ssyncadd.remote.s32 $0x1  }
0xcc: {  	_ =	sfence.sel $0xFFFF  }
0xcd: {  	[dreg:$0x0] =	wrdreg $0xFFFFFFFF;
	(pc) =	sbr.abs _section_cstart, $3  }
0xce: {  	[dreg:$0x1] =	wrdreg $0xFFFFFFFF  }
0xcf: {  	_ =	task.clear_ibuf [dreg:s18], $0x2FFFF;
	_ =	strace $0x9FFFFFFF  }
0xd0: {  	(tm) =	ssettm $0x7FFFFFFF  }
0xd1: {  	_ =	shalt  }
tec
execute0_lowered:
.L_overlay_start_1:
0x0: {  	(tag) =	ssettag $0x1  }
0x1: {  	s3 =	rddreg [dreg:$0x0]  }
0x2: {  	s2 =	rddreg [dreg:$0x1]  }
0x3: {  	s6 =	rddreg [dreg:$0x2]  }
0x4: {  	s0 =	rddreg [dreg:$0x3];
	s4 =	stileid.u32  }
0x5: {  	[bflag:$0x3] =	sbarrier.arrive $0xFFFF;
	s1 =	simm.s32 $_size_execute1_lowered;
	p0 =	sne.s32 s4, $0x0  }
0x6: {  	s1 =	sshll.u32 s1, $0x1;
	s5 =	simm.s32 @!p0 $0x1C3F;
	s7 =	simm.s32 @!p0 $0x4060  }
0x7: {  	[timem:s7], [sflag:s5] =	dma.local @!p0 [hbm:s3], s1  }
0x8: {  	s8 =	simm.s32 $0x2;
	s3 =	sshll.u32 s4, $0xC  }
0x9: {  	s10 =	simm.s32 $0x0;
	s9 =	simm.s32 $0x0;
	s30 =	ssub.s32 $0x20000, s3  }
.Ltmp0:
0xa: {  	s7 =	simm.s32 $0x1;
	s31 =	sand.u32 $0xF000, s30;
	(pc) =	sbr.rel .LBB2_1-.Ltmp0, $4  }
0xb: {  	s4 =	simm.s32 $0x1;
	_ =	strace $0x80000053;
	p1 =	sne.s32 s31, $0x0  }
0xc: {  	s5 =	sshrl.u32 s30, $0x10;
	[sflag:s4] =	ssyncpa.u1 $0x0;
	s7 =	simm.s32 @!p1 $0x0  }
0xd: {  	s6 =	sadd.s32 $0x61A00, s6;
	[sflag:s8] =	ssyncpa.u1 $0x0;
	s5 =	sadd.s32 s7, s5  }
0xe: {  	s8 =	smov.u32 s3;
	p1 =	por $0x0, $0x0;
	s7 =	sadd.s32 $0x1, s5  }
.LBB2_4:
0xf: {  	[tilespmem:s11+$0xB0] =	vst v0  }
0x10: {  	[tilespmem:s11+$0xC0] =	vst v1  }
0x11: {  	[tilespmem:s11+$0xD0] =	vst v2  }
0x12: {  	[tilespmem:s11+$0xE0] =	vst v3;
	s13 =	sshrl.u32 s10, $0x3  }
0x13: {  	[tilespmem:s11+$0xFFFFFF00] =	vst v4;
	s31 =	sand.u32 $0x7, s10;
	s30 =	sadd.s32 s6, s13  }
0x14: {  	[hbm4b:s30+s31] =	stream.linear.scatter [tilespmem:s12], [sflag:$0x2], $0x1000, $0x38;
	[tilespmem:$0x4000] =	vst v63  }
.LBB2_5:
0x15: {  	s12 =	sadd.s32 $0x10000, s8  }
0x16: {  	p3 =	sgt.s32 s12, $0x1FFFF  }
0x17: {  	s12 =	smov.u32 @p3 s3;
	p3 =	sne.s32 s9, s7  }
.Ltmp1:
0x18: {  	p2 =	slt.u32 s9, $0x2;
	(pc) =	sbr.rel @!p3 .LBB2_6-.Ltmp1, $4  }
0x19: {  	s11 =	simm.s32 @!p2 $0x2  }
0x1a: {  	s13 =	sadd.s32 $0x1, s9;
	_ =	swait.ge @!p2 [sflag:s11], $0x1000  }
0x1b: {  	s10 =	smov.u32 s8;
	p1 =	por !p1, !p1;
	[sflag:s11] =	ssyncset.done @!p2 $0x0  }
0x1c: {  	s9 =	smov.u32 s13;
	s8 =	smov.u32 s12;
	[sflag:s11] =	ssyncadd.s32 @!p2 $0xFFFFF000  }
.LBB2_1:
0x1d: {  	p2 =	sge.u32 s9, s5  }
0x1e: {  	s11 =	sxor.u32 @!p2 $0xFFFFFFFF, s9  }
0x1f: {  	s31 =	sadd.s32 $0xFFFFFFFF, s9;
	s12 =	sshrl.u32 @!p2 s8, $0x3;
	s11 =	sshll.u32 @!p2 s11, $0xC  }
0x20: {  	s13 =	sand.u32 @!p2 $0x7, s8;
	s12 =	sadd.s32 @!p2 s2, s12;
	s11 =	sand.u32 @!p2 $0x1000, s11  }
0x21: {  	[tilespmem:s11], [sflag:$0x1] =	stream.linear.gather @!p2 [hbm4b:s12+s13], $0x1000, $0x38;
	[tilespmem:$0x4000] =	vst v63  }
0x22: {  	p2 =	sge.u32 s31, s5  }
.Ltmp2:
0x23: {  	_ = 	snop;
	(pc) =	sbr.rel @p2 .LBB2_5-.Ltmp2, $1  }
0x24: {  	_ =	sdelay $0x3  }
0x25: {  	s11 =	simm.s32 $0x1  }
0x26: {  	_ =	swait.ge [sflag:s4], $0x1000;
	s11 =	simm.s32 @!p1 $0x0  }
0x27: {  	[sflag:s4] =	ssyncset.done $0x0;
	s11 =	sshll.u32 s11, $0xC  }
0x28: {  	[sflag:s4] =	ssyncadd.s32 $0xFFFFF000;
	s14 =	sor.u32 $0x100, s11  }
0x29: {  	v0 =	vld [tilespmem:s14+$0xF0]  }
0x2a: {  	v1 =	vld [tilespmem:s14+$0xFFFFFF10]  }
0x2b: {  	v2 =	vld [tilespmem:s14+$0xFFFFFF20]  }
0x2c: {  	v3 =	vld [tilespmem:s14+$0xFFFFFF30]  }
0x2d: {  	s11 =	sor.u32 $0x2100, s11;
	v4 =	vld [tilespmem:s14+$0xFFFFFF40]  }
0x2e: {  	v5 =	vld [tilespmem:s14+$0xFFFFFF50];
	[tilespmem:s11+$0xF0] =	vst v0  }
0x2f: {  	[tilespmem:s11+$0xFFFFFF10] =	vst v1;
	v0 =	vld [tilespmem:s14+$0xFFFFFF60]  }
0x30: {  	[tilespmem:s11+$0xFFFFFF20] =	vst v2;
	v1 =	vld [tilespmem:s14+$0xFFFFFF70]  }
0x31: {  	[tilespmem:s11+$0xFFFFFF30] =	vst v3;
	v2 =	vld [tilespmem:s14+$0xFFFFFF80]  }
0x32: {  	[tilespmem:s11+$0xFFFFFF40] =	vst v4;
	v3 =	vld [tilespmem:s14+$0xFFFFFF90]  }
0x33: {  	[tilespmem:s11+$0xFFFFFF50] =	vst v5;
	v4 =	vld [tilespmem:s14+$0xFFFFFFA0]  }
0x34: {  	v5 =	vld [tilespmem:s14+$0xA0];
	[tilespmem:s11+$0xFFFFFF60] =	vst v0  }
0x35: {  	v0 =	vld [tilespmem:s14+$0xFFFFFFB0];
	[tilespmem:s11+$0xFFFFFF70] =	vst v1  }
0x36: {  	v1 =	vld [tilespmem:s14+$0xFFFFFFC0];
	[tilespmem:s11+$0xFFFFFF80] =	vst v2  }
0x37: {  	v2 =	vld [tilespmem:s14+$0xFFFFFFD0];
	[tilespmem:s11+$0xFFFFFF90] =	vst v3  }
0x38: {  	v3 =	vld [tilespmem:s14+$0xFFFFFFE0];
	[tilespmem:s11+$0xFFFFFFA0] =	vst v4  }
0x39: {  	v4 =	vld [tilespmem:s14+$0xFFFFFFF0];
	[tilespmem:s11+$0xA0] =	vst v5  }
0x3a: {  	[tilespmem:s11+$0xFFFFFFB0] =	vst v0;
	v0 =	vld [tilespmem:s14+$0x0]  }
0x3b: {  	[tilespmem:s11+$0xFFFFFFC0] =	vst v1;
	v1 =	vld [tilespmem:s14+$0x10]  }
0x3c: {  	[tilespmem:s11+$0xFFFFFFD0] =	vst v2;
	v2 =	vld [tilespmem:s14+$0x20]  }
0x3d: {  	[tilespmem:s11+$0xFFFFFFE0] =	vst v3;
	v3 =	vld [tilespmem:s14+$0x30]  }
0x3e: {  	[tilespmem:s11+$0xFFFFFFF0] =	vst v4;
	v4 =	vld [tilespmem:s14+$0x40]  }
0x3f: {  	[tilespmem:s11+$0x0] =	vst v0;
	v0 =	vld [tilespmem:s14+$0x50]  }
0x40: {  	[tilespmem:s11+$0x10] =	vst v1;
	v1 =	vld [tilespmem:s14+$0x60]  }
0x41: {  	[tilespmem:s11+$0x20] =	vst v2;
	v2 =	vld [tilespmem:s14+$0x70]  }
0x42: {  	[tilespmem:s11+$0x30] =	vst v3;
	v3 =	vld [tilespmem:s14+$0x80]  }
0x43: {  	[tilespmem:s11+$0x40] =	vst v4;
	v4 =	vld [tilespmem:s14+$0x90]  }
0x44: {  	[tilespmem:s11+$0x50] =	vst v0;
	v0 =	vld [tilespmem:s14+$0xB0]  }
0x45: {  	[tilespmem:s11+$0x60] =	vst v1;
	v1 =	vld [tilespmem:s14+$0xC0]  }
0x46: {  	s12 =	sshll.u32 s9, $0xC;
	[tilespmem:s11+$0x70] =	vst v2;
	v2 =	vld [tilespmem:s14+$0xD0]  }
0x47: {  	s12 =	sand.u32 $0x1000, s12;
	[tilespmem:s11+$0x80] =	vst v3;
	v3 =	vld [tilespmem:s14+$0xE0]  }
0x48: {  	s13 =	simm.s32 $0x0;
	s12 =	sor.u32 $0x2000, s12;
	[tilespmem:s11+$0x90] =	vst v4;
	v4 =	vld [tilespmem:s14+$0xFFFFFF00];
	s14 =	sadd.s32 $0x200, s14  }
.LBB2_3:
0x49: {  	v5 =	vld [tilespmem:s14+$0xF0];
	s13 =	sadd.s32 $0x200, s13;
	[tilespmem:s11+$0xB0] =	vst v0  }
0x4a: {  	v0 =	vld [tilespmem:s14+$0xFFFFFF10];
	p2 =	slt.u32 s13, $0xE00;
	[tilespmem:s11+$0xC0] =	vst v1  }
0x4b: {  	v1 =	vld [tilespmem:s14+$0xFFFFFF20];
	[tilespmem:s11+$0xD0] =	vst v2  }
0x4c: {  	v2 =	vld [tilespmem:s14+$0xFFFFFF30];
	[tilespmem:s11+$0xE0] =	vst v3  }
0x4d: {  	v3 =	vld [tilespmem:s14+$0xFFFFFF40];
	[tilespmem:s11+$0xFFFFFF00] =	vst v4;
	s11 =	sadd.s32 $0x200, s11  }
0x4e: {  	v4 =	vld [tilespmem:s14+$0xFFFFFF50];
	[tilespmem:s11+$0xF0] =	vst v5  }
0x4f: {  	[tilespmem:s11+$0xFFFFFF10] =	vst v0;
	v0 =	vld [tilespmem:s14+$0xFFFFFF60]  }
0x50: {  	[tilespmem:s11+$0xFFFFFF20] =	vst v1;
	v1 =	vld [tilespmem:s14+$0xFFFFFF70]  }
0x51: {  	[tilespmem:s11+$0xFFFFFF30] =	vst v2;
	v2 =	vld [tilespmem:s14+$0xFFFFFF80]  }
0x52: {  	[tilespmem:s11+$0xFFFFFF40] =	vst v3;
	v3 =	vld [tilespmem:s14+$0xFFFFFF90]  }
0x53: {  	[tilespmem:s11+$0xFFFFFF50] =	vst v4;
	v4 =	vld [tilespmem:s14+$0xFFFFFFA0]  }
0x54: {  	[tilespmem:s11+$0xFFFFFF60] =	vst v0;
	v0 =	vld [tilespmem:s14+$0xFFFFFFB0]  }
0x55: {  	[tilespmem:s11+$0xFFFFFF70] =	vst v1;
	v1 =	vld [tilespmem:s14+$0xFFFFFFC0]  }
0x56: {  	[tilespmem:s11+$0xFFFFFF80] =	vst v2;
	v2 =	vld [tilespmem:s14+$0xFFFFFFD0]  }
0x57: {  	[tilespmem:s11+$0xFFFFFF90] =	vst v3;
	v3 =	vld [tilespmem:s14+$0xFFFFFFE0]  }
0x58: {  	[tilespmem:s11+$0xFFFFFFA0] =	vst v4;
	v4 =	vld [tilespmem:s14+$0xFFFFFFF0]  }
0x59: {  	[tilespmem:s11+$0xFFFFFFB0] =	vst v0;
	v0 =	vld [tilespmem:s14+$0x0]  }
0x5a: {  	[tilespmem:s11+$0xFFFFFFC0] =	vst v1;
	v1 =	vld [tilespmem:s14+$0x10]  }
0x5b: {  	[tilespmem:s11+$0xFFFFFFD0] =	vst v2;
	v2 =	vld [tilespmem:s14+$0x20]  }
0x5c: {  	[tilespmem:s11+$0xFFFFFFE0] =	vst v3;
	v3 =	vld [tilespmem:s14+$0x30]  }
0x5d: {  	[tilespmem:s11+$0xFFFFFFF0] =	vst v4;
	v4 =	vld [tilespmem:s14+$0x40]  }
0x5e: {  	[tilespmem:s11+$0x0] =	vst v0;
	v0 =	vld [tilespmem:s14+$0x50]  }
0x5f: {  	[tilespmem:s11+$0x10] =	vst v1;
	v1 =	vld [tilespmem:s14+$0x60]  }
0x60: {  	[tilespmem:s11+$0x20] =	vst v2;
	v2 =	vld [tilespmem:s14+$0x70]  }
0x61: {  	[tilespmem:s11+$0x30] =	vst v3;
	v3 =	vld [tilespmem:s14+$0x80]  }
0x62: {  	[tilespmem:s11+$0x40] =	vst v4;
	v4 =	vld [tilespmem:s14+$0x90]  }
0x63: {  	[tilespmem:s11+$0x50] =	vst v0;
	v5 =	vld [tilespmem:s14+$0xA0]  }
.Ltmp3:
0x64: {  	[tilespmem:s11+$0x60] =	vst v1;
	v0 =	vld [tilespmem:s14+$0xB0];
	(pc) =	sbr.rel @p2 .LBB2_3-.Ltmp3, $4  }
0x65: {  	[tilespmem:s11+$0x70] =	vst v2;
	v1 =	vld [tilespmem:s14+$0xC0]  }
0x66: {  	[tilespmem:s11+$0x80] =	vst v3;
	v2 =	vld [tilespmem:s14+$0xD0]  }
0x67: {  	[tilespmem:s11+$0x90] =	vst v4;
	v3 =	vld [tilespmem:s14+$0xE0]  }
0x68: {  	v4 =	vld [tilespmem:s14+$0xFFFFFF00];
	[tilespmem:s11+$0xA0] =	vst v5;
	s14 =	sadd.s32 $0x200, s14  }
.Ltmp4:
0x69: {  	_ = 	snop;
	(pc) =	sbr.rel .LBB2_4-.Ltmp4, $1  }
0x6a: {  	_ =	sdelay $0x3  }
.LBB2_6:
0x6b: {  	_ =	sfence.sel $0x180000  }
0x6c: {  	s2 =	simm.s32 $0x1;
	[bflag:$0x0] =	sbarrier.arrive $0xFFFF  }
0x6d: {  	s31 =	simm.s32 $0x2;
	[sflag:s2] =	ssyncpa.u1 $0x1  }
0x6e: {  	[sflag:s31] =	ssyncpa.u1 $0x1  }
0x6f: {  	_ =	strace $0x90000053  }
0x70: {  	s0 =	sadd.s32 @!p0 $0x100000, s0;
	[bflag:$0x2] =	sbarrier.arrive $0xFFFF  }
0x71: {  	[sflag:s0] =	ssyncadd.tile.s32 @!p0 $0x1;
	s0 =	simm.s32 @!p0 $0x3F  }
0x72: {  	_ =	swait.ge @!p0 [sflag:s0], s1  }
0x73: {  	s1 =	ssub.s32 @!p0 $0x0, s1;
	[sflag:s0] =	ssyncset.done @!p0 $0x0  }
0x74: {  	[sflag:s0] =	ssyncadd.s32 @!p0 s1  }
0x75: {  	[bflag:$0x3] =	sbarrier.arrive $0xFFFF  }
0x76: {  	_ =	shalt  }
.Lfunc_end2:
execute1_lowered:
.L_overlay_start_2:
0x77: {  	(tag) =	ssettag $0x2  }
0x78: {  	s4 =	rddreg [dreg:$0x0]  }
0x79: {  	s0 =	rddreg [dreg:$0x1];
	_ =	strace $0x80000056;
	s5 =	stileid.u32  }
0x7a: {  	s3 =	simm.s32 $0x3E;
	s1 =	sadd.s32 $0x61A00, s4;
	p0 =	sne.s32 s5, $0x0  }
0x7b: {  	[sflag:s3] =	ssyncpa.u1 $0x0;
	s6 =	simm.s32 @!p0 $0x1C3E;
	s2 =	simm.s32 @!p0 $0x0  }
0x7c: {  	[spmem:s2], [sflag:s6] =	dma.local @!p0 [hbm:s1], $0x4000  }
0x7d: {  	s6 =	simm.s32 @!p0 $0x3E  }
0x7e: {  	_ =	swait.ge @!p0 [sflag:s6], $0x4000  }
0x7f: {  	[sflag:s6] =	ssyncset.done @!p0 $0x0  }
0x80: {  	s13 =	simm.s32 $0x1;
	[sflag:s6] =	ssyncadd.s32 @!p0 $0xFFFFC000  }
0x81: {  	s7 =	simm.s32 $0x2;
	s8 =	simm.s32 $0x0;
	[bflag:$0x0] =	sbarrier.arrive $0xFFFF  }
0x82: {  	s9 =	simm.s32 $0x2080;
	s14 =	sadd.s32 $0x61400, s4;
	[sflag:s3] =	ssyncpa.u1 $0x1  }
0x83: {  	s4 =	sadd.s32 $0x61800, s4;
	s5 =	sshll.u32 s5, $0x4;
	[sflag:s13] =	ssyncpa.u1 $0x0  }
0x84: {  	s6 =	sadd.s32 s14, s5;
	(ifvalue) =	ssetifvalue $0x20000;
	[sflag:s7] =	ssyncpa.u1 $0x0  }
0x85: {  	[tilespmem:s9], [sflag:$0x2] =	stream.linear.gather [hbm4b:s6+s8], $0x80, $0x38;
	[tilespmem:$0x2200] =	vst v63  }
0x86: {  	s15 =	simm.s32 $0x2180;
	s4 =	sadd.s32 s4, s5  }
0x87: {  	[tilespmem:s15], [sflag:$0x2] =	stream.linear.gather [hbm4b:s4+s8], $0x80, $0x38;
	[tilespmem:$0x2200] =	vst v63  }
0x88: {  	_ =	swait.ge [sflag:s7], $0x100  }
0x89: {  	[sflag:s7] =	ssyncset.done $0x0  }
0x8a: {  	[sflag:s7] =	ssyncadd.s32 $0xFFFFFF00  }
0x8b: {  	v0 =	vld.msk [tilespmem:s9+$0x0 ss:$0x1], $0xffff;
	_ =	sdelay $0x4  }
0x8c: {  	v0 =	vmin.u32 v0, $0x20000;
	_ =	sdelay $0x3  }
0x8d: {  	vm0 =	vmmov $0xffff;
	s16 =	simm.s32 $0x2090  }
0x8e: {  	[spmem:s8] =	stream.indirect_vreg.scatter.add.s32 [tilespmem:s15], [sflag:$0x1], $0x1, v0, vm0, $0x4038;
	[tilespmem:$0x2200] =	vst v63  }
0x8f: {  	v0 =	vld.msk [tilespmem:s16+$0x0 ss:$0x1], $0xffff;
	_ =	sdelay $0x4  }
0x90: {  	v0 =	vmin.u32 v0, $0x20000;
	_ =	sdelay $0x3  }
0x91: {  	s17 =	simm.s32 $0x2190;
	s18 =	simm.s32 $0x20A0  }
0x92: {  	[spmem:s8] =	stream.indirect_vreg.scatter.add.s32 [tilespmem:s17], [sflag:$0x1], $0x1, v0, vm0, $0x4038;
	[tilespmem:$0x2200] =	vst v63  }
0x93: {  	v0 =	vld.msk [tilespmem:s18+$0x0 ss:$0x1], $0xffff;
	_ =	sdelay $0x4  }
0x94: {  	v0 =	vmin.u32 v0, $0x20000;
	_ =	sdelay $0x3  }
0x95: {  	s19 =	simm.s32 $0x21A0;
	s20 =	simm.s32 $0x20B0  }
0x96: {  	[spmem:s8] =	stream.indirect_vreg.scatter.add.s32 [tilespmem:s19], [sflag:$0x1], $0x1, v0, vm0, $0x4038;
	[tilespmem:$0x2200] =	vst v63  }
0x97: {  	v0 =	vld.msk [tilespmem:s20+$0x0 ss:$0x1], $0xffff;
	_ =	sdelay $0x4  }
0x98: {  	v0 =	vmin.u32 v0, $0x20000;
	_ =	sdelay $0x3  }
0x99: {  	s21 =	simm.s32 $0x21B0;
	s22 =	simm.s32 $0x20C0  }
0x9a: {  	[spmem:s8] =	stream.indirect_vreg.scatter.add.s32 [tilespmem:s21], [sflag:$0x1], $0x1, v0, vm0, $0x4038;
	[tilespmem:$0x2200] =	vst v63  }
0x9b: {  	v0 =	vld.msk [tilespmem:s22+$0x0 ss:$0x1], $0xffff;
	_ =	sdelay $0x4  }
0x9c: {  	v0 =	vmin.u32 v0, $0x20000;
	_ =	sdelay $0x3  }
0x9d: {  	s23 =	simm.s32 $0x21C0;
	s24 =	simm.s32 $0x20D0  }
0x9e: {  	[spmem:s8] =	stream.indirect_vreg.scatter.add.s32 [tilespmem:s23], [sflag:$0x1], $0x1, v0, vm0, $0x4038;
	[tilespmem:$0x2200] =	vst v63  }
0x9f: {  	v0 =	vld.msk [tilespmem:s24+$0x0 ss:$0x1], $0xffff;
	_ =	sdelay $0x4  }
0xa0: {  	v0 =	vmin.u32 v0, $0x20000;
	_ =	sdelay $0x3  }
0xa1: {  	s25 =	simm.s32 $0x21D0;
	s26 =	simm.s32 $0x20E0  }
0xa2: {  	[spmem:s8] =	stream.indirect_vreg.scatter.add.s32 [tilespmem:s25], [sflag:$0x1], $0x1, v0, vm0, $0x4038;
	[tilespmem:$0x2200] =	vst v63  }
0xa3: {  	v0 =	vld.msk [tilespmem:s26+$0x0 ss:$0x1], $0xffff;
	_ =	sdelay $0x4  }
0xa4: {  	v0 =	vmin.u32 v0, $0x20000;
	_ =	sdelay $0x3  }
0xa5: {  	s28 =	simm.s32 $0x21E0;
	s29 =	simm.s32 $0x20F0  }
0xa6: {  	[spmem:s8] =	stream.indirect_vreg.scatter.add.s32 [tilespmem:s28], [sflag:$0x1], $0x1, v0, vm0, $0x4038;
	[tilespmem:$0x2200] =	vst v63  }
0xa7: {  	v0 =	vld.msk [tilespmem:s29+$0x0 ss:$0x1], $0xffff;
	_ =	sdelay $0x4  }
0xa8: {  	v0 =	vmin.u32 v0, $0x20000;
	_ =	sdelay $0x3  }
0xa9: {  	s30 =	simm.s32 $0x21F0  }
0xaa: {  	[spmem:s8] =	stream.indirect_vreg.scatter.add.s32 [tilespmem:s30], [sflag:$0x1], $0x1, v0, vm0, $0x4038;
	[tilespmem:$0x2200] =	vst v63  }
0xab: {  	_ =	swait.ge [sflag:s13], $0x80  }
0xac: {  	[sflag:s13] =	ssyncset.done $0x0  }
0xad: {  	[sflag:s13] =	ssyncadd.s32 $0xFFFFFF80  }
0xae: {  	_ =	sfence.sel $0x180000  }
0xaf: {  	[bflag:$0x0] =	sbarrier.arrive $0xFFFF  }
0xb0: {  	[sflag:s7] =	ssyncpa.u1 $0x1  }
0xb1: {  	[sflag:s13] =	ssyncpa.u1 $0x1  }
0xb2: {  	_ =	sfence.stream.spmem  }
0xb3: {  	s31 =	simm.s32 $0x3D;
	[bflag:$0x0] =	sbarrier.arrive $0xFFFF  }
0xb4: {  	s3 =	simm.s32 @p0 $0x3D;
	[sflag:s31] =	ssyncpa.u1 $0x0  }
0xb5: {  	[sflag:s3] =	ssyncpa.u1 @p0 $0x1  }
0xb6: {  	[bflag:$0x0] =	sbarrier.arrive @p0 $0xFFFF  }
0xb7: {  	_ =	strace @p0 $0x90000056  }
0xb8: {  	s3 =	simm.s32 @!p0 $0x1C3D;
	[bflag:$0x2] =	sbarrier.arrive @p0 $0xFFFF  }
0xb9: {  	[hbm:s1], [sflag:s3] =	dma.local @!p0 [spmem:s2], $0x4000  }
0xba: {  	s1 =	simm.s32 @!p0 $0x3D  }
0xbb: {  	_ =	swait.ge @!p0 [sflag:s1], $0x4000  }
0xbc: {  	[sflag:s1] =	ssyncset.done @!p0 $0x0  }
0xbd: {  	[sflag:s1] =	ssyncadd.s32 @!p0 $0xFFFFC000  }
0xbe: {  	[sflag:s1] =	ssyncpa.u1 @!p0 $0x1  }
0xbf: {  	[bflag:$0x0] =	sbarrier.arrive @!p0 $0xFFFF  }
0xc0: {  	_ =	strace @!p0 $0x90000056  }
0xc1: {  	s0 =	sadd.s32 @!p0 $0x100000, s0;
	[bflag:$0x2] =	sbarrier.arrive @!p0 $0xFFFF  }
0xc2: {  	[sflag:s0] =	ssyncadd.tile.s32 @!p0 $0x1;
	_ =	shalt  }
.Lfunc_end3:
_tile_overlayer_lowered:
.L_overlay_start_3:
0xc3: {  	(tag) =	ssettag $0x3  }
0xc4: {  	s0 =	rddreg [dreg:$0x0];
	s2 =	stileid.u32  }
0xc5: {  	s1 =	rddreg [dreg:$0x1];
	p0 =	sne.s32 s2, $0x0  }
0xc6: {  	s3 =	rddreg [dreg:$0x2];
	[bflag:$0x3] =	sbarrier.arrive $0xFFFF;
	s2 =	simm.s32 @!p0 $0x1C01  }
0xc7: {  	[timem:s3], [sflag:s2] =	dma.local @!p0 [hbm:s0], s1  }
0xc8: {  	s0 =	simm.s32 @!p0 $0x1  }
0xc9: {  	_ =	swait.ge @!p0 [sflag:s0], s1  }
0xca: {  	s1 =	ssub.s32 @!p0 $0x0, s1;
	[sflag:s0] =	ssyncset.done @!p0 $0x0  }
0xcb: {  	[sflag:s0] =	ssyncadd.s32 @!p0 s1  }
0xcc: {  	[bflag:$0x3] =	sbarrier.arrive $0xFFFF  }
0xcd: {  	_ =	shalt  }

// kernel: scatter_offload_async_start.5
scs
__scs_entry_jumppad:
0x0: {  	(pc) =	sbr.rel $0x88, $3  }
0x1: {  	(tag) =	ssettag $0x0;
	lr =	simm.s32 $0x1  }
0x2: {  	[smem:$0x3F9B] =	sst lr;
	_ =	strace $0xD0000000  }
0x3: {  	_ = 	snop  }
0x4: {  	_ = 	snop  }
0x5: {  	_ = 	snop  }
0x6: {  	_ = 	snop  }
0x7: {  	_ = 	snop  }
__scs_overlays_trampoline_lowered:
0x8: {  	[smem:$0x3FAA] =	sst s0  }
0x9: {  	[smem:$0x3FAB] =	sst s1  }
0xa: {  	[smem:$0x3FAC] =	sst s2  }
0xb: {  	[smem:$0x3FAD] =	sst s3  }
0xc: {  	[smem:$0x3FAE] =	sst s4  }
0xd: {  	[smem:$0x3FAF] =	sst s5  }
0xe: {  	[smem:$0x3FB0] =	sst s6  }
0xf: {  	[smem:$0x3FB1] =	sst s7  }
0x10: {  	[smem:$0x3FB2] =	sst s8  }
0x11: {  	[smem:$0x3FB3] =	sst s9;
	s0 =	simm.s32 @!p0 $0x0  }
0x12: {  	s1 =	sld [smem:$0x3F99];
	s0 =	simm.s32 @p0 $0x1  }
0x13: {  	[smem:$0x3FB4] =	sst s0;
	s0 =	simm.s32 @!p1 $0x0  }
0x14: {  	s2 =	sld [smem:$0x3F98];
	s0 =	simm.s32 @p1 $0x1  }
0x15: {  	[smem:$0x3FB5] =	sst s0;
	s0 =	simm.s32 @!p2 $0x0  }
0x16: {  	s3 =	sld [smem:$0x3FDB];
	s0 =	simm.s32 @p2 $0x1  }
0x17: {  	s4 =	simm.s32 $0x1BF5;
	[smem:$0x3FB7] =	sst s0  }
0x18: {  	s0 =	sld [smem:$0x3F9A];
	_ =	swait.ge [sflag:s4], $0x0  }
0x19: {  	s7 =	sld [smem:$0x3F9B]  }
0x1a: {  	s8 =	sadd.s32 $0xFFFFE003, lr  }
0x1b: {  	s9 =	sadd.s32 $0xFFFFFEF7, lr;
	s5 =	simm.s32 $0xFFFFFFFF;
	p2 =	slt.u32 s8, $0xFFFFF086  }
0x1c: {  	p1 =	slt.u32 s9, $0xF7A;
	s5 =	simm.s32 @!p2 $0x0  }
0x1d: {  	s5 =	simm.s32 @p1 $0x1;
	p0 =	seq.s32 s7, s2  }
0x1e: {  	s7 =	smul.u32 @!p0 $0xF7A, s2;
	p2 =	seq.s32 @!p0 s5, $0x0  }
0x1f: {  	s9 =	smul.u32 $0xF7A, s1;
	s8 =	simm.s32 @!p0 $0x1BF5;
	p2 =	por !p2, p0  }
0x20: {  	[sflag:s8] =	ssyncset.s32 @!p0 $0xFFFFF086;
	s6 =	sadd.s32 @!p0 s3, s7;
	s7 =	simm.s32 @!p0 $0x108  }
0x21: {  	s3 =	sadd.s32 s3, s9;
	s6 =	sadd.s32 @!p0 $0x88, s6;
	s7 =	simm.s32 @p2 $0x1082  }
0x22: {  	[simem:s7], [sflag:s8] =	dma.local @!p0 [hbm:s6], $0xF7A  }
0x23: {  	s9 =	sor.u32 $0xD0000000, s2;
	s6 =	simm.s32 $0x108;
	_ =	swait.ge @!p0 [sflag:s8], $0x0  }
0x24: {  	s3 =	sadd.s32 $0x88, s3;
	s6 =	simm.s32 @!p1 $0x1082;
	[sflag:s4] =	ssyncset.s32 $0xFFFFF086  }
0x25: {  	[simem:s6], [sflag:s4] =	dma.local [hbm:s3], $0xF7A  }
0x26: {  	[smem:$0x3F9B] =	sst s1;
	(tag) =	ssettag s2;
	_ =	strace s9  }
0x27: {  	s1 =	sld [smem:$0x3FAB]  }
0x28: {  	s2 =	sld [smem:$0x3FAC]  }
0x29: {  	s4 =	sld [smem:$0x3FAE]  }
0x2a: {  	p0 =	seq.s32 s5, $0x0;
	s5 =	sld [smem:$0x3FAF]  }
0x2b: {  	s6 =	sld [smem:$0x3FB0]  }
0x2c: {  	s7 =	sld [smem:$0x3FB1]  }
0x2d: {  	s3 =	simm.s32 $0x108;
	s8 =	sld [smem:$0x3FB2]  }
0x2e: {  	s3 =	simm.s32 @!p0 $0x1082;
	s9 =	sld [smem:$0x3FB3]  }
0x2f: {  	lr =	sadd.s32 s0, s3;
	s0 =	sld [smem:$0x3FAA]  }
0x30: {  	s3 =	sld [smem:$0x3FAD]  }
0x31: {  	[smem:$0x3FB6] =	sst s10  }
0x32: {  	s10 =	sld [smem:$0x3FB4];
	_ =	sdelay $0x3  }
0x33: {  	p0 =	seq.s32 s10, $0x1;
	s10 =	sld [smem:$0x3FB6];
	_ =	sdelay $0x3  }
0x34: {  	[smem:$0x3FB6] =	sst s10  }
0x35: {  	s10 =	sld [smem:$0x3FB5];
	_ =	sdelay $0x3  }
0x36: {  	p1 =	seq.s32 s10, $0x1;
	s10 =	sld [smem:$0x3FB6];
	_ =	sdelay $0x3  }
0x37: {  	[smem:$0x3FB6] =	sst s10  }
0x38: {  	s10 =	sld [smem:$0x3FB7]  }
0x39: {  	_ = 	snop;
	(pc) =	sbr.ind lr, $3  }
0x3a: {  	_ = 	snop  }
0x3b: {  	_ = 	snop  }
0x3c: {  	p2 =	seq.s32 s10, $0x1;
	s10 =	sld [smem:$0x3FB6]  }
0x3d: {  	_ =	shalt  }
0x3e: {  	_ =	shalt  }
0x3f: {  	_ =	shalt  }
0x40: {  	_ =	shalt  }
0x41: {  	_ =	shalt  }
0x42: {  	_ =	shalt  }
0x43: {  	_ =	shalt  }
0x44: {  	_ =	shalt  }
0x45: {  	_ =	shalt  }
0x46: {  	_ =	shalt  }
0x47: {  	_ =	shalt  }
0x48: {  	_ =	shalt  }
0x49: {  	_ =	shalt  }
0x4a: {  	_ =	shalt  }
0x4b: {  	_ =	shalt  }
0x4c: {  	_ =	shalt  }
0x4d: {  	_ =	shalt  }
0x4e: {  	_ =	shalt  }
0x4f: {  	_ =	shalt  }
0x50: {  	_ =	shalt  }
0x51: {  	_ =	shalt  }
0x52: {  	_ =	shalt  }
0x53: {  	_ =	shalt  }
0x54: {  	_ =	shalt  }
0x55: {  	_ =	shalt  }
0x56: {  	_ =	shalt  }
0x57: {  	_ =	shalt  }
0x58: {  	_ =	shalt  }
0x59: {  	_ =	shalt  }
0x5a: {  	_ =	shalt  }
0x5b: {  	_ =	shalt  }
0x5c: {  	_ =	shalt  }
0x5d: {  	_ =	shalt  }
0x5e: {  	_ =	shalt  }
0x5f: {  	_ =	shalt  }
0x60: {  	_ =	shalt  }
0x61: {  	_ =	shalt  }
0x62: {  	_ =	shalt  }
0x63: {  	_ =	shalt  }
0x64: {  	_ =	shalt  }
0x65: {  	_ =	shalt  }
0x66: {  	_ =	shalt  }
0x67: {  	_ =	shalt  }
0x68: {  	_ =	shalt  }
0x69: {  	_ =	shalt  }
0x6a: {  	_ =	shalt  }
0x6b: {  	_ =	shalt  }
0x6c: {  	_ =	shalt  }
0x6d: {  	_ =	shalt  }
0x6e: {  	_ =	shalt  }
0x6f: {  	_ =	shalt  }
0x70: {  	_ =	shalt  }
0x71: {  	_ =	shalt  }
0x72: {  	_ =	shalt  }
0x73: {  	_ =	shalt  }
0x74: {  	_ =	shalt  }
0x75: {  	_ =	shalt  }
0x76: {  	_ =	shalt  }
0x77: {  	_ =	shalt  }
0x78: {  	_ =	shalt  }
0x79: {  	_ =	shalt  }
0x7a: {  	_ =	shalt  }
0x7b: {  	_ =	shalt  }
0x7c: {  	_ =	shalt  }
0x7d: {  	_ =	shalt  }
0x7e: {  	_ =	shalt  }
0x7f: {  	_ =	shalt  }
0x80: {  	_ =	shalt  }
0x81: {  	_ =	shalt  }
0x82: {  	_ =	shalt  }
0x83: {  	_ =	shalt  }
0x84: {  	_ =	shalt  }
0x85: {  	_ =	shalt  }
0x86: {  	_ =	shalt  }
0x87: {  	_ =	shalt  }
.Lfunc_end0:
.L_simem_size_0:
called_computation.5_lowered:
.L_overlay_start_0:
0x88: {  	s0 =	sld [smem:$0x3FD9]  }
0x89: {  	s1 =	sld [smem:$0x3FFE];
	_ =	sdelay $0x3  }
0x8a: {  	s0 =	sadd.s32 s1, s0  }
0x8b: {  	[smem:$0x3FC2] =	sst s0  }
0x8c: {  	_ = 	snop  }
0x8d: {  	s0 =	sld [smem:$0x3FD0];
	_ =	sdelay $0x2  }
0x8e: {  	s13 =	simm.s32 $0x12;
	s2 =	simm.s32 $0x10  }
0x8f: {  	[smem:s2], [sflag:s13] =	dma.local [hbm:s0], $0x1  }
0x90: {  	_ =	swait.eq [sflag:s13], $0x1  }
0x91: {  	[sflag:s13] =	ssyncset.done $0x0  }
0x92: {  	[sflag:s13] =	ssyncadd.s32 $0xFFFFFFFF  }
0x93: {  	s1 =	sld [smem:$0x10]  }
0x94: {  	s14 =	sld [smem:$0x11];
	(tm) =	ssettm $0x1  }
0x95: {  	s15 =	sld [smem:$0x3FFB];
	_ =	sdelay $0x3  }
0x96: {  	_ =	strace s15  }
0x97: {  	s0 =	sld [smem:$0x3FFC];
	_ =	sdelay $0x3  }
0x98: {  	_ =	strace s0  }
0x99: {  	s0 =	sld [smem:$0x3FFD];
	_ =	sdelay $0x3  }
0x9a: {  	_ =	strace s0  }
0x9b: {  	_ =	strace $0x8FFFFFFF  }
0x9c: {  	s16 =	sld [smem:$0x3FDB];
	_ =	sdelay $0x1  }
0x9d: {  	s3 =	simm.s32 $_scs_section_size  }
0x9e: {  	s4 =	simm.s32 $_size__tile_overlayer_lowered;
	s5 =	simm.s32 $_tile_overlayer_lowered  }
0x9f: {  	s6 =	simm.s32 $0x1BFF;
	s17 =	sshll.u32 s5, $0x1;
	s3 =	sadd.s32 s3, s16  }
0xa0: {  	s18 =	simm.s32 $0x0;
	s4 =	sshll.u32 s4, $0x1;
	s5 =	sadd.s32 s17, s3  }
0xa1: {  	[timem:s18], [sflag:s6] =	dma.local [hbm:s5], s4  }
0xa2: {  	_ =	swait.ge [sflag:s6], s4  }
0xa3: {  	s4 =	ssub.s32 $0x0, s4;
	[sflag:s6] =	ssyncset.done $0x0  }
0xa4: {  	[sflag:s6] =	ssyncadd.s32 s4;
	_ =	sdelay $0x1  }
0xa5: {  	s19 =	simm.s32 $0x1B8B  }
0xa6: {  	_ =	swait.ge [sflag:s19], $0x1  }
0xa7: {  	[sflag:s19] =	ssyncset.done $0x0  }
0xa8: {  	s21 =	simm.s32 $0x1B8E;
	s20 =	sld [smem:$0x3FFE];
	[sflag:s19] =	ssyncadd.s32 $0xFFFFFFFF  }
0xa9: {  	s22 =	simm.s32 $execute0_lowered;
	[smem:$0x3FD2] =	sst s21  }
0xaa: {  	s5 =	sshll.u32 s22, $0x1;
	_ =	strace $0x80000058;
	[dreg:$0x1] =	wrdreg $0xFFFFFFFF  }
0xab: {  	s23 =	simm.s32 $_size_execute0_lowered;
	s5 =	sadd.s32 s3, s5;
	[dreg:$0x0] =	wrdreg $0x0  }
0xac: {  	s6 =	sshll.u32 s23, $0x1;
	[dreg:$0x2] =	wrdreg s5  }
0xad: {  	[dreg:$0x3] =	wrdreg s6  }
0xae: {  	[dreg:$0x4] =	wrdreg $0xC0  }
0xaf: {  	s24 =	simm.s32 $execute1_lowered;
	_ =	task [dreg:s18], $0x5FFFF  }
0xb0: {  	s5 =	sshll.u32 s24, $0x1;
	[dreg:$0x1] =	wrdreg $0xFFFFFFFF  }
0xb1: {  	s3 =	sadd.s32 s3, s5;
	[dreg:$0x0] =	wrdreg $0x60  }
0xb2: {  	[dreg:$0x2] =	wrdreg s3  }
0xb3: {  	[dreg:$0x3] =	wrdreg s14  }
0xb4: {  	[dreg:$0x4] =	wrdreg s1  }
0xb5: {  	[dreg:$0x5] =	wrdreg $0xA  }
0xb6: {  	_ =	task.clear_ibuf [dreg:s18], $0x6FFFF;
	_ =	strace $0x90000058  }
0xb7: {  	s25 =	simm.s32 $0xA;
	_ =	strace $0x8000005A  }
0xb8: {  	_ =	swait.ge [sflag:s25], $0x1  }
0xb9: {  	[sflag:s25] =	ssyncadd.s32 $0xFFFFFFFF  }
0xba: {  	_ =	strace $0x9000005A  }
0xbb: {  	_ =	strace $0x8000005B;
	[dreg:$0x1] =	wrdreg $0xFFFFFFFF  }
0xbc: {  	[dreg:$0x0] =	wrdreg $0x2030  }
0xbd: {  	[dreg:$0x2] =	wrdreg s1  }
0xbe: {  	[dreg:$0x3] =	wrdreg s20  }
0xbf: {  	[dreg:$0x4] =	wrdreg $0xB  }
0xc0: {  	_ =	task.clear_ibuf [dreg:s18], $0x5FFFF;
	_ =	strace $0x9000005B  }
0xc1: {  	s26 =	simm.s32 $0xB;
	_ =	strace $0x8000005D  }
0xc2: {  	_ =	swait.ge [sflag:s26], $0x1  }
0xc3: {  	[sflag:s26] =	ssyncadd.s32 $0xFFFFFFFF  }
0xc4: {  	_ =	strace $0x9000005D  }
0xc5: {  	_ =	sfence  }
0xc6: {  	s28 =	sld [smem:$0x0];
	_ =	sdelay $0x1  }
0xc7: {  	s29 =	srdreg.scid  }
0xc8: {  	s30 =	sshll.u32 s29, $0xD;
	s31 =	sshrl.u32 s29, $0x2  }
0xc9: {  	s2 =	sand.u32 $0x1, s29;
	s3 =	sand.u32 $0x4000, s30;
	s1 =	sadd.s32 s31, s28  }
0xca: {  	s2 =	sor.u32 s3, s2;
	s1 =	sshll.u32 s1, $0x11  }
0xcb: {  	s1 =	sor.u32 s1, s2  }
0xcc: {  	s1 =	sadd.s32 $0x8F2B, s1  }
0xcd: {  	[sflag:s1] =	ssyncadd.remote.s32 $0x1  }
0xce: {  	_ =	sfence.sel $0xFFFF  }
0xcf: {  	[dreg:$0x0] =	wrdreg $0xFFFFFFFF;
	(pc) =	sbr.abs _section_cstart, $3  }
0xd0: {  	[dreg:$0x1] =	wrdreg $0xFFFFFFFF  }
0xd1: {  	_ =	task.clear_ibuf [dreg:s18], $0x2FFFF;
	_ =	strace $0x9FFFFFFF  }
0xd2: {  	(tm) =	ssettm $0x7FFFFFFF  }
0xd3: {  	_ =	shalt  }
tec
execute0_lowered:
.L_overlay_start_1:
0x0: {  	(tag) =	ssettag $0x1  }
0x1: {  	s4 =	rddreg [dreg:$0x0]  }
0x2: {  	s2 =	rddreg [dreg:$0x1]  }
0x3: {  	s3 =	rddreg [dreg:$0x2]  }
0x4: {  	s0 =	rddreg [dreg:$0x3];
	s5 =	stileid.u32  }
0x5: {  	[bflag:$0x3] =	sbarrier.arrive $0xFFFF;
	s1 =	simm.s32 $_size_execute1_lowered;
	p0 =	sne.s32 s5, $0x0  }
0x6: {  	s1 =	sshll.u32 s1, $0x1;
	s6 =	simm.s32 @!p0 $0x1C3F;
	s7 =	simm.s32 @!p0 $0x4060  }
0x7: {  	[timem:s7], [sflag:s6] =	dma.local @!p0 [hbm:s4], s1  }
0x8: {  	s4 =	sshll.u32 s5, $0xC  }
0x9: {  	s8 =	simm.s32 $0x2;
	s10 =	simm.s32 $0x0;
	s30 =	ssub.s32 $0x20000, s4  }
.Ltmp0:
0xa: {  	s7 =	simm.s32 $0x1;
	s31 =	sand.u32 $0xF000, s30;
	(pc) =	sbr.rel .LBB2_1-.Ltmp0, $4  }
0xb: {  	s5 =	simm.s32 $0x1;
	_ =	strace $0x80000059;
	p1 =	sne.s32 s31, $0x0  }
0xc: {  	s6 =	sshrl.u32 s30, $0x10;
	[sflag:s5] =	ssyncpa.u1 $0x0;
	s7 =	simm.s32 @!p1 $0x0  }
0xd: {  	s9 =	simm.s32 $0x0;
	[sflag:s8] =	ssyncpa.u1 $0x0;
	s6 =	sadd.s32 s7, s6  }
0xe: {  	s8 =	smov.u32 s4;
	p1 =	por $0x0, $0x0;
	s7 =	sadd.s32 $0x1, s6  }
.LBB2_4:
0xf: {  	[tilespmem:s11+$0xB0] =	vst v0  }
0x10: {  	[tilespmem:s11+$0xC0] =	vst v1  }
0x11: {  	[tilespmem:s11+$0xD0] =	vst v2  }
0x12: {  	[tilespmem:s11+$0xE0] =	vst v3;
	s13 =	sshrl.u32 s10, $0x3  }
0x13: {  	[tilespmem:s11+$0xFFFFFF00] =	vst v4;
	s31 =	sand.u32 $0x7, s10;
	s30 =	sadd.s32 s3, s13  }
0x14: {  	[hbm4b:s30+s31] =	stream.linear.scatter [tilespmem:s12], [sflag:$0x2], $0x1000, $0x38;
	[tilespmem:$0x4000] =	vst v63  }
.LBB2_5:
0x15: {  	s12 =	sadd.s32 $0x10000, s8  }
0x16: {  	p3 =	sgt.s32 s12, $0x1FFFF  }
0x17: {  	s12 =	smov.u32 @p3 s4;
	p3 =	sne.s32 s9, s7  }
.Ltmp1:
0x18: {  	p2 =	slt.u32 s9, $0x2;
	(pc) =	sbr.rel @!p3 .LBB2_6-.Ltmp1, $4  }
0x19: {  	s11 =	simm.s32 @!p2 $0x2  }
0x1a: {  	s13 =	sadd.s32 $0x1, s9;
	_ =	swait.ge @!p2 [sflag:s11], $0x1000  }
0x1b: {  	s10 =	smov.u32 s8;
	p1 =	por !p1, !p1;
	[sflag:s11] =	ssyncset.done @!p2 $0x0  }
0x1c: {  	s9 =	smov.u32 s13;
	s8 =	smov.u32 s12;
	[sflag:s11] =	ssyncadd.s32 @!p2 $0xFFFFF000  }
.LBB2_1:
0x1d: {  	p2 =	sge.u32 s9, s6  }
0x1e: {  	s11 =	sxor.u32 @!p2 $0xFFFFFFFF, s9  }
0x1f: {  	s31 =	sadd.s32 $0xFFFFFFFF, s9;
	s12 =	sshrl.u32 @!p2 s8, $0x3;
	s11 =	sshll.u32 @!p2 s11, $0xC  }
0x20: {  	s13 =	sand.u32 @!p2 $0x7, s8;
	s12 =	sadd.s32 @!p2 s2, s12;
	s11 =	sand.u32 @!p2 $0x1000, s11  }
0x21: {  	[tilespmem:s11], [sflag:$0x1] =	stream.linear.gather @!p2 [hbm4b:s12+s13], $0x1000, $0x38;
	[tilespmem:$0x4000] =	vst v63  }
0x22: {  	p2 =	sge.u32 s31, s6  }
.Ltmp2:
0x23: {  	_ = 	snop;
	(pc) =	sbr.rel @p2 .LBB2_5-.Ltmp2, $1  }
0x24: {  	_ =	sdelay $0x3  }
0x25: {  	s11 =	simm.s32 $0x1  }
0x26: {  	_ =	swait.ge [sflag:s5], $0x1000;
	s11 =	simm.s32 @!p1 $0x0  }
0x27: {  	[sflag:s5] =	ssyncset.done $0x0;
	s11 =	sshll.u32 s11, $0xC  }
0x28: {  	[sflag:s5] =	ssyncadd.s32 $0xFFFFF000;
	s14 =	sor.u32 $0x100, s11  }
0x29: {  	v0 =	vld [tilespmem:s14+$0xF0]  }
0x2a: {  	v1 =	vld [tilespmem:s14+$0xFFFFFF10]  }
0x2b: {  	v2 =	vld [tilespmem:s14+$0xFFFFFF20]  }
0x2c: {  	v3 =	vld [tilespmem:s14+$0xFFFFFF30]  }
0x2d: {  	s11 =	sor.u32 $0x2100, s11;
	v4 =	vld [tilespmem:s14+$0xFFFFFF40]  }
0x2e: {  	v5 =	vld [tilespmem:s14+$0xFFFFFF50];
	[tilespmem:s11+$0xF0] =	vst v0  }
0x2f: {  	[tilespmem:s11+$0xFFFFFF10] =	vst v1;
	v0 =	vld [tilespmem:s14+$0xFFFFFF60]  }
0x30: {  	[tilespmem:s11+$0xFFFFFF20] =	vst v2;
	v1 =	vld [tilespmem:s14+$0xFFFFFF70]  }
0x31: {  	[tilespmem:s11+$0xFFFFFF30] =	vst v3;
	v2 =	vld [tilespmem:s14+$0xFFFFFF80]  }
0x32: {  	[tilespmem:s11+$0xFFFFFF40] =	vst v4;
	v3 =	vld [tilespmem:s14+$0xFFFFFF90]  }
0x33: {  	[tilespmem:s11+$0xFFFFFF50] =	vst v5;
	v4 =	vld [tilespmem:s14+$0xFFFFFFA0]  }
0x34: {  	v5 =	vld [tilespmem:s14+$0xA0];
	[tilespmem:s11+$0xFFFFFF60] =	vst v0  }
0x35: {  	v0 =	vld [tilespmem:s14+$0xFFFFFFB0];
	[tilespmem:s11+$0xFFFFFF70] =	vst v1  }
0x36: {  	v1 =	vld [tilespmem:s14+$0xFFFFFFC0];
	[tilespmem:s11+$0xFFFFFF80] =	vst v2  }
0x37: {  	v2 =	vld [tilespmem:s14+$0xFFFFFFD0];
	[tilespmem:s11+$0xFFFFFF90] =	vst v3  }
0x38: {  	v3 =	vld [tilespmem:s14+$0xFFFFFFE0];
	[tilespmem:s11+$0xFFFFFFA0] =	vst v4  }
0x39: {  	v4 =	vld [tilespmem:s14+$0xFFFFFFF0];
	[tilespmem:s11+$0xA0] =	vst v5  }
0x3a: {  	[tilespmem:s11+$0xFFFFFFB0] =	vst v0;
	v0 =	vld [tilespmem:s14+$0x0]  }
0x3b: {  	[tilespmem:s11+$0xFFFFFFC0] =	vst v1;
	v1 =	vld [tilespmem:s14+$0x10]  }
0x3c: {  	[tilespmem:s11+$0xFFFFFFD0] =	vst v2;
	v2 =	vld [tilespmem:s14+$0x20]  }
0x3d: {  	[tilespmem:s11+$0xFFFFFFE0] =	vst v3;
	v3 =	vld [tilespmem:s14+$0x30]  }
0x3e: {  	[tilespmem:s11+$0xFFFFFFF0] =	vst v4;
	v4 =	vld [tilespmem:s14+$0x40]  }
0x3f: {  	[tilespmem:s11+$0x0] =	vst v0;
	v0 =	vld [tilespmem:s14+$0x50]  }
0x40: {  	[tilespmem:s11+$0x10] =	vst v1;
	v1 =	vld [tilespmem:s14+$0x60]  }
0x41: {  	[tilespmem:s11+$0x20] =	vst v2;
	v2 =	vld [tilespmem:s14+$0x70]  }
0x42: {  	[tilespmem:s11+$0x30] =	vst v3;
	v3 =	vld [tilespmem:s14+$0x80]  }
0x43: {  	[tilespmem:s11+$0x40] =	vst v4;
	v4 =	vld [tilespmem:s14+$0x90]  }
0x44: {  	[tilespmem:s11+$0x50] =	vst v0;
	v0 =	vld [tilespmem:s14+$0xB0]  }
0x45: {  	[tilespmem:s11+$0x60] =	vst v1;
	v1 =	vld [tilespmem:s14+$0xC0]  }
0x46: {  	s12 =	sshll.u32 s9, $0xC;
	[tilespmem:s11+$0x70] =	vst v2;
	v2 =	vld [tilespmem:s14+$0xD0]  }
0x47: {  	s12 =	sand.u32 $0x1000, s12;
	[tilespmem:s11+$0x80] =	vst v3;
	v3 =	vld [tilespmem:s14+$0xE0]  }
0x48: {  	s13 =	simm.s32 $0x0;
	s12 =	sor.u32 $0x2000, s12;
	[tilespmem:s11+$0x90] =	vst v4;
	v4 =	vld [tilespmem:s14+$0xFFFFFF00];
	s14 =	sadd.s32 $0x200, s14  }
.LBB2_3:
0x49: {  	v5 =	vld [tilespmem:s14+$0xF0];
	s13 =	sadd.s32 $0x200, s13;
	[tilespmem:s11+$0xB0] =	vst v0  }
0x4a: {  	v0 =	vld [tilespmem:s14+$0xFFFFFF10];
	p2 =	slt.u32 s13, $0xE00;
	[tilespmem:s11+$0xC0] =	vst v1  }
0x4b: {  	v1 =	vld [tilespmem:s14+$0xFFFFFF20];
	[tilespmem:s11+$0xD0] =	vst v2  }
0x4c: {  	v2 =	vld [tilespmem:s14+$0xFFFFFF30];
	[tilespmem:s11+$0xE0] =	vst v3  }
0x4d: {  	v3 =	vld [tilespmem:s14+$0xFFFFFF40];
	[tilespmem:s11+$0xFFFFFF00] =	vst v4;
	s11 =	sadd.s32 $0x200, s11  }
0x4e: {  	v4 =	vld [tilespmem:s14+$0xFFFFFF50];
	[tilespmem:s11+$0xF0] =	vst v5  }
0x4f: {  	[tilespmem:s11+$0xFFFFFF10] =	vst v0;
	v0 =	vld [tilespmem:s14+$0xFFFFFF60]  }
0x50: {  	[tilespmem:s11+$0xFFFFFF20] =	vst v1;
	v1 =	vld [tilespmem:s14+$0xFFFFFF70]  }
0x51: {  	[tilespmem:s11+$0xFFFFFF30] =	vst v2;
	v2 =	vld [tilespmem:s14+$0xFFFFFF80]  }
0x52: {  	[tilespmem:s11+$0xFFFFFF40] =	vst v3;
	v3 =	vld [tilespmem:s14+$0xFFFFFF90]  }
0x53: {  	[tilespmem:s11+$0xFFFFFF50] =	vst v4;
	v4 =	vld [tilespmem:s14+$0xFFFFFFA0]  }
0x54: {  	[tilespmem:s11+$0xFFFFFF60] =	vst v0;
	v0 =	vld [tilespmem:s14+$0xFFFFFFB0]  }
0x55: {  	[tilespmem:s11+$0xFFFFFF70] =	vst v1;
	v1 =	vld [tilespmem:s14+$0xFFFFFFC0]  }
0x56: {  	[tilespmem:s11+$0xFFFFFF80] =	vst v2;
	v2 =	vld [tilespmem:s14+$0xFFFFFFD0]  }
0x57: {  	[tilespmem:s11+$0xFFFFFF90] =	vst v3;
	v3 =	vld [tilespmem:s14+$0xFFFFFFE0]  }
0x58: {  	[tilespmem:s11+$0xFFFFFFA0] =	vst v4;
	v4 =	vld [tilespmem:s14+$0xFFFFFFF0]  }
0x59: {  	[tilespmem:s11+$0xFFFFFFB0] =	vst v0;
	v0 =	vld [tilespmem:s14+$0x0]  }
0x5a: {  	[tilespmem:s11+$0xFFFFFFC0] =	vst v1;
	v1 =	vld [tilespmem:s14+$0x10]  }
0x5b: {  	[tilespmem:s11+$0xFFFFFFD0] =	vst v2;
	v2 =	vld [tilespmem:s14+$0x20]  }
0x5c: {  	[tilespmem:s11+$0xFFFFFFE0] =	vst v3;
	v3 =	vld [tilespmem:s14+$0x30]  }
0x5d: {  	[tilespmem:s11+$0xFFFFFFF0] =	vst v4;
	v4 =	vld [tilespmem:s14+$0x40]  }
0x5e: {  	[tilespmem:s11+$0x0] =	vst v0;
	v0 =	vld [tilespmem:s14+$0x50]  }
0x5f: {  	[tilespmem:s11+$0x10] =	vst v1;
	v1 =	vld [tilespmem:s14+$0x60]  }
0x60: {  	[tilespmem:s11+$0x20] =	vst v2;
	v2 =	vld [tilespmem:s14+$0x70]  }
0x61: {  	[tilespmem:s11+$0x30] =	vst v3;
	v3 =	vld [tilespmem:s14+$0x80]  }
0x62: {  	[tilespmem:s11+$0x40] =	vst v4;
	v4 =	vld [tilespmem:s14+$0x90]  }
0x63: {  	[tilespmem:s11+$0x50] =	vst v0;
	v5 =	vld [tilespmem:s14+$0xA0]  }
.Ltmp3:
0x64: {  	[tilespmem:s11+$0x60] =	vst v1;
	v0 =	vld [tilespmem:s14+$0xB0];
	(pc) =	sbr.rel @p2 .LBB2_3-.Ltmp3, $4  }
0x65: {  	[tilespmem:s11+$0x70] =	vst v2;
	v1 =	vld [tilespmem:s14+$0xC0]  }
0x66: {  	[tilespmem:s11+$0x80] =	vst v3;
	v2 =	vld [tilespmem:s14+$0xD0]  }
0x67: {  	[tilespmem:s11+$0x90] =	vst v4;
	v3 =	vld [tilespmem:s14+$0xE0]  }
0x68: {  	v4 =	vld [tilespmem:s14+$0xFFFFFF00];
	[tilespmem:s11+$0xA0] =	vst v5;
	s14 =	sadd.s32 $0x200, s14  }
.Ltmp4:
0x69: {  	_ = 	snop;
	(pc) =	sbr.rel .LBB2_4-.Ltmp4, $1  }
0x6a: {  	_ =	sdelay $0x3  }
.LBB2_6:
0x6b: {  	_ =	sfence.sel $0x180000  }
0x6c: {  	s2 =	simm.s32 $0x1;
	[bflag:$0x0] =	sbarrier.arrive $0xFFFF  }
0x6d: {  	s31 =	simm.s32 $0x2;
	[sflag:s2] =	ssyncpa.u1 $0x1  }
0x6e: {  	[sflag:s31] =	ssyncpa.u1 $0x1  }
0x6f: {  	_ =	strace $0x90000059  }
0x70: {  	s0 =	sadd.s32 @!p0 $0x100000, s0;
	[bflag:$0x2] =	sbarrier.arrive $0xFFFF  }
0x71: {  	[sflag:s0] =	ssyncadd.tile.s32 @!p0 $0x1;
	s0 =	simm.s32 @!p0 $0x3F  }
0x72: {  	_ =	swait.ge @!p0 [sflag:s0], s1  }
0x73: {  	s1 =	ssub.s32 @!p0 $0x0, s1;
	[sflag:s0] =	ssyncset.done @!p0 $0x0  }
0x74: {  	[sflag:s0] =	ssyncadd.s32 @!p0 s1  }
0x75: {  	[bflag:$0x3] =	sbarrier.arrive $0xFFFF  }
0x76: {  	_ =	shalt  }
.Lfunc_end2:
execute1_lowered:
.L_overlay_start_2:
0x77: {  	(tag) =	ssettag $0x2  }
0x78: {  	s1 =	rddreg [dreg:$0x0]  }
0x79: {  	s4 =	rddreg [dreg:$0x1]  }
0x7a: {  	s0 =	rddreg [dreg:$0x2];
	s5 =	stileid.u32  }
0x7b: {  	_ =	strace $0x8000005C;
	s3 =	simm.s32 $0x3E;
	p0 =	sne.s32 s5, $0x0  }
0x7c: {  	[sflag:s3] =	ssyncpa.u1 $0x0;
	s6 =	simm.s32 @!p0 $0x1C3E;
	s2 =	simm.s32 @!p0 $0x0  }
0x7d: {  	[spmem:s2], [sflag:s6] =	dma.local @!p0 [hbm:s1], $0x4000  }
0x7e: {  	s6 =	simm.s32 @!p0 $0x3E  }
0x7f: {  	_ =	swait.ge @!p0 [sflag:s6], $0x4000  }
0x80: {  	[sflag:s6] =	ssyncset.done @!p0 $0x0  }
0x81: {  	s13 =	simm.s32 $0x1;
	[sflag:s6] =	ssyncadd.s32 @!p0 $0xFFFFC000  }
0x82: {  	s7 =	simm.s32 $0x2;
	s8 =	simm.s32 $0x0;
	[bflag:$0x0] =	sbarrier.arrive $0xFFFF  }
0x83: {  	s9 =	simm.s32 $0x2080;
	s14 =	sadd.s32 $0x61600, s4;
	[sflag:s3] =	ssyncpa.u1 $0x1  }
0x84: {  	s4 =	sadd.s32 $0x61800, s4;
	s5 =	sshll.u32 s5, $0x4;
	[sflag:s13] =	ssyncpa.u1 $0x0  }
0x85: {  	s6 =	sadd.s32 s14, s5;
	(ifvalue) =	ssetifvalue $0x20000;
	[sflag:s7] =	ssyncpa.u1 $0x0  }
0x86: {  	[tilespmem:s9], [sflag:$0x2] =	stream.linear.gather [hbm4b:s6+s8], $0x80, $0x38;
	[tilespmem:$0x2200] =	vst v63  }
0x87: {  	s15 =	simm.s32 $0x2180;
	s4 =	sadd.s32 s4, s5  }
0x88: {  	[tilespmem:s15], [sflag:$0x2] =	stream.linear.gather [hbm4b:s4+s8], $0x80, $0x38;
	[tilespmem:$0x2200] =	vst v63  }
0x89: {  	_ =	swait.ge [sflag:s7], $0x100  }
0x8a: {  	[sflag:s7] =	ssyncset.done $0x0  }
0x8b: {  	[sflag:s7] =	ssyncadd.s32 $0xFFFFFF00  }
0x8c: {  	v0 =	vld.msk [tilespmem:s9+$0x0 ss:$0x1], $0xffff;
	_ =	sdelay $0x4  }
0x8d: {  	v0 =	vmin.u32 v0, $0x20000;
	_ =	sdelay $0x3  }
0x8e: {  	vm0 =	vmmov $0xffff;
	s16 =	simm.s32 $0x2090  }
0x8f: {  	[spmem:s8] =	stream.indirect_vreg.scatter.add.s32 [tilespmem:s15], [sflag:$0x1], $0x1, v0, vm0, $0x4038;
	[tilespmem:$0x2200] =	vst v63  }
0x90: {  	v0 =	vld.msk [tilespmem:s16+$0x0 ss:$0x1], $0xffff;
	_ =	sdelay $0x4  }
0x91: {  	v0 =	vmin.u32 v0, $0x20000;
	_ =	sdelay $0x3  }
0x92: {  	s17 =	simm.s32 $0x2190;
	s18 =	simm.s32 $0x20A0  }
0x93: {  	[spmem:s8] =	stream.indirect_vreg.scatter.add.s32 [tilespmem:s17], [sflag:$0x1], $0x1, v0, vm0, $0x4038;
	[tilespmem:$0x2200] =	vst v63  }
0x94: {  	v0 =	vld.msk [tilespmem:s18+$0x0 ss:$0x1], $0xffff;
	_ =	sdelay $0x4  }
0x95: {  	v0 =	vmin.u32 v0, $0x20000;
	_ =	sdelay $0x3  }
0x96: {  	s19 =	simm.s32 $0x21A0;
	s20 =	simm.s32 $0x20B0  }
0x97: {  	[spmem:s8] =	stream.indirect_vreg.scatter.add.s32 [tilespmem:s19], [sflag:$0x1], $0x1, v0, vm0, $0x4038;
	[tilespmem:$0x2200] =	vst v63  }
0x98: {  	v0 =	vld.msk [tilespmem:s20+$0x0 ss:$0x1], $0xffff;
	_ =	sdelay $0x4  }
0x99: {  	v0 =	vmin.u32 v0, $0x20000;
	_ =	sdelay $0x3  }
0x9a: {  	s21 =	simm.s32 $0x21B0;
	s22 =	simm.s32 $0x20C0  }
0x9b: {  	[spmem:s8] =	stream.indirect_vreg.scatter.add.s32 [tilespmem:s21], [sflag:$0x1], $0x1, v0, vm0, $0x4038;
	[tilespmem:$0x2200] =	vst v63  }
0x9c: {  	v0 =	vld.msk [tilespmem:s22+$0x0 ss:$0x1], $0xffff;
	_ =	sdelay $0x4  }
0x9d: {  	v0 =	vmin.u32 v0, $0x20000;
	_ =	sdelay $0x3  }
0x9e: {  	s23 =	simm.s32 $0x21C0;
	s24 =	simm.s32 $0x20D0  }
0x9f: {  	[spmem:s8] =	stream.indirect_vreg.scatter.add.s32 [tilespmem:s23], [sflag:$0x1], $0x1, v0, vm0, $0x4038;
	[tilespmem:$0x2200] =	vst v63  }
0xa0: {  	v0 =	vld.msk [tilespmem:s24+$0x0 ss:$0x1], $0xffff;
	_ =	sdelay $0x4  }
0xa1: {  	v0 =	vmin.u32 v0, $0x20000;
	_ =	sdelay $0x3  }
0xa2: {  	s25 =	simm.s32 $0x21D0;
	s26 =	simm.s32 $0x20E0  }
0xa3: {  	[spmem:s8] =	stream.indirect_vreg.scatter.add.s32 [tilespmem:s25], [sflag:$0x1], $0x1, v0, vm0, $0x4038;
	[tilespmem:$0x2200] =	vst v63  }
0xa4: {  	v0 =	vld.msk [tilespmem:s26+$0x0 ss:$0x1], $0xffff;
	_ =	sdelay $0x4  }
0xa5: {  	v0 =	vmin.u32 v0, $0x20000;
	_ =	sdelay $0x3  }
0xa6: {  	s28 =	simm.s32 $0x21E0;
	s29 =	simm.s32 $0x20F0  }
0xa7: {  	[spmem:s8] =	stream.indirect_vreg.scatter.add.s32 [tilespmem:s28], [sflag:$0x1], $0x1, v0, vm0, $0x4038;
	[tilespmem:$0x2200] =	vst v63  }
0xa8: {  	v0 =	vld.msk [tilespmem:s29+$0x0 ss:$0x1], $0xffff;
	_ =	sdelay $0x4  }
0xa9: {  	v0 =	vmin.u32 v0, $0x20000;
	_ =	sdelay $0x3  }
0xaa: {  	s30 =	simm.s32 $0x21F0  }
0xab: {  	[spmem:s8] =	stream.indirect_vreg.scatter.add.s32 [tilespmem:s30], [sflag:$0x1], $0x1, v0, vm0, $0x4038;
	[tilespmem:$0x2200] =	vst v63  }
0xac: {  	_ =	swait.ge [sflag:s13], $0x80  }
0xad: {  	[sflag:s13] =	ssyncset.done $0x0  }
0xae: {  	[sflag:s13] =	ssyncadd.s32 $0xFFFFFF80  }
0xaf: {  	_ =	sfence.sel $0x180000  }
0xb0: {  	[bflag:$0x0] =	sbarrier.arrive $0xFFFF  }
0xb1: {  	[sflag:s7] =	ssyncpa.u1 $0x1  }
0xb2: {  	[sflag:s13] =	ssyncpa.u1 $0x1  }
0xb3: {  	_ =	sfence.stream.spmem  }
0xb4: {  	s31 =	simm.s32 $0x3D;
	[bflag:$0x0] =	sbarrier.arrive $0xFFFF  }
0xb5: {  	s3 =	simm.s32 @p0 $0x3D;
	[sflag:s31] =	ssyncpa.u1 $0x0  }
0xb6: {  	[sflag:s3] =	ssyncpa.u1 @p0 $0x1  }
0xb7: {  	[bflag:$0x0] =	sbarrier.arrive @p0 $0xFFFF  }
0xb8: {  	_ =	strace @p0 $0x9000005C  }
0xb9: {  	s3 =	simm.s32 @!p0 $0x1C3D;
	[bflag:$0x2] =	sbarrier.arrive @p0 $0xFFFF  }
0xba: {  	[hbm:s1], [sflag:s3] =	dma.local @!p0 [spmem:s2], $0x4000  }
0xbb: {  	s1 =	simm.s32 @!p0 $0x3D  }
0xbc: {  	_ =	swait.ge @!p0 [sflag:s1], $0x4000  }
0xbd: {  	[sflag:s1] =	ssyncset.done @!p0 $0x0  }
0xbe: {  	[sflag:s1] =	ssyncadd.s32 @!p0 $0xFFFFC000  }
0xbf: {  	[sflag:s1] =	ssyncpa.u1 @!p0 $0x1  }
0xc0: {  	[bflag:$0x0] =	sbarrier.arrive @!p0 $0xFFFF  }
0xc1: {  	_ =	strace @!p0 $0x9000005C  }
0xc2: {  	s0 =	sadd.s32 @!p0 $0x100000, s0;
	[bflag:$0x2] =	sbarrier.arrive @!p0 $0xFFFF  }
0xc3: {  	[sflag:s0] =	ssyncadd.tile.s32 @!p0 $0x1;
	_ =	shalt  }
.Lfunc_end3:
_tile_overlayer_lowered:
.L_overlay_start_3:
0xc4: {  	(tag) =	ssettag $0x3  }
0xc5: {  	s0 =	rddreg [dreg:$0x0];
	s2 =	stileid.u32  }
0xc6: {  	s1 =	rddreg [dreg:$0x1];
	p0 =	sne.s32 s2, $0x0  }
0xc7: {  	s3 =	rddreg [dreg:$0x2];
	[bflag:$0x3] =	sbarrier.arrive $0xFFFF;
	s2 =	simm.s32 @!p0 $0x1C01  }
0xc8: {  	[timem:s3], [sflag:s2] =	dma.local @!p0 [hbm:s0], s1  }
0xc9: {  	s0 =	simm.s32 @!p0 $0x1  }
0xca: {  	_ =	swait.ge @!p0 [sflag:s0], s1  }
0xcb: {  	s1 =	ssub.s32 @!p0 $0x0, s1;
	[sflag:s0] =	ssyncset.done @!p0 $0x0  }
0xcc: {  	[sflag:s0] =	ssyncadd.s32 @!p0 s1  }
0xcd: {  	[bflag:$0x3] =	sbarrier.arrive $0xFFFF  }
0xce: {  	_ =	shalt  }

// kernel: scatter_offload_async_start
scs
__scs_entry_jumppad:
0x0: {  	(pc) =	sbr.rel $0x88, $3  }
0x1: {  	(tag) =	ssettag $0x0;
	lr =	simm.s32 $0x1  }
0x2: {  	[smem:$0x3F9B] =	sst lr;
	_ =	strace $0xD0000000  }
0x3: {  	_ = 	snop  }
0x4: {  	_ = 	snop  }
0x5: {  	_ = 	snop  }
0x6: {  	_ = 	snop  }
0x7: {  	_ = 	snop  }
__scs_overlays_trampoline_lowered:
0x8: {  	[smem:$0x3FAA] =	sst s0  }
0x9: {  	[smem:$0x3FAB] =	sst s1  }
0xa: {  	[smem:$0x3FAC] =	sst s2  }
0xb: {  	[smem:$0x3FAD] =	sst s3  }
0xc: {  	[smem:$0x3FAE] =	sst s4  }
0xd: {  	[smem:$0x3FAF] =	sst s5  }
0xe: {  	[smem:$0x3FB0] =	sst s6  }
0xf: {  	[smem:$0x3FB1] =	sst s7  }
0x10: {  	[smem:$0x3FB2] =	sst s8  }
0x11: {  	[smem:$0x3FB3] =	sst s9;
	s0 =	simm.s32 @!p0 $0x0  }
0x12: {  	s1 =	sld [smem:$0x3F99];
	s0 =	simm.s32 @p0 $0x1  }
0x13: {  	[smem:$0x3FB4] =	sst s0;
	s0 =	simm.s32 @!p1 $0x0  }
0x14: {  	s2 =	sld [smem:$0x3F98];
	s0 =	simm.s32 @p1 $0x1  }
0x15: {  	[smem:$0x3FB5] =	sst s0;
	s0 =	simm.s32 @!p2 $0x0  }
0x16: {  	s3 =	sld [smem:$0x3FDB];
	s0 =	simm.s32 @p2 $0x1  }
0x17: {  	s4 =	simm.s32 $0x1BF5;
	[smem:$0x3FB7] =	sst s0  }
0x18: {  	s0 =	sld [smem:$0x3F9A];
	_ =	swait.ge [sflag:s4], $0x0  }
0x19: {  	s7 =	sld [smem:$0x3F9B]  }
0x1a: {  	s8 =	sadd.s32 $0xFFFFE003, lr  }
0x1b: {  	s9 =	sadd.s32 $0xFFFFFEF7, lr;
	s5 =	simm.s32 $0xFFFFFFFF;
	p2 =	slt.u32 s8, $0xFFFFF086  }
0x1c: {  	p1 =	slt.u32 s9, $0xF7A;
	s5 =	simm.s32 @!p2 $0x0  }
0x1d: {  	s5 =	simm.s32 @p1 $0x1;
	p0 =	seq.s32 s7, s2  }
0x1e: {  	s7 =	smul.u32 @!p0 $0xF7A, s2;
	p2 =	seq.s32 @!p0 s5, $0x0  }
0x1f: {  	s9 =	smul.u32 $0xF7A, s1;
	s8 =	simm.s32 @!p0 $0x1BF5;
	p2 =	por !p2, p0  }
0x20: {  	[sflag:s8] =	ssyncset.s32 @!p0 $0xFFFFF086;
	s6 =	sadd.s32 @!p0 s3, s7;
	s7 =	simm.s32 @!p0 $0x108  }
0x21: {  	s3 =	sadd.s32 s3, s9;
	s6 =	sadd.s32 @!p0 $0x88, s6;
	s7 =	simm.s32 @p2 $0x1082  }
0x22: {  	[simem:s7], [sflag:s8] =	dma.local @!p0 [hbm:s6], $0xF7A  }
0x23: {  	s9 =	sor.u32 $0xD0000000, s2;
	s6 =	simm.s32 $0x108;
	_ =	swait.ge @!p0 [sflag:s8], $0x0  }
0x24: {  	s3 =	sadd.s32 $0x88, s3;
	s6 =	simm.s32 @!p1 $0x1082;
	[sflag:s4] =	ssyncset.s32 $0xFFFFF086  }
0x25: {  	[simem:s6], [sflag:s4] =	dma.local [hbm:s3], $0xF7A  }
0x26: {  	[smem:$0x3F9B] =	sst s1;
	(tag) =	ssettag s2;
	_ =	strace s9  }
0x27: {  	s1 =	sld [smem:$0x3FAB]  }
0x28: {  	s2 =	sld [smem:$0x3FAC]  }
0x29: {  	s4 =	sld [smem:$0x3FAE]  }
0x2a: {  	p0 =	seq.s32 s5, $0x0;
	s5 =	sld [smem:$0x3FAF]  }
0x2b: {  	s6 =	sld [smem:$0x3FB0]  }
0x2c: {  	s7 =	sld [smem:$0x3FB1]  }
0x2d: {  	s3 =	simm.s32 $0x108;
	s8 =	sld [smem:$0x3FB2]  }
0x2e: {  	s3 =	simm.s32 @!p0 $0x1082;
	s9 =	sld [smem:$0x3FB3]  }
0x2f: {  	lr =	sadd.s32 s0, s3;
	s0 =	sld [smem:$0x3FAA]  }
0x30: {  	s3 =	sld [smem:$0x3FAD]  }
0x31: {  	[smem:$0x3FB6] =	sst s10  }
0x32: {  	s10 =	sld [smem:$0x3FB4];
	_ =	sdelay $0x3  }
0x33: {  	p0 =	seq.s32 s10, $0x1;
	s10 =	sld [smem:$0x3FB6];
	_ =	sdelay $0x3  }
0x34: {  	[smem:$0x3FB6] =	sst s10  }
0x35: {  	s10 =	sld [smem:$0x3FB5];
	_ =	sdelay $0x3  }
0x36: {  	p1 =	seq.s32 s10, $0x1;
	s10 =	sld [smem:$0x3FB6];
	_ =	sdelay $0x3  }
0x37: {  	[smem:$0x3FB6] =	sst s10  }
0x38: {  	s10 =	sld [smem:$0x3FB7]  }
0x39: {  	_ = 	snop;
	(pc) =	sbr.ind lr, $3  }
0x3a: {  	_ = 	snop  }
0x3b: {  	_ = 	snop  }
0x3c: {  	p2 =	seq.s32 s10, $0x1;
	s10 =	sld [smem:$0x3FB6]  }
0x3d: {  	_ =	shalt  }
0x3e: {  	_ =	shalt  }
0x3f: {  	_ =	shalt  }
0x40: {  	_ =	shalt  }
0x41: {  	_ =	shalt  }
0x42: {  	_ =	shalt  }
0x43: {  	_ =	shalt  }
0x44: {  	_ =	shalt  }
0x45: {  	_ =	shalt  }
0x46: {  	_ =	shalt  }
0x47: {  	_ =	shalt  }
0x48: {  	_ =	shalt  }
0x49: {  	_ =	shalt  }
0x4a: {  	_ =	shalt  }
0x4b: {  	_ =	shalt  }
0x4c: {  	_ =	shalt  }
0x4d: {  	_ =	shalt  }
0x4e: {  	_ =	shalt  }
0x4f: {  	_ =	shalt  }
0x50: {  	_ =	shalt  }
0x51: {  	_ =	shalt  }
0x52: {  	_ =	shalt  }
0x53: {  	_ =	shalt  }
0x54: {  	_ =	shalt  }
0x55: {  	_ =	shalt  }
0x56: {  	_ =	shalt  }
0x57: {  	_ =	shalt  }
0x58: {  	_ =	shalt  }
0x59: {  	_ =	shalt  }
0x5a: {  	_ =	shalt  }
0x5b: {  	_ =	shalt  }
0x5c: {  	_ =	shalt  }
0x5d: {  	_ =	shalt  }
0x5e: {  	_ =	shalt  }
0x5f: {  	_ =	shalt  }
0x60: {  	_ =	shalt  }
0x61: {  	_ =	shalt  }
0x62: {  	_ =	shalt  }
0x63: {  	_ =	shalt  }
0x64: {  	_ =	shalt  }
0x65: {  	_ =	shalt  }
0x66: {  	_ =	shalt  }
0x67: {  	_ =	shalt  }
0x68: {  	_ =	shalt  }
0x69: {  	_ =	shalt  }
0x6a: {  	_ =	shalt  }
0x6b: {  	_ =	shalt  }
0x6c: {  	_ =	shalt  }
0x6d: {  	_ =	shalt  }
0x6e: {  	_ =	shalt  }
0x6f: {  	_ =	shalt  }
0x70: {  	_ =	shalt  }
0x71: {  	_ =	shalt  }
0x72: {  	_ =	shalt  }
0x73: {  	_ =	shalt  }
0x74: {  	_ =	shalt  }
0x75: {  	_ =	shalt  }
0x76: {  	_ =	shalt  }
0x77: {  	_ =	shalt  }
0x78: {  	_ =	shalt  }
0x79: {  	_ =	shalt  }
0x7a: {  	_ =	shalt  }
0x7b: {  	_ =	shalt  }
0x7c: {  	_ =	shalt  }
0x7d: {  	_ =	shalt  }
0x7e: {  	_ =	shalt  }
0x7f: {  	_ =	shalt  }
0x80: {  	_ =	shalt  }
0x81: {  	_ =	shalt  }
0x82: {  	_ =	shalt  }
0x83: {  	_ =	shalt  }
0x84: {  	_ =	shalt  }
0x85: {  	_ =	shalt  }
0x86: {  	_ =	shalt  }
0x87: {  	_ =	shalt  }
.Lfunc_end0:
.L_simem_size_0:
called_computation_lowered:
.L_overlay_start_0:
0x88: {  	s0 =	sld [smem:$0x3FD9]  }
0x89: {  	s1 =	sld [smem:$0x3FFE];
	_ =	sdelay $0x3  }
0x8a: {  	s0 =	sadd.s32 s1, s0  }
0x8b: {  	[smem:$0x3FC2] =	sst s0  }
0x8c: {  	_ = 	snop  }
0x8d: {  	(tm) =	ssettm $0x1  }
0x8e: {  	s14 =	sld [smem:$0x3FFB];
	_ =	sdelay $0x3  }
0x8f: {  	_ =	strace s14  }
0x90: {  	s0 =	sld [smem:$0x3FFC];
	_ =	sdelay $0x3  }
0x91: {  	_ =	strace s0  }
0x92: {  	s0 =	sld [smem:$0x3FFD];
	_ =	sdelay $0x3  }
0x93: {  	_ =	strace s0  }
0x94: {  	_ =	strace $0x8FFFFFFF  }
0x95: {  	s15 =	sld [smem:$0x3FDB];
	_ =	sdelay $0x1  }
0x96: {  	s16 =	simm.s32 $_scs_section_size  }
0x97: {  	s2 =	simm.s32 $_size__tile_overlayer_lowered;
	s3 =	simm.s32 $_tile_overlayer_lowered  }
0x98: {  	s4 =	simm.s32 $0x1BFF;
	s17 =	sshll.u32 s3, $0x1;
	s1 =	sadd.s32 s16, s15  }
0x99: {  	s18 =	simm.s32 $0x0;
	s2 =	sshll.u32 s2, $0x1;
	s3 =	sadd.s32 s17, s1  }
0x9a: {  	[timem:s18], [sflag:s4] =	dma.local [hbm:s3], s2  }
0x9b: {  	_ =	swait.ge [sflag:s4], s2  }
0x9c: {  	s2 =	ssub.s32 $0x0, s2;
	[sflag:s4] =	ssyncset.done $0x0  }
0x9d: {  	[sflag:s4] =	ssyncadd.s32 s2;
	_ =	sdelay $0x1  }
0x9e: {  	s19 =	simm.s32 $0x1B8B  }
0x9f: {  	_ =	swait.ge [sflag:s19], $0x1  }
0xa0: {  	[sflag:s19] =	ssyncset.done $0x0  }
0xa1: {  	s21 =	simm.s32 $0x1B8E;
	s20 =	sld [smem:$0x3FFE];
	[sflag:s19] =	ssyncadd.s32 $0xFFFFFFFF  }
0xa2: {  	s22 =	simm.s32 $execute0_lowered;
	[smem:$0x3FD2] =	sst s21  }
0xa3: {  	s3 =	sshll.u32 s22, $0x1;
	_ =	strace $0x80000046;
	[dreg:$0x1] =	wrdreg $0xFFFFFFFF  }
0xa4: {  	s23 =	simm.s32 $_size_execute0_lowered;
	s3 =	sadd.s32 s1, s3;
	[dreg:$0x0] =	wrdreg $0x0  }
0xa5: {  	s4 =	sshll.u32 s23, $0x1;
	[dreg:$0x2] =	wrdreg s3  }
0xa6: {  	[dreg:$0x3] =	wrdreg s4  }
0xa7: {  	[dreg:$0x4] =	wrdreg $0xC0  }
0xa8: {  	s24 =	simm.s32 $execute1_lowered;
	_ =	task [dreg:s18], $0x5FFFF  }
0xa9: {  	s3 =	sshll.u32 s24, $0x1;
	[dreg:$0x1] =	wrdreg $0xFFFFFFFF  }
0xaa: {  	s1 =	sadd.s32 s1, s3;
	[dreg:$0x0] =	wrdreg $0x60  }
0xab: {  	[dreg:$0x2] =	wrdreg s1  }
0xac: {  	[dreg:$0x3] =	wrdreg s20  }
0xad: {  	[dreg:$0x4] =	wrdreg $0xE  }
0xae: {  	_ =	task.clear_ibuf [dreg:s18], $0x5FFFF;
	_ =	strace $0x90000046  }
0xaf: {  	s25 =	simm.s32 $0xE;
	_ =	strace $0x80000048  }
0xb0: {  	_ =	swait.ge [sflag:s25], $0x1  }
0xb1: {  	[sflag:s25] =	ssyncadd.s32 $0xFFFFFFFF  }
0xb2: {  	_ =	strace $0x90000048  }
0xb3: {  	_ =	strace $0x80000049;
	[dreg:$0x1] =	wrdreg $0xFFFFFFFF  }
0xb4: {  	[dreg:$0x0] =	wrdreg $0x2030  }
0xb5: {  	[dreg:$0x2] =	wrdreg s20  }
0xb6: {  	[dreg:$0x3] =	wrdreg $0xF  }
0xb7: {  	_ =	task.clear_ibuf [dreg:s18], $0x4FFFF;
	_ =	strace $0x90000049  }
0xb8: {  	s26 =	simm.s32 $0xF;
	_ =	strace $0x8000004B  }
0xb9: {  	_ =	swait.ge [sflag:s26], $0x1  }
0xba: {  	[sflag:s26] =	ssyncadd.s32 $0xFFFFFFFF  }
0xbb: {  	_ =	strace $0x9000004B  }
0xbc: {  	_ =	sfence  }
0xbd: {  	s28 =	sld [smem:$0x0];
	_ =	sdelay $0x1  }
0xbe: {  	s29 =	srdreg.scid  }
0xbf: {  	s30 =	sshll.u32 s29, $0xD;
	s31 =	sshrl.u32 s29, $0x2  }
0xc0: {  	s2 =	sand.u32 $0x1, s29;
	s3 =	sand.u32 $0x4000, s30;
	s1 =	sadd.s32 s31, s28  }
0xc1: {  	s2 =	sor.u32 s3, s2;
	s1 =	sshll.u32 s1, $0x11  }
0xc2: {  	s1 =	sor.u32 s1, s2  }
0xc3: {  	s1 =	sadd.s32 $0x8F2B, s1  }
0xc4: {  	[sflag:s1] =	ssyncadd.remote.s32 $0x1  }
0xc5: {  	_ =	sfence.sel $0xFFFF  }
0xc6: {  	[dreg:$0x0] =	wrdreg $0xFFFFFFFF;
	(pc) =	sbr.abs _section_cstart, $3  }
0xc7: {  	[dreg:$0x1] =	wrdreg $0xFFFFFFFF  }
0xc8: {  	_ =	task.clear_ibuf [dreg:s18], $0x2FFFF;
	_ =	strace $0x9FFFFFFF  }
0xc9: {  	(tm) =	ssettm $0x7FFFFFFF  }
tec
execute0_lowered:
.L_overlay_start_1:
0x0: {  	(tag) =	ssettag $0x1  }
0x1: {  	s2 =	rddreg [dreg:$0x0]  }
0x2: {  	s4 =	rddreg [dreg:$0x1]  }
0x3: {  	s0 =	rddreg [dreg:$0x2]  }
0x4: {  	s3 =	stileid.u32;
	[bflag:$0x3] =	sbarrier.arrive $0xFFFF;
	s1 =	simm.s32 $_size_execute1_lowered  }
0x5: {  	s8 =	simm.s32 $0x2;
	s9 =	simm.s32 $0x0;
	p0 =	sne.s32 s3, $0x0  }
0x6: {  	s1 =	sshll.u32 s1, $0x1;
	s5 =	simm.s32 @!p0 $0x1C3F;
	s6 =	simm.s32 @!p0 $0x4060  }
0x7: {  	[timem:s6], [sflag:s5] =	dma.local @!p0 [hbm:s2], s1  }
0x8: {  	s11 =	simm.s32 $0x0;
	s10 =	simm.s32 $0x0;
	s2 =	sshll.u32 s3, $0x9  }
0x9: {  	s3 =	sshll.u32 s3, $0x6;
	_ =	strace $0x80000047;
	s30 =	ssub.s32 $0x2000, s2  }
.Ltmp0:
0xa: {  	s31 =	sadd.s32 s3, s4;
	s7 =	sand.u32 $0x1E00, s30;
	(pc) =	sbr.rel .LBB2_1-.Ltmp0, $4  }
0xb: {  	s3 =	simm.s32 $0x1;
	p1 =	sne.s32 s7, $0x0;
	s7 =	simm.s32 $0x1  }
0xc: {  	s4 =	sadd.s32 $0x60800, s4;
	s5 =	sshrl.u32 s30, $0xD;
	s7 =	simm.s32 @!p1 $0x0  }
0xd: {  	[sflag:s3] =	ssyncpa.u1 $0x0;
	s6 =	sadd.s32 $0x60400, s31;
	s5 =	sadd.s32 s7, s5  }
0xe: {  	[sflag:s8] =	ssyncpa.u1 $0x0;
	s8 =	simm.s32 $0x0;
	s7 =	sadd.s32 $0x1, s5  }
.LBB2_3:
0xf: {  	p2 =	sne.s32 s10, s7  }
.Ltmp1:
0x10: {  	p1 =	slt.u32 s10, $0x2;
	(pc) =	sbr.rel @!p2 .LBB2_4-.Ltmp1, $4  }
0x11: {  	s11 =	simm.s32 @!p1 $0x2  }
0x12: {  	_ =	swait.ge @!p1 [sflag:s11], $0x200  }
0x13: {  	s9 =	sadd.s32 $0x200, s9;
	[sflag:s11] =	ssyncset.done @!p1 $0x0  }
0x14: {  	s10 =	sadd.s32 $0x1, s10;
	[sflag:s11] =	ssyncadd.s32 @!p1 $0xFFFFFE00;
	s11 =	smov.u32 s2  }
.LBB2_1:
0x15: {  	p1 =	sge.u32 s10, s5  }
0x16: {  	s12 =	sxor.u32 @!p1 $0xFFFFFFFF, s9  }
0x17: {  	s31 =	sadd.s32 $0xFFFFFFFF, s10;
	s13 =	simm.s32 @!p1 $0x0;
	s12 =	sand.u32 @!p1 $0x200, s12  }
0x18: {  	[tilespmem:s12], [sflag:$0x1] =	stream.linear.gather @!p1 [hbm4b:s6+s13], $0x200, $0x38;
	[tilespmem:$0x800] =	vst v63  }
0x19: {  	p1 =	sge.u32 s31, s5  }
.Ltmp2:
0x1a: {  	_ = 	snop;
	(pc) =	sbr.rel @p1 .LBB2_3-.Ltmp2, $1  }
0x1b: {  	_ =	sdelay $0x3  }
0x1c: {  	_ =	swait.ge [sflag:s3], $0x200  }
0x1d: {  	[sflag:s3] =	ssyncset.done $0x0  }
0x1e: {  	s12 =	sand.u32 $0x200, s9;
	[sflag:s3] =	ssyncadd.s32 $0xFFFFFE00  }
0x1f: {  	v0 =	vld [tilespmem:s12+$0x0]  }
0x20: {  	v1 =	vld [tilespmem:s12+$0x10]  }
0x21: {  	v2 =	vld [tilespmem:s12+$0x20]  }
0x22: {  	v3 =	vld [tilespmem:s12+$0x30]  }
0x23: {  	v4 =	vld [tilespmem:s12+$0x40]  }
0x24: {  	v37 =	vld [tilespmem:s12+$0x50];
	[tilespmem:s12+$0x400] =	vst v0  }
0x25: {  	v38 =	vld [tilespmem:s12+$0x60];
	[tilespmem:s12+$0x410] =	vst v1  }
0x26: {  	v39 =	vld [tilespmem:s12+$0x70];
	[tilespmem:s12+$0x420] =	vst v2  }
0x27: {  	v40 =	vld [tilespmem:s12+$0x80];
	[tilespmem:s12+$0x430] =	vst v3  }
0x28: {  	v41 =	vld [tilespmem:s12+$0x90];
	[tilespmem:s12+$0x440] =	vst v4  }
0x29: {  	v42 =	vld [tilespmem:s12+$0xA0];
	[tilespmem:s12+$0x450] =	vst v37  }
0x2a: {  	v43 =	vld [tilespmem:s12+$0xB0];
	[tilespmem:s12+$0x460] =	vst v38  }
0x2b: {  	v44 =	vld [tilespmem:s12+$0xC0];
	[tilespmem:s12+$0x470] =	vst v39  }
0x2c: {  	v45 =	vld [tilespmem:s12+$0xD0];
	[tilespmem:s12+$0x480] =	vst v40  }
0x2d: {  	v46 =	vld [tilespmem:s12+$0xE0];
	[tilespmem:s12+$0x490] =	vst v41  }
0x2e: {  	v47 =	vld [tilespmem:s12+$0xF0];
	[tilespmem:s12+$0x4A0] =	vst v42  }
0x2f: {  	v48 =	vld [tilespmem:s12+$0x100];
	[tilespmem:s12+$0x4B0] =	vst v43  }
0x30: {  	v49 =	vld [tilespmem:s12+$0x110];
	[tilespmem:s12+$0x4C0] =	vst v44  }
0x31: {  	v50 =	vld [tilespmem:s12+$0x120];
	[tilespmem:s12+$0x4D0] =	vst v45  }
0x32: {  	v51 =	vld [tilespmem:s12+$0x130];
	[tilespmem:s12+$0x4E0] =	vst v46  }
0x33: {  	v52 =	vld [tilespmem:s12+$0x140];
	[tilespmem:s12+$0x4F0] =	vst v47  }
0x34: {  	v53 =	vld [tilespmem:s12+$0x150];
	[tilespmem:s12+$0x500] =	vst v48  }
0x35: {  	v54 =	vld [tilespmem:s12+$0x160];
	[tilespmem:s12+$0x510] =	vst v49  }
0x36: {  	v55 =	vld [tilespmem:s12+$0x170];
	[tilespmem:s12+$0x520] =	vst v50  }
0x37: {  	v56 =	vld [tilespmem:s12+$0x180];
	[tilespmem:s12+$0x530] =	vst v51  }
0x38: {  	v57 =	vld [tilespmem:s12+$0x190];
	[tilespmem:s12+$0x540] =	vst v52  }
0x39: {  	v58 =	vld [tilespmem:s12+$0x1A0];
	[tilespmem:s12+$0x550] =	vst v53  }
0x3a: {  	v59 =	vld [tilespmem:s12+$0x1B0];
	[tilespmem:s12+$0x560] =	vst v54  }
0x3b: {  	v60 =	vld [tilespmem:s12+$0x1C0];
	[tilespmem:s12+$0x570] =	vst v55  }
0x3c: {  	v61 =	vld [tilespmem:s12+$0x1D0];
	[tilespmem:s12+$0x580] =	vst v56  }
0x3d: {  	v62 =	vld [tilespmem:s12+$0x1E0];
	[tilespmem:s12+$0x590] =	vst v57  }
0x3e: {  	v63 =	vld [tilespmem:s12+$0x1F0];
	[tilespmem:s12+$0x5A0] =	vst v58  }
0x3f: {  	[tilespmem:s12+$0x5B0] =	vst v59  }
.Ltmp3:
0x40: {  	[tilespmem:s12+$0x5C0] =	vst v60;
	(pc) =	sbr.rel .LBB2_3-.Ltmp3, $4  }
0x41: {  	[tilespmem:s12+$0x5D0] =	vst v61  }
0x42: {  	s11 =	sshrl.u32 s11, $0x3;
	[tilespmem:s12+$0x5E0] =	vst v62  }
0x43: {  	s13 =	sor.u32 $0x400, s12;
	s11 =	sadd.s32 s4, s11;
	[tilespmem:s12+$0x5F0] =	vst v63  }
0x44: {  	[hbm4b:s11+s8] =	stream.linear.scatter [tilespmem:s13], [sflag:$0x2], $0x200, $0x38;
	[tilespmem:$0x800] =	vst v63  }
.LBB2_4:
0x45: {  	_ =	sfence.sel $0x180000  }
0x46: {  	s2 =	simm.s32 $0x1;
	[bflag:$0x0] =	sbarrier.arrive $0xFFFF  }
0x47: {  	s31 =	simm.s32 $0x2;
	[sflag:s2] =	ssyncpa.u1 $0x1  }
0x48: {  	[sflag:s31] =	ssyncpa.u1 $0x1  }
0x49: {  	_ =	strace $0x90000047  }
0x4a: {  	s0 =	sadd.s32 @!p0 $0x100000, s0;
	[bflag:$0x2] =	sbarrier.arrive $0xFFFF  }
0x4b: {  	[sflag:s0] =	ssyncadd.tile.s32 @!p0 $0x1;
	s0 =	simm.s32 @!p0 $0x3F  }
0x4c: {  	_ =	swait.ge @!p0 [sflag:s0], s1  }
0x4d: {  	s1 =	ssub.s32 @!p0 $0x0, s1;
	[sflag:s0] =	ssyncset.done @!p0 $0x0  }
0x4e: {  	[sflag:s0] =	ssyncadd.s32 @!p0 s1  }
0x4f: {  	[bflag:$0x3] =	sbarrier.arrive $0xFFFF  }
0x50: {  	_ =	shalt  }
.Lfunc_end2:
execute1_lowered:
.L_overlay_start_2:
0x51: {  	(tag) =	ssettag $0x2  }
0x52: {  	s0 =	rddreg [dreg:$0x0];
	_ =	strace $0x8000004A;
	s3 =	simm.s32 $0x1  }
0x53: {  	v1 =	vimm.s32 $0xFFFFFFFF;
	[sflag:s3] =	ssyncpa.u1 $0x0  }
0x54: {  	[tilespmem:$0x10] =	vst v1  }
0x55: {  	v0 =	vimm.f32 $0.0e+00;
	[tilespmem:$0x20] =	vst v1  }
0x56: {  	s25 =	simm.s32 $0x2;
	s2 =	stileid.u32;
	s7 =	simm.s32 $0x7;
	[tilespmem:$0x30] =	vst v0  }
0x57: {  	s9 =	simm.s32 $0x8;
	s26 =	simm.s32 $0x9;
	s14 =	simm.s32 $0x0;
	[tilespmem:$0x40] =	vst v0  }
0x58: {  	s15 =	simm.s32 $0x100;
	s17 =	simm.s32 $0x580;
	s18 =	simm.s32 $0xF;
	[tilespmem:$0x50] =	vst v0  }
0x59: {  	s24 =	simm.s32 $0x4A0;
	s28 =	simm.s32 $0x4D0;
	s29 =	simm.s32 $0x4E0;
	[tilespmem:$0x60] =	vst v1  }
0x5a: {  	s30 =	simm.s32 $0x4F0;
	s31 =	simm.s32 $0x30;
	s16 =	simm.s32 $0x80;
	[tilespmem:$0x70] =	vst v1  }
0x5b: {  	s21 =	simm.s32 $0x0;
	s20 =	simm.s32 $0x0;
	s1 =	sadd.s32 $0x60800, s0;
	[tilespmem:$0x80] =	vst v1  }
0x5c: {  	s4 =	sadd.s32 $0x60000, s0;
	s5 =	sadd.s32 $0x60200, s0;
	s19 =	sshll.u32 s2, $0x7;
	v1 =	vimm.s32 $0x0;
	[tilespmem:$0xB0] =	vst v0  }
.Ltmp4:
0x5d: {  	s10 =	sshll.u32 s2, $0x1;
	s12 =	sshllo.u32 s2, $0x1;
	[tilespmem:$0x90] =	vst v1;
	(pc) =	sbr.rel .LBB3_1-.Ltmp4, $4  }
0x5e: {  	s0 =	simm.s32 $0x380;
	s2 =	simm.s32 $0x4FF;
	[tilespmem:$0xA0] =	vst v1;
	[sflag:s25] =	ssyncpa.u1 $0x0  }
0x5f: {  	s8 =	sadd.s32 $0x80, s19;
	s11 =	sor.u32 $0x81, s10;
	[sflag:s7] =	ssyncpa.u1 $0x0  }
0x60: {  	vm0 =	vmmov $0xffff;
	v2 =	vlaneseq.u32;
	s13 =	sor.u32 $0x80, s10;
	s6 =	smov.u32 s19;
	[sflag:s9] =	ssyncpa.u1 $0x0  }
0x61: {  	vm1 =	vmxor vm1, vm1;
	vm2 =	vmmov $0x1;
	vm3 =	vcmask $0x3F3C;
	s25 =	simm.s32 $0x4B0;
	[sflag:s26] =	ssyncpa.u1 $0x0;
	s26 =	simm.s32 $0x4C0  }
.LBB3_7:
0x62: {  	_ =	swait.ge [sflag:s7], $0x80  }
0x63: {  	[sflag:s7] =	ssyncset.done $0x0  }
0x64: {  	[sflag:s7] =	ssyncadd.s32 $0xFFFFFF80;
	(ifvalue) =	ssetifvalue $0xFFFFFFFF;
	v3 =	vld.msk [tilespmem:s15+$0x0 ss:$0x1], $0xffff;
	_ =	sdelay $0x4  }
0x65: {  	v4 =	vperm.xlane v3, v1  }
0x66: {  	vm4 =	vlt.u32 v3, $0x2000  }
0x67: {  	v3 =	vnsel vm4, $0xFFFFFFFE, v3;
	vm4 =	vlt.u32 v4, $0x2000  }
0x68: {  	[tilespmem:$0x70] =	vst v3;
	v3 =	vnsel vm4, $0xFFFFFFFE, v4  }
0x69: {  	s22 =	simm.s32 $0x170;
	[tilespmem:$0x80] =	vst v3  }
0x6a: {  	v3 =	vld.msk [tilespmem:s22+$0x0 ss:$0x1], $0xffff;
	_ =	sdelay $0x4  }
0x6b: {  	(xrf1) =	vunique.msk.u32 $0xffff, v3;
	_ =	sdelay $0xd  }
0x6c: {  	v53, _, _ =	vpop (xrf1)  }
0x6d: {  	vm4 =	vlt.u32 v3, $0x2000;
	vm5 =	veq.s32 v53, v2  }
0x6e: {  	vm5 =	vmand vm4, vm5  }
0x6f: {  	v54 =	vnsel vm5, $0xFFFFFFFF, v3;
	_ =	sdelay $0x3  }
0x70: {  	s23 =	simm.s32 $0x2F0;
	(ifvalue) =	ssetifvalue $0xFFFFFFFF  }
0x71: {  	v4 =	vnsel vm4, $0xFFFFFFFE, v54;
	[tilespmem:s23], [sflag:$0x8] =	stream.indirect_vreg.gather [hbm4b:s1+s14], $0x1, v54, vm0, $0x4038;
	[tilespmem:$0x5A0] =	vst v63  }
0x72: {  	s23 =	simm.s32 $0x160;
	[tilespmem:$0x170] =	vst v4  }
0x73: {  	v4 =	vld.msk [tilespmem:s23+$0x0 ss:$0x1], $0xffff;
	_ =	sdelay $0x4  }
0x74: {  	(xrf1) =	vunique.msk.u32 $0xffff, v4;
	_ =	sdelay $0xc  }
0x75: {  	v3 =	vperm.xlane v3, v1  }
0x76: {  	v5, _, _ =	vpop (xrf1)  }
0x77: {  	vm5 =	vne.s32 v4, v3;
	vm4 =	veq.s32 v5, v2  }
0x78: {  	vm6 =	vlt.u32 v4, $0x2000;
	vm4 =	vmand vm5, vm4  }
0x79: {  	vm4 =	vmand vm6, vm4  }
0x7a: {  	v3 =	vnsel vm4, $0xFFFFFFFF, v4;
	_ =	sdelay $0x3  }
0x7b: {  	s23 =	simm.s32 $0x2E0;
	(ifvalue) =	ssetifvalue $0xFFFFFFFF  }
0x7c: {  	[tilespmem:s23], [sflag:$0x8] =	stream.indirect_vreg.gather [hbm4b:s1+s14], $0x1, v3, vm0, $0x4038;
	v3 =	vnsel vm6, $0xFFFFFFFE, v3;
	[tilespmem:$0x5A0] =	vst v63  }
0x7d: {  	s23 =	simm.s32 $0x150;
	[tilespmem:$0x160] =	vst v3  }
0x7e: {  	v3 =	vld.msk [tilespmem:s23+$0x0 ss:$0x1], $0xffff;
	_ =	sdelay $0x4  }
0x7f: {  	(xrf1) =	vunique.msk.u32 $0xffff, v3;
	_ =	sdelay $0xc  }
0x80: {  	v4 =	vperm.xlane v4, v1  }
0x81: {  	v55, _, _ =	vpop (xrf1)  }
0x82: {  	vm5 =	vne.s32 v3, v4;
	vm4 =	veq.s32 v55, v2  }
0x83: {  	vm10 =	vlt.u32 v3, $0x2000;
	vm4 =	vmand vm5, vm4  }
0x84: {  	vm4 =	vmand vm10, vm4  }
0x85: {  	v56 =	vnsel vm4, $0xFFFFFFFF, v3;
	_ =	sdelay $0x3  }
0x86: {  	s23 =	simm.s32 $0x2D0;
	(ifvalue) =	ssetifvalue $0xFFFFFFFF  }
0x87: {  	v4 =	vnsel vm10, $0xFFFFFFFE, v56;
	[tilespmem:s23], [sflag:$0x8] =	stream.indirect_vreg.gather [hbm4b:s1+s14], $0x1, v56, vm0, $0x4038;
	[tilespmem:$0x5A0] =	vst v63  }
0x88: {  	s23 =	simm.s32 $0x140;
	[tilespmem:$0x150] =	vst v4  }
0x89: {  	v4 =	vld.msk [tilespmem:s23+$0x0 ss:$0x1], $0xffff;
	_ =	sdelay $0x4  }
0x8a: {  	(xrf1) =	vunique.msk.u32 $0xffff, v4;
	_ =	sdelay $0xc  }
0x8b: {  	v3 =	vperm.xlane v3, v1  }
0x8c: {  	v57, _, _ =	vpop (xrf1)  }
0x8d: {  	vm5 =	vne.s32 v4, v3;
	vm4 =	veq.s32 v57, v2  }
0x8e: {  	vm11 =	vlt.u32 v4, $0x2000;
	vm4 =	vmand vm5, vm4  }
0x8f: {  	vm4 =	vmand vm11, vm4  }
0x90: {  	v3 =	vnsel vm4, $0xFFFFFFFF, v4;
	_ =	sdelay $0x3  }
0x91: {  	s23 =	simm.s32 $0x2C0;
	(ifvalue) =	ssetifvalue $0xFFFFFFFF  }
0x92: {  	[tilespmem:s23], [sflag:$0x8] =	stream.indirect_vreg.gather [hbm4b:s1+s14], $0x1, v3, vm0, $0x4038;
	v3 =	vnsel vm11, $0xFFFFFFFE, v3;
	[tilespmem:$0x5A0] =	vst v63  }
0x93: {  	s23 =	simm.s32 $0x130;
	[tilespmem:$0x140] =	vst v3  }
0x94: {  	v3 =	vld.msk [tilespmem:s23+$0x0 ss:$0x1], $0xffff;
	_ =	sdelay $0x4  }
0x95: {  	(xrf1) =	vunique.msk.u32 $0xffff, v3;
	_ =	sdelay $0xc  }
0x96: {  	v4 =	vperm.xlane v4, v1  }
0x97: {  	v58, _, _ =	vpop (xrf1)  }
0x98: {  	vm5 =	vne.s32 v3, v4;
	vm4 =	veq.s32 v58, v2  }
0x99: {  	vm12 =	vlt.u32 v3, $0x2000;
	vm4 =	vmand vm5, vm4  }
0x9a: {  	vm4 =	vmand vm12, vm4  }
0x9b: {  	v59 =	vnsel vm4, $0xFFFFFFFF, v3;
	_ =	sdelay $0x3  }
0x9c: {  	s23 =	simm.s32 $0x2B0;
	(ifvalue) =	ssetifvalue $0xFFFFFFFF  }
0x9d: {  	v4 =	vnsel vm12, $0xFFFFFFFE, v59;
	[tilespmem:s23], [sflag:$0x8] =	stream.indirect_vreg.gather [hbm4b:s1+s14], $0x1, v59, vm0, $0x4038;
	[tilespmem:$0x5A0] =	vst v63  }
0x9e: {  	s23 =	simm.s32 $0x120;
	[tilespmem:$0x130] =	vst v4  }
0x9f: {  	v4 =	vld.msk [tilespmem:s23+$0x0 ss:$0x1], $0xffff;
	_ =	sdelay $0x4  }
0xa0: {  	(xrf1) =	vunique.msk.u32 $0xffff, v4;
	_ =	sdelay $0xc  }
0xa1: {  	v3 =	vperm.xlane v3, v1  }
0xa2: {  	v60, _, _ =	vpop (xrf1)  }
0xa3: {  	vm5 =	vne.s32 v4, v3;
	vm4 =	veq.s32 v60, v2  }
0xa4: {  	vm13 =	vlt.u32 v4, $0x2000;
	vm4 =	vmand vm5, vm4  }
0xa5: {  	vm4 =	vmand vm13, vm4  }
0xa6: {  	v3 =	vnsel vm4, $0xFFFFFFFF, v4;
	_ =	sdelay $0x3  }
0xa7: {  	s23 =	simm.s32 $0x2A0;
	(ifvalue) =	ssetifvalue $0xFFFFFFFF  }
0xa8: {  	[tilespmem:s23], [sflag:$0x8] =	stream.indirect_vreg.gather [hbm4b:s1+s14], $0x1, v3, vm0, $0x4038;
	v3 =	vnsel vm13, $0xFFFFFFFE, v3;
	[tilespmem:$0x5A0] =	vst v63  }
0xa9: {  	s23 =	simm.s32 $0x110;
	[tilespmem:$0x120] =	vst v3  }
0xaa: {  	v3 =	vld.msk [tilespmem:s23+$0x0 ss:$0x1], $0xffff;
	_ =	sdelay $0x4  }
0xab: {  	(xrf1) =	vunique.msk.u32 $0xffff, v3;
	_ =	sdelay $0xc  }
0xac: {  	v4 =	vperm.xlane v4, v1  }
0xad: {  	v61, _, _ =	vpop (xrf1)  }
0xae: {  	vm5 =	vne.s32 v3, v4;
	vm4 =	veq.s32 v61, v2  }
0xaf: {  	vm14 =	vlt.u32 v3, $0x2000;
	vm4 =	vmand vm5, vm4  }
0xb0: {  	vm4 =	vmand vm14, vm4  }
0xb1: {  	v62 =	vnsel vm4, $0xFFFFFFFF, v3;
	_ =	sdelay $0x3  }
0xb2: {  	s23 =	simm.s32 $0x290;
	(ifvalue) =	ssetifvalue $0xFFFFFFFF  }
0xb3: {  	v4 =	vnsel vm14, $0xFFFFFFFE, v62;
	[tilespmem:s23], [sflag:$0x8] =	stream.indirect_vreg.gather [hbm4b:s1+s14], $0x1, v62, vm0, $0x4038;
	[tilespmem:$0x5A0] =	vst v63  }
0xb4: {  	[tilespmem:$0x110] =	vst v4  }
0xb5: {  	v4 =	vld.msk [tilespmem:s15+$0x0 ss:$0x1], $0xffff;
	_ =	sdelay $0x4  }
0xb6: {  	(xrf1) =	vunique.msk.u32 $0xffff, v4;
	_ =	sdelay $0xc  }
0xb7: {  	v3 =	vperm.xlane v3, v1  }
0xb8: {  	v63, _, _ =	vpop (xrf1)  }
0xb9: {  	vm5 =	vne.s32 v4, v3;
	vm4 =	veq.s32 v63, v2  }
0xba: {  	vm15 =	vlt.u32 v4, $0x2000;
	vm4 =	vmand vm5, vm4  }
0xbb: {  	vm4 =	vmand vm15, vm4  }
0xbc: {  	v3 =	vnsel vm4, $0xFFFFFFFF, v4;
	_ =	sdelay $0x3  }
0xbd: {  	s21 =	sshrl.u32 s21, $0x3;
	s23 =	simm.s32 $0x280;
	(ifvalue) =	ssetifvalue $0xFFFFFFFF  }
0xbe: {  	[tilespmem:s23], [sflag:$0x8] =	stream.indirect_vreg.gather [hbm4b:s1+s14], $0x1, v3, vm0, $0x4038;
	v3 =	vnsel vm15, $0xFFFFFFFE, v3;
	[tilespmem:$0x5A0] =	vst v63  }
0xbf: {  	s21 =	sadd.s32 s5, s21;
	[tilespmem:$0x100] =	vst v3  }
0xc0: {  	[tilespmem:s0], [sflag:$0x8] =	stream.linear.gather [hbm:s21], $0x80, $0x38;
	[tilespmem:$0x5A0] =	vst v63  }
.LBB3_8:
0xc1: {  	s21 =	sadd.s32 $0x80, s6  }
0xc2: {  	s22 =	smov.u32 s19;
	s20 =	sadd.s32 $0x1, s20;
	p0 =	slt.s32 s21, s8  }
0xc3: {  	s22 =	smov.u32 @p0 s21;
	p0 =	sne.s32 s20, $0x4  }
.Ltmp5:
0xc4: {  	_ = 	snop;
	(pc) =	sbr.rel @!p0 .LBB3_9-.Ltmp5, $2  }
0xc5: {  	_ =	sdelay $0x2  }
0xc6: {  	s21 =	smov.u32 s6;
	s6 =	smov.u32 s22  }
.LBB3_1:
0xc7: {  	p0 =	sgt.s32 s20, $0x1  }
.Ltmp6:
0xc8: {  	_ = 	snop;
	(pc) =	sbr.rel @p0 .LBB3_5-.Ltmp6, $1  }
0xc9: {  	_ =	sdelay $0x3  }
0xca: {  	p0 =	seq.s32 s20, $0x0  }
.Ltmp7:
0xcb: {  	_ = 	snop;
	(pc) =	sbr.rel @!p0 .LBB3_7-.Ltmp7, $1  }
0xcc: {  	_ =	sdelay $0x3  }
.Ltmp8:
0xcd: {  	(pc) =	sbr.rel .LBB3_8-.Ltmp8, $4  }
0xce: {  	_ = 	snop  }
0xcf: {  	s21 =	sshrl.u32 s6, $0x3  }
0xd0: {  	s22 =	sand.u32 $0x7, s6;
	s21 =	sadd.s32 s4, s21  }
0xd1: {  	[tilespmem:s15], [sflag:$0x7] =	stream.linear.gather [hbm4b:s21+s22], $0x80, $0x38;
	[tilespmem:$0x5A0] =	vst v63  }
.LBB3_5:
0xd2: {  	p0 =	seq.s32 s20, $0x2  }
.Ltmp9:
0xd3: {  	_ = 	snop;
	(pc) =	sbr.rel @!p0 .LBB3_6-.Ltmp9, $1  }
0xd4: {  	_ =	sdelay $0x3  }
0xd5: {  	_ =	swait.ge [sflag:s9], $0x100  }
0xd6: {  	[sflag:s9] =	ssyncset.done $0x0  }
0xd7: {  	s21 =	simm.s32 $0x17F;
	[sflag:s9] =	ssyncadd.s32 $0xFFFFFF00  }
0xd8: {  	[spmem:s11] =	stream.linear.scatter [tilespmem:s21], [sflag:$0x1], $0x1, $0x38;
	[tilespmem:$0x5A0] =	vst v63  }
0xd9: {  	_ =	swait.ge [sflag:s3], $0x1  }
0xda: {  	[sflag:s3] =	ssyncset.done $0x0  }
0xdb: {  	[sflag:s3] =	ssyncadd.s32 $0xFFFFFFFF  }
0xdc: {  	v3 =	vld [tilespmem:$0x10]  }
0xdd: {  	v5 =	vld [tilespmem:$0x70]  }
0xde: {  	v4 =	vld [tilespmem:$0x80];
	_ =	sdelay $0x2  }
0xdf: {  	(v2sf) =	vpush v3, $0x0  }
0xe0: {  	(v2sf) =	vpush v5, $0x0  }
0xe1: {  	(v2sf) =	vpush v4, $0x0;
	_ =	sdelay $0xc  }
0xe2: {  	s22 =	spop (v2sf)  }
0xe3: {  	s23 =	spop (v2sf)  }
0xe4: {  	s21 =	spop (v2sf)  }
0xe5: {  	p0 =	seq.s32 s22, s23;
	p1 =	seq.s32 s21, s22  }
0xe6: {  	p1 =	por p0, p1  }
0xe7: {  	s23 =	simm.s32 $0x10;
	v3 =	vpsel p1, $0xFFFFFFFF, v3  }
0xe8: {  	[tilespmem:s23+$0x0] =	vst.msk $0x1, v3  }
0xe9: {  	v3 =	vld [tilespmem:$0x30]  }
0xea: {  	v34 =	vld [tilespmem:$0x380]  }
0xeb: {  	v6 =	vld [tilespmem:$0x40];
	_ =	sdelay $0x3  }
0xec: {  	vm4 =	vmmov vm1;
	v5 =	vadd.f32 v34, v3  }
0xed: {  	vm5 =	vmmov vm2;
	vm4 =	vmmov @p0 vm2;
	v3 =	vadd.f32 v6, v3  }
0xee: {  	vm5 =	vmmov @p1 vm1;
	[tilespmem:s0+$0x0] =	vst.msk vm4, v5  }
0xef: {  	[tilespmem:s17+$0x0] =	vst.msk vm5, v3  }
0xf0: {  	v3 =	vld [tilespmem:$0x2F0];
	_ =	sdelay $0x4  }
0xf1: {  	v3 =	vshift.insert v3, v0, s18  }
0xf2: {  	s23 =	simm.s32 $0x50  }
0xf3: {  	[tilespmem:s23+$0x0] =	vst.msk $0x1, v3;
	s23 =	simm.s32 $0x2FF  }
0xf4: {  	[tilespmem:s23+$0x0] =	vst.msk $0x1, v0  }
0xf5: {  	v3 =	vld [tilespmem:$0x170];
	_ =	sdelay $0x4  }
0xf6: {  	v3 =	vshift.insert v3, v1, s18  }
0xf7: {  	s23 =	simm.s32 $0x20  }
0xf8: {  	[tilespmem:s23+$0x0] =	vst.msk $0x1, v3  }
0xf9: {  	v5 =	vld [tilespmem:$0x380]  }
0xfa: {  	v35 =	vld [tilespmem:$0x100];
	_ =	sdelay $0x3  }
0xfb: {  	v5 =	vadd.f32 $0.0e+00, v5  }
0xfc: {  	vm5 =	vne.s32 v35, $0xFFFFFFFF  }
0xfd: {  	(xrf2) =	vadd.seg.scan.f32 vm5, v5;
	_ =	sdelay $0x3  }
0xfe: {  	v7 =	vperm.xlane v3, v1  }
0xff: {  	v8 =	vld [tilespmem:$0x280]  }
0x100: {  	vm4 =	veq.s32 v35, v4;
	vm6 =	veq.s32 v35, v7  }
0x101: {  	vm7 =	vgt.u32 v35, $0xFFFFFFFD;
	vm6 =	vmor vm6, vm4  }
0x102: {  	vm6 =	vmor vm6, vm7  }
0x103: {  	v9 =	vsel vm6, $0xFFFFFFFF, v35  }
0x104: {  	v36 =	vsel vm4, $0x0, v8;
	v5, _, _ =	vpop (xrf2)  }
0x105: {  	v10 =	vadd.f32 v5, v36  }
0x106: {  	v37 =	vld [tilespmem:$0xA0]  }
0x107: {  	s23 =	simm.s32 $0x480;
	v38 =	vld [tilespmem:$0x90];
	[tilespmem:$0x480] =	vst v10;
	(ifvalue) =	ssetifvalue $0xFFFFFFFF  }
0x108: {  	[hbm4b:s1+s14] =	stream.indirect_vreg.scatter [tilespmem:s23], [sflag:$0x2], $0x1, v9, vm0, $0x4038;
	[tilespmem:$0x5A0] =	vst v63  }
0x109: {  	v9 =	vld [tilespmem:$0x390]  }
0x10a: {  	vm5 =	vmand vm5, vm3;
	v39 =	vld [tilespmem:$0x110]  }
0x10b: {  	v11 =	vsel vm5, $0x0, v5  }
0x10c: {  	v11 =	vshift.insert v11, v0, s18;
	_ =	sdelay $0x1  }
0x10d: {  	v9 =	vadd.f32 v9, v11  }
0x10e: {  	vm15 =	vne.s32 v39, $0xFFFFFFFF  }
0x10f: {  	(xrf2) =	vadd.seg.scan.f32 vm15, v9;
	_ =	sdelay $0x4  }
0x110: {  	v40 =	vld [tilespmem:$0x290]  }
0x111: {  	vm5 =	veq.s32 v39, v4;
	vm12 =	veq.s32 v39, v7  }
0x112: {  	vm8 =	vgt.u32 v39, $0xFFFFFFFD;
	vm7 =	vmor vm12, vm5  }
0x113: {  	vm7 =	vmor vm7, vm8  }
0x114: {  	v10 =	vsel vm7, $0xFFFFFFFF, v39  }
0x115: {  	v11 =	vsel vm5, $0x0, v40;
	v9, _, _ =	vpop (xrf2)  }
0x116: {  	v11 =	vadd.f32 v9, v11;
	_ =	sdelay $0x1  }
0x117: {  	s23 =	simm.s32 $0x490;
	[tilespmem:$0x490] =	vst v11;
	(ifvalue) =	ssetifvalue $0xFFFFFFFF  }
0x118: {  	[hbm4b:s1+s14] =	stream.indirect_vreg.scatter [tilespmem:s23], [sflag:$0x2], $0x1, v10, vm0, $0x4038;
	[tilespmem:$0x5A0] =	vst v63  }
0x119: {  	v10 =	vld [tilespmem:$0x3A0]  }
0x11a: {  	vm6 =	vmand vm15, vm3;
	v41 =	vld [tilespmem:$0x120]  }
0x11b: {  	v12 =	vsel vm6, $0x0, v9  }
0x11c: {  	v12 =	vshift.insert v12, v0, s18;
	_ =	sdelay $0x1  }
0x11d: {  	v10 =	vadd.f32 v10, v12  }
0x11e: {  	vm13 =	vne.s32 v41, $0xFFFFFFFF  }
0x11f: {  	(xrf2) =	vadd.seg.scan.f32 vm13, v10;
	_ =	sdelay $0x4  }
0x120: {  	v42 =	vld [tilespmem:$0x2A0]  }
0x121: {  	vm6 =	veq.s32 v41, v4;
	vm14 =	veq.s32 v41, v7  }
0x122: {  	vm9 =	vgt.u32 v41, $0xFFFFFFFD;
	vm8 =	vmor vm14, vm6  }
0x123: {  	vm8 =	vmor vm8, vm9  }
0x124: {  	v11 =	vsel vm8, $0xFFFFFFFF, v41  }
0x125: {  	v10 =	vsel vm6, $0x0, v42;
	v43, _, _ =	vpop (xrf2)  }
0x126: {  	v10 =	vadd.f32 v43, v10;
	_ =	sdelay $0x1  }
0x127: {  	[tilespmem:$0x4A0] =	vst v10;
	(ifvalue) =	ssetifvalue $0xFFFFFFFF  }
0x128: {  	[hbm4b:s1+s14] =	stream.indirect_vreg.scatter [tilespmem:s24], [sflag:$0x2], $0x1, v11, vm0, $0x4038;
	[tilespmem:$0x5A0] =	vst v63  }
0x129: {  	v44 =	vld [tilespmem:$0x3B0]  }
0x12a: {  	vm7 =	vmand vm13, vm3;
	v11 =	vld [tilespmem:$0x130]  }
0x12b: {  	v13 =	vsel vm7, $0x0, v43  }
0x12c: {  	v13 =	vshift.insert v13, v0, s18;
	_ =	sdelay $0x1  }
0x12d: {  	v10 =	vadd.f32 v44, v13  }
0x12e: {  	vm15 =	vne.s32 v11, $0xFFFFFFFF  }
0x12f: {  	(xrf2) =	vadd.seg.scan.f32 vm15, v10;
	_ =	sdelay $0x4  }
0x130: {  	v45 =	vld [tilespmem:$0x2B0]  }
0x131: {  	vm7 =	veq.s32 v11, v4;
	vm12 =	veq.s32 v11, v7  }
0x132: {  	vm10 =	vgt.u32 v11, $0xFFFFFFFD;
	vm9 =	vmor vm12, vm7  }
0x133: {  	vm9 =	vmor vm9, vm10  }
0x134: {  	v11 =	vsel vm9, $0xFFFFFFFF, v11  }
0x135: {  	v10 =	vsel vm7, $0x0, v45;
	v46, _, _ =	vpop (xrf2)  }
0x136: {  	v10 =	vadd.f32 v46, v10;
	_ =	sdelay $0x1  }
0x137: {  	[tilespmem:$0x4B0] =	vst v10;
	(ifvalue) =	ssetifvalue $0xFFFFFFFF  }
0x138: {  	[hbm4b:s1+s14] =	stream.indirect_vreg.scatter [tilespmem:s25], [sflag:$0x2], $0x1, v11, vm0, $0x4038;
	[tilespmem:$0x5A0] =	vst v63  }
0x139: {  	v47 =	vld [tilespmem:$0x3C0]  }
0x13a: {  	vm8 =	vmand vm15, vm3;
	v11 =	vld [tilespmem:$0x140]  }
0x13b: {  	v14 =	vsel vm8, $0x0, v46  }
0x13c: {  	v14 =	vshift.insert v14, v0, s18;
	_ =	sdelay $0x1  }
0x13d: {  	v10 =	vadd.f32 v47, v14  }
0x13e: {  	vm13 =	vne.s32 v11, $0xFFFFFFFF  }
0x13f: {  	(xrf2) =	vadd.seg.scan.f32 vm13, v10;
	_ =	sdelay $0x4  }
0x140: {  	v48 =	vld [tilespmem:$0x2C0]  }
0x141: {  	vm8 =	veq.s32 v11, v4;
	vm14 =	veq.s32 v11, v7  }
0x142: {  	vm11 =	vgt.u32 v11, $0xFFFFFFFD;
	vm10 =	vmor vm14, vm8  }
0x143: {  	vm10 =	vmor vm10, vm11  }
0x144: {  	v11 =	vsel vm10, $0xFFFFFFFF, v11  }
0x145: {  	v10 =	vsel vm8, $0x0, v48;
	v49, _, _ =	vpop (xrf2)  }
0x146: {  	v10 =	vadd.f32 v49, v10;
	_ =	sdelay $0x1  }
0x147: {  	[tilespmem:$0x4C0] =	vst v10;
	(ifvalue) =	ssetifvalue $0xFFFFFFFF  }
0x148: {  	[hbm4b:s1+s14] =	stream.indirect_vreg.scatter [tilespmem:s26], [sflag:$0x2], $0x1, v11, vm0, $0x4038;
	[tilespmem:$0x5A0] =	vst v63  }
0x149: {  	v50 =	vld [tilespmem:$0x3D0]  }
0x14a: {  	vm9 =	vmand vm13, vm3;
	v11 =	vld [tilespmem:$0x150]  }
0x14b: {  	v15 =	vsel vm9, $0x0, v49  }
0x14c: {  	v15 =	vshift.insert v15, v0, s18;
	_ =	sdelay $0x1  }
0x14d: {  	v10 =	vadd.f32 v50, v15  }
0x14e: {  	vm10 =	vne.s32 v11, $0xFFFFFFFF  }
0x14f: {  	(xrf2) =	vadd.seg.scan.f32 vm10, v10;
	_ =	sdelay $0x4  }
0x150: {  	v51 =	vld [tilespmem:$0x2D0]  }
0x151: {  	vm9 =	veq.s32 v11, v4;
	vm11 =	veq.s32 v11, v7  }
0x152: {  	vm12 =	vgt.u32 v11, $0xFFFFFFFD;
	vm11 =	vmor vm11, vm9  }
0x153: {  	vm11 =	vmor vm11, vm12  }
0x154: {  	v11 =	vsel vm11, $0xFFFFFFFF, v11  }
0x155: {  	v10 =	vsel vm9, $0x0, v51;
	v52, _, _ =	vpop (xrf2)  }
0x156: {  	v10 =	vadd.f32 v52, v10;
	_ =	sdelay $0x1  }
0x157: {  	[tilespmem:$0x4D0] =	vst v10;
	(ifvalue) =	ssetifvalue $0xFFFFFFFF  }
0x158: {  	[hbm4b:s1+s14] =	stream.indirect_vreg.scatter [tilespmem:s28], [sflag:$0x2], $0x1, v11, vm0, $0x4038;
	[tilespmem:$0x5A0] =	vst v63  }
0x159: {  	v53 =	vld [tilespmem:$0x3E0]  }
0x15a: {  	vm10 =	vmand vm10, vm3;
	v11 =	vld [tilespmem:$0x160]  }
0x15b: {  	v16 =	vsel vm10, $0x0, v52  }
0x15c: {  	v16 =	vshift.insert v16, v0, s18;
	_ =	sdelay $0x1  }
0x15d: {  	v10 =	vadd.f32 v53, v16  }
0x15e: {  	vm11 =	vne.s32 v11, $0xFFFFFFFF  }
0x15f: {  	(xrf2) =	vadd.seg.scan.f32 vm11, v10;
	_ =	sdelay $0x4  }
0x160: {  	v54 =	vld [tilespmem:$0x2E0]  }
0x161: {  	vm10 =	veq.s32 v11, v4;
	vm12 =	veq.s32 v11, v7  }
0x162: {  	vm13 =	vgt.u32 v11, $0xFFFFFFFD;
	vm12 =	vmor vm12, vm10  }
0x163: {  	vm12 =	vmor vm12, vm13  }
0x164: {  	v11 =	vsel vm12, $0xFFFFFFFF, v11  }
0x165: {  	v10 =	vsel vm10, $0x0, v54;
	v55, _, _ =	vpop (xrf2)  }
0x166: {  	v10 =	vadd.f32 v55, v10;
	_ =	sdelay $0x1  }
0x167: {  	[tilespmem:$0x4E0] =	vst v10;
	(ifvalue) =	ssetifvalue $0xFFFFFFFF  }
0x168: {  	[hbm4b:s1+s14] =	stream.indirect_vreg.scatter [tilespmem:s29], [sflag:$0x2], $0x1, v11, vm0, $0x4038;
	[tilespmem:$0x5A0] =	vst v63  }
0x169: {  	v56 =	vld [tilespmem:$0x3F0]  }
0x16a: {  	vm11 =	vmand vm11, vm3;
	v11 =	vld [tilespmem:$0x170]  }
0x16b: {  	v17 =	vsel vm11, $0x0, v55  }
0x16c: {  	v17 =	vshift.insert v17, v0, s18;
	_ =	sdelay $0x1  }
0x16d: {  	v10 =	vadd.f32 v56, v17  }
0x16e: {  	vm15 =	vne.s32 v11, $0xFFFFFFFF  }
0x16f: {  	(xrf2) =	vadd.seg.scan.f32 vm15, v10;
	_ =	sdelay $0x4  }
0x170: {  	v57 =	vld [tilespmem:$0x2F0]  }
0x171: {  	vm11 =	veq.s32 v11, v4;
	vm12 =	veq.s32 v11, v7  }
0x172: {  	vm13 =	vgt.u32 v11, $0xFFFFFFFD;
	vm12 =	vmor vm12, vm11  }
0x173: {  	vm12 =	vmor vm12, vm13  }
0x174: {  	v58 =	vsel vm12, $0xFFFFFFFF, v11  }
0x175: {  	v10 =	vsel vm11, $0x0, v57;
	v59, _, _ =	vpop (xrf2)  }
0x176: {  	v10 =	vadd.f32 v59, v10;
	_ =	sdelay $0x1  }
0x177: {  	[tilespmem:$0x4F0] =	vst v10;
	(ifvalue) =	ssetifvalue $0xFFFFFFFF  }
0x178: {  	vm12 =	veq.s32 v37, $0x1;
	[hbm4b:s1+s14] =	stream.indirect_vreg.scatter [tilespmem:s30], [sflag:$0x2], $0x1, v58, vm0, $0x4038;
	[tilespmem:$0x5A0] =	vst v63  }
0x179: {  	v60 =	vsel vm4, v5, v38;
	vm12 =	vmor vm12, vm4;
	v61 =	vld [tilespmem:$0x4F0]  }
0x17a: {  	v4 =	vsel vm5, v9, v60;
	vm4 =	vmor vm12, vm5  }
0x17b: {  	v4 =	vsel vm6, v43, v4;
	vm4 =	vmor vm4, vm6  }
0x17c: {  	v4 =	vsel vm7, v46, v4;
	vm4 =	vmor vm4, vm7  }
0x17d: {  	v4 =	vsel vm8, v49, v4;
	vm4 =	vmor vm4, vm8  }
0x17e: {  	v4 =	vsel vm9, v52, v4;
	vm4 =	vmor vm4, vm9;
	v5 =	vshift.insert v61, v0, s18  }
0x17f: {  	v4 =	vsel vm10, v55, v4;
	vm4 =	vmor vm4, vm10  }
0x180: {  	vm4 =	vmor vm4, vm11;
	v4 =	vsel vm11, v59, v4;
	[tilespmem:s31+$0x0] =	vst.msk $0x1, v5  }
0x181: {  	v62 =	vsel vm4, $0x1, v1;
	[tilespmem:$0x90] =	vst v4  }
0x182: {  	[tilespmem:$0xA0] =	vst v62  }
0x183: {  	[spmem:s12] =	stream.linear.scatter [tilespmem:s2], [sflag:$0x1], $0x1, $0x38;
	[tilespmem:$0x5A0] =	vst v63  }
0x184: {  	v63 =	vmctz.xlane vm4;
	_ =	swait.ge [sflag:s3], $0x1  }
0x185: {  	(v2sf) =	vpush v3, $0x0  }
0x186: {  	(v2sf) =	vpush v63, $0x0;
	_ =	sdelay $0xd  }
0x187: {  	s22 =	spop (v2sf)  }
0x188: {  	s23 =	spop (v2sf)  }
0x189: {  	[sflag:s3] =	ssyncset.done $0x0;
	p0 =	sne.s32 s21, s22;
	p1 =	slt.s32 s23, $0xF  }
0x18a: {  	[sflag:s3] =	ssyncadd.s32 $0xFFFFFFFF;
	v3 =	vimm.s32 @!p0 $0xFFFFFFFF;
	s23 =	simm.s32 @!p1 $0xF  }
0x18b: {  	[tilespmem:$0x80] =	vst @!p0 v3;
	s23 =	sadd.s32 $0x90, s23  }
0x18c: {  	[spmem:s10] =	stream.linear.scatter [tilespmem:s23], [sflag:$0x1], $0x1, $0x38;
	[tilespmem:$0x5A0] =	vst v63  }
0x18d: {  	_ =	swait.ge [sflag:s3], $0x1  }
0x18e: {  	[sflag:s3] =	ssyncset.done $0x0  }
0x18f: {  	[sflag:s3] =	ssyncadd.s32 $0xFFFFFFFF  }
0x190: {  	[spmem:s13] =	stream.linear.scatter [tilespmem:s16], [sflag:$0x1], $0x1, $0x38;
	[tilespmem:$0x5A0] =	vst v63  }
0x191: {  	_ =	swait.ge [sflag:s3], $0x1  }
0x192: {  	[sflag:s3] =	ssyncset.done $0x0  }
0x193: {  	[sflag:s3] =	ssyncadd.s32 $0xFFFFFFFF;
	(ifvalue) =	ssetifvalue $0xFFFFFFFF;
	v3 =	vld [tilespmem:$0x10];
	_ =	sdelay $0x3  }
.Ltmp10:
0x194: {  	_ = 	snop;
	(pc) =	sbr.rel .LBB3_8-.Ltmp10, $3  }
0x195: {  	_ =	sdelay $0x1  }
0x196: {  	(ifvalue) =	ssetifvalue $0xFFFFFFFF  }
0x197: {  	[hbm4b:s1+s14] =	stream.indirect_vreg.scatter [tilespmem:s17], [sflag:$0x9], $0x1, v3, vm0, $0x4038;
	[tilespmem:$0x5A0] =	vst v63  }
.LBB3_6:
0x198: {  	s0 =	simm.s32 $0x2  }
0x199: {  	_ =	swait.ge [sflag:s0], $0x80  }
0x19a: {  	[sflag:s0] =	ssyncset.done $0x0  }
0x19b: {  	s31 =	simm.s32 $0x9;
	[sflag:s0] =	ssyncadd.s32 $0xFFFFFF80  }
0x19c: {  	_ =	swait.ge [sflag:s31], $0x10  }
0x19d: {  	[sflag:s31] =	ssyncset.done $0x0  }
0x19e: {  	[sflag:s31] =	ssyncadd.s32 $0xFFFFFFF0  }
.LBB3_9:
0x19f: {  	_ =	sfence.sel $0x180000  }
0x1a0: {  	s0 =	simm.s32 $0x7;
	[bflag:$0x0] =	sbarrier.arrive $0xFFFF  }
0x1a1: {  	s26 =	simm.s32 $0x8;
	[sflag:s0] =	ssyncpa.u1 $0x1  }
0x1a2: {  	s28 =	simm.s32 $0x9;
	[sflag:s26] =	ssyncpa.u1 $0x1  }
0x1a3: {  	[sflag:s28] =	ssyncpa.u1 $0x1  }
0x1a4: {  	_ =	sfence.stream.spmem  }
0x1a5: {  	s29 =	simm.s32 $0x3;
	[bflag:$0x0] =	sbarrier.arrive $0xFFFF  }
0x1a6: {  	s30 =	simm.s32 $0x4;
	[sflag:s29] =	ssyncpa.u1 $0x1  }
0x1a7: {  	s31 =	simm.s32 $0x3C;
	s2 =	stileid.u32;
	[sflag:s30] =	ssyncpa.u1 $0x1  }
0x1a8: {  	p0 =	sne.s32 s2, $0x0;
	[sflag:s31] =	ssyncpa.u1 $0x1  }
0x1a9: {  	s0 =	simm.s32 @p0 $0x1;
	_ =	sfence @p0  }
0x1aa: {  	[sflag:s0] =	ssyncpa.u1 @p0 $0x1;
	s0 =	simm.s32 @p0 $0x2  }
0x1ab: {  	[sflag:s0] =	ssyncpa.u1 @p0 $0x1  }
0x1ac: {  	_ =	strace @p0 $0x9000004A  }
0x1ad: {  	[bflag:$0x2] =	sbarrier.arrive @p0 $0xFFFF  }
0x1ae: {  	_ =	shalt @p0  }
.LBB3_10:
0x1af: {  	_ =	sfence.stream.spmem;
	s3 =	simm.s32 $0x5  }
0x1b0: {  	s0 =	simm.s32 $0x80;
	s2 =	simm.s32 $0xC0;
	[sflag:s3] =	ssyncpa.u1 $0x0  }
0x1b1: {  	[tilespmem:s2], [sflag:$0x5] =	stream.linear.gather [spmem:s0], $0x20, $0x38;
	[tilespmem:$0x5A0] =	vst v63  }
0x1b2: {  	s0 =	simm.s32 $0x0;
	s2 =	simm.s32 $0xE0  }
0x1b3: {  	[tilespmem:s2], [sflag:$0x5] =	stream.linear.gather [spmem:s0], $0x20, $0x38;
	[tilespmem:$0x5A0] =	vst v63  }
.Ltmp11:
0x1b4: {  	_ = 	snop;
	(pc) =	sbr.rel .LBB3_11-.Ltmp11, $4  }
0x1b5: {  	_ =	swait.ge [sflag:s3], $0x40  }
0x1b6: {  	[sflag:s3] =	ssyncset.done $0x0  }
0x1b7: {  	s31 =	simm.s32 $0x6;
	[sflag:s3] =	ssyncadd.s32 $0xFFFFFFC0  }
0x1b8: {  	s3 =	simm.s32 $0x0;
	[sflag:s31] =	ssyncpa.u1 $0x0  }
.LBB3_16:
0x1b9: {  	p0 =	sgt.u32 s4, $0x1FFF  }
0x1ba: {  	s5 =	sshrl.u32 @!p0 s4, $0x3  }
0x1bb: {  	s4 =	sand.u32 @!p0 $0x7, s4;
	s6 =	simm.s32 @!p0 $0xB0;
	s5 =	sadd.s32 @!p0 s1, s5  }
0x1bc: {  	[tilespmem:s6], [sflag:$0x6] =	stream.linear.gather @!p0 [hbm4b:s5+s4], $0x1, $0x38;
	[tilespmem:$0x5A0] =	vst v63  }
0x1bd: {  	s4 =	simm.s32 @!p0 $0x6  }
0x1be: {  	_ =	swait.ge @!p0 [sflag:s4], $0x1  }
0x1bf: {  	[sflag:s4] =	ssyncset.done @!p0 $0x0  }
0x1c0: {  	[sflag:s4] =	ssyncadd.s32 @!p0 $0xFFFFFFFF  }
0x1c1: {  	v2 =	vmov @!p0 s3;
	v1 =	vld.msk @!p0 [tilespmem:$0xB0], $0x1;
	_ =	sdelay $0x3  }
0x1c2: {  	s4 =	simm.s32 @!p0 $0xE0  }
0x1c3: {  	[tilespmem:v2+s4+$0x0], v1 =	vst.idx.ret.add.f32.msk @!p0 $0x1, v1  }
0x1c4: {  	[tilespmem:s0+$0xC0] =	vst.msk $0x1, v0  }
0x1c5: {  	v0 =	vld.msk [tilespmem:s3+$0xE0], $0x1;
	_ =	sdelay $0x4  }
0x1c6: {  	[tilespmem:s0+$0xE0] =	vst.msk $0x1, v0;
	s0 =	sadd.s32 $0x1, s0  }
.LBB3_18:
0x1c7: {  	s3 =	sadd.s32 $0x1, s3  }
0x1c8: {  	p0 =	sne.s32 s3, $0x20  }
.Ltmp12:
0x1c9: {  	_ = 	snop;
	(pc) =	sbr.rel @!p0 .LBB3_19-.Ltmp12, $1  }
0x1ca: {  	_ =	sdelay $0x3  }
.LBB3_11:
0x1cb: {  	v0 =	vld.msk [tilespmem:s3+$0xC0], $0x1;
	_ =	sdelay $0x4  }
0x1cc: {  	(v2sf) =	vpush v0, $0x0;
	_ =	sdelay $0xe  }
0x1cd: {  	s4 =	spop (v2sf)  }
0x1ce: {  	p0 =	seq.s32 s4, $0xFFFFFFFF  }
.Ltmp13:
0x1cf: {  	_ = 	snop;
	(pc) =	sbr.rel @p0 .LBB3_18-.Ltmp13, $1  }
0x1d0: {  	_ =	sdelay $0x3  }
0x1d1: {  	p0 =	slt.s32 s0, $0x1  }
.Ltmp14:
0x1d2: {  	_ = 	snop;
	(pc) =	sbr.rel @p0 .LBB3_16-.Ltmp14, $1  }
0x1d3: {  	_ =	sdelay $0x3  }
0x1d4: {  	s5 =	simm.s32 $0xC0;
	p0 =	por $0x0, $0x0  }
0x1d5: {  	v1 =	vld.msk @!p0 [tilespmem:s5+$0x0], $0x1;
	_ =	sdelay $0x4  }
0x1d6: {  	(v2sf) =	vpush @!p0 v1, $0x0;
	_ =	sdelay $0xd  }
0x1d7: {  	p2 =	sne.s32 s0, $0x1  }
.Ltmp15:
0x1d8: {  	s6 =	spop @!p0 (v2sf);
	(pc) =	sbr.rel @!p2 .LBB3_15-.Ltmp15, $4  }
0x1d9: {  	p1 =	seq.s32 @!p0 s4, s6  }
0x1da: {  	s6 =	simm.s32 $0x0;
	p1 =	por !p1, p0  }
0x1db: {  	s8 =	simm.s32 $0xFFFFFFFF;
	s6 =	simm.s32 @p1 $0xFFFFFFFF  }
0x1dc: {  	s7 =	simm.s32 $0x1;
	s6 =	smov.u32 @p0 s8  }
.LBB3_14:
0x1dd: {  	s8 =	smov.u32 s6;
	p0 =	sne.s32 s6, $0xFFFFFFFF  }
0x1de: {  	s5 =	sadd.s32 $0x1, s5;
	s6 =	smov.u32 s7;
	s7 =	sadd.s32 $0x1, s7  }
0x1df: {  	p1 =	sne.s32 s0, s7;
	v1 =	vld.msk @!p0 [tilespmem:s5+$0x0], $0x1;
	_ =	sdelay $0x4  }
0x1e0: {  	(v2sf) =	vpush @!p0 v1, $0x0;
	_ =	sdelay $0xe  }
.Ltmp16:
0x1e1: {  	s9 =	spop @!p0 (v2sf);
	(pc) =	sbr.rel @p1 .LBB3_14-.Ltmp16, $4  }
0x1e2: {  	p2 =	seq.s32 @!p0 s4, s9  }
0x1e3: {  	p2 =	por !p2, p0  }
0x1e4: {  	s6 =	simm.s32 @p2 $0xFFFFFFFF  }
0x1e5: {  	s6 =	smov.u32 @p0 s8  }
.LBB3_15:
0x1e6: {  	p0 =	sne.s32 s6, $0xFFFFFFFF  }
.Ltmp17:
0x1e7: {  	_ = 	snop;
	(pc) =	sbr.rel @!p0 .LBB3_16-.Ltmp17, $1  }
0x1e8: {  	_ =	sdelay $0x3  }
0x1e9: {  	v0 =	vld.msk [tilespmem:s3+$0xE0], $0x1;
	v1 =	vmov s6  }
.Ltmp18:
0x1ea: {  	_ = 	snop;
	(pc) =	sbr.rel .LBB3_18-.Ltmp18, $2  }
0x1eb: {  	_ =	sdelay $0x2  }
0x1ec: {  	[tilespmem:v1+s2+$0x0], v0 =	vst.idx.ret.add.f32.msk $0x1, v0  }
.LBB3_19:
0x1ed: {  	p0 =	slt.s32 s0, $0x1  }
.Ltmp19:
0x1ee: {  	_ = 	snop;
	(pc) =	sbr.rel @p0 .LBB3_23-.Ltmp19, $3  }
0x1ef: {  	_ =	sdelay $0x1  }
0x1f0: {  	s2 =	simm.s32 $0x6  }
0x1f1: {  	[sflag:s2] =	ssyncpa.u1 $0x1;
	s2 =	simm.s32 $0x0  }
0x1f2: {  	s3 =	simm.s32 $0xC0  }
0x1f3: {  	v0 =	vld.msk [tilespmem:s3+$0x0], $0x1;
	_ =	sdelay $0x4  }
0x1f4: {  	(v2sf) =	vpush v0, $0x0;
	_ =	sdelay $0xe  }
0x1f5: {  	s0 =	sadd.s32 $0xFFFFFFFF, s0;
	s4 =	spop (v2sf)  }
0x1f6: {  	p1 =	sne.s32 s0, $0x0;
	p0 =	sgt.u32 s4, $0x1FFF  }
.Ltmp20:
0x1f7: {  	s5 =	sshrl.u32 @!p0 s4, $0x3;
	(pc) =	sbr.rel @!p1 .LBB3_22-.Ltmp20, $4  }
0x1f8: {  	s3 =	simm.s32 $0xE0;
	s4 =	sand.u32 @!p0 $0x7, s4;
	s5 =	sadd.s32 @!p0 s1, s5  }
0x1f9: {  	[hbm4b:s5+s4] =	stream.linear.scatter @!p0 [tilespmem:s3], [sflag:$0x5], $0x1, $0x38;
	[tilespmem:$0x5A0] =	vst v63  }
0x1fa: {  	s5 =	simm.s32 $0x0  }
0x1fb: {  	s4 =	simm.s32 $0xC1;
	s5 =	simm.s32 @!p0 $0x4  }
.LBB3_21:
0x1fc: {  	v0 =	vld.msk [tilespmem:s4+$0x0], $0x1;
	s0 =	sadd.s32 $0xFFFFFFFF, s0;
	s2 =	sadd.s32 s2, s5  }
0x1fd: {  	p0 =	sne.s32 s0, $0x0;
	_ =	sdelay $0x3  }
0x1fe: {  	(v2sf) =	vpush v0, $0x0;
	_ =	sdelay $0xe  }
.Ltmp21:
0x1ff: {  	s6 =	spop (v2sf);
	(pc) =	sbr.rel @p0 .LBB3_21-.Ltmp21, $4  }
0x200: {  	s5 =	simm.s32 $0x0;
	p1 =	sgt.u32 s6, $0x1FFF  }
0x201: {  	s3 =	sadd.s32 $0x1, s3;
	s5 =	simm.s32 @!p1 $0x4;
	s7 =	sshrl.u32 @!p1 s6, $0x3  }
0x202: {  	s4 =	sadd.s32 $0x1, s4;
	s6 =	sand.u32 @!p1 $0x7, s6;
	s7 =	sadd.s32 @!p1 s1, s7  }
0x203: {  	[hbm4b:s7+s6] =	stream.linear.scatter @!p1 [tilespmem:s3], [sflag:$0x5], $0x1, $0x38;
	[tilespmem:$0x5A0] =	vst v63  }
.LBB3_22:
0x204: {  	s0 =	sadd.s32 s2, s5  }
0x205: {  	s2 =	sshrl.u32 s0, $0x2  }
.LBB3_23:
0x206: {  	s0 =	simm.s32 $0x5  }
0x207: {  	_ =	swait.ge [sflag:s0], s2  }
0x208: {  	s1 =	ssub.s32 $0x0, s2;
	[sflag:s0] =	ssyncset.done $0x0  }
0x209: {  	[sflag:s0] =	ssyncadd.s32 s1  }
0x20a: {  	[sflag:s0] =	ssyncpa.u1 $0x1  }
0x20b: {  	s29 =	simm.s32 $0x1;
	_ =	sfence  }
0x20c: {  	s30 =	simm.s32 $0x2;
	[sflag:s29] =	ssyncpa.u1 $0x1  }
0x20d: {  	[sflag:s30] =	ssyncpa.u1 $0x1  }
0x20e: {  	_ =	strace $0x9000004A  }
0x20f: {  	[bflag:$0x2] =	sbarrier.arrive $0xFFFF  }
0x210: {  	s31 =	rddreg [dreg:$0x1]  }
0x211: {  	s0 =	sadd.s32 $0x100000, s31  }
0x212: {  	[sflag:s0] =	ssyncadd.tile.s32 $0x1;
	_ =	shalt  }
.Lfunc_end3:
_tile_overlayer_lowered:
.L_overlay_start_3:
0x213: {  	(tag) =	ssettag $0x3  }
0x214: {  	s0 =	rddreg [dreg:$0x0];
	s2 =	stileid.u32  }
0x215: {  	s1 =	rddreg [dreg:$0x1];
	p0 =	sne.s32 s2, $0x0  }
0x216: {  	s3 =	rddreg [dreg:$0x2];
	[bflag:$0x3] =	sbarrier.arrive $0xFFFF;
	s2 =	simm.s32 @!p0 $0x1C01  }
0x217: {  	[timem:s3], [sflag:s2] =	dma.local @!p0 [hbm:s0], s1  }
0x218: {  	s0 =	simm.s32 @!p0 $0x1  }
0x219: {  	_ =	swait.ge @!p0 [sflag:s0], s1  }
0x21a: {  	s1 =	ssub.s32 @!p0 $0x0, s1;
	[sflag:s0] =	ssyncset.done @!p0 $0x0  }
0x21b: {  	[sflag:s0] =	ssyncadd.s32 @!p0 s1  }
0x21c: {  	[bflag:$0x3] =	sbarrier.arrive $0xFFFF  }
0x21d: {  	_ =	shalt  }

</sc_bundles>
